<compile_context>
chip_gen: v7x
topology: tpu7x:2x2x1
jax: 0.10.2.dev20260603
libtpu: 0.0.44.dev20260713+nightly
codegen_flags: <defaults>
</compile_context>

<pallas_src>
import functools

import jax
import jax.numpy as jnp
from jax import lax
from jax.experimental import pallas as pl
from jax.experimental.pallas import tpu as pltpu
from jax.experimental.pallas import tpu_sc as plsc

BATCH = 16384
D = 64
NW = 32
BPW = BATCH // NW
K = 16
TBLK = 2048

NU = 1000000
CHUNK_U = 512
NCHUNKS = (NU + CHUNK_U - 1) // CHUNK_U
CPW = (NCHUNKS + NW - 1) // NW
TAILSTART = (NU // 128) * 128
SLABMAX = ((NU - CHUNK_U) // 128) * 128
RING = 16


def _tc_transpose(tabT, n_rows):
    grid = (n_rows + TBLK - 1) // TBLK

    def body(x_ref, o_ref):
        row = lax.broadcasted_iota(jnp.int32, (D, D), 0)
        col = lax.broadcasted_iota(jnp.int32, (D, D), 1)
        eye = jnp.where(row == col, 1.0, 0.0).astype(jnp.float32)
        o_ref[:] = jax.lax.dot_general(
            x_ref[:], eye, (((0,), (0,)), ((), ())),
            preferred_element_type=jnp.float32)

    return pl.pallas_call(
        body,
        grid=(grid,),
        in_specs=[pl.BlockSpec((D, TBLK), lambda i: (0, i))],
        out_specs=pl.BlockSpec((TBLK, D), lambda i: (i, 0)),
        out_shape=jax.ShapeDtypeStruct((n_rows, D), jnp.float32),
    )(tabT)


def _lane_extract(vec16, lane):
    lanes = lax.iota(jnp.int32, 16)
    return jnp.sum(jnp.where(lanes == lane, vec16, jnp.zeros_like(vec16)))


def _sc_user_stream(su, pu, utabT, utail):
    mesh = plsc.VectorSubcoreMesh(core_axis_name="c", subcore_axis_name="s")
    ntail = NU - TAILSTART

    @functools.partial(
        pl.kernel,
        mesh=mesh,
        out_type=jax.ShapeDtypeStruct((BATCH, D), jnp.float32),
        scratch_types=[
            pltpu.VMEM((BATCH,), jnp.int32),
            pltpu.VMEM((BATCH,), jnp.int32),
            pltpu.VMEM((2, D, CHUNK_U), jnp.float32),
            pltpu.VMEM((ntail, D), jnp.float32),
            pltpu.VMEM((RING, D), jnp.float32),
            pltpu.SemaphoreType.DMA((2,)),
            pltpu.SemaphoreType.DMA((RING,)),
            pltpu.SemaphoreType.DMA,
        ],
        compiler_params=pltpu.CompilerParams(needs_layout_passes=False),
    )
    def body(su_hbm, pu_hbm, utab_hbm, utail_hbm, ug_hbm,
             su_v, pu_v, slab_v, utail_v, ring_v, bsem, wsem, ssem):
        cid = lax.axis_index("c")
        sid = lax.axis_index("s")
        wid = sid * 2 + cid
        c_lo = wid * CPW
        c_hi = jnp.minimum(c_lo + CPW, NCHUNKS)

        pltpu.sync_copy(su_hbm, su_v)
        pltpu.sync_copy(pu_hbm, pu_v)
        pltpu.sync_copy(utail_hbm, utail_v)

        lo_user = c_lo * CHUNK_U

        def cnt(i, acc):
            v = su_v[pl.ds(i * 16, 16)]
            ones = jnp.where(v < lo_user, 1, 0)
            return acc + jnp.sum(ones)

        cur0 = lax.fori_loop(0, BATCH // 16, cnt, jnp.int32(0))

        def slab_start(c):
            return jnp.minimum(c * CHUNK_U, SLABMAX)

        def issue_chunk(c, slot):
            st = slab_start(c)
            pltpu.async_copy(
                utab_hbm.at[:, pl.ds(st, CHUNK_U)],
                slab_v.at[slot], bsem.at[slot])

        def wait_chunk(slot):
            pltpu.make_async_copy(
                utab_hbm.at[:, pl.ds(0, CHUNK_U)],
                slab_v.at[slot], bsem.at[slot]).wait()

        @pl.when(c_lo < c_hi)
        def _():
            issue_chunk(c_lo, 0)

        @pl.when(c_lo + 1 < c_hi)
        def _():
            issue_chunk(c_lo + 1, 1)

        lanes = lax.iota(jnp.int32, 16)
        dlo = [lax.iota(jnp.int32, 16) + 16 * g for g in range(4)]

        def chunk_body(c, carry):
            cur, grc = carry
            slot = lax.rem(c, 2)
            wait_chunk(slot)
            hi_user = (c + 1) * CHUNK_U
            st = slab_start(c)

            def cond(cs):
                cur_, _ = cs
                in_range = cur_ < BATCH
                v = su_v[pl.ds((cur_ // 16) * 16, 16)]
                u = _lane_extract(v, lax.rem(cur_, 16))
                return jnp.logical_and(in_range, u < hi_user)

            def row_body(cs):
                cur_, grc_ = cs
                sv = su_v[pl.ds((cur_ // 16) * 16, 16)]
                pv = pu_v[pl.ds((cur_ // 16) * 16, 16)]
                lane = lax.rem(cur_, 16)
                u = _lane_extract(sv, lane)
                p = _lane_extract(pv, lane)
                cc = jnp.clip(u - st, 0, CHUNK_U - 1)
                is_tail = u >= TAILSTART
                ct = jnp.clip(u - TAILSTART, 0, ntail - 1)
                ri = lax.rem(grc_, RING)

                @pl.when(grc_ >= RING)
                def _():
                    pltpu.make_async_copy(
                        ring_v.at[0], ug_hbm.at[0], wsem.at[ri]).wait()

                for g in range(4):
                    dg = dlo[g]
                    main = plsc.load_gather(
                        slab_v,
                        [jnp.full((16,), slot, jnp.int32),
                         dg,
                         jnp.full((16,), cc, jnp.int32)])
                    tail = utail_v[ct, pl.ds(16 * g, 16)]
                    ring_v[ri, pl.ds(16 * g, 16)] = jnp.where(
                        is_tail, tail, main)
                pltpu.async_copy(ring_v.at[ri], ug_hbm.at[p], wsem.at[ri])
                return (cur_ + 1, grc_ + 1)

            cur, grc = lax.while_loop(cond, row_body, (cur, grc))

            @pl.when(c + 2 < c_hi)
            def _():
                issue_chunk(c + 2, slot)

            return (cur, grc)

        cur, grc = lax.fori_loop(c_lo, c_hi, chunk_body, (cur0, jnp.int32(0)))

        def drain(i, grc_):
            @pl.when(i < jnp.minimum(grc_, RING))
            def _():
                pltpu.make_async_copy(
                    ring_v.at[0], ug_hbm.at[0], wsem.at[i]).wait()
            return grc_

        lax.fori_loop(0, RING, drain, grc)

    return body(su, pu, utabT, utail)


def _sc_compute(movie_idx, u_g, movie_tab, w16, b16):
    mesh = plsc.VectorSubcoreMesh(core_axis_name="c", subcore_axis_name="s")

    @functools.partial(
        pl.kernel,
        mesh=mesh,
        out_type=jax.ShapeDtypeStruct((BATCH,), jnp.float32),
        scratch_types=[
            pltpu.VMEM((BPW,), jnp.int32),
            pltpu.VMEM((8, BPW // 8, D), jnp.float32),
            pltpu.VMEM((BPW // 2, 2 * D), jnp.float32),
            pltpu.VMEM((4, 16), jnp.float32),
            pltpu.VMEM((16,), jnp.float32),
            pltpu.VMEM((BPW,), jnp.float32),
            pltpu.SemaphoreType.DMA,
        ],
        compiler_params=pltpu.CompilerParams(needs_layout_passes=False),
    )
    def body(midx_hbm, ug_hbm, mtab_hbm, w_hbm, b_hbm, out_hbm,
             midx_v, urows_v, mrows_v, w_v, b_v, out_v, sem):
        cid = lax.axis_index("c")
        sid = lax.axis_index("s")
        wid = sid * 2 + cid
        base = wid * BPW

        pltpu.sync_copy(midx_hbm.at[pl.ds(base, BPW)], midx_v)
        pltpu.sync_copy(w_hbm, w_v)
        pltpu.sync_copy(b_hbm, b_v)

        ucopies = []
        for j in range(8):
            ucopies.append(pltpu.async_copy(
                ug_hbm.at[pl.ds(base + j * (BPW // 8), BPW // 8), :],
                urows_v.at[j], sem))

        def burst(c, _):
            r0 = c * K
            mvec = midx_v[pl.ds(r0, K)]
            copies = []
            for k in range(K):
                r = r0 + k
                copies.append(pltpu.async_copy(
                    mtab_hbm.at[mvec[k]],
                    mrows_v.at[r // 2, pl.ds((r % 2) * D, D)], sem))
            for cp in copies:
                cp.wait()
            return 0

        lax.fori_loop(0, BPW // K, burst, 0)
        for cp in ucopies:
            cp.wait()

        w0 = w_v[0, :]
        w1 = w_v[1, :]
        w2 = w_v[2, :]
        w3 = w_v[3, :]
        bias = b_v[:]
        lanes = lax.iota(jnp.int32, 16)

        def block(blk, _):
            r0 = blk * 16
            res = jnp.zeros((16,), jnp.float32)
            for k in range(16):
                rr = r0 // 2 + k // 2
                c0 = (k % 2) * D
                uj = (r0 + k) // (BPW // 8)
                ur = (r0 + k) % (BPW // 8)
                t = (urows_v[uj, ur, pl.ds(0, 16)] * mrows_v[rr, pl.ds(c0, 16)] * w0
                     + urows_v[uj, ur, pl.ds(16, 16)] * mrows_v[rr, pl.ds(c0 + 16, 16)] * w1
                     + urows_v[uj, ur, pl.ds(32, 16)] * mrows_v[rr, pl.ds(c0 + 32, 16)] * w2
                     + urows_v[uj, ur, pl.ds(48, 16)] * mrows_v[rr, pl.ds(c0 + 48, 16)] * w3)
                s = jnp.sum(t + bias)
                res = jnp.where(lanes == k, s, res)
            out_v[pl.ds(r0, 16)] = res
            return 0

        lax.fori_loop(0, BPW // 16, block, 0)

        pltpu.sync_copy(out_v, out_hbm.at[pl.ds(base, BPW)])

    return body(movie_idx, u_g, movie_tab, w16, b16)


def kernel(user_idx, movie_idx, user_table, movie_table, fc_w, fc_b):
    uidx = user_idx.astype(jnp.int32)
    midx = movie_idx.astype(jnp.int32)
    w16 = fc_w.reshape(4, 16)
    b16 = jnp.broadcast_to(fc_b.reshape(1, 1) / 16.0, (1, 16)).reshape(16)

    perm = jnp.argsort(uidx)
    su = jnp.take(uidx, perm)
    pu = perm.astype(jnp.int32)
    utail = user_table[TAILSTART:, :]

    movie_rm = _tc_transpose(movie_table.T, movie_table.shape[0])
    u_g = _sc_user_stream(su, pu, user_table.T, utail)
    out = _sc_compute(midx, u_g, movie_rm, w16, b16)
    return out

# --- scband reference (transcript-rebuilt; emitter-appended) ---
"""Pipeline reference for scband-recommender-net-79628693668109 (READ-ONLY COPY).

The authoritative reference and input builder live on the scoring server;
editing this copy changes nothing except your own understanding.
"""

import jax, jax.numpy as jnp
import numpy as np

NUM_USERS = 1000000
NUM_MOVIES = 100000
EMBED_DIM = 64
BATCH = 16384

def setup_inputs(seed: int = 0) -> dict:
    key = jax.random.key(seed)
    k1, k2, k3, k4, k5, k6 = jax.random.split(key, 6)
    user_idx = jax.random.randint(k1, (BATCH,), 0, NUM_USERS, dtype=jnp.int64 if jax.config.jax_enable_x64 else jnp.int32)
    movie_idx = jax.random.randint(k2, (BATCH,), 0, NUM_MOVIES, dtype=jnp.int64 if jax.config.jax_enable_x64 else jnp.int32)
    user_table = jax.random.normal(k3, (NUM_USERS, EMBED_DIM), dtype=jnp.float32)
    movie_table = jax.random.normal(k4, (NUM_MOVIES, EMBED_DIM), dtype=jnp.float32)
    fc_w = jax.random.normal(k5, (1, EMBED_DIM), dtype=jnp.float32) * (1.0 / np.sqrt(EMBED_DIM))
    fc_b = jax.random.normal(k6, (1,), dtype=jnp.float32) * 0.01
    return {"user_idx": user_idx, "movie_idx": movie_idx, "user_table": user_table, "movie_table": movie_table, "fc_w": fc_w, "fc_b": fc_b}

def reference(user_idx, movie_idx, user_table, movie_table, fc_w, fc_b):
    user_vec = jnp.take(user_table, user_idx, axis=0)
    movie_vec = jnp.take(movie_table, movie_idx, axis=0)
    x = user_vec * movie_vec
    x = x @ fc_w.T + fc_b
    return jnp.squeeze(x, axis=-1)

if __name__ == "__main__":
    import jax
    _d = setup_inputs()
    print(jax.jit(kernel)(*tuple(_d.values())))

</pallas_src>

<mosaic_0001>
#map = affine_map<(d0, d1) -> (0)>
#map1 = affine_map<(d0, d1) -> (0, 0)>
module attributes {stable_mosaic.version = 14 : i64} {
  func.func @body(%arg0: i32, %arg1: i32, %arg2: memref<16384xi32, #tpu.memory_space<hbm>>, %arg3: memref<16384xi32, #tpu.memory_space<hbm>>, %arg4: memref<64x1000000xf32, #tpu.memory_space<hbm>>, %arg5: memref<64x64xf32, #tpu.memory_space<hbm>>, %arg6: memref<16384x64xf32, #tpu.memory_space<hbm>>, %arg7: memref<16384xi32, #tpu.memory_space<vmem>>, %arg8: memref<16384xi32, #tpu.memory_space<vmem>>, %arg9: memref<2x64x512xf32, #tpu.memory_space<vmem>>, %arg10: memref<64x64xf32, #tpu.memory_space<vmem>>, %arg11: memref<16x64xf32, #tpu.memory_space<vmem>>, %arg12: memref<2x!tpu.dma_semaphore, #tpu.memory_space<semaphore_mem>>, %arg13: memref<16x!tpu.dma_semaphore, #tpu.memory_space<semaphore_mem>>, %arg14: memref<!tpu.dma_semaphore, #tpu.memory_space<semaphore_mem>>) attributes {dimension_semantics = [#tpu.dimension_semantics<core_parallel>, #tpu.dimension_semantics<subcore_parallel>], iteration_bounds = array<i64: 2, 16>, scalar_prefetch = 0 : i64, scratch_operands = 8 : i64, tpu.core_type = #tpu.core_type<sc_vector_subcore>, window_params = [{transform_indices = #map}, {transform_indices = #map}, {transform_indices = #map1}, {transform_indices = #map1}, {transform_indices = #map1}]} {
    %mul3A = arith.constant 2 : i32
    %mul3A_0 = arith.muli %arg1, %mul3A : i32
    %add3A = arith.addi %mul3A_0, %arg0 : i32
    %mul3A_1 = arith.constant 62 : i32
    %mul3A_2 = arith.muli %add3A, %mul3A_1 : i32
    %add3A_3 = arith.constant 62 : i32
    %add3A_4 = arith.addi %mul3A_2, %add3A_3 : i32
    %min3A = arith.constant 1954 : i32
    %min3A_5 = arith.minsi %add3A_4, %min3A : i32
    "tpu.region"() ({
      %run_scoped3A = tpu.sem_alloc : memref<!tpu.dma_semaphore, #tpu.memory_space<semaphore_mem>>
      tpu.enqueue_dma source(%arg2 : memref<16384xi32, #tpu.memory_space<hbm>>) target(%arg7 : memref<16384xi32, #tpu.memory_space<vmem>>) target_semaphore(%run_scoped3A : memref<!tpu.dma_semaphore, #tpu.memory_space<semaphore_mem>>)
      tpu.wait_dma2 semaphore(%run_scoped3A : memref<!tpu.dma_semaphore, #tpu.memory_space<semaphore_mem>>) src(%arg2 : memref<16384xi32, #tpu.memory_space<hbm>>) dst(%arg7 : memref<16384xi32, #tpu.memory_space<vmem>>)
      tpu.yield
    }) : () -> ()
    "tpu.region"() ({
      %run_scoped3A = tpu.sem_alloc : memref<!tpu.dma_semaphore, #tpu.memory_space<semaphore_mem>>
      tpu.enqueue_dma source(%arg3 : memref<16384xi32, #tpu.memory_space<hbm>>) target(%arg8 : memref<16384xi32, #tpu.memory_space<vmem>>) target_semaphore(%run_scoped3A : memref<!tpu.dma_semaphore, #tpu.memory_space<semaphore_mem>>)
      tpu.wait_dma2 semaphore(%run_scoped3A : memref<!tpu.dma_semaphore, #tpu.memory_space<semaphore_mem>>) src(%arg3 : memref<16384xi32, #tpu.memory_space<hbm>>) dst(%arg8 : memref<16384xi32, #tpu.memory_space<vmem>>)
      tpu.yield
    }) : () -> ()
    "tpu.region"() ({
      %run_scoped3A = tpu.sem_alloc : memref<!tpu.dma_semaphore, #tpu.memory_space<semaphore_mem>>
      tpu.enqueue_dma source(%arg5 : memref<64x64xf32, #tpu.memory_space<hbm>>) target(%arg10 : memref<64x64xf32, #tpu.memory_space<vmem>>) target_semaphore(%run_scoped3A : memref<!tpu.dma_semaphore, #tpu.memory_space<semaphore_mem>>)
      tpu.wait_dma2 semaphore(%run_scoped3A : memref<!tpu.dma_semaphore, #tpu.memory_space<semaphore_mem>>) src(%arg5 : memref<64x64xf32, #tpu.memory_space<hbm>>) dst(%arg10 : memref<64x64xf32, #tpu.memory_space<vmem>>)
      tpu.yield
    }) : () -> ()
    %mul3A_6 = arith.constant 512 : i32
    %mul3A_7 = arith.muli %mul3A_2, %mul3A_6 : i32
    %scan3A = arith.constant 0 : i32
    %scan3A_8 = arith.constant 0 : i32
    %scan3A_9 = arith.constant 1024 : i32
    %scan3A_10 = arith.addi %scan3A_8, %scan3A_9 : i32
    %scan3A_11 = arith.constant 1 : i32
    %scan3A_12 = scf.for %scan3A_52 = %scan3A_8 to %scan3A_10 step %scan3A_11 iter_args(%scan3A_53 = %scan3A) -> (i32)  : i32 {
      %mul3A_54 = arith.constant 16 : i32
      %mul3A_55 = arith.muli %scan3A_52, %mul3A_54 : i32
      %get3A = arith.index_cast %mul3A_55 : i32 to index
      %get3A_56 = tpu.vector_load %arg7[%get3A] {strides = array<i32>} : memref<16384xi32, #tpu.memory_space<vmem>>, vector<16xi32>,
      %lt3A_57 = vector.broadcast %mul3A_7 : i32 to vector<16xi32>
      %lt3A_58 = arith.cmpi slt, %get3A_56, %lt3A_57 : vector<16xi32>
      %jit3A = arith.constant 1 : i32
      %jit3A_59 = arith.constant 0 : i32
      %broadcast_in_dim3A = vector.broadcast %jit3A : i32 to vector<16xi32>
      %broadcast_in_dim3A_60 = vector.broadcast %jit3A_59 : i32 to vector<16xi32>
      %select_n3A = arith.select %lt3A_58, %broadcast_in_dim3A, %broadcast_in_dim3A_60 : vector<16xi1>, vector<16xi32>
      %reduce_sum3A = arith.constant true
      %reduce_sum3A_61 = vector.broadcast %reduce_sum3A : i1 to vector<16xi1>
      %reduce_sum3A_62 = tpu.scan <sum>, %select_n3A masked %reduce_sum3A_61 : vector<16xi32>, vector<16xi1> -> vector<16xi32>
      %reduce_sum3A_63 = vector.extract %reduce_sum3A_62[15] : i32 from vector<16xi32>
      %add3A_64 = arith.addi %scan3A_53, %reduce_sum3A_63 : i32
      scf.yield %add3A_64 : i32
    }
    %scan3A_13 = arith.constant 1024 : i32
    %lt3A = arith.cmpi slt, %mul3A_2, %min3A_5 : i32
    %convert_element_type3A = arith.extui %lt3A : i1 to i32
    %cond3A = arith.constant 0 : i32
    %cond3A_14 = arith.cmpi ne, %convert_element_type3A, %cond3A : i32
    scf.if %cond3A_14 {
      %mul3A_52 = arith.constant 512 : i32
      %mul3A_53 = arith.muli %mul3A_2, %mul3A_52 : i32
      %min3A_54 = arith.constant 999424 : i32
      %min3A_55 = arith.minsi %mul3A_53, %min3A_54 : i32
      %dma_start3A = arith.constant 0 : i32
      %dma_start3A_56 = arith.constant 0 : i32
      %dma_start3A_57 = arith.constant 0 : i32
      %dma_start3A_58 = arith.constant 0 : i32
      %dma_start3A_59 = tpu.memref_slice %arg9[%dma_start3A, %dma_start3A_57, %dma_start3A_58] : memref<2x64x512xf32, #tpu.memory_space<vmem>> -> memref<1x64x512xf32, #tpu.memory_space<vmem>>
      %dma_start3A_60 = tpu.memref_squeeze %dma_start3A_59 : memref<1x64x512xf32, #tpu.memory_space<vmem>> -> memref<64x512xf32, #tpu.memory_space<vmem>>
      %dma_start3A_61 = arith.constant 0 : i32
      %dma_start3A_62 = tpu.memref_slice %arg4[%dma_start3A_61, %min3A_55] : memref<64x1000000xf32, #tpu.memory_space<hbm>> -> memref<64x512xf32, #tpu.memory_space<hbm>>
      %dma_start3A_63 = tpu.memref_slice %arg12[%dma_start3A_56] : memref<2x!tpu.dma_semaphore, #tpu.memory_space<semaphore_mem>> -> memref<1x!tpu.dma_semaphore, #tpu.memory_space<semaphore_mem>>
      %dma_start3A_64 = tpu.memref_squeeze %dma_start3A_63 : memref<1x!tpu.dma_semaphore, #tpu.memory_space<semaphore_mem>> -> memref<!tpu.dma_semaphore, #tpu.memory_space<semaphore_mem>>
      %dma_start3A_65 = arith.constant 0 : i32
      %dma_start3A_66 = arith.constant 0 : i32
      %dma_start3A_67 = tpu.memref_slice %arg9[%dma_start3A, %dma_start3A_65, %dma_start3A_66] : memref<2x64x512xf32, #tpu.memory_space<vmem>> -> memref<1x64x512xf32, #tpu.memory_space<vmem>>
      %dma_start3A_68 = tpu.memref_squeeze %dma_start3A_67 : memref<1x64x512xf32, #tpu.memory_space<vmem>> -> memref<64x512xf32, #tpu.memory_space<vmem>>
      %dma_start3A_69 = arith.constant 0 : i32
      %dma_start3A_70 = tpu.memref_slice %arg4[%dma_start3A_69, %min3A_55] : memref<64x1000000xf32, #tpu.memory_space<hbm>> -> memref<64x512xf32, #tpu.memory_space<hbm>>
      tpu.enqueue_dma source(%dma_start3A_70 : memref<64x512xf32, #tpu.memory_space<hbm>>) target(%dma_start3A_68 : memref<64x512xf32, #tpu.memory_space<vmem>>) target_semaphore(%dma_start3A_64 : memref<!tpu.dma_semaphore, #tpu.memory_space<semaphore_mem>>)
    } else {
    }
    %add3A_15 = arith.constant 1 : i32
    %add3A_16 = arith.addi %mul3A_2, %add3A_15 : i32
    %lt3A_17 = arith.cmpi slt, %add3A_16, %min3A_5 : i32
    %convert_element_type3A_18 = arith.extui %lt3A_17 : i1 to i32
    %cond3A_19 = arith.constant 0 : i32
    %cond3A_20 = arith.cmpi ne, %convert_element_type3A_18, %cond3A_19 : i32
    scf.if %cond3A_20 {
      %add3A_52 = arith.constant 1 : i32
      %add3A_53 = arith.addi %mul3A_2, %add3A_52 : i32
      %mul3A_54 = arith.constant 512 : i32
      %mul3A_55 = arith.muli %add3A_53, %mul3A_54 : i32
      %min3A_56 = arith.constant 999424 : i32
      %min3A_57 = arith.minsi %mul3A_55, %min3A_56 : i32
      %dma_start3A = arith.constant 1 : i32
      %dma_start3A_58 = arith.constant 1 : i32
      %dma_start3A_59 = arith.constant 0 : i32
      %dma_start3A_60 = arith.constant 0 : i32
      %dma_start3A_61 = tpu.memref_slice %arg9[%dma_start3A, %dma_start3A_59, %dma_start3A_60] : memref<2x64x512xf32, #tpu.memory_space<vmem>> -> memref<1x64x512xf32, #tpu.memory_space<vmem>>
      %dma_start3A_62 = tpu.memref_squeeze %dma_start3A_61 : memref<1x64x512xf32, #tpu.memory_space<vmem>> -> memref<64x512xf32, #tpu.memory_space<vmem>>
      %dma_start3A_63 = arith.constant 0 : i32
      %dma_start3A_64 = tpu.memref_slice %arg4[%dma_start3A_63, %min3A_57] : memref<64x1000000xf32, #tpu.memory_space<hbm>> -> memref<64x512xf32, #tpu.memory_space<hbm>>
      %dma_start3A_65 = tpu.memref_slice %arg12[%dma_start3A_58] : memref<2x!tpu.dma_semaphore, #tpu.memory_space<semaphore_mem>> -> memref<1x!tpu.dma_semaphore, #tpu.memory_space<semaphore_mem>>
      %dma_start3A_66 = tpu.memref_squeeze %dma_start3A_65 : memref<1x!tpu.dma_semaphore, #tpu.memory_space<semaphore_mem>> -> memref<!tpu.dma_semaphore, #tpu.memory_space<semaphore_mem>>
      %dma_start3A_67 = arith.constant 0 : i32
      %dma_start3A_68 = arith.constant 0 : i32
      %dma_start3A_69 = tpu.memref_slice %arg9[%dma_start3A, %dma_start3A_67, %dma_start3A_68] : memref<2x64x512xf32, #tpu.memory_space<vmem>> -> memref<1x64x512xf32, #tpu.memory_space<vmem>>
      %dma_start3A_70 = tpu.memref_squeeze %dma_start3A_69 : memref<1x64x512xf32, #tpu.memory_space<vmem>> -> memref<64x512xf32, #tpu.memory_space<vmem>>
      %dma_start3A_71 = arith.constant 0 : i32
      %dma_start3A_72 = tpu.memref_slice %arg4[%dma_start3A_71, %min3A_57] : memref<64x1000000xf32, #tpu.memory_space<hbm>> -> memref<64x512xf32, #tpu.memory_space<hbm>>
      tpu.enqueue_dma source(%dma_start3A_72 : memref<64x512xf32, #tpu.memory_space<hbm>>) target(%dma_start3A_70 : memref<64x512xf32, #tpu.memory_space<vmem>>) target_semaphore(%dma_start3A_66 : memref<!tpu.dma_semaphore, #tpu.memory_space<semaphore_mem>>)
    } else {
    }
    %iota3A = tpu.iota {dimensions = array<i32: 0>} : vector<16xi32>
    %iota3A_21 = tpu.iota {dimensions = array<i32: 0>} : vector<16xi32>
    %add3A_22 = arith.constant 0 : i32
    %add3A_23 = vector.broadcast %add3A_22 : i32 to vector<16xi32>
    %add3A_24 = arith.addi %iota3A_21, %add3A_23 : vector<16xi32>
    %iota3A_25 = tpu.iota {dimensions = array<i32: 0>} : vector<16xi32>
    %add3A_26 = arith.constant 16 : i32
    %add3A_27 = vector.broadcast %add3A_26 : i32 to vector<16xi32>
    %add3A_28 = arith.addi %iota3A_25, %add3A_27 : vector<16xi32>
    %iota3A_29 = tpu.iota {dimensions = array<i32: 0>} : vector<16xi32>
    %add3A_30 = arith.constant 32 : i32
    %add3A_31 = vector.broadcast %add3A_30 : i32 to vector<16xi32>
    %add3A_32 = arith.addi %iota3A_29, %add3A_31 : vector<16xi32>
    %iota3A_33 = tpu.iota {dimensions = array<i32: 0>} : vector<16xi32>
    %add3A_34 = arith.constant 48 : i32
    %add3A_35 = vector.broadcast %add3A_34 : i32 to vector<16xi32>
    %add3A_36 = arith.addi %iota3A_33, %add3A_35 : vector<16xi32>
    %while3A = arith.constant 0 : i32
    %while3A_37 = arith.subi %min3A_5, %mul3A_2 : i32
    %while3A_38 = arith.addi %mul3A_2, %while3A_37 : i32
    %while3A_39 = arith.constant 1 : i32
    %while3A_40 = arith.divsi %while3A_37, %while3A_39 : i32
    %while3A_41 = arith.muli %while3A_40, %while3A_39 : i32
    %while3A_42 = arith.addi %mul3A_2, %while3A_41 : i32
    %while3A_43 = arith.constant 1 : i32
    %while3A_44:2 = scf.for %while3A_52 = %mul3A_2 to %while3A_42 step %while3A_43 iter_args(%while3A_53 = %scan3A_12, %while3A_54 = %while3A) -> (i32, i32)  : i32 {
      %rem3A = arith.constant 2 : i32
      %rem3A_55 = arith.remsi %while3A_52, %rem3A : i32
      %dma_wait3A = arith.constant 0 : i32
      %dma_wait3A_56 = arith.constant 0 : i32
      %dma_wait3A_57 = tpu.memref_slice %arg9[%rem3A_55, %dma_wait3A, %dma_wait3A_56] : memref<2x64x512xf32, #tpu.memory_space<vmem>> -> memref<1x64x512xf32, #tpu.memory_space<vmem>>
      %dma_wait3A_58 = tpu.memref_squeeze %dma_wait3A_57 : memref<1x64x512xf32, #tpu.memory_space<vmem>> -> memref<64x512xf32, #tpu.memory_space<vmem>>
      %dma_wait3A_59 = arith.constant 0 : i32
      %dma_wait3A_60 = arith.constant 0 : i32
      %dma_wait3A_61 = tpu.memref_slice %arg4[%dma_wait3A_59, %dma_wait3A_60] : memref<64x1000000xf32, #tpu.memory_space<hbm>> -> memref<64x512xf32, #tpu.memory_space<hbm>>
      %dma_wait3A_62 = tpu.memref_slice %arg12[%rem3A_55] : memref<2x!tpu.dma_semaphore, #tpu.memory_space<semaphore_mem>> -> memref<1x!tpu.dma_semaphore, #tpu.memory_space<semaphore_mem>>
      %dma_wait3A_63 = tpu.memref_squeeze %dma_wait3A_62 : memref<1x!tpu.dma_semaphore, #tpu.memory_space<semaphore_mem>> -> memref<!tpu.dma_semaphore, #tpu.memory_space<semaphore_mem>>
      %dma_wait3A_64 = arith.constant 0 : i32
      %dma_wait3A_65 = arith.constant 0 : i32
      %dma_wait3A_66 = tpu.memref_slice %arg9[%rem3A_55, %dma_wait3A_64, %dma_wait3A_65] : memref<2x64x512xf32, #tpu.memory_space<vmem>> -> memref<1x64x512xf32, #tpu.memory_space<vmem>>
      %dma_wait3A_67 = tpu.memref_squeeze %dma_wait3A_66 : memref<1x64x512xf32, #tpu.memory_space<vmem>> -> memref<64x512xf32, #tpu.memory_space<vmem>>
      %dma_wait3A_68 = arith.constant 0 : i32
      %dma_wait3A_69 = arith.constant 0 : i32
      %dma_wait3A_70 = tpu.memref_slice %arg4[%dma_wait3A_68, %dma_wait3A_69] : memref<64x1000000xf32, #tpu.memory_space<hbm>> -> memref<64x512xf32, #tpu.memory_space<hbm>>
      tpu.wait_dma2 semaphore(%dma_wait3A_63 : memref<!tpu.dma_semaphore, #tpu.memory_space<semaphore_mem>>) src(%dma_wait3A_70 : memref<64x512xf32, #tpu.memory_space<hbm>>) dst(%dma_wait3A_67 : memref<64x512xf32, #tpu.memory_space<vmem>>)
      %add3A_71 = arith.constant 1 : i32
      %add3A_72 = arith.addi %while3A_52, %add3A_71 : i32
      %mul3A_73 = arith.constant 512 : i32
      %mul3A_74 = arith.muli %add3A_72, %mul3A_73 : i32
      %mul3A_75 = arith.constant 512 : i32
      %mul3A_76 = arith.muli %while3A_52, %mul3A_75 : i32
      %min3A_77 = arith.constant 999424 : i32
      %min3A_78 = arith.minsi %mul3A_76, %min3A_77 : i32
      %while3A_79:2 = scf.while (%while3A_86 = %while3A_53, %while3A_87 = %while3A_54) : (i32, i32) -> (i32, i32) {
        %lt3A_88 = arith.constant 16384 : i32
        %lt3A_89 = arith.cmpi slt, %while3A_86, %lt3A_88 : i32
        %jit3A = arith.constant 16 : i32
        %div3A = arith.divsi %while3A_86, %jit3A : i32
        %sign3A = arith.constant 0 : i32
        %sign3A_90 = arith.cmpi sgt, %while3A_86, %sign3A : i32
        %sign3A_91 = arith.extui %sign3A_90 : i1 to i32
        %sign3A_92 = arith.constant 0 : i32
        %sign3A_93 = arith.cmpi slt, %while3A_86, %sign3A_92 : i32
        %sign3A_94 = arith.extui %sign3A_93 : i1 to i32
        %sign3A_95 = arith.subi %sign3A_91, %sign3A_94 : i32
        %sign3A_96 = arith.constant 0 : i32
        %sign3A_97 = arith.cmpi sgt, %jit3A, %sign3A_96 : i32
        %sign3A_98 = arith.extui %sign3A_97 : i1 to i32
        %sign3A_99 = arith.constant 0 : i32
        %sign3A_100 = arith.cmpi slt, %jit3A, %sign3A_99 : i32
        %sign3A_101 = arith.extui %sign3A_100 : i1 to i32
        %sign3A_102 = arith.subi %sign3A_98, %sign3A_101 : i32
        %ne3A = arith.cmpi ne, %sign3A_95, %sign3A_102 : i32
        %rem3A_103 = arith.remsi %while3A_86, %jit3A : i32
        %ne3A_104 = arith.constant 0 : i32
        %ne3A_105 = arith.cmpi ne, %rem3A_103, %ne3A_104 : i32
        %and3A = arith.andi %ne3A, %ne3A_105 : i1
        %sub3A = arith.constant 1 : i32
        %sub3A_106 = arith.subi %div3A, %sub3A : i32
        %select_n3A = arith.select %and3A, %sub3A_106, %div3A : i32
        %mul3A_107 = arith.constant 16 : i32
        %mul3A_108 = arith.muli %select_n3A, %mul3A_107 : i32
        %get3A = arith.index_cast %mul3A_108 : i32 to index
        %get3A_109 = tpu.vector_load %arg7[%get3A] {strides = array<i32>} : memref<16384xi32, #tpu.memory_space<vmem>>, vector<16xi32>,
        %rem3A_110 = arith.constant 16 : i32
        %rem3A_111 = arith.remsi %while3A_86, %rem3A_110 : i32
        %iota3A_112 = tpu.iota {dimensions = array<i32: 0>} : vector<16xi32>
        %eq3A = vector.broadcast %rem3A_111 : i32 to vector<16xi32>
        %eq3A_113 = arith.cmpi eq, %iota3A_112, %eq3A : vector<16xi32>
        %broadcast_in_dim3A = arith.constant 0 : i32
        %broadcast_in_dim3A_114 = vector.broadcast %broadcast_in_dim3A : i32 to vector<16xi32>
        %select_n3A_115 = arith.select %eq3A_113, %get3A_109, %broadcast_in_dim3A_114 : vector<16xi1>, vector<16xi32>
        %reduce_sum3A = arith.constant true
        %reduce_sum3A_116 = vector.broadcast %reduce_sum3A : i1 to vector<16xi1>
        %reduce_sum3A_117 = tpu.scan <sum>, %select_n3A_115 masked %reduce_sum3A_116 : vector<16xi32>, vector<16xi1> -> vector<16xi32>
        %reduce_sum3A_118 = vector.extract %reduce_sum3A_117[15] : i32 from vector<16xi32>
        %lt3A_119 = arith.cmpi slt, %reduce_sum3A_118, %mul3A_74 : i32
        %and3A_120 = arith.andi %lt3A_89, %lt3A_119 : i1
        scf.condition(%and3A_120) %while3A_86, %while3A_87 : i32, i32
      } do {
      ^bb0(%while3A_86: i32, %while3A_87: i32):
        %jit3A = arith.constant 16 : i32
        %div3A = arith.divsi %while3A_86, %jit3A : i32
        %sign3A = arith.constant 0 : i32
        %sign3A_88 = arith.cmpi sgt, %while3A_86, %sign3A : i32
        %sign3A_89 = arith.extui %sign3A_88 : i1 to i32
        %sign3A_90 = arith.constant 0 : i32
        %sign3A_91 = arith.cmpi slt, %while3A_86, %sign3A_90 : i32
        %sign3A_92 = arith.extui %sign3A_91 : i1 to i32
        %sign3A_93 = arith.subi %sign3A_89, %sign3A_92 : i32
        %sign3A_94 = arith.constant 0 : i32
        %sign3A_95 = arith.cmpi sgt, %jit3A, %sign3A_94 : i32
        %sign3A_96 = arith.extui %sign3A_95 : i1 to i32
        %sign3A_97 = arith.constant 0 : i32
        %sign3A_98 = arith.cmpi slt, %jit3A, %sign3A_97 : i32
        %sign3A_99 = arith.extui %sign3A_98 : i1 to i32
        %sign3A_100 = arith.subi %sign3A_96, %sign3A_99 : i32
        %ne3A = arith.cmpi ne, %sign3A_93, %sign3A_100 : i32
        %rem3A_101 = arith.remsi %while3A_86, %jit3A : i32
        %ne3A_102 = arith.constant 0 : i32
        %ne3A_103 = arith.cmpi ne, %rem3A_101, %ne3A_102 : i32
        %and3A = arith.andi %ne3A, %ne3A_103 : i1
        %sub3A = arith.constant 1 : i32
        %sub3A_104 = arith.subi %div3A, %sub3A : i32
        %select_n3A = arith.select %and3A, %sub3A_104, %div3A : i32
        %mul3A_105 = arith.constant 16 : i32
        %mul3A_106 = arith.muli %select_n3A, %mul3A_105 : i32
        %get3A = arith.index_cast %mul3A_106 : i32 to index
        %get3A_107 = tpu.vector_load %arg7[%get3A] {strides = array<i32>} : memref<16384xi32, #tpu.memory_space<vmem>>, vector<16xi32>,
        %jit3A_108 = arith.constant 16 : i32
        %div3A_109 = arith.divsi %while3A_86, %jit3A_108 : i32
        %sign3A_110 = arith.constant 0 : i32
        %sign3A_111 = arith.cmpi sgt, %while3A_86, %sign3A_110 : i32
        %sign3A_112 = arith.extui %sign3A_111 : i1 to i32
        %sign3A_113 = arith.constant 0 : i32
        %sign3A_114 = arith.cmpi slt, %while3A_86, %sign3A_113 : i32
        %sign3A_115 = arith.extui %sign3A_114 : i1 to i32
        %sign3A_116 = arith.subi %sign3A_112, %sign3A_115 : i32
        %sign3A_117 = arith.constant 0 : i32
        %sign3A_118 = arith.cmpi sgt, %jit3A_108, %sign3A_117 : i32
        %sign3A_119 = arith.extui %sign3A_118 : i1 to i32
        %sign3A_120 = arith.constant 0 : i32
        %sign3A_121 = arith.cmpi slt, %jit3A_108, %sign3A_120 : i32
        %sign3A_122 = arith.extui %sign3A_121 : i1 to i32
        %sign3A_123 = arith.subi %sign3A_119, %sign3A_122 : i32
        %ne3A_124 = arith.cmpi ne, %sign3A_116, %sign3A_123 : i32
        %rem3A_125 = arith.remsi %while3A_86, %jit3A_108 : i32
        %ne3A_126 = arith.constant 0 : i32
        %ne3A_127 = arith.cmpi ne, %rem3A_125, %ne3A_126 : i32
        %and3A_128 = arith.andi %ne3A_124, %ne3A_127 : i1
        %sub3A_129 = arith.constant 1 : i32
        %sub3A_130 = arith.subi %div3A_109, %sub3A_129 : i32
        %select_n3A_131 = arith.select %and3A_128, %sub3A_130, %div3A_109 : i32
        %mul3A_132 = arith.constant 16 : i32
        %mul3A_133 = arith.muli %select_n3A_131, %mul3A_132 : i32
        %get3A_134 = arith.index_cast %mul3A_133 : i32 to index
        %get3A_135 = tpu.vector_load %arg8[%get3A_134] {strides = array<i32>} : memref<16384xi32, #tpu.memory_space<vmem>>, vector<16xi32>,
        %rem3A_136 = arith.constant 16 : i32
        %rem3A_137 = arith.remsi %while3A_86, %rem3A_136 : i32
        %iota3A_138 = tpu.iota {dimensions = array<i32: 0>} : vector<16xi32>
        %eq3A = vector.broadcast %rem3A_137 : i32 to vector<16xi32>
        %eq3A_139 = arith.cmpi eq, %iota3A_138, %eq3A : vector<16xi32>
        %broadcast_in_dim3A = arith.constant 0 : i32
        %broadcast_in_dim3A_140 = vector.broadcast %broadcast_in_dim3A : i32 to vector<16xi32>
        %select_n3A_141 = arith.select %eq3A_139, %get3A_107, %broadcast_in_dim3A_140 : vector<16xi1>, vector<16xi32>
        %reduce_sum3A = arith.constant true
        %reduce_sum3A_142 = vector.broadcast %reduce_sum3A : i1 to vector<16xi1>
        %reduce_sum3A_143 = tpu.scan <sum>, %select_n3A_141 masked %reduce_sum3A_142 : vector<16xi32>, vector<16xi1> -> vector<16xi32>
        %reduce_sum3A_144 = vector.extract %reduce_sum3A_143[15] : i32 from vector<16xi32>
        %iota3A_145 = tpu.iota {dimensions = array<i32: 0>} : vector<16xi32>
        %eq3A_146 = vector.broadcast %rem3A_137 : i32 to vector<16xi32>
        %eq3A_147 = arith.cmpi eq, %iota3A_145, %eq3A_146 : vector<16xi32>
        %broadcast_in_dim3A_148 = arith.constant 0 : i32
        %broadcast_in_dim3A_149 = vector.broadcast %broadcast_in_dim3A_148 : i32 to vector<16xi32>
        %select_n3A_150 = arith.select %eq3A_147, %get3A_135, %broadcast_in_dim3A_149 : vector<16xi1>, vector<16xi32>
        %reduce_sum3A_151 = arith.constant true
        %reduce_sum3A_152 = vector.broadcast %reduce_sum3A_151 : i1 to vector<16xi1>
        %reduce_sum3A_153 = tpu.scan <sum>, %select_n3A_150 masked %reduce_sum3A_152 : vector<16xi32>, vector<16xi1> -> vector<16xi32>
        %reduce_sum3A_154 = vector.extract %reduce_sum3A_153[15] : i32 from vector<16xi32>
        %sub3A_155 = arith.subi %reduce_sum3A_144, %min3A_78 : i32
        %jit3A_156 = arith.constant 0 : i32
        %jit3A_157 = arith.constant 511 : i32
        %max3A = arith.maxsi %jit3A_156, %sub3A_155 : i32
        %min3A_158 = arith.minsi %jit3A_157, %max3A : i32
        %ge3A = arith.constant 999936 : i32
        %ge3A_159 = arith.cmpi sge, %reduce_sum3A_144, %ge3A : i32
        %sub3A_160 = arith.constant 999936 : i32
        %sub3A_161 = arith.subi %reduce_sum3A_144, %sub3A_160 : i32
        %jit3A_162 = arith.constant 0 : i32
        %jit3A_163 = arith.constant 63 : i32
        %max3A_164 = arith.maxsi %jit3A_162, %sub3A_161 : i32
        %min3A_165 = arith.minsi %jit3A_163, %max3A_164 : i32
        %rem3A_166 = arith.constant 16 : i32
        %rem3A_167 = arith.remsi %while3A_87, %rem3A_166 : i32
        %ge3A_168 = arith.constant 16 : i32
        %ge3A_169 = arith.cmpi sge, %while3A_87, %ge3A_168 : i32
        %convert_element_type3A_170 = arith.extui %ge3A_169 : i1 to i32
        %cond3A_171 = arith.constant 0 : i32
        %cond3A_172 = arith.cmpi ne, %convert_element_type3A_170, %cond3A_171 : i32
        scf.if %cond3A_172 {
          %dma_wait3A_228 = arith.constant 0 : i32
          %dma_wait3A_229 = arith.constant 0 : i32
          %dma_wait3A_230 = arith.constant 0 : i32
          %dma_wait3A_231 = tpu.memref_slice %arg11[%dma_wait3A_228, %dma_wait3A_230] : memref<16x64xf32, #tpu.memory_space<vmem>> -> memref<1x64xf32, #tpu.memory_space<vmem>>
          %dma_wait3A_232 = tpu.memref_squeeze %dma_wait3A_231 : memref<1x64xf32, #tpu.memory_space<vmem>> -> memref<64xf32, #tpu.memory_space<vmem>>
          %dma_wait3A_233 = arith.constant 0 : i32
          %dma_wait3A_234 = tpu.memref_slice %arg6[%dma_wait3A_229, %dma_wait3A_233] : memref<16384x64xf32, #tpu.memory_space<hbm>> -> memref<1x64xf32, #tpu.memory_space<hbm>>
          %dma_wait3A_235 = tpu.memref_squeeze %dma_wait3A_234 : memref<1x64xf32, #tpu.memory_space<hbm>> -> memref<64xf32, #tpu.memory_space<hbm>>
          %dma_wait3A_236 = tpu.memref_slice %arg13[%rem3A_167] : memref<16x!tpu.dma_semaphore, #tpu.memory_space<semaphore_mem>> -> memref<1x!tpu.dma_semaphore, #tpu.memory_space<semaphore_mem>>
          %dma_wait3A_237 = tpu.memref_squeeze %dma_wait3A_236 : memref<1x!tpu.dma_semaphore, #tpu.memory_space<semaphore_mem>> -> memref<!tpu.dma_semaphore, #tpu.memory_space<semaphore_mem>>
          %dma_wait3A_238 = arith.constant 0 : i32
          %dma_wait3A_239 = tpu.memref_slice %arg6[%dma_wait3A_229, %dma_wait3A_238] : memref<16384x64xf32, #tpu.memory_space<hbm>> -> memref<1x64xf32, #tpu.memory_space<hbm>>
          %dma_wait3A_240 = tpu.memref_squeeze %dma_wait3A_239 : memref<1x64xf32, #tpu.memory_space<hbm>> -> memref<64xf32, #tpu.memory_space<hbm>>
          %dma_wait3A_241 = arith.constant 0 : i32
          %dma_wait3A_242 = tpu.memref_slice %arg11[%dma_wait3A_228, %dma_wait3A_241] : memref<16x64xf32, #tpu.memory_space<vmem>> -> memref<1x64xf32, #tpu.memory_space<vmem>>
          %dma_wait3A_243 = tpu.memref_squeeze %dma_wait3A_242 : memref<1x64xf32, #tpu.memory_space<vmem>> -> memref<64xf32, #tpu.memory_space<vmem>>
          tpu.wait_dma2 semaphore(%dma_wait3A_237 : memref<!tpu.dma_semaphore, #tpu.memory_space<semaphore_mem>>) src(%dma_wait3A_243 : memref<64xf32, #tpu.memory_space<vmem>>) dst(%dma_wait3A_240 : memref<64xf32, #tpu.memory_space<hbm>>)
        } else {
        }
        %broadcast_in_dim3A_173 = vector.broadcast %rem3A_55 : i32 to vector<16xi32>
        %broadcast_in_dim3A_174 = vector.broadcast %min3A_158 : i32 to vector<16xi32>
        %gather3A = tpu.vector_load_idx %arg9[%broadcast_in_dim3A_173, %add3A_24, %broadcast_in_dim3A_174] : memref<2x64x512xf32, #tpu.memory_space<vmem>>[vector<16xi32>, vector<16xi32>, vector<16xi32>], vector<16xf32>,
        %get3A_175 = arith.index_cast %min3A_165 : i32 to index
        %get3A_176 = arith.constant 0 : index
        %get3A_177 = tpu.vector_load %arg10[%get3A_175, %get3A_176] {strides = array<i32>} : memref<64x64xf32, #tpu.memory_space<vmem>>, vector<16xf32>,
        %select_n3A_178 = arith.select %ge3A_159, %get3A_177, %gather3A : vector<16xf32>
        %swap3A = arith.index_cast %rem3A_167 : i32 to index
        %swap3A_179 = arith.constant 0 : index
        %swap3A_180 = tpu.vector_load %arg11[%swap3A, %swap3A_179] {strides = array<i32>} : memref<16x64xf32, #tpu.memory_space<vmem>>, vector<16xf32>,
        tpu.vector_store %arg11[%swap3A, %swap3A_179], %select_n3A_178 {strides = array<i32>} : memref<16x64xf32, #tpu.memory_space<vmem>>, vector<16xf32>,
        %broadcast_in_dim3A_181 = vector.broadcast %rem3A_55 : i32 to vector<16xi32>
        %broadcast_in_dim3A_182 = vector.broadcast %min3A_158 : i32 to vector<16xi32>
        %gather3A_183 = tpu.vector_load_idx %arg9[%broadcast_in_dim3A_181, %add3A_28, %broadcast_in_dim3A_182] : memref<2x64x512xf32, #tpu.memory_space<vmem>>[vector<16xi32>, vector<16xi32>, vector<16xi32>], vector<16xf32>,
        %get3A_184 = arith.index_cast %min3A_165 : i32 to index
        %get3A_185 = arith.constant 16 : index
        %get3A_186 = tpu.vector_load %arg10[%get3A_184, %get3A_185] {strides = array<i32>} : memref<64x64xf32, #tpu.memory_space<vmem>>, vector<16xf32>,
        %select_n3A_187 = arith.select %ge3A_159, %get3A_186, %gather3A_183 : vector<16xf32>
        %swap3A_188 = arith.index_cast %rem3A_167 : i32 to index
        %swap3A_189 = arith.constant 16 : index
        %swap3A_190 = tpu.vector_load %arg11[%swap3A_188, %swap3A_189] {strides = array<i32>} : memref<16x64xf32, #tpu.memory_space<vmem>>, vector<16xf32>,
        tpu.vector_store %arg11[%swap3A_188, %swap3A_189], %select_n3A_187 {strides = array<i32>} : memref<16x64xf32, #tpu.memory_space<vmem>>, vector<16xf32>,
        %broadcast_in_dim3A_191 = vector.broadcast %rem3A_55 : i32 to vector<16xi32>
        %broadcast_in_dim3A_192 = vector.broadcast %min3A_158 : i32 to vector<16xi32>
        %gather3A_193 = tpu.vector_load_idx %arg9[%broadcast_in_dim3A_191, %add3A_32, %broadcast_in_dim3A_192] : memref<2x64x512xf32, #tpu.memory_space<vmem>>[vector<16xi32>, vector<16xi32>, vector<16xi32>], vector<16xf32>,
        %get3A_194 = arith.index_cast %min3A_165 : i32 to index
        %get3A_195 = arith.constant 32 : index
        %get3A_196 = tpu.vector_load %arg10[%get3A_194, %get3A_195] {strides = array<i32>} : memref<64x64xf32, #tpu.memory_space<vmem>>, vector<16xf32>,
        %select_n3A_197 = arith.select %ge3A_159, %get3A_196, %gather3A_193 : vector<16xf32>
        %swap3A_198 = arith.index_cast %rem3A_167 : i32 to index
        %swap3A_199 = arith.constant 32 : index
        %swap3A_200 = tpu.vector_load %arg11[%swap3A_198, %swap3A_199] {strides = array<i32>} : memref<16x64xf32, #tpu.memory_space<vmem>>, vector<16xf32>,
        tpu.vector_store %arg11[%swap3A_198, %swap3A_199], %select_n3A_197 {strides = array<i32>} : memref<16x64xf32, #tpu.memory_space<vmem>>, vector<16xf32>,
        %broadcast_in_dim3A_201 = vector.broadcast %rem3A_55 : i32 to vector<16xi32>
        %broadcast_in_dim3A_202 = vector.broadcast %min3A_158 : i32 to vector<16xi32>
        %gather3A_203 = tpu.vector_load_idx %arg9[%broadcast_in_dim3A_201, %add3A_36, %broadcast_in_dim3A_202] : memref<2x64x512xf32, #tpu.memory_space<vmem>>[vector<16xi32>, vector<16xi32>, vector<16xi32>], vector<16xf32>,
        %get3A_204 = arith.index_cast %min3A_165 : i32 to index
        %get3A_205 = arith.constant 48 : index
        %get3A_206 = tpu.vector_load %arg10[%get3A_204, %get3A_205] {strides = array<i32>} : memref<64x64xf32, #tpu.memory_space<vmem>>, vector<16xf32>,
        %select_n3A_207 = arith.select %ge3A_159, %get3A_206, %gather3A_203 : vector<16xf32>
        %swap3A_208 = arith.index_cast %rem3A_167 : i32 to index
        %swap3A_209 = arith.constant 48 : index
        %swap3A_210 = tpu.vector_load %arg11[%swap3A_208, %swap3A_209] {strides = array<i32>} : memref<16x64xf32, #tpu.memory_space<vmem>>, vector<16xf32>,
        tpu.vector_store %arg11[%swap3A_208, %swap3A_209], %select_n3A_207 {strides = array<i32>} : memref<16x64xf32, #tpu.memory_space<vmem>>, vector<16xf32>,
        %dma_start3A = arith.constant 0 : i32
        %dma_start3A_211 = tpu.memref_slice %arg11[%rem3A_167, %dma_start3A] : memref<16x64xf32, #tpu.memory_space<vmem>> -> memref<1x64xf32, #tpu.memory_space<vmem>>
        %dma_start3A_212 = tpu.memref_squeeze %dma_start3A_211 : memref<1x64xf32, #tpu.memory_space<vmem>> -> memref<64xf32, #tpu.memory_space<vmem>>
        %dma_start3A_213 = arith.constant 0 : i32
        %dma_start3A_214 = tpu.memref_slice %arg6[%reduce_sum3A_154, %dma_start3A_213] : memref<16384x64xf32, #tpu.memory_space<hbm>> -> memref<1x64xf32, #tpu.memory_space<hbm>>
        %dma_start3A_215 = tpu.memref_squeeze %dma_start3A_214 : memref<1x64xf32, #tpu.memory_space<hbm>> -> memref<64xf32, #tpu.memory_space<hbm>>
        %dma_start3A_216 = tpu.memref_slice %arg13[%rem3A_167] : memref<16x!tpu.dma_semaphore, #tpu.memory_space<semaphore_mem>> -> memref<1x!tpu.dma_semaphore, #tpu.memory_space<semaphore_mem>>
        %dma_start3A_217 = tpu.memref_squeeze %dma_start3A_216 : memref<1x!tpu.dma_semaphore, #tpu.memory_space<semaphore_mem>> -> memref<!tpu.dma_semaphore, #tpu.memory_space<semaphore_mem>>
        %dma_start3A_218 = arith.constant 0 : i32
        %dma_start3A_219 = tpu.memref_slice %arg6[%reduce_sum3A_154, %dma_start3A_218] : memref<16384x64xf32, #tpu.memory_space<hbm>> -> memref<1x64xf32, #tpu.memory_space<hbm>>
        %dma_start3A_220 = tpu.memref_squeeze %dma_start3A_219 : memref<1x64xf32, #tpu.memory_space<hbm>> -> memref<64xf32, #tpu.memory_space<hbm>>
        %dma_start3A_221 = arith.constant 0 : i32
        %dma_start3A_222 = tpu.memref_slice %arg11[%rem3A_167, %dma_start3A_221] : memref<16x64xf32, #tpu.memory_space<vmem>> -> memref<1x64xf32, #tpu.memory_space<vmem>>
        %dma_start3A_223 = tpu.memref_squeeze %dma_start3A_222 : memref<1x64xf32, #tpu.memory_space<vmem>> -> memref<64xf32, #tpu.memory_space<vmem>>
        tpu.enqueue_dma source(%dma_start3A_223 : memref<64xf32, #tpu.memory_space<vmem>>) target(%dma_start3A_220 : memref<64xf32, #tpu.memory_space<hbm>>) target_semaphore(%dma_start3A_217 : memref<!tpu.dma_semaphore, #tpu.memory_space<semaphore_mem>>)
        %add3A_224 = arith.constant 1 : i32
        %add3A_225 = arith.addi %while3A_86, %add3A_224 : i32
        %add3A_226 = arith.constant 1 : i32
        %add3A_227 = arith.addi %while3A_87, %add3A_226 : i32
        scf.yield %add3A_225, %add3A_227 : i32, i32
      }
      %add3A_80 = arith.constant 2 : i32
      %add3A_81 = arith.addi %while3A_52, %add3A_80 : i32
      %lt3A_82 = arith.cmpi slt, %add3A_81, %min3A_5 : i32
      %convert_element_type3A_83 = arith.extui %lt3A_82 : i1 to i32
      %cond3A_84 = arith.constant 0 : i32
      %cond3A_85 = arith.cmpi ne, %convert_element_type3A_83, %cond3A_84 : i32
      scf.if %cond3A_85 {
        %add3A_86 = arith.constant 2 : i32
        %add3A_87 = arith.addi %while3A_52, %add3A_86 : i32
        %mul3A_88 = arith.constant 512 : i32
        %mul3A_89 = arith.muli %add3A_87, %mul3A_88 : i32
        %min3A_90 = arith.constant 999424 : i32
        %min3A_91 = arith.minsi %mul3A_89, %min3A_90 : i32
        %dma_start3A = arith.constant 0 : i32
        %dma_start3A_92 = arith.constant 0 : i32
        %dma_start3A_93 = tpu.memref_slice %arg9[%rem3A_55, %dma_start3A, %dma_start3A_92] : memref<2x64x512xf32, #tpu.memory_space<vmem>> -> memref<1x64x512xf32, #tpu.memory_space<vmem>>
        %dma_start3A_94 = tpu.memref_squeeze %dma_start3A_93 : memref<1x64x512xf32, #tpu.memory_space<vmem>> -> memref<64x512xf32, #tpu.memory_space<vmem>>
        %dma_start3A_95 = arith.constant 0 : i32
        %dma_start3A_96 = tpu.memref_slice %arg4[%dma_start3A_95, %min3A_91] : memref<64x1000000xf32, #tpu.memory_space<hbm>> -> memref<64x512xf32, #tpu.memory_space<hbm>>
        %dma_start3A_97 = tpu.memref_slice %arg12[%rem3A_55] : memref<2x!tpu.dma_semaphore, #tpu.memory_space<semaphore_mem>> -> memref<1x!tpu.dma_semaphore, #tpu.memory_space<semaphore_mem>>
        %dma_start3A_98 = tpu.memref_squeeze %dma_start3A_97 : memref<1x!tpu.dma_semaphore, #tpu.memory_space<semaphore_mem>> -> memref<!tpu.dma_semaphore, #tpu.memory_space<semaphore_mem>>
        %dma_start3A_99 = arith.constant 0 : i32
        %dma_start3A_100 = arith.constant 0 : i32
        %dma_start3A_101 = tpu.memref_slice %arg9[%rem3A_55, %dma_start3A_99, %dma_start3A_100] : memref<2x64x512xf32, #tpu.memory_space<vmem>> -> memref<1x64x512xf32, #tpu.memory_space<vmem>>
        %dma_start3A_102 = tpu.memref_squeeze %dma_start3A_101 : memref<1x64x512xf32, #tpu.memory_space<vmem>> -> memref<64x512xf32, #tpu.memory_space<vmem>>
        %dma_start3A_103 = arith.constant 0 : i32
        %dma_start3A_104 = tpu.memref_slice %arg4[%dma_start3A_103, %min3A_91] : memref<64x1000000xf32, #tpu.memory_space<hbm>> -> memref<64x512xf32, #tpu.memory_space<hbm>>
        tpu.enqueue_dma source(%dma_start3A_104 : memref<64x512xf32, #tpu.memory_space<hbm>>) target(%dma_start3A_102 : memref<64x512xf32, #tpu.memory_space<vmem>>) target_semaphore(%dma_start3A_98 : memref<!tpu.dma_semaphore, #tpu.memory_space<semaphore_mem>>)
      } else {
      }
      scf.yield %while3A_79#0, %while3A_79#1 : i32, i32
    }
    %while3A_45 = arith.constant 1 : i32
    %while3A_46:2 = scf.for %while3A_52 = %while3A_42 to %while3A_38 step %while3A_45 iter_args(%while3A_53 = %while3A_44#0, %while3A_54 = %while3A_44#1) -> (i32, i32)  : i32 {
      %rem3A = arith.constant 2 : i32
      %rem3A_55 = arith.remsi %while3A_52, %rem3A : i32
      %dma_wait3A = arith.constant 0 : i32
      %dma_wait3A_56 = arith.constant 0 : i32
      %dma_wait3A_57 = tpu.memref_slice %arg9[%rem3A_55, %dma_wait3A, %dma_wait3A_56] : memref<2x64x512xf32, #tpu.memory_space<vmem>> -> memref<1x64x512xf32, #tpu.memory_space<vmem>>
      %dma_wait3A_58 = tpu.memref_squeeze %dma_wait3A_57 : memref<1x64x512xf32, #tpu.memory_space<vmem>> -> memref<64x512xf32, #tpu.memory_space<vmem>>
      %dma_wait3A_59 = arith.constant 0 : i32
      %dma_wait3A_60 = arith.constant 0 : i32
      %dma_wait3A_61 = tpu.memref_slice %arg4[%dma_wait3A_59, %dma_wait3A_60] : memref<64x1000000xf32, #tpu.memory_space<hbm>> -> memref<64x512xf32, #tpu.memory_space<hbm>>
      %dma_wait3A_62 = tpu.memref_slice %arg12[%rem3A_55] : memref<2x!tpu.dma_semaphore, #tpu.memory_space<semaphore_mem>> -> memref<1x!tpu.dma_semaphore, #tpu.memory_space<semaphore_mem>>
      %dma_wait3A_63 = tpu.memref_squeeze %dma_wait3A_62 : memref<1x!tpu.dma_semaphore, #tpu.memory_space<semaphore_mem>> -> memref<!tpu.dma_semaphore, #tpu.memory_space<semaphore_mem>>
      %dma_wait3A_64 = arith.constant 0 : i32
      %dma_wait3A_65 = arith.constant 0 : i32
      %dma_wait3A_66 = tpu.memref_slice %arg9[%rem3A_55, %dma_wait3A_64, %dma_wait3A_65] : memref<2x64x512xf32, #tpu.memory_space<vmem>> -> memref<1x64x512xf32, #tpu.memory_space<vmem>>
      %dma_wait3A_67 = tpu.memref_squeeze %dma_wait3A_66 : memref<1x64x512xf32, #tpu.memory_space<vmem>> -> memref<64x512xf32, #tpu.memory_space<vmem>>
      %dma_wait3A_68 = arith.constant 0 : i32
      %dma_wait3A_69 = arith.constant 0 : i32
      %dma_wait3A_70 = tpu.memref_slice %arg4[%dma_wait3A_68, %dma_wait3A_69] : memref<64x1000000xf32, #tpu.memory_space<hbm>> -> memref<64x512xf32, #tpu.memory_space<hbm>>
      tpu.wait_dma2 semaphore(%dma_wait3A_63 : memref<!tpu.dma_semaphore, #tpu.memory_space<semaphore_mem>>) src(%dma_wait3A_70 : memref<64x512xf32, #tpu.memory_space<hbm>>) dst(%dma_wait3A_67 : memref<64x512xf32, #tpu.memory_space<vmem>>)
      %add3A_71 = arith.constant 1 : i32
      %add3A_72 = arith.addi %while3A_52, %add3A_71 : i32
      %mul3A_73 = arith.constant 512 : i32
      %mul3A_74 = arith.muli %add3A_72, %mul3A_73 : i32
      %mul3A_75 = arith.constant 512 : i32
      %mul3A_76 = arith.muli %while3A_52, %mul3A_75 : i32
      %min3A_77 = arith.constant 999424 : i32
      %min3A_78 = arith.minsi %mul3A_76, %min3A_77 : i32
      %while3A_79:2 = scf.while (%while3A_86 = %while3A_53, %while3A_87 = %while3A_54) : (i32, i32) -> (i32, i32) {
        %lt3A_88 = arith.constant 16384 : i32
        %lt3A_89 = arith.cmpi slt, %while3A_86, %lt3A_88 : i32
        %jit3A = arith.constant 16 : i32
        %div3A = arith.divsi %while3A_86, %jit3A : i32
        %sign3A = arith.constant 0 : i32
        %sign3A_90 = arith.cmpi sgt, %while3A_86, %sign3A : i32
        %sign3A_91 = arith.extui %sign3A_90 : i1 to i32
        %sign3A_92 = arith.constant 0 : i32
        %sign3A_93 = arith.cmpi slt, %while3A_86, %sign3A_92 : i32
        %sign3A_94 = arith.extui %sign3A_93 : i1 to i32
        %sign3A_95 = arith.subi %sign3A_91, %sign3A_94 : i32
        %sign3A_96 = arith.constant 0 : i32
        %sign3A_97 = arith.cmpi sgt, %jit3A, %sign3A_96 : i32
        %sign3A_98 = arith.extui %sign3A_97 : i1 to i32
        %sign3A_99 = arith.constant 0 : i32
        %sign3A_100 = arith.cmpi slt, %jit3A, %sign3A_99 : i32
        %sign3A_101 = arith.extui %sign3A_100 : i1 to i32
        %sign3A_102 = arith.subi %sign3A_98, %sign3A_101 : i32
        %ne3A = arith.cmpi ne, %sign3A_95, %sign3A_102 : i32
        %rem3A_103 = arith.remsi %while3A_86, %jit3A : i32
        %ne3A_104 = arith.constant 0 : i32
        %ne3A_105 = arith.cmpi ne, %rem3A_103, %ne3A_104 : i32
        %and3A = arith.andi %ne3A, %ne3A_105 : i1
        %sub3A = arith.constant 1 : i32
        %sub3A_106 = arith.subi %div3A, %sub3A : i32
        %select_n3A = arith.select %and3A, %sub3A_106, %div3A : i32
        %mul3A_107 = arith.constant 16 : i32
        %mul3A_108 = arith.muli %select_n3A, %mul3A_107 : i32
        %get3A = arith.index_cast %mul3A_108 : i32 to index
        %get3A_109 = tpu.vector_load %arg7[%get3A] {strides = array<i32>} : memref<16384xi32, #tpu.memory_space<vmem>>, vector<16xi32>,
        %rem3A_110 = arith.constant 16 : i32
        %rem3A_111 = arith.remsi %while3A_86, %rem3A_110 : i32
        %iota3A_112 = tpu.iota {dimensions = array<i32: 0>} : vector<16xi32>
        %eq3A = vector.broadcast %rem3A_111 : i32 to vector<16xi32>
        %eq3A_113 = arith.cmpi eq, %iota3A_112, %eq3A : vector<16xi32>
        %broadcast_in_dim3A = arith.constant 0 : i32
        %broadcast_in_dim3A_114 = vector.broadcast %broadcast_in_dim3A : i32 to vector<16xi32>
        %select_n3A_115 = arith.select %eq3A_113, %get3A_109, %broadcast_in_dim3A_114 : vector<16xi1>, vector<16xi32>
        %reduce_sum3A = arith.constant true
        %reduce_sum3A_116 = vector.broadcast %reduce_sum3A : i1 to vector<16xi1>
        %reduce_sum3A_117 = tpu.scan <sum>, %select_n3A_115 masked %reduce_sum3A_116 : vector<16xi32>, vector<16xi1> -> vector<16xi32>
        %reduce_sum3A_118 = vector.extract %reduce_sum3A_117[15] : i32 from vector<16xi32>
        %lt3A_119 = arith.cmpi slt, %reduce_sum3A_118, %mul3A_74 : i32
        %and3A_120 = arith.andi %lt3A_89, %lt3A_119 : i1
        scf.condition(%and3A_120) %while3A_86, %while3A_87 : i32, i32
      } do {
      ^bb0(%while3A_86: i32, %while3A_87: i32):
        %jit3A = arith.constant 16 : i32
        %div3A = arith.divsi %while3A_86, %jit3A : i32
        %sign3A = arith.constant 0 : i32
        %sign3A_88 = arith.cmpi sgt, %while3A_86, %sign3A : i32
        %sign3A_89 = arith.extui %sign3A_88 : i1 to i32
        %sign3A_90 = arith.constant 0 : i32
        %sign3A_91 = arith.cmpi slt, %while3A_86, %sign3A_90 : i32
        %sign3A_92 = arith.extui %sign3A_91 : i1 to i32
        %sign3A_93 = arith.subi %sign3A_89, %sign3A_92 : i32
        %sign3A_94 = arith.constant 0 : i32
        %sign3A_95 = arith.cmpi sgt, %jit3A, %sign3A_94 : i32
        %sign3A_96 = arith.extui %sign3A_95 : i1 to i32
        %sign3A_97 = arith.constant 0 : i32
        %sign3A_98 = arith.cmpi slt, %jit3A, %sign3A_97 : i32
        %sign3A_99 = arith.extui %sign3A_98 : i1 to i32
        %sign3A_100 = arith.subi %sign3A_96, %sign3A_99 : i32
        %ne3A = arith.cmpi ne, %sign3A_93, %sign3A_100 : i32
        %rem3A_101 = arith.remsi %while3A_86, %jit3A : i32
        %ne3A_102 = arith.constant 0 : i32
        %ne3A_103 = arith.cmpi ne, %rem3A_101, %ne3A_102 : i32
        %and3A = arith.andi %ne3A, %ne3A_103 : i1
        %sub3A = arith.constant 1 : i32
        %sub3A_104 = arith.subi %div3A, %sub3A : i32
        %select_n3A = arith.select %and3A, %sub3A_104, %div3A : i32
        %mul3A_105 = arith.constant 16 : i32
        %mul3A_106 = arith.muli %select_n3A, %mul3A_105 : i32
        %get3A = arith.index_cast %mul3A_106 : i32 to index
        %get3A_107 = tpu.vector_load %arg7[%get3A] {strides = array<i32>} : memref<16384xi32, #tpu.memory_space<vmem>>, vector<16xi32>,
        %jit3A_108 = arith.constant 16 : i32
        %div3A_109 = arith.divsi %while3A_86, %jit3A_108 : i32
        %sign3A_110 = arith.constant 0 : i32
        %sign3A_111 = arith.cmpi sgt, %while3A_86, %sign3A_110 : i32
        %sign3A_112 = arith.extui %sign3A_111 : i1 to i32
        %sign3A_113 = arith.constant 0 : i32
        %sign3A_114 = arith.cmpi slt, %while3A_86, %sign3A_113 : i32
        %sign3A_115 = arith.extui %sign3A_114 : i1 to i32
        %sign3A_116 = arith.subi %sign3A_112, %sign3A_115 : i32
        %sign3A_117 = arith.constant 0 : i32
        %sign3A_118 = arith.cmpi sgt, %jit3A_108, %sign3A_117 : i32
        %sign3A_119 = arith.extui %sign3A_118 : i1 to i32
        %sign3A_120 = arith.constant 0 : i32
        %sign3A_121 = arith.cmpi slt, %jit3A_108, %sign3A_120 : i32
        %sign3A_122 = arith.extui %sign3A_121 : i1 to i32
        %sign3A_123 = arith.subi %sign3A_119, %sign3A_122 : i32
        %ne3A_124 = arith.cmpi ne, %sign3A_116, %sign3A_123 : i32
        %rem3A_125 = arith.remsi %while3A_86, %jit3A_108 : i32
        %ne3A_126 = arith.constant 0 : i32
        %ne3A_127 = arith.cmpi ne, %rem3A_125, %ne3A_126 : i32
        %and3A_128 = arith.andi %ne3A_124, %ne3A_127 : i1
        %sub3A_129 = arith.constant 1 : i32
        %sub3A_130 = arith.subi %div3A_109, %sub3A_129 : i32
        %select_n3A_131 = arith.select %and3A_128, %sub3A_130, %div3A_109 : i32
        %mul3A_132 = arith.constant 16 : i32
        %mul3A_133 = arith.muli %select_n3A_131, %mul3A_132 : i32
        %get3A_134 = arith.index_cast %mul3A_133 : i32 to index
        %get3A_135 = tpu.vector_load %arg8[%get3A_134] {strides = array<i32>} : memref<16384xi32, #tpu.memory_space<vmem>>, vector<16xi32>,
        %rem3A_136 = arith.constant 16 : i32
        %rem3A_137 = arith.remsi %while3A_86, %rem3A_136 : i32
        %iota3A_138 = tpu.iota {dimensions = array<i32: 0>} : vector<16xi32>
        %eq3A = vector.broadcast %rem3A_137 : i32 to vector<16xi32>
        %eq3A_139 = arith.cmpi eq, %iota3A_138, %eq3A : vector<16xi32>
        %broadcast_in_dim3A = arith.constant 0 : i32
        %broadcast_in_dim3A_140 = vector.broadcast %broadcast_in_dim3A : i32 to vector<16xi32>
        %select_n3A_141 = arith.select %eq3A_139, %get3A_107, %broadcast_in_dim3A_140 : vector<16xi1>, vector<16xi32>
        %reduce_sum3A = arith.constant true
        %reduce_sum3A_142 = vector.broadcast %reduce_sum3A : i1 to vector<16xi1>
        %reduce_sum3A_143 = tpu.scan <sum>, %select_n3A_141 masked %reduce_sum3A_142 : vector<16xi32>, vector<16xi1> -> vector<16xi32>
        %reduce_sum3A_144 = vector.extract %reduce_sum3A_143[15] : i32 from vector<16xi32>
        %iota3A_145 = tpu.iota {dimensions = array<i32: 0>} : vector<16xi32>
        %eq3A_146 = vector.broadcast %rem3A_137 : i32 to vector<16xi32>
        %eq3A_147 = arith.cmpi eq, %iota3A_145, %eq3A_146 : vector<16xi32>
        %broadcast_in_dim3A_148 = arith.constant 0 : i32
        %broadcast_in_dim3A_149 = vector.broadcast %broadcast_in_dim3A_148 : i32 to vector<16xi32>
        %select_n3A_150 = arith.select %eq3A_147, %get3A_135, %broadcast_in_dim3A_149 : vector<16xi1>, vector<16xi32>
        %reduce_sum3A_151 = arith.constant true
        %reduce_sum3A_152 = vector.broadcast %reduce_sum3A_151 : i1 to vector<16xi1>
        %reduce_sum3A_153 = tpu.scan <sum>, %select_n3A_150 masked %reduce_sum3A_152 : vector<16xi32>, vector<16xi1> -> vector<16xi32>
        %reduce_sum3A_154 = vector.extract %reduce_sum3A_153[15] : i32 from vector<16xi32>
        %sub3A_155 = arith.subi %reduce_sum3A_144, %min3A_78 : i32
        %jit3A_156 = arith.constant 0 : i32
        %jit3A_157 = arith.constant 511 : i32
        %max3A = arith.maxsi %jit3A_156, %sub3A_155 : i32
        %min3A_158 = arith.minsi %jit3A_157, %max3A : i32
        %ge3A = arith.constant 999936 : i32
        %ge3A_159 = arith.cmpi sge, %reduce_sum3A_144, %ge3A : i32
        %sub3A_160 = arith.constant 999936 : i32
        %sub3A_161 = arith.subi %reduce_sum3A_144, %sub3A_160 : i32
        %jit3A_162 = arith.constant 0 : i32
        %jit3A_163 = arith.constant 63 : i32
        %max3A_164 = arith.maxsi %jit3A_162, %sub3A_161 : i32
        %min3A_165 = arith.minsi %jit3A_163, %max3A_164 : i32
        %rem3A_166 = arith.constant 16 : i32
        %rem3A_167 = arith.remsi %while3A_87, %rem3A_166 : i32
        %ge3A_168 = arith.constant 16 : i32
        %ge3A_169 = arith.cmpi sge, %while3A_87, %ge3A_168 : i32
        %convert_element_type3A_170 = arith.extui %ge3A_169 : i1 to i32
        %cond3A_171 = arith.constant 0 : i32
        %cond3A_172 = arith.cmpi ne, %convert_element_type3A_170, %cond3A_171 : i32
        scf.if %cond3A_172 {
          %dma_wait3A_228 = arith.constant 0 : i32
          %dma_wait3A_229 = arith.constant 0 : i32
          %dma_wait3A_230 = arith.constant 0 : i32
          %dma_wait3A_231 = tpu.memref_slice %arg11[%dma_wait3A_228, %dma_wait3A_230] : memref<16x64xf32, #tpu.memory_space<vmem>> -> memref<1x64xf32, #tpu.memory_space<vmem>>
          %dma_wait3A_232 = tpu.memref_squeeze %dma_wait3A_231 : memref<1x64xf32, #tpu.memory_space<vmem>> -> memref<64xf32, #tpu.memory_space<vmem>>
          %dma_wait3A_233 = arith.constant 0 : i32
          %dma_wait3A_234 = tpu.memref_slice %arg6[%dma_wait3A_229, %dma_wait3A_233] : memref<16384x64xf32, #tpu.memory_space<hbm>> -> memref<1x64xf32, #tpu.memory_space<hbm>>
          %dma_wait3A_235 = tpu.memref_squeeze %dma_wait3A_234 : memref<1x64xf32, #tpu.memory_space<hbm>> -> memref<64xf32, #tpu.memory_space<hbm>>
          %dma_wait3A_236 = tpu.memref_slice %arg13[%rem3A_167] : memref<16x!tpu.dma_semaphore, #tpu.memory_space<semaphore_mem>> -> memref<1x!tpu.dma_semaphore, #tpu.memory_space<semaphore_mem>>
          %dma_wait3A_237 = tpu.memref_squeeze %dma_wait3A_236 : memref<1x!tpu.dma_semaphore, #tpu.memory_space<semaphore_mem>> -> memref<!tpu.dma_semaphore, #tpu.memory_space<semaphore_mem>>
          %dma_wait3A_238 = arith.constant 0 : i32
          %dma_wait3A_239 = tpu.memref_slice %arg6[%dma_wait3A_229, %dma_wait3A_238] : memref<16384x64xf32, #tpu.memory_space<hbm>> -> memref<1x64xf32, #tpu.memory_space<hbm>>
          %dma_wait3A_240 = tpu.memref_squeeze %dma_wait3A_239 : memref<1x64xf32, #tpu.memory_space<hbm>> -> memref<64xf32, #tpu.memory_space<hbm>>
          %dma_wait3A_241 = arith.constant 0 : i32
          %dma_wait3A_242 = tpu.memref_slice %arg11[%dma_wait3A_228, %dma_wait3A_241] : memref<16x64xf32, #tpu.memory_space<vmem>> -> memref<1x64xf32, #tpu.memory_space<vmem>>
          %dma_wait3A_243 = tpu.memref_squeeze %dma_wait3A_242 : memref<1x64xf32, #tpu.memory_space<vmem>> -> memref<64xf32, #tpu.memory_space<vmem>>
          tpu.wait_dma2 semaphore(%dma_wait3A_237 : memref<!tpu.dma_semaphore, #tpu.memory_space<semaphore_mem>>) src(%dma_wait3A_243 : memref<64xf32, #tpu.memory_space<vmem>>) dst(%dma_wait3A_240 : memref<64xf32, #tpu.memory_space<hbm>>)
        } else {
        }
        %broadcast_in_dim3A_173 = vector.broadcast %rem3A_55 : i32 to vector<16xi32>
        %broadcast_in_dim3A_174 = vector.broadcast %min3A_158 : i32 to vector<16xi32>
        %gather3A = tpu.vector_load_idx %arg9[%broadcast_in_dim3A_173, %add3A_24, %broadcast_in_dim3A_174] : memref<2x64x512xf32, #tpu.memory_space<vmem>>[vector<16xi32>, vector<16xi32>, vector<16xi32>], vector<16xf32>,
        %get3A_175 = arith.index_cast %min3A_165 : i32 to index
        %get3A_176 = arith.constant 0 : index
        %get3A_177 = tpu.vector_load %arg10[%get3A_175, %get3A_176] {strides = array<i32>} : memref<64x64xf32, #tpu.memory_space<vmem>>, vector<16xf32>,
        %select_n3A_178 = arith.select %ge3A_159, %get3A_177, %gather3A : vector<16xf32>
        %swap3A = arith.index_cast %rem3A_167 : i32 to index
        %swap3A_179 = arith.constant 0 : index
        %swap3A_180 = tpu.vector_load %arg11[%swap3A, %swap3A_179] {strides = array<i32>} : memref<16x64xf32, #tpu.memory_space<vmem>>, vector<16xf32>,
        tpu.vector_store %arg11[%swap3A, %swap3A_179], %select_n3A_178 {strides = array<i32>} : memref<16x64xf32, #tpu.memory_space<vmem>>, vector<16xf32>,
        %broadcast_in_dim3A_181 = vector.broadcast %rem3A_55 : i32 to vector<16xi32>
        %broadcast_in_dim3A_182 = vector.broadcast %min3A_158 : i32 to vector<16xi32>
        %gather3A_183 = tpu.vector_load_idx %arg9[%broadcast_in_dim3A_181, %add3A_28, %broadcast_in_dim3A_182] : memref<2x64x512xf32, #tpu.memory_space<vmem>>[vector<16xi32>, vector<16xi32>, vector<16xi32>], vector<16xf32>,
        %get3A_184 = arith.index_cast %min3A_165 : i32 to index
        %get3A_185 = arith.constant 16 : index
        %get3A_186 = tpu.vector_load %arg10[%get3A_184, %get3A_185] {strides = array<i32>} : memref<64x64xf32, #tpu.memory_space<vmem>>, vector<16xf32>,
        %select_n3A_187 = arith.select %ge3A_159, %get3A_186, %gather3A_183 : vector<16xf32>
        %swap3A_188 = arith.index_cast %rem3A_167 : i32 to index
        %swap3A_189 = arith.constant 16 : index
        %swap3A_190 = tpu.vector_load %arg11[%swap3A_188, %swap3A_189] {strides = array<i32>} : memref<16x64xf32, #tpu.memory_space<vmem>>, vector<16xf32>,
        tpu.vector_store %arg11[%swap3A_188, %swap3A_189], %select_n3A_187 {strides = array<i32>} : memref<16x64xf32, #tpu.memory_space<vmem>>, vector<16xf32>,
        %broadcast_in_dim3A_191 = vector.broadcast %rem3A_55 : i32 to vector<16xi32>
        %broadcast_in_dim3A_192 = vector.broadcast %min3A_158 : i32 to vector<16xi32>
        %gather3A_193 = tpu.vector_load_idx %arg9[%broadcast_in_dim3A_191, %add3A_32, %broadcast_in_dim3A_192] : memref<2x64x512xf32, #tpu.memory_space<vmem>>[vector<16xi32>, vector<16xi32>, vector<16xi32>], vector<16xf32>,
        %get3A_194 = arith.index_cast %min3A_165 : i32 to index
        %get3A_195 = arith.constant 32 : index
        %get3A_196 = tpu.vector_load %arg10[%get3A_194, %get3A_195] {strides = array<i32>} : memref<64x64xf32, #tpu.memory_space<vmem>>, vector<16xf32>,
        %select_n3A_197 = arith.select %ge3A_159, %get3A_196, %gather3A_193 : vector<16xf32>
        %swap3A_198 = arith.index_cast %rem3A_167 : i32 to index
        %swap3A_199 = arith.constant 32 : index
        %swap3A_200 = tpu.vector_load %arg11[%swap3A_198, %swap3A_199] {strides = array<i32>} : memref<16x64xf32, #tpu.memory_space<vmem>>, vector<16xf32>,
        tpu.vector_store %arg11[%swap3A_198, %swap3A_199], %select_n3A_197 {strides = array<i32>} : memref<16x64xf32, #tpu.memory_space<vmem>>, vector<16xf32>,
        %broadcast_in_dim3A_201 = vector.broadcast %rem3A_55 : i32 to vector<16xi32>
        %broadcast_in_dim3A_202 = vector.broadcast %min3A_158 : i32 to vector<16xi32>
        %gather3A_203 = tpu.vector_load_idx %arg9[%broadcast_in_dim3A_201, %add3A_36, %broadcast_in_dim3A_202] : memref<2x64x512xf32, #tpu.memory_space<vmem>>[vector<16xi32>, vector<16xi32>, vector<16xi32>], vector<16xf32>,
        %get3A_204 = arith.index_cast %min3A_165 : i32 to index
        %get3A_205 = arith.constant 48 : index
        %get3A_206 = tpu.vector_load %arg10[%get3A_204, %get3A_205] {strides = array<i32>} : memref<64x64xf32, #tpu.memory_space<vmem>>, vector<16xf32>,
        %select_n3A_207 = arith.select %ge3A_159, %get3A_206, %gather3A_203 : vector<16xf32>
        %swap3A_208 = arith.index_cast %rem3A_167 : i32 to index
        %swap3A_209 = arith.constant 48 : index
        %swap3A_210 = tpu.vector_load %arg11[%swap3A_208, %swap3A_209] {strides = array<i32>} : memref<16x64xf32, #tpu.memory_space<vmem>>, vector<16xf32>,
        tpu.vector_store %arg11[%swap3A_208, %swap3A_209], %select_n3A_207 {strides = array<i32>} : memref<16x64xf32, #tpu.memory_space<vmem>>, vector<16xf32>,
        %dma_start3A = arith.constant 0 : i32
        %dma_start3A_211 = tpu.memref_slice %arg11[%rem3A_167, %dma_start3A] : memref<16x64xf32, #tpu.memory_space<vmem>> -> memref<1x64xf32, #tpu.memory_space<vmem>>
        %dma_start3A_212 = tpu.memref_squeeze %dma_start3A_211 : memref<1x64xf32, #tpu.memory_space<vmem>> -> memref<64xf32, #tpu.memory_space<vmem>>
        %dma_start3A_213 = arith.constant 0 : i32
        %dma_start3A_214 = tpu.memref_slice %arg6[%reduce_sum3A_154, %dma_start3A_213] : memref<16384x64xf32, #tpu.memory_space<hbm>> -> memref<1x64xf32, #tpu.memory_space<hbm>>
        %dma_start3A_215 = tpu.memref_squeeze %dma_start3A_214 : memref<1x64xf32, #tpu.memory_space<hbm>> -> memref<64xf32, #tpu.memory_space<hbm>>
        %dma_start3A_216 = tpu.memref_slice %arg13[%rem3A_167] : memref<16x!tpu.dma_semaphore, #tpu.memory_space<semaphore_mem>> -> memref<1x!tpu.dma_semaphore, #tpu.memory_space<semaphore_mem>>
        %dma_start3A_217 = tpu.memref_squeeze %dma_start3A_216 : memref<1x!tpu.dma_semaphore, #tpu.memory_space<semaphore_mem>> -> memref<!tpu.dma_semaphore, #tpu.memory_space<semaphore_mem>>
        %dma_start3A_218 = arith.constant 0 : i32
        %dma_start3A_219 = tpu.memref_slice %arg6[%reduce_sum3A_154, %dma_start3A_218] : memref<16384x64xf32, #tpu.memory_space<hbm>> -> memref<1x64xf32, #tpu.memory_space<hbm>>
        %dma_start3A_220 = tpu.memref_squeeze %dma_start3A_219 : memref<1x64xf32, #tpu.memory_space<hbm>> -> memref<64xf32, #tpu.memory_space<hbm>>
        %dma_start3A_221 = arith.constant 0 : i32
        %dma_start3A_222 = tpu.memref_slice %arg11[%rem3A_167, %dma_start3A_221] : memref<16x64xf32, #tpu.memory_space<vmem>> -> memref<1x64xf32, #tpu.memory_space<vmem>>
        %dma_start3A_223 = tpu.memref_squeeze %dma_start3A_222 : memref<1x64xf32, #tpu.memory_space<vmem>> -> memref<64xf32, #tpu.memory_space<vmem>>
        tpu.enqueue_dma source(%dma_start3A_223 : memref<64xf32, #tpu.memory_space<vmem>>) target(%dma_start3A_220 : memref<64xf32, #tpu.memory_space<hbm>>) target_semaphore(%dma_start3A_217 : memref<!tpu.dma_semaphore, #tpu.memory_space<semaphore_mem>>)
        %add3A_224 = arith.constant 1 : i32
        %add3A_225 = arith.addi %while3A_86, %add3A_224 : i32
        %add3A_226 = arith.constant 1 : i32
        %add3A_227 = arith.addi %while3A_87, %add3A_226 : i32
        scf.yield %add3A_225, %add3A_227 : i32, i32
      }
      %add3A_80 = arith.constant 2 : i32
      %add3A_81 = arith.addi %while3A_52, %add3A_80 : i32
      %lt3A_82 = arith.cmpi slt, %add3A_81, %min3A_5 : i32
      %convert_element_type3A_83 = arith.extui %lt3A_82 : i1 to i32
      %cond3A_84 = arith.constant 0 : i32
      %cond3A_85 = arith.cmpi ne, %convert_element_type3A_83, %cond3A_84 : i32
      scf.if %cond3A_85 {
        %add3A_86 = arith.constant 2 : i32
        %add3A_87 = arith.addi %while3A_52, %add3A_86 : i32
        %mul3A_88 = arith.constant 512 : i32
        %mul3A_89 = arith.muli %add3A_87, %mul3A_88 : i32
        %min3A_90 = arith.constant 999424 : i32
        %min3A_91 = arith.minsi %mul3A_89, %min3A_90 : i32
        %dma_start3A = arith.constant 0 : i32
        %dma_start3A_92 = arith.constant 0 : i32
        %dma_start3A_93 = tpu.memref_slice %arg9[%rem3A_55, %dma_start3A, %dma_start3A_92] : memref<2x64x512xf32, #tpu.memory_space<vmem>> -> memref<1x64x512xf32, #tpu.memory_space<vmem>>
        %dma_start3A_94 = tpu.memref_squeeze %dma_start3A_93 : memref<1x64x512xf32, #tpu.memory_space<vmem>> -> memref<64x512xf32, #tpu.memory_space<vmem>>
        %dma_start3A_95 = arith.constant 0 : i32
        %dma_start3A_96 = tpu.memref_slice %arg4[%dma_start3A_95, %min3A_91] : memref<64x1000000xf32, #tpu.memory_space<hbm>> -> memref<64x512xf32, #tpu.memory_space<hbm>>
        %dma_start3A_97 = tpu.memref_slice %arg12[%rem3A_55] : memref<2x!tpu.dma_semaphore, #tpu.memory_space<semaphore_mem>> -> memref<1x!tpu.dma_semaphore, #tpu.memory_space<semaphore_mem>>
        %dma_start3A_98 = tpu.memref_squeeze %dma_start3A_97 : memref<1x!tpu.dma_semaphore, #tpu.memory_space<semaphore_mem>> -> memref<!tpu.dma_semaphore, #tpu.memory_space<semaphore_mem>>
        %dma_start3A_99 = arith.constant 0 : i32
        %dma_start3A_100 = arith.constant 0 : i32
        %dma_start3A_101 = tpu.memref_slice %arg9[%rem3A_55, %dma_start3A_99, %dma_start3A_100] : memref<2x64x512xf32, #tpu.memory_space<vmem>> -> memref<1x64x512xf32, #tpu.memory_space<vmem>>
        %dma_start3A_102 = tpu.memref_squeeze %dma_start3A_101 : memref<1x64x512xf32, #tpu.memory_space<vmem>> -> memref<64x512xf32, #tpu.memory_space<vmem>>
        %dma_start3A_103 = arith.constant 0 : i32
        %dma_start3A_104 = tpu.memref_slice %arg4[%dma_start3A_103, %min3A_91] : memref<64x1000000xf32, #tpu.memory_space<hbm>> -> memref<64x512xf32, #tpu.memory_space<hbm>>
        tpu.enqueue_dma source(%dma_start3A_104 : memref<64x512xf32, #tpu.memory_space<hbm>>) target(%dma_start3A_102 : memref<64x512xf32, #tpu.memory_space<vmem>>) target_semaphore(%dma_start3A_98 : memref<!tpu.dma_semaphore, #tpu.memory_space<semaphore_mem>>)
      } else {
      }
      scf.yield %while3A_79#0, %while3A_79#1 : i32, i32
    }
    %scan3A_47 = arith.constant 0 : i32
    %scan3A_48 = arith.constant 16 : i32
    %scan3A_49 = arith.addi %scan3A_47, %scan3A_48 : i32
    %scan3A_50 = arith.constant 1 : i32
    scf.for %scan3A_52 = %scan3A_47 to %scan3A_49 step %scan3A_50  : i32 {
      %min3A_53 = arith.constant 16 : i32
      %min3A_54 = arith.minsi %while3A_46#1, %min3A_53 : i32
      %lt3A_55 = arith.cmpi slt, %scan3A_52, %min3A_54 : i32
      %convert_element_type3A_56 = arith.extui %lt3A_55 : i1 to i32
      %cond3A_57 = arith.constant 0 : i32
      %cond3A_58 = arith.cmpi ne, %convert_element_type3A_56, %cond3A_57 : i32
      scf.if %cond3A_58 {
        %dma_wait3A = arith.constant 0 : i32
        %dma_wait3A_59 = arith.constant 0 : i32
        %dma_wait3A_60 = arith.constant 0 : i32
        %dma_wait3A_61 = tpu.memref_slice %arg11[%dma_wait3A, %dma_wait3A_60] : memref<16x64xf32, #tpu.memory_space<vmem>> -> memref<1x64xf32, #tpu.memory_space<vmem>>
        %dma_wait3A_62 = tpu.memref_squeeze %dma_wait3A_61 : memref<1x64xf32, #tpu.memory_space<vmem>> -> memref<64xf32, #tpu.memory_space<vmem>>
        %dma_wait3A_63 = arith.constant 0 : i32
        %dma_wait3A_64 = tpu.memref_slice %arg6[%dma_wait3A_59, %dma_wait3A_63] : memref<16384x64xf32, #tpu.memory_space<hbm>> -> memref<1x64xf32, #tpu.memory_space<hbm>>
        %dma_wait3A_65 = tpu.memref_squeeze %dma_wait3A_64 : memref<1x64xf32, #tpu.memory_space<hbm>> -> memref<64xf32, #tpu.memory_space<hbm>>
        %dma_wait3A_66 = tpu.memref_slice %arg13[%scan3A_52] : memref<16x!tpu.dma_semaphore, #tpu.memory_space<semaphore_mem>> -> memref<1x!tpu.dma_semaphore, #tpu.memory_space<semaphore_mem>>
        %dma_wait3A_67 = tpu.memref_squeeze %dma_wait3A_66 : memref<1x!tpu.dma_semaphore, #tpu.memory_space<semaphore_mem>> -> memref<!tpu.dma_semaphore, #tpu.memory_space<semaphore_mem>>
        %dma_wait3A_68 = arith.constant 0 : i32
        %dma_wait3A_69 = tpu.memref_slice %arg6[%dma_wait3A_59, %dma_wait3A_68] : memref<16384x64xf32, #tpu.memory_space<hbm>> -> memref<1x64xf32, #tpu.memory_space<hbm>>
        %dma_wait3A_70 = tpu.memref_squeeze %dma_wait3A_69 : memref<1x64xf32, #tpu.memory_space<hbm>> -> memref<64xf32, #tpu.memory_space<hbm>>
        %dma_wait3A_71 = arith.constant 0 : i32
        %dma_wait3A_72 = tpu.memref_slice %arg11[%dma_wait3A, %dma_wait3A_71] : memref<16x64xf32, #tpu.memory_space<vmem>> -> memref<1x64xf32, #tpu.memory_space<vmem>>
        %dma_wait3A_73 = tpu.memref_squeeze %dma_wait3A_72 : memref<1x64xf32, #tpu.memory_space<vmem>> -> memref<64xf32, #tpu.memory_space<vmem>>
        tpu.wait_dma2 semaphore(%dma_wait3A_67 : memref<!tpu.dma_semaphore, #tpu.memory_space<semaphore_mem>>) src(%dma_wait3A_73 : memref<64xf32, #tpu.memory_space<vmem>>) dst(%dma_wait3A_70 : memref<64xf32, #tpu.memory_space<hbm>>)
      } else {
      }
    }
    %scan3A_51 = arith.constant 16 : i32
    return
  }
}

#map = affine_map<(d0, d1) -> (0)>
#map1 = affine_map<(d0, d1) -> (0, 0)>
module attributes {stable_mosaic.version = 14 : i64} {
  func.func @body(%arg0: i32, %arg1: i32, %arg2: memref<16384xi32, #tpu.memory_space<hbm>>, %arg3: memref<16384x64xf32, #tpu.memory_space<hbm>>, %arg4: memref<100000x64xf32, #tpu.memory_space<hbm>>, %arg5: memref<4x16xf32, #tpu.memory_space<hbm>>, %arg6: memref<16xf32, #tpu.memory_space<hbm>>, %arg7: memref<16384xf32, #tpu.memory_space<hbm>>, %arg8: memref<512xi32, #tpu.memory_space<vmem>>, %arg9: memref<8x64x64xf32, #tpu.memory_space<vmem>>, %arg10: memref<256x128xf32, #tpu.memory_space<vmem>>, %arg11: memref<4x16xf32, #tpu.memory_space<vmem>>, %arg12: memref<16xf32, #tpu.memory_space<vmem>>, %arg13: memref<512xf32, #tpu.memory_space<vmem>>, %arg14: memref<!tpu.dma_semaphore, #tpu.memory_space<semaphore_mem>>) attributes {dimension_semantics = [#tpu.dimension_semantics<core_parallel>, #tpu.dimension_semantics<subcore_parallel>], iteration_bounds = array<i64: 2, 16>, scalar_prefetch = 0 : i64, scratch_operands = 7 : i64, tpu.core_type = #tpu.core_type<sc_vector_subcore>, window_params = [{transform_indices = #map}, {transform_indices = #map1}, {transform_indices = #map1}, {transform_indices = #map1}, {transform_indices = #map}, {transform_indices = #map}]} {
    %mul3A = arith.constant 2 : i32
    %mul3A_0 = arith.muli %arg1, %mul3A : i32
    %add3A = arith.addi %mul3A_0, %arg0 : i32
    %mul3A_1 = arith.constant 512 : i32
    %mul3A_2 = arith.muli %add3A, %mul3A_1 : i32
    "tpu.region"() ({
      %run_scoped3A = tpu.sem_alloc : memref<!tpu.dma_semaphore, #tpu.memory_space<semaphore_mem>>
      %dma_start3A_255 = tpu.memref_slice %arg2[%mul3A_2] : memref<16384xi32, #tpu.memory_space<hbm>> -> memref<512xi32, #tpu.memory_space<hbm>>
      %dma_start3A_256 = tpu.memref_slice %arg2[%mul3A_2] : memref<16384xi32, #tpu.memory_space<hbm>> -> memref<512xi32, #tpu.memory_space<hbm>>
      tpu.enqueue_dma source(%dma_start3A_256 : memref<512xi32, #tpu.memory_space<hbm>>) target(%arg8 : memref<512xi32, #tpu.memory_space<vmem>>) target_semaphore(%run_scoped3A : memref<!tpu.dma_semaphore, #tpu.memory_space<semaphore_mem>>)
      %dma_wait3A_257 = tpu.memref_slice %arg2[%mul3A_2] : memref<16384xi32, #tpu.memory_space<hbm>> -> memref<512xi32, #tpu.memory_space<hbm>>
      %dma_wait3A_258 = tpu.memref_slice %arg2[%mul3A_2] : memref<16384xi32, #tpu.memory_space<hbm>> -> memref<512xi32, #tpu.memory_space<hbm>>
      tpu.wait_dma2 semaphore(%run_scoped3A : memref<!tpu.dma_semaphore, #tpu.memory_space<semaphore_mem>>) src(%dma_wait3A_258 : memref<512xi32, #tpu.memory_space<hbm>>) dst(%arg8 : memref<512xi32, #tpu.memory_space<vmem>>)
      tpu.yield
    }) : () -> ()
    "tpu.region"() ({
      %run_scoped3A = tpu.sem_alloc : memref<!tpu.dma_semaphore, #tpu.memory_space<semaphore_mem>>
      tpu.enqueue_dma source(%arg5 : memref<4x16xf32, #tpu.memory_space<hbm>>) target(%arg11 : memref<4x16xf32, #tpu.memory_space<vmem>>) target_semaphore(%run_scoped3A : memref<!tpu.dma_semaphore, #tpu.memory_space<semaphore_mem>>)
      tpu.wait_dma2 semaphore(%run_scoped3A : memref<!tpu.dma_semaphore, #tpu.memory_space<semaphore_mem>>) src(%arg5 : memref<4x16xf32, #tpu.memory_space<hbm>>) dst(%arg11 : memref<4x16xf32, #tpu.memory_space<vmem>>)
      tpu.yield
    }) : () -> ()
    "tpu.region"() ({
      %run_scoped3A = tpu.sem_alloc : memref<!tpu.dma_semaphore, #tpu.memory_space<semaphore_mem>>
      tpu.enqueue_dma source(%arg6 : memref<16xf32, #tpu.memory_space<hbm>>) target(%arg12 : memref<16xf32, #tpu.memory_space<vmem>>) target_semaphore(%run_scoped3A : memref<!tpu.dma_semaphore, #tpu.memory_space<semaphore_mem>>)
      tpu.wait_dma2 semaphore(%run_scoped3A : memref<!tpu.dma_semaphore, #tpu.memory_space<semaphore_mem>>) src(%arg6 : memref<16xf32, #tpu.memory_space<hbm>>) dst(%arg12 : memref<16xf32, #tpu.memory_space<vmem>>)
      tpu.yield
    }) : () -> ()
    %add3A_3 = arith.constant 0 : i32
    %add3A_4 = arith.addi %mul3A_2, %add3A_3 : i32
    %dma_start3A = arith.constant 0 : i32
    %dma_start3A_5 = arith.constant 0 : i32
    %dma_start3A_6 = arith.constant 0 : i32
    %dma_start3A_7 = tpu.memref_slice %arg9[%dma_start3A, %dma_start3A_5, %dma_start3A_6] : memref<8x64x64xf32, #tpu.memory_space<vmem>> -> memref<1x64x64xf32, #tpu.memory_space<vmem>>
    %dma_start3A_8 = tpu.memref_squeeze %dma_start3A_7 : memref<1x64x64xf32, #tpu.memory_space<vmem>> -> memref<64x64xf32, #tpu.memory_space<vmem>>
    %dma_start3A_9 = arith.constant 0 : i32
    %dma_start3A_10 = tpu.memref_slice %arg3[%add3A_4, %dma_start3A_9] : memref<16384x64xf32, #tpu.memory_space<hbm>> -> memref<64x64xf32, #tpu.memory_space<hbm>>
    %dma_start3A_11 = arith.constant 0 : i32
    %dma_start3A_12 = arith.constant 0 : i32
    %dma_start3A_13 = tpu.memref_slice %arg9[%dma_start3A, %dma_start3A_11, %dma_start3A_12] : memref<8x64x64xf32, #tpu.memory_space<vmem>> -> memref<1x64x64xf32, #tpu.memory_space<vmem>>
    %dma_start3A_14 = tpu.memref_squeeze %dma_start3A_13 : memref<1x64x64xf32, #tpu.memory_space<vmem>> -> memref<64x64xf32, #tpu.memory_space<vmem>>
    %dma_start3A_15 = arith.constant 0 : i32
    %dma_start3A_16 = tpu.memref_slice %arg3[%add3A_4, %dma_start3A_15] : memref<16384x64xf32, #tpu.memory_space<hbm>> -> memref<64x64xf32, #tpu.memory_space<hbm>>
    tpu.enqueue_dma source(%dma_start3A_16 : memref<64x64xf32, #tpu.memory_space<hbm>>) target(%dma_start3A_14 : memref<64x64xf32, #tpu.memory_space<vmem>>) target_semaphore(%arg14 : memref<!tpu.dma_semaphore, #tpu.memory_space<semaphore_mem>>)
    %add3A_17 = arith.constant 64 : i32
    %add3A_18 = arith.addi %mul3A_2, %add3A_17 : i32
    %dma_start3A_19 = arith.constant 1 : i32
    %dma_start3A_20 = arith.constant 0 : i32
    %dma_start3A_21 = arith.constant 0 : i32
    %dma_start3A_22 = tpu.memref_slice %arg9[%dma_start3A_19, %dma_start3A_20, %dma_start3A_21] : memref<8x64x64xf32, #tpu.memory_space<vmem>> -> memref<1x64x64xf32, #tpu.memory_space<vmem>>
    %dma_start3A_23 = tpu.memref_squeeze %dma_start3A_22 : memref<1x64x64xf32, #tpu.memory_space<vmem>> -> memref<64x64xf32, #tpu.memory_space<vmem>>
    %dma_start3A_24 = arith.constant 0 : i32
    %dma_start3A_25 = tpu.memref_slice %arg3[%add3A_18, %dma_start3A_24] : memref<16384x64xf32, #tpu.memory_space<hbm>> -> memref<64x64xf32, #tpu.memory_space<hbm>>
    %dma_start3A_26 = arith.constant 0 : i32
    %dma_start3A_27 = arith.constant 0 : i32
    %dma_start3A_28 = tpu.memref_slice %arg9[%dma_start3A_19, %dma_start3A_26, %dma_start3A_27] : memref<8x64x64xf32, #tpu.memory_space<vmem>> -> memref<1x64x64xf32, #tpu.memory_space<vmem>>
    %dma_start3A_29 = tpu.memref_squeeze %dma_start3A_28 : memref<1x64x64xf32, #tpu.memory_space<vmem>> -> memref<64x64xf32, #tpu.memory_space<vmem>>
    %dma_start3A_30 = arith.constant 0 : i32
    %dma_start3A_31 = tpu.memref_slice %arg3[%add3A_18, %dma_start3A_30] : memref<16384x64xf32, #tpu.memory_space<hbm>> -> memref<64x64xf32, #tpu.memory_space<hbm>>
    tpu.enqueue_dma source(%dma_start3A_31 : memref<64x64xf32, #tpu.memory_space<hbm>>) target(%dma_start3A_29 : memref<64x64xf32, #tpu.memory_space<vmem>>) target_semaphore(%arg14 : memref<!tpu.dma_semaphore, #tpu.memory_space<semaphore_mem>>)
    %add3A_32 = arith.constant 128 : i32
    %add3A_33 = arith.addi %mul3A_2, %add3A_32 : i32
    %dma_start3A_34 = arith.constant 2 : i32
    %dma_start3A_35 = arith.constant 0 : i32
    %dma_start3A_36 = arith.constant 0 : i32
    %dma_start3A_37 = tpu.memref_slice %arg9[%dma_start3A_34, %dma_start3A_35, %dma_start3A_36] : memref<8x64x64xf32, #tpu.memory_space<vmem>> -> memref<1x64x64xf32, #tpu.memory_space<vmem>>
    %dma_start3A_38 = tpu.memref_squeeze %dma_start3A_37 : memref<1x64x64xf32, #tpu.memory_space<vmem>> -> memref<64x64xf32, #tpu.memory_space<vmem>>
    %dma_start3A_39 = arith.constant 0 : i32
    %dma_start3A_40 = tpu.memref_slice %arg3[%add3A_33, %dma_start3A_39] : memref<16384x64xf32, #tpu.memory_space<hbm>> -> memref<64x64xf32, #tpu.memory_space<hbm>>
    %dma_start3A_41 = arith.constant 0 : i32
    %dma_start3A_42 = arith.constant 0 : i32
    %dma_start3A_43 = tpu.memref_slice %arg9[%dma_start3A_34, %dma_start3A_41, %dma_start3A_42] : memref<8x64x64xf32, #tpu.memory_space<vmem>> -> memref<1x64x64xf32, #tpu.memory_space<vmem>>
    %dma_start3A_44 = tpu.memref_squeeze %dma_start3A_43 : memref<1x64x64xf32, #tpu.memory_space<vmem>> -> memref<64x64xf32, #tpu.memory_space<vmem>>
    %dma_start3A_45 = arith.constant 0 : i32
    %dma_start3A_46 = tpu.memref_slice %arg3[%add3A_33, %dma_start3A_45] : memref<16384x64xf32, #tpu.memory_space<hbm>> -> memref<64x64xf32, #tpu.memory_space<hbm>>
    tpu.enqueue_dma source(%dma_start3A_46 : memref<64x64xf32, #tpu.memory_space<hbm>>) target(%dma_start3A_44 : memref<64x64xf32, #tpu.memory_space<vmem>>) target_semaphore(%arg14 : memref<!tpu.dma_semaphore, #tpu.memory_space<semaphore_mem>>)
    %add3A_47 = arith.constant 192 : i32
    %add3A_48 = arith.addi %mul3A_2, %add3A_47 : i32
    %dma_start3A_49 = arith.constant 3 : i32
    %dma_start3A_50 = arith.constant 0 : i32
    %dma_start3A_51 = arith.constant 0 : i32
    %dma_start3A_52 = tpu.memref_slice %arg9[%dma_start3A_49, %dma_start3A_50, %dma_start3A_51] : memref<8x64x64xf32, #tpu.memory_space<vmem>> -> memref<1x64x64xf32, #tpu.memory_space<vmem>>
    %dma_start3A_53 = tpu.memref_squeeze %dma_start3A_52 : memref<1x64x64xf32, #tpu.memory_space<vmem>> -> memref<64x64xf32, #tpu.memory_space<vmem>>
    %dma_start3A_54 = arith.constant 0 : i32
    %dma_start3A_55 = tpu.memref_slice %arg3[%add3A_48, %dma_start3A_54] : memref<16384x64xf32, #tpu.memory_space<hbm>> -> memref<64x64xf32, #tpu.memory_space<hbm>>
    %dma_start3A_56 = arith.constant 0 : i32
    %dma_start3A_57 = arith.constant 0 : i32
    %dma_start3A_58 = tpu.memref_slice %arg9[%dma_start3A_49, %dma_start3A_56, %dma_start3A_57] : memref<8x64x64xf32, #tpu.memory_space<vmem>> -> memref<1x64x64xf32, #tpu.memory_space<vmem>>
    %dma_start3A_59 = tpu.memref_squeeze %dma_start3A_58 : memref<1x64x64xf32, #tpu.memory_space<vmem>> -> memref<64x64xf32, #tpu.memory_space<vmem>>
    %dma_start3A_60 = arith.constant 0 : i32
    %dma_start3A_61 = tpu.memref_slice %arg3[%add3A_48, %dma_start3A_60] : memref<16384x64xf32, #tpu.memory_space<hbm>> -> memref<64x64xf32, #tpu.memory_space<hbm>>
    tpu.enqueue_dma source(%dma_start3A_61 : memref<64x64xf32, #tpu.memory_space<hbm>>) target(%dma_start3A_59 : memref<64x64xf32, #tpu.memory_space<vmem>>) target_semaphore(%arg14 : memref<!tpu.dma_semaphore, #tpu.memory_space<semaphore_mem>>)
    %add3A_62 = arith.constant 256 : i32
    %add3A_63 = arith.addi %mul3A_2, %add3A_62 : i32
    %dma_start3A_64 = arith.constant 4 : i32
    %dma_start3A_65 = arith.constant 0 : i32
    %dma_start3A_66 = arith.constant 0 : i32
    %dma_start3A_67 = tpu.memref_slice %arg9[%dma_start3A_64, %dma_start3A_65, %dma_start3A_66] : memref<8x64x64xf32, #tpu.memory_space<vmem>> -> memref<1x64x64xf32, #tpu.memory_space<vmem>>
    %dma_start3A_68 = tpu.memref_squeeze %dma_start3A_67 : memref<1x64x64xf32, #tpu.memory_space<vmem>> -> memref<64x64xf32, #tpu.memory_space<vmem>>
    %dma_start3A_69 = arith.constant 0 : i32
    %dma_start3A_70 = tpu.memref_slice %arg3[%add3A_63, %dma_start3A_69] : memref<16384x64xf32, #tpu.memory_space<hbm>> -> memref<64x64xf32, #tpu.memory_space<hbm>>
    %dma_start3A_71 = arith.constant 0 : i32
    %dma_start3A_72 = arith.constant 0 : i32
    %dma_start3A_73 = tpu.memref_slice %arg9[%dma_start3A_64, %dma_start3A_71, %dma_start3A_72] : memref<8x64x64xf32, #tpu.memory_space<vmem>> -> memref<1x64x64xf32, #tpu.memory_space<vmem>>
    %dma_start3A_74 = tpu.memref_squeeze %dma_start3A_73 : memref<1x64x64xf32, #tpu.memory_space<vmem>> -> memref<64x64xf32, #tpu.memory_space<vmem>>
    %dma_start3A_75 = arith.constant 0 : i32
    %dma_start3A_76 = tpu.memref_slice %arg3[%add3A_63, %dma_start3A_75] : memref<16384x64xf32, #tpu.memory_space<hbm>> -> memref<64x64xf32, #tpu.memory_space<hbm>>
    tpu.enqueue_dma source(%dma_start3A_76 : memref<64x64xf32, #tpu.memory_space<hbm>>) target(%dma_start3A_74 : memref<64x64xf32, #tpu.memory_space<vmem>>) target_semaphore(%arg14 : memref<!tpu.dma_semaphore, #tpu.memory_space<semaphore_mem>>)
    %add3A_77 = arith.constant 320 : i32
    %add3A_78 = arith.addi %mul3A_2, %add3A_77 : i32
    %dma_start3A_79 = arith.constant 5 : i32
    %dma_start3A_80 = arith.constant 0 : i32
    %dma_start3A_81 = arith.constant 0 : i32
    %dma_start3A_82 = tpu.memref_slice %arg9[%dma_start3A_79, %dma_start3A_80, %dma_start3A_81] : memref<8x64x64xf32, #tpu.memory_space<vmem>> -> memref<1x64x64xf32, #tpu.memory_space<vmem>>
    %dma_start3A_83 = tpu.memref_squeeze %dma_start3A_82 : memref<1x64x64xf32, #tpu.memory_space<vmem>> -> memref<64x64xf32, #tpu.memory_space<vmem>>
    %dma_start3A_84 = arith.constant 0 : i32
    %dma_start3A_85 = tpu.memref_slice %arg3[%add3A_78, %dma_start3A_84] : memref<16384x64xf32, #tpu.memory_space<hbm>> -> memref<64x64xf32, #tpu.memory_space<hbm>>
    %dma_start3A_86 = arith.constant 0 : i32
    %dma_start3A_87 = arith.constant 0 : i32
    %dma_start3A_88 = tpu.memref_slice %arg9[%dma_start3A_79, %dma_start3A_86, %dma_start3A_87] : memref<8x64x64xf32, #tpu.memory_space<vmem>> -> memref<1x64x64xf32, #tpu.memory_space<vmem>>
    %dma_start3A_89 = tpu.memref_squeeze %dma_start3A_88 : memref<1x64x64xf32, #tpu.memory_space<vmem>> -> memref<64x64xf32, #tpu.memory_space<vmem>>
    %dma_start3A_90 = arith.constant 0 : i32
    %dma_start3A_91 = tpu.memref_slice %arg3[%add3A_78, %dma_start3A_90] : memref<16384x64xf32, #tpu.memory_space<hbm>> -> memref<64x64xf32, #tpu.memory_space<hbm>>
    tpu.enqueue_dma source(%dma_start3A_91 : memref<64x64xf32, #tpu.memory_space<hbm>>) target(%dma_start3A_89 : memref<64x64xf32, #tpu.memory_space<vmem>>) target_semaphore(%arg14 : memref<!tpu.dma_semaphore, #tpu.memory_space<semaphore_mem>>)
    %add3A_92 = arith.constant 384 : i32
    %add3A_93 = arith.addi %mul3A_2, %add3A_92 : i32
    %dma_start3A_94 = arith.constant 6 : i32
    %dma_start3A_95 = arith.constant 0 : i32
    %dma_start3A_96 = arith.constant 0 : i32
    %dma_start3A_97 = tpu.memref_slice %arg9[%dma_start3A_94, %dma_start3A_95, %dma_start3A_96] : memref<8x64x64xf32, #tpu.memory_space<vmem>> -> memref<1x64x64xf32, #tpu.memory_space<vmem>>
    %dma_start3A_98 = tpu.memref_squeeze %dma_start3A_97 : memref<1x64x64xf32, #tpu.memory_space<vmem>> -> memref<64x64xf32, #tpu.memory_space<vmem>>
    %dma_start3A_99 = arith.constant 0 : i32
    %dma_start3A_100 = tpu.memref_slice %arg3[%add3A_93, %dma_start3A_99] : memref<16384x64xf32, #tpu.memory_space<hbm>> -> memref<64x64xf32, #tpu.memory_space<hbm>>
    %dma_start3A_101 = arith.constant 0 : i32
    %dma_start3A_102 = arith.constant 0 : i32
    %dma_start3A_103 = tpu.memref_slice %arg9[%dma_start3A_94, %dma_start3A_101, %dma_start3A_102] : memref<8x64x64xf32, #tpu.memory_space<vmem>> -> memref<1x64x64xf32, #tpu.memory_space<vmem>>
    %dma_start3A_104 = tpu.memref_squeeze %dma_start3A_103 : memref<1x64x64xf32, #tpu.memory_space<vmem>> -> memref<64x64xf32, #tpu.memory_space<vmem>>
    %dma_start3A_105 = arith.constant 0 : i32
    %dma_start3A_106 = tpu.memref_slice %arg3[%add3A_93, %dma_start3A_105] : memref<16384x64xf32, #tpu.memory_space<hbm>> -> memref<64x64xf32, #tpu.memory_space<hbm>>
    tpu.enqueue_dma source(%dma_start3A_106 : memref<64x64xf32, #tpu.memory_space<hbm>>) target(%dma_start3A_104 : memref<64x64xf32, #tpu.memory_space<vmem>>) target_semaphore(%arg14 : memref<!tpu.dma_semaphore, #tpu.memory_space<semaphore_mem>>)
    %add3A_107 = arith.constant 448 : i32
    %add3A_108 = arith.addi %mul3A_2, %add3A_107 : i32
    %dma_start3A_109 = arith.constant 7 : i32
    %dma_start3A_110 = arith.constant 0 : i32
    %dma_start3A_111 = arith.constant 0 : i32
    %dma_start3A_112 = tpu.memref_slice %arg9[%dma_start3A_109, %dma_start3A_110, %dma_start3A_111] : memref<8x64x64xf32, #tpu.memory_space<vmem>> -> memref<1x64x64xf32, #tpu.memory_space<vmem>>
    %dma_start3A_113 = tpu.memref_squeeze %dma_start3A_112 : memref<1x64x64xf32, #tpu.memory_space<vmem>> -> memref<64x64xf32, #tpu.memory_space<vmem>>
    %dma_start3A_114 = arith.constant 0 : i32
    %dma_start3A_115 = tpu.memref_slice %arg3[%add3A_108, %dma_start3A_114] : memref<16384x64xf32, #tpu.memory_space<hbm>> -> memref<64x64xf32, #tpu.memory_space<hbm>>
    %dma_start3A_116 = arith.constant 0 : i32
    %dma_start3A_117 = arith.constant 0 : i32
    %dma_start3A_118 = tpu.memref_slice %arg9[%dma_start3A_109, %dma_start3A_116, %dma_start3A_117] : memref<8x64x64xf32, #tpu.memory_space<vmem>> -> memref<1x64x64xf32, #tpu.memory_space<vmem>>
    %dma_start3A_119 = tpu.memref_squeeze %dma_start3A_118 : memref<1x64x64xf32, #tpu.memory_space<vmem>> -> memref<64x64xf32, #tpu.memory_space<vmem>>
    %dma_start3A_120 = arith.constant 0 : i32
    %dma_start3A_121 = tpu.memref_slice %arg3[%add3A_108, %dma_start3A_120] : memref<16384x64xf32, #tpu.memory_space<hbm>> -> memref<64x64xf32, #tpu.memory_space<hbm>>
    tpu.enqueue_dma source(%dma_start3A_121 : memref<64x64xf32, #tpu.memory_space<hbm>>) target(%dma_start3A_119 : memref<64x64xf32, #tpu.memory_space<vmem>>) target_semaphore(%arg14 : memref<!tpu.dma_semaphore, #tpu.memory_space<semaphore_mem>>)
    %scan3A = arith.constant 0 : i32
    %scan3A_122 = arith.constant 0 : i32
    %scan3A_123 = arith.constant 32 : i32
    %scan3A_124 = arith.addi %scan3A_122, %scan3A_123 : i32
    %scan3A_125 = arith.constant 1 : i32
    %scan3A_126 = scf.for %scan3A_255 = %scan3A_122 to %scan3A_124 step %scan3A_125 iter_args(%scan3A_256 = %scan3A) -> (i32)  : i32 {
      %mul3A_257 = arith.constant 16 : i32
      %mul3A_258 = arith.muli %scan3A_255, %mul3A_257 : i32
      %get3A_259 = arith.index_cast %mul3A_258 : i32 to index
      %get3A_260 = tpu.vector_load %arg8[%get3A_259] {strides = array<i32>} : memref<512xi32, #tpu.memory_space<vmem>>, vector<16xi32>,
      %add3A_261 = arith.constant 0 : i32
      %add3A_262 = arith.addi %mul3A_258, %add3A_261 : i32
      %slice3A = vector.extract_strided_slice %get3A_260 {offsets = [0], sizes = [1], strides = [1]} : vector<16xi32> to vector<1xi32>
      %squeeze3A = vector.extract %slice3A[0] : i32 from vector<1xi32>
      %jit3A = arith.constant 2 : i32
      %div3A = arith.divsi %add3A_262, %jit3A : i32
      %sign3A = arith.constant 0 : i32
      %sign3A_263 = arith.cmpi sgt, %add3A_262, %sign3A : i32
      %sign3A_264 = arith.extui %sign3A_263 : i1 to i32
      %sign3A_265 = arith.constant 0 : i32
      %sign3A_266 = arith.cmpi slt, %add3A_262, %sign3A_265 : i32
      %sign3A_267 = arith.extui %sign3A_266 : i1 to i32
      %sign3A_268 = arith.subi %sign3A_264, %sign3A_267 : i32
      %sign3A_269 = arith.constant 0 : i32
      %sign3A_270 = arith.cmpi sgt, %jit3A, %sign3A_269 : i32
      %sign3A_271 = arith.extui %sign3A_270 : i1 to i32
      %sign3A_272 = arith.constant 0 : i32
      %sign3A_273 = arith.cmpi slt, %jit3A, %sign3A_272 : i32
      %sign3A_274 = arith.extui %sign3A_273 : i1 to i32
      %sign3A_275 = arith.subi %sign3A_271, %sign3A_274 : i32
      %ne3A = arith.cmpi ne, %sign3A_268, %sign3A_275 : i32
      %rem3A = arith.remsi %add3A_262, %jit3A : i32
      %ne3A_276 = arith.constant 0 : i32
      %ne3A_277 = arith.cmpi ne, %rem3A, %ne3A_276 : i32
      %and3A = arith.andi %ne3A, %ne3A_277 : i1
      %sub3A = arith.constant 1 : i32
      %sub3A_278 = arith.subi %div3A, %sub3A : i32
      %select_n3A = arith.select %and3A, %sub3A_278, %div3A : i32
      %jit3A_279 = arith.constant 2 : i32
      %eq3A = arith.constant 0 : i32
      %eq3A_280 = arith.cmpi eq, %jit3A_279, %eq3A : i32
      %jit3A_281 = arith.constant 1 : i32
      %select_n3A_282 = arith.select %eq3A_280, %jit3A_281, %jit3A_279 : i32
      %rem3A_283 = arith.remsi %add3A_262, %select_n3A_282 : i32
      %ne3A_284 = arith.constant 0 : i32
      %ne3A_285 = arith.cmpi ne, %rem3A_283, %ne3A_284 : i32
      %lt3A = arith.constant 0 : i32
      %lt3A_286 = arith.cmpi slt, %rem3A_283, %lt3A : i32
      %lt3A_287 = arith.constant 0 : i32
      %lt3A_288 = arith.cmpi slt, %select_n3A_282, %lt3A_287 : i32
      %ne3A_289 = arith.xori %lt3A_286, %lt3A_288 : i1
      %and3A_290 = arith.andi %ne3A_289, %ne3A_285 : i1
      %add3A_291 = arith.addi %rem3A_283, %select_n3A_282 : i32
      %select_n3A_292 = arith.select %and3A_290, %add3A_291, %rem3A_283 : i32
      %mul3A_293 = arith.constant 64 : i32
      %mul3A_294 = arith.muli %select_n3A_292, %mul3A_293 : i32
      %dma_start3A_295 = tpu.memref_slice %arg10[%select_n3A, %mul3A_294] : memref<256x128xf32, #tpu.memory_space<vmem>> -> memref<1x64xf32, #tpu.memory_space<vmem>>
      %dma_start3A_296 = tpu.memref_squeeze %dma_start3A_295 : memref<1x64xf32, #tpu.memory_space<vmem>> -> memref<64xf32, #tpu.memory_space<vmem>>
      %dma_start3A_297 = arith.constant 0 : i32
      %dma_start3A_298 = tpu.memref_slice %arg4[%squeeze3A, %dma_start3A_297] : memref<100000x64xf32, #tpu.memory_space<hbm>> -> memref<1x64xf32, #tpu.memory_space<hbm>>
      %dma_start3A_299 = tpu.memref_squeeze %dma_start3A_298 : memref<1x64xf32, #tpu.memory_space<hbm>> -> memref<64xf32, #tpu.memory_space<hbm>>
      %dma_start3A_300 = tpu.memref_slice %arg10[%select_n3A, %mul3A_294] : memref<256x128xf32, #tpu.memory_space<vmem>> -> memref<1x64xf32, #tpu.memory_space<vmem>>
      %dma_start3A_301 = tpu.memref_squeeze %dma_start3A_300 : memref<1x64xf32, #tpu.memory_space<vmem>> -> memref<64xf32, #tpu.memory_space<vmem>>
      %dma_start3A_302 = arith.constant 0 : i32
      %dma_start3A_303 = tpu.memref_slice %arg4[%squeeze3A, %dma_start3A_302] : memref<100000x64xf32, #tpu.memory_space<hbm>> -> memref<1x64xf32, #tpu.memory_space<hbm>>
      %dma_start3A_304 = tpu.memref_squeeze %dma_start3A_303 : memref<1x64xf32, #tpu.memory_space<hbm>> -> memref<64xf32, #tpu.memory_space<hbm>>
      tpu.enqueue_dma source(%dma_start3A_304 : memref<64xf32, #tpu.memory_space<hbm>>) target(%dma_start3A_301 : memref<64xf32, #tpu.memory_space<vmem>>) target_semaphore(%arg14 : memref<!tpu.dma_semaphore, #tpu.memory_space<semaphore_mem>>)
      %add3A_305 = arith.constant 1 : i32
      %add3A_306 = arith.addi %mul3A_258, %add3A_305 : i32
      %slice3A_307 = vector.extract_strided_slice %get3A_260 {offsets = [1], sizes = [1], strides = [1]} : vector<16xi32> to vector<1xi32>
      %squeeze3A_308 = vector.extract %slice3A_307[0] : i32 from vector<1xi32>
      %jit3A_309 = arith.constant 2 : i32
      %div3A_310 = arith.divsi %add3A_306, %jit3A_309 : i32
      %sign3A_311 = arith.constant 0 : i32
      %sign3A_312 = arith.cmpi sgt, %add3A_306, %sign3A_311 : i32
      %sign3A_313 = arith.extui %sign3A_312 : i1 to i32
      %sign3A_314 = arith.constant 0 : i32
      %sign3A_315 = arith.cmpi slt, %add3A_306, %sign3A_314 : i32
      %sign3A_316 = arith.extui %sign3A_315 : i1 to i32
      %sign3A_317 = arith.subi %sign3A_313, %sign3A_316 : i32
      %sign3A_318 = arith.constant 0 : i32
      %sign3A_319 = arith.cmpi sgt, %jit3A_309, %sign3A_318 : i32
      %sign3A_320 = arith.extui %sign3A_319 : i1 to i32
      %sign3A_321 = arith.constant 0 : i32
      %sign3A_322 = arith.cmpi slt, %jit3A_309, %sign3A_321 : i32
      %sign3A_323 = arith.extui %sign3A_322 : i1 to i32
      %sign3A_324 = arith.subi %sign3A_320, %sign3A_323 : i32
      %ne3A_325 = arith.cmpi ne, %sign3A_317, %sign3A_324 : i32
      %rem3A_326 = arith.remsi %add3A_306, %jit3A_309 : i32
      %ne3A_327 = arith.constant 0 : i32
      %ne3A_328 = arith.cmpi ne, %rem3A_326, %ne3A_327 : i32
      %and3A_329 = arith.andi %ne3A_325, %ne3A_328 : i1
      %sub3A_330 = arith.constant 1 : i32
      %sub3A_331 = arith.subi %div3A_310, %sub3A_330 : i32
      %select_n3A_332 = arith.select %and3A_329, %sub3A_331, %div3A_310 : i32
      %jit3A_333 = arith.constant 2 : i32
      %eq3A_334 = arith.constant 0 : i32
      %eq3A_335 = arith.cmpi eq, %jit3A_333, %eq3A_334 : i32
      %jit3A_336 = arith.constant 1 : i32
      %select_n3A_337 = arith.select %eq3A_335, %jit3A_336, %jit3A_333 : i32
      %rem3A_338 = arith.remsi %add3A_306, %select_n3A_337 : i32
      %ne3A_339 = arith.constant 0 : i32
      %ne3A_340 = arith.cmpi ne, %rem3A_338, %ne3A_339 : i32
      %lt3A_341 = arith.constant 0 : i32
      %lt3A_342 = arith.cmpi slt, %rem3A_338, %lt3A_341 : i32
      %lt3A_343 = arith.constant 0 : i32
      %lt3A_344 = arith.cmpi slt, %select_n3A_337, %lt3A_343 : i32
      %ne3A_345 = arith.xori %lt3A_342, %lt3A_344 : i1
      %and3A_346 = arith.andi %ne3A_345, %ne3A_340 : i1
      %add3A_347 = arith.addi %rem3A_338, %select_n3A_337 : i32
      %select_n3A_348 = arith.select %and3A_346, %add3A_347, %rem3A_338 : i32
      %mul3A_349 = arith.constant 64 : i32
      %mul3A_350 = arith.muli %select_n3A_348, %mul3A_349 : i32
      %dma_start3A_351 = tpu.memref_slice %arg10[%select_n3A_332, %mul3A_350] : memref<256x128xf32, #tpu.memory_space<vmem>> -> memref<1x64xf32, #tpu.memory_space<vmem>>
      %dma_start3A_352 = tpu.memref_squeeze %dma_start3A_351 : memref<1x64xf32, #tpu.memory_space<vmem>> -> memref<64xf32, #tpu.memory_space<vmem>>
      %dma_start3A_353 = arith.constant 0 : i32
      %dma_start3A_354 = tpu.memref_slice %arg4[%squeeze3A_308, %dma_start3A_353] : memref<100000x64xf32, #tpu.memory_space<hbm>> -> memref<1x64xf32, #tpu.memory_space<hbm>>
      %dma_start3A_355 = tpu.memref_squeeze %dma_start3A_354 : memref<1x64xf32, #tpu.memory_space<hbm>> -> memref<64xf32, #tpu.memory_space<hbm>>
      %dma_start3A_356 = tpu.memref_slice %arg10[%select_n3A_332, %mul3A_350] : memref<256x128xf32, #tpu.memory_space<vmem>> -> memref<1x64xf32, #tpu.memory_space<vmem>>
      %dma_start3A_357 = tpu.memref_squeeze %dma_start3A_356 : memref<1x64xf32, #tpu.memory_space<vmem>> -> memref<64xf32, #tpu.memory_space<vmem>>
      %dma_start3A_358 = arith.constant 0 : i32
      %dma_start3A_359 = tpu.memref_slice %arg4[%squeeze3A_308, %dma_start3A_358] : memref<100000x64xf32, #tpu.memory_space<hbm>> -> memref<1x64xf32, #tpu.memory_space<hbm>>
      %dma_start3A_360 = tpu.memref_squeeze %dma_start3A_359 : memref<1x64xf32, #tpu.memory_space<hbm>> -> memref<64xf32, #tpu.memory_space<hbm>>
      tpu.enqueue_dma source(%dma_start3A_360 : memref<64xf32, #tpu.memory_space<hbm>>) target(%dma_start3A_357 : memref<64xf32, #tpu.memory_space<vmem>>) target_semaphore(%arg14 : memref<!tpu.dma_semaphore, #tpu.memory_space<semaphore_mem>>)
      %add3A_361 = arith.constant 2 : i32
      %add3A_362 = arith.addi %mul3A_258, %add3A_361 : i32
      %slice3A_363 = vector.extract_strided_slice %get3A_260 {offsets = [2], sizes = [1], strides = [1]} : vector<16xi32> to vector<1xi32>
      %squeeze3A_364 = vector.extract %slice3A_363[0] : i32 from vector<1xi32>
      %jit3A_365 = arith.constant 2 : i32
      %div3A_366 = arith.divsi %add3A_362, %jit3A_365 : i32
      %sign3A_367 = arith.constant 0 : i32
      %sign3A_368 = arith.cmpi sgt, %add3A_362, %sign3A_367 : i32
      %sign3A_369 = arith.extui %sign3A_368 : i1 to i32
      %sign3A_370 = arith.constant 0 : i32
      %sign3A_371 = arith.cmpi slt, %add3A_362, %sign3A_370 : i32
      %sign3A_372 = arith.extui %sign3A_371 : i1 to i32
      %sign3A_373 = arith.subi %sign3A_369, %sign3A_372 : i32
      %sign3A_374 = arith.constant 0 : i32
      %sign3A_375 = arith.cmpi sgt, %jit3A_365, %sign3A_374 : i32
      %sign3A_376 = arith.extui %sign3A_375 : i1 to i32
      %sign3A_377 = arith.constant 0 : i32
      %sign3A_378 = arith.cmpi slt, %jit3A_365, %sign3A_377 : i32
      %sign3A_379 = arith.extui %sign3A_378 : i1 to i32
      %sign3A_380 = arith.subi %sign3A_376, %sign3A_379 : i32
      %ne3A_381 = arith.cmpi ne, %sign3A_373, %sign3A_380 : i32
      %rem3A_382 = arith.remsi %add3A_362, %jit3A_365 : i32
      %ne3A_383 = arith.constant 0 : i32
      %ne3A_384 = arith.cmpi ne, %rem3A_382, %ne3A_383 : i32
      %and3A_385 = arith.andi %ne3A_381, %ne3A_384 : i1
      %sub3A_386 = arith.constant 1 : i32
      %sub3A_387 = arith.subi %div3A_366, %sub3A_386 : i32
      %select_n3A_388 = arith.select %and3A_385, %sub3A_387, %div3A_366 : i32
      %jit3A_389 = arith.constant 2 : i32
      %eq3A_390 = arith.constant 0 : i32
      %eq3A_391 = arith.cmpi eq, %jit3A_389, %eq3A_390 : i32
      %jit3A_392 = arith.constant 1 : i32
      %select_n3A_393 = arith.select %eq3A_391, %jit3A_392, %jit3A_389 : i32
      %rem3A_394 = arith.remsi %add3A_362, %select_n3A_393 : i32
      %ne3A_395 = arith.constant 0 : i32
      %ne3A_396 = arith.cmpi ne, %rem3A_394, %ne3A_395 : i32
      %lt3A_397 = arith.constant 0 : i32
      %lt3A_398 = arith.cmpi slt, %rem3A_394, %lt3A_397 : i32
      %lt3A_399 = arith.constant 0 : i32
      %lt3A_400 = arith.cmpi slt, %select_n3A_393, %lt3A_399 : i32
      %ne3A_401 = arith.xori %lt3A_398, %lt3A_400 : i1
      %and3A_402 = arith.andi %ne3A_401, %ne3A_396 : i1
      %add3A_403 = arith.addi %rem3A_394, %select_n3A_393 : i32
      %select_n3A_404 = arith.select %and3A_402, %add3A_403, %rem3A_394 : i32
      %mul3A_405 = arith.constant 64 : i32
      %mul3A_406 = arith.muli %select_n3A_404, %mul3A_405 : i32
      %dma_start3A_407 = tpu.memref_slice %arg10[%select_n3A_388, %mul3A_406] : memref<256x128xf32, #tpu.memory_space<vmem>> -> memref<1x64xf32, #tpu.memory_space<vmem>>
      %dma_start3A_408 = tpu.memref_squeeze %dma_start3A_407 : memref<1x64xf32, #tpu.memory_space<vmem>> -> memref<64xf32, #tpu.memory_space<vmem>>
      %dma_start3A_409 = arith.constant 0 : i32
      %dma_start3A_410 = tpu.memref_slice %arg4[%squeeze3A_364, %dma_start3A_409] : memref<100000x64xf32, #tpu.memory_space<hbm>> -> memref<1x64xf32, #tpu.memory_space<hbm>>
      %dma_start3A_411 = tpu.memref_squeeze %dma_start3A_410 : memref<1x64xf32, #tpu.memory_space<hbm>> -> memref<64xf32, #tpu.memory_space<hbm>>
      %dma_start3A_412 = tpu.memref_slice %arg10[%select_n3A_388, %mul3A_406] : memref<256x128xf32, #tpu.memory_space<vmem>> -> memref<1x64xf32, #tpu.memory_space<vmem>>
      %dma_start3A_413 = tpu.memref_squeeze %dma_start3A_412 : memref<1x64xf32, #tpu.memory_space<vmem>> -> memref<64xf32, #tpu.memory_space<vmem>>
      %dma_start3A_414 = arith.constant 0 : i32
      %dma_start3A_415 = tpu.memref_slice %arg4[%squeeze3A_364, %dma_start3A_414] : memref<100000x64xf32, #tpu.memory_space<hbm>> -> memref<1x64xf32, #tpu.memory_space<hbm>>
      %dma_start3A_416 = tpu.memref_squeeze %dma_start3A_415 : memref<1x64xf32, #tpu.memory_space<hbm>> -> memref<64xf32, #tpu.memory_space<hbm>>
      tpu.enqueue_dma source(%dma_start3A_416 : memref<64xf32, #tpu.memory_space<hbm>>) target(%dma_start3A_413 : memref<64xf32, #tpu.memory_space<vmem>>) target_semaphore(%arg14 : memref<!tpu.dma_semaphore, #tpu.memory_space<semaphore_mem>>)
      %add3A_417 = arith.constant 3 : i32
      %add3A_418 = arith.addi %mul3A_258, %add3A_417 : i32
      %slice3A_419 = vector.extract_strided_slice %get3A_260 {offsets = [3], sizes = [1], strides = [1]} : vector<16xi32> to vector<1xi32>
      %squeeze3A_420 = vector.extract %slice3A_419[0] : i32 from vector<1xi32>
      %jit3A_421 = arith.constant 2 : i32
      %div3A_422 = arith.divsi %add3A_418, %jit3A_421 : i32
      %sign3A_423 = arith.constant 0 : i32
      %sign3A_424 = arith.cmpi sgt, %add3A_418, %sign3A_423 : i32
      %sign3A_425 = arith.extui %sign3A_424 : i1 to i32
      %sign3A_426 = arith.constant 0 : i32
      %sign3A_427 = arith.cmpi slt, %add3A_418, %sign3A_426 : i32
      %sign3A_428 = arith.extui %sign3A_427 : i1 to i32
      %sign3A_429 = arith.subi %sign3A_425, %sign3A_428 : i32
      %sign3A_430 = arith.constant 0 : i32
      %sign3A_431 = arith.cmpi sgt, %jit3A_421, %sign3A_430 : i32
      %sign3A_432 = arith.extui %sign3A_431 : i1 to i32
      %sign3A_433 = arith.constant 0 : i32
      %sign3A_434 = arith.cmpi slt, %jit3A_421, %sign3A_433 : i32
      %sign3A_435 = arith.extui %sign3A_434 : i1 to i32
      %sign3A_436 = arith.subi %sign3A_432, %sign3A_435 : i32
      %ne3A_437 = arith.cmpi ne, %sign3A_429, %sign3A_436 : i32
      %rem3A_438 = arith.remsi %add3A_418, %jit3A_421 : i32
      %ne3A_439 = arith.constant 0 : i32
      %ne3A_440 = arith.cmpi ne, %rem3A_438, %ne3A_439 : i32
      %and3A_441 = arith.andi %ne3A_437, %ne3A_440 : i1
      %sub3A_442 = arith.constant 1 : i32
      %sub3A_443 = arith.subi %div3A_422, %sub3A_442 : i32
      %select_n3A_444 = arith.select %and3A_441, %sub3A_443, %div3A_422 : i32
      %jit3A_445 = arith.constant 2 : i32
      %eq3A_446 = arith.constant 0 : i32
      %eq3A_447 = arith.cmpi eq, %jit3A_445, %eq3A_446 : i32
      %jit3A_448 = arith.constant 1 : i32
      %select_n3A_449 = arith.select %eq3A_447, %jit3A_448, %jit3A_445 : i32
      %rem3A_450 = arith.remsi %add3A_418, %select_n3A_449 : i32
      %ne3A_451 = arith.constant 0 : i32
      %ne3A_452 = arith.cmpi ne, %rem3A_450, %ne3A_451 : i32
      %lt3A_453 = arith.constant 0 : i32
      %lt3A_454 = arith.cmpi slt, %rem3A_450, %lt3A_453 : i32
      %lt3A_455 = arith.constant 0 : i32
      %lt3A_456 = arith.cmpi slt, %select_n3A_449, %lt3A_455 : i32
      %ne3A_457 = arith.xori %lt3A_454, %lt3A_456 : i1
      %and3A_458 = arith.andi %ne3A_457, %ne3A_452 : i1
      %add3A_459 = arith.addi %rem3A_450, %select_n3A_449 : i32
      %select_n3A_460 = arith.select %and3A_458, %add3A_459, %rem3A_450 : i32
      %mul3A_461 = arith.constant 64 : i32
      %mul3A_462 = arith.muli %select_n3A_460, %mul3A_461 : i32
      %dma_start3A_463 = tpu.memref_slice %arg10[%select_n3A_444, %mul3A_462] : memref<256x128xf32, #tpu.memory_space<vmem>> -> memref<1x64xf32, #tpu.memory_space<vmem>>
      %dma_start3A_464 = tpu.memref_squeeze %dma_start3A_463 : memref<1x64xf32, #tpu.memory_space<vmem>> -> memref<64xf32, #tpu.memory_space<vmem>>
      %dma_start3A_465 = arith.constant 0 : i32
      %dma_start3A_466 = tpu.memref_slice %arg4[%squeeze3A_420, %dma_start3A_465] : memref<100000x64xf32, #tpu.memory_space<hbm>> -> memref<1x64xf32, #tpu.memory_space<hbm>>
      %dma_start3A_467 = tpu.memref_squeeze %dma_start3A_466 : memref<1x64xf32, #tpu.memory_space<hbm>> -> memref<64xf32, #tpu.memory_space<hbm>>
      %dma_start3A_468 = tpu.memref_slice %arg10[%select_n3A_444, %mul3A_462] : memref<256x128xf32, #tpu.memory_space<vmem>> -> memref<1x64xf32, #tpu.memory_space<vmem>>
      %dma_start3A_469 = tpu.memref_squeeze %dma_start3A_468 : memref<1x64xf32, #tpu.memory_space<vmem>> -> memref<64xf32, #tpu.memory_space<vmem>>
      %dma_start3A_470 = arith.constant 0 : i32
      %dma_start3A_471 = tpu.memref_slice %arg4[%squeeze3A_420, %dma_start3A_470] : memref<100000x64xf32, #tpu.memory_space<hbm>> -> memref<1x64xf32, #tpu.memory_space<hbm>>
      %dma_start3A_472 = tpu.memref_squeeze %dma_start3A_471 : memref<1x64xf32, #tpu.memory_space<hbm>> -> memref<64xf32, #tpu.memory_space<hbm>>
      tpu.enqueue_dma source(%dma_start3A_472 : memref<64xf32, #tpu.memory_space<hbm>>) target(%dma_start3A_469 : memref<64xf32, #tpu.memory_space<vmem>>) target_semaphore(%arg14 : memref<!tpu.dma_semaphore, #tpu.memory_space<semaphore_mem>>)
      %add3A_473 = arith.constant 4 : i32
      %add3A_474 = arith.addi %mul3A_258, %add3A_473 : i32
      %slice3A_475 = vector.extract_strided_slice %get3A_260 {offsets = [4], sizes = [1], strides = [1]} : vector<16xi32> to vector<1xi32>
      %squeeze3A_476 = vector.extract %slice3A_475[0] : i32 from vector<1xi32>
      %jit3A_477 = arith.constant 2 : i32
      %div3A_478 = arith.divsi %add3A_474, %jit3A_477 : i32
      %sign3A_479 = arith.constant 0 : i32
      %sign3A_480 = arith.cmpi sgt, %add3A_474, %sign3A_479 : i32
      %sign3A_481 = arith.extui %sign3A_480 : i1 to i32
      %sign3A_482 = arith.constant 0 : i32
      %sign3A_483 = arith.cmpi slt, %add3A_474, %sign3A_482 : i32
      %sign3A_484 = arith.extui %sign3A_483 : i1 to i32
      %sign3A_485 = arith.subi %sign3A_481, %sign3A_484 : i32
      %sign3A_486 = arith.constant 0 : i32
      %sign3A_487 = arith.cmpi sgt, %jit3A_477, %sign3A_486 : i32
      %sign3A_488 = arith.extui %sign3A_487 : i1 to i32
      %sign3A_489 = arith.constant 0 : i32
      %sign3A_490 = arith.cmpi slt, %jit3A_477, %sign3A_489 : i32
      %sign3A_491 = arith.extui %sign3A_490 : i1 to i32
      %sign3A_492 = arith.subi %sign3A_488, %sign3A_491 : i32
      %ne3A_493 = arith.cmpi ne, %sign3A_485, %sign3A_492 : i32
      %rem3A_494 = arith.remsi %add3A_474, %jit3A_477 : i32
      %ne3A_495 = arith.constant 0 : i32
      %ne3A_496 = arith.cmpi ne, %rem3A_494, %ne3A_495 : i32
      %and3A_497 = arith.andi %ne3A_493, %ne3A_496 : i1
      %sub3A_498 = arith.constant 1 : i32
      %sub3A_499 = arith.subi %div3A_478, %sub3A_498 : i32
      %select_n3A_500 = arith.select %and3A_497, %sub3A_499, %div3A_478 : i32
      %jit3A_501 = arith.constant 2 : i32
      %eq3A_502 = arith.constant 0 : i32
      %eq3A_503 = arith.cmpi eq, %jit3A_501, %eq3A_502 : i32
      %jit3A_504 = arith.constant 1 : i32
      %select_n3A_505 = arith.select %eq3A_503, %jit3A_504, %jit3A_501 : i32
      %rem3A_506 = arith.remsi %add3A_474, %select_n3A_505 : i32
      %ne3A_507 = arith.constant 0 : i32
      %ne3A_508 = arith.cmpi ne, %rem3A_506, %ne3A_507 : i32
      %lt3A_509 = arith.constant 0 : i32
      %lt3A_510 = arith.cmpi slt, %rem3A_506, %lt3A_509 : i32
      %lt3A_511 = arith.constant 0 : i32
      %lt3A_512 = arith.cmpi slt, %select_n3A_505, %lt3A_511 : i32
      %ne3A_513 = arith.xori %lt3A_510, %lt3A_512 : i1
      %and3A_514 = arith.andi %ne3A_513, %ne3A_508 : i1
      %add3A_515 = arith.addi %rem3A_506, %select_n3A_505 : i32
      %select_n3A_516 = arith.select %and3A_514, %add3A_515, %rem3A_506 : i32
      %mul3A_517 = arith.constant 64 : i32
      %mul3A_518 = arith.muli %select_n3A_516, %mul3A_517 : i32
      %dma_start3A_519 = tpu.memref_slice %arg10[%select_n3A_500, %mul3A_518] : memref<256x128xf32, #tpu.memory_space<vmem>> -> memref<1x64xf32, #tpu.memory_space<vmem>>
      %dma_start3A_520 = tpu.memref_squeeze %dma_start3A_519 : memref<1x64xf32, #tpu.memory_space<vmem>> -> memref<64xf32, #tpu.memory_space<vmem>>
      %dma_start3A_521 = arith.constant 0 : i32
      %dma_start3A_522 = tpu.memref_slice %arg4[%squeeze3A_476, %dma_start3A_521] : memref<100000x64xf32, #tpu.memory_space<hbm>> -> memref<1x64xf32, #tpu.memory_space<hbm>>
      %dma_start3A_523 = tpu.memref_squeeze %dma_start3A_522 : memref<1x64xf32, #tpu.memory_space<hbm>> -> memref<64xf32, #tpu.memory_space<hbm>>
      %dma_start3A_524 = tpu.memref_slice %arg10[%select_n3A_500, %mul3A_518] : memref<256x128xf32, #tpu.memory_space<vmem>> -> memref<1x64xf32, #tpu.memory_space<vmem>>
      %dma_start3A_525 = tpu.memref_squeeze %dma_start3A_524 : memref<1x64xf32, #tpu.memory_space<vmem>> -> memref<64xf32, #tpu.memory_space<vmem>>
      %dma_start3A_526 = arith.constant 0 : i32
      %dma_start3A_527 = tpu.memref_slice %arg4[%squeeze3A_476, %dma_start3A_526] : memref<100000x64xf32, #tpu.memory_space<hbm>> -> memref<1x64xf32, #tpu.memory_space<hbm>>
      %dma_start3A_528 = tpu.memref_squeeze %dma_start3A_527 : memref<1x64xf32, #tpu.memory_space<hbm>> -> memref<64xf32, #tpu.memory_space<hbm>>
      tpu.enqueue_dma source(%dma_start3A_528 : memref<64xf32, #tpu.memory_space<hbm>>) target(%dma_start3A_525 : memref<64xf32, #tpu.memory_space<vmem>>) target_semaphore(%arg14 : memref<!tpu.dma_semaphore, #tpu.memory_space<semaphore_mem>>)
      %add3A_529 = arith.constant 5 : i32
      %add3A_530 = arith.addi %mul3A_258, %add3A_529 : i32
      %slice3A_531 = vector.extract_strided_slice %get3A_260 {offsets = [5], sizes = [1], strides = [1]} : vector<16xi32> to vector<1xi32>
      %squeeze3A_532 = vector.extract %slice3A_531[0] : i32 from vector<1xi32>
      %jit3A_533 = arith.constant 2 : i32
      %div3A_534 = arith.divsi %add3A_530, %jit3A_533 : i32
      %sign3A_535 = arith.constant 0 : i32
      %sign3A_536 = arith.cmpi sgt, %add3A_530, %sign3A_535 : i32
      %sign3A_537 = arith.extui %sign3A_536 : i1 to i32
      %sign3A_538 = arith.constant 0 : i32
      %sign3A_539 = arith.cmpi slt, %add3A_530, %sign3A_538 : i32
      %sign3A_540 = arith.extui %sign3A_539 : i1 to i32
      %sign3A_541 = arith.subi %sign3A_537, %sign3A_540 : i32
      %sign3A_542 = arith.constant 0 : i32
      %sign3A_543 = arith.cmpi sgt, %jit3A_533, %sign3A_542 : i32
      %sign3A_544 = arith.extui %sign3A_543 : i1 to i32
      %sign3A_545 = arith.constant 0 : i32
      %sign3A_546 = arith.cmpi slt, %jit3A_533, %sign3A_545 : i32
      %sign3A_547 = arith.extui %sign3A_546 : i1 to i32
      %sign3A_548 = arith.subi %sign3A_544, %sign3A_547 : i32
      %ne3A_549 = arith.cmpi ne, %sign3A_541, %sign3A_548 : i32
      %rem3A_550 = arith.remsi %add3A_530, %jit3A_533 : i32
      %ne3A_551 = arith.constant 0 : i32
      %ne3A_552 = arith.cmpi ne, %rem3A_550, %ne3A_551 : i32
      %and3A_553 = arith.andi %ne3A_549, %ne3A_552 : i1
      %sub3A_554 = arith.constant 1 : i32
      %sub3A_555 = arith.subi %div3A_534, %sub3A_554 : i32
      %select_n3A_556 = arith.select %and3A_553, %sub3A_555, %div3A_534 : i32
      %jit3A_557 = arith.constant 2 : i32
      %eq3A_558 = arith.constant 0 : i32
      %eq3A_559 = arith.cmpi eq, %jit3A_557, %eq3A_558 : i32
      %jit3A_560 = arith.constant 1 : i32
      %select_n3A_561 = arith.select %eq3A_559, %jit3A_560, %jit3A_557 : i32
      %rem3A_562 = arith.remsi %add3A_530, %select_n3A_561 : i32
      %ne3A_563 = arith.constant 0 : i32
      %ne3A_564 = arith.cmpi ne, %rem3A_562, %ne3A_563 : i32
      %lt3A_565 = arith.constant 0 : i32
      %lt3A_566 = arith.cmpi slt, %rem3A_562, %lt3A_565 : i32
      %lt3A_567 = arith.constant 0 : i32
      %lt3A_568 = arith.cmpi slt, %select_n3A_561, %lt3A_567 : i32
      %ne3A_569 = arith.xori %lt3A_566, %lt3A_568 : i1
      %and3A_570 = arith.andi %ne3A_569, %ne3A_564 : i1
      %add3A_571 = arith.addi %rem3A_562, %select_n3A_561 : i32
      %select_n3A_572 = arith.select %and3A_570, %add3A_571, %rem3A_562 : i32
      %mul3A_573 = arith.constant 64 : i32
      %mul3A_574 = arith.muli %select_n3A_572, %mul3A_573 : i32
      %dma_start3A_575 = tpu.memref_slice %arg10[%select_n3A_556, %mul3A_574] : memref<256x128xf32, #tpu.memory_space<vmem>> -> memref<1x64xf32, #tpu.memory_space<vmem>>
      %dma_start3A_576 = tpu.memref_squeeze %dma_start3A_575 : memref<1x64xf32, #tpu.memory_space<vmem>> -> memref<64xf32, #tpu.memory_space<vmem>>
      %dma_start3A_577 = arith.constant 0 : i32
      %dma_start3A_578 = tpu.memref_slice %arg4[%squeeze3A_532, %dma_start3A_577] : memref<100000x64xf32, #tpu.memory_space<hbm>> -> memref<1x64xf32, #tpu.memory_space<hbm>>
      %dma_start3A_579 = tpu.memref_squeeze %dma_start3A_578 : memref<1x64xf32, #tpu.memory_space<hbm>> -> memref<64xf32, #tpu.memory_space<hbm>>
      %dma_start3A_580 = tpu.memref_slice %arg10[%select_n3A_556, %mul3A_574] : memref<256x128xf32, #tpu.memory_space<vmem>> -> memref<1x64xf32, #tpu.memory_space<vmem>>
      %dma_start3A_581 = tpu.memref_squeeze %dma_start3A_580 : memref<1x64xf32, #tpu.memory_space<vmem>> -> memref<64xf32, #tpu.memory_space<vmem>>
      %dma_start3A_582 = arith.constant 0 : i32
      %dma_start3A_583 = tpu.memref_slice %arg4[%squeeze3A_532, %dma_start3A_582] : memref<100000x64xf32, #tpu.memory_space<hbm>> -> memref<1x64xf32, #tpu.memory_space<hbm>>
      %dma_start3A_584 = tpu.memref_squeeze %dma_start3A_583 : memref<1x64xf32, #tpu.memory_space<hbm>> -> memref<64xf32, #tpu.memory_space<hbm>>
      tpu.enqueue_dma source(%dma_start3A_584 : memref<64xf32, #tpu.memory_space<hbm>>) target(%dma_start3A_581 : memref<64xf32, #tpu.memory_space<vmem>>) target_semaphore(%arg14 : memref<!tpu.dma_semaphore, #tpu.memory_space<semaphore_mem>>)
      %add3A_585 = arith.constant 6 : i32
      %add3A_586 = arith.addi %mul3A_258, %add3A_585 : i32
      %slice3A_587 = vector.extract_strided_slice %get3A_260 {offsets = [6], sizes = [1], strides = [1]} : vector<16xi32> to vector<1xi32>
      %squeeze3A_588 = vector.extract %slice3A_587[0] : i32 from vector<1xi32>
      %jit3A_589 = arith.constant 2 : i32
      %div3A_590 = arith.divsi %add3A_586, %jit3A_589 : i32
      %sign3A_591 = arith.constant 0 : i32
      %sign3A_592 = arith.cmpi sgt, %add3A_586, %sign3A_591 : i32
      %sign3A_593 = arith.extui %sign3A_592 : i1 to i32
      %sign3A_594 = arith.constant 0 : i32
      %sign3A_595 = arith.cmpi slt, %add3A_586, %sign3A_594 : i32
      %sign3A_596 = arith.extui %sign3A_595 : i1 to i32
      %sign3A_597 = arith.subi %sign3A_593, %sign3A_596 : i32
      %sign3A_598 = arith.constant 0 : i32
      %sign3A_599 = arith.cmpi sgt, %jit3A_589, %sign3A_598 : i32
      %sign3A_600 = arith.extui %sign3A_599 : i1 to i32
      %sign3A_601 = arith.constant 0 : i32
      %sign3A_602 = arith.cmpi slt, %jit3A_589, %sign3A_601 : i32
      %sign3A_603 = arith.extui %sign3A_602 : i1 to i32
      %sign3A_604 = arith.subi %sign3A_600, %sign3A_603 : i32
      %ne3A_605 = arith.cmpi ne, %sign3A_597, %sign3A_604 : i32
      %rem3A_606 = arith.remsi %add3A_586, %jit3A_589 : i32
      %ne3A_607 = arith.constant 0 : i32
      %ne3A_608 = arith.cmpi ne, %rem3A_606, %ne3A_607 : i32
      %and3A_609 = arith.andi %ne3A_605, %ne3A_608 : i1
      %sub3A_610 = arith.constant 1 : i32
      %sub3A_611 = arith.subi %div3A_590, %sub3A_610 : i32
      %select_n3A_612 = arith.select %and3A_609, %sub3A_611, %div3A_590 : i32
      %jit3A_613 = arith.constant 2 : i32
      %eq3A_614 = arith.constant 0 : i32
      %eq3A_615 = arith.cmpi eq, %jit3A_613, %eq3A_614 : i32
      %jit3A_616 = arith.constant 1 : i32
      %select_n3A_617 = arith.select %eq3A_615, %jit3A_616, %jit3A_613 : i32
      %rem3A_618 = arith.remsi %add3A_586, %select_n3A_617 : i32
      %ne3A_619 = arith.constant 0 : i32
      %ne3A_620 = arith.cmpi ne, %rem3A_618, %ne3A_619 : i32
      %lt3A_621 = arith.constant 0 : i32
      %lt3A_622 = arith.cmpi slt, %rem3A_618, %lt3A_621 : i32
      %lt3A_623 = arith.constant 0 : i32
      %lt3A_624 = arith.cmpi slt, %select_n3A_617, %lt3A_623 : i32
      %ne3A_625 = arith.xori %lt3A_622, %lt3A_624 : i1
      %and3A_626 = arith.andi %ne3A_625, %ne3A_620 : i1
      %add3A_627 = arith.addi %rem3A_618, %select_n3A_617 : i32
      %select_n3A_628 = arith.select %and3A_626, %add3A_627, %rem3A_618 : i32
      %mul3A_629 = arith.constant 64 : i32
      %mul3A_630 = arith.muli %select_n3A_628, %mul3A_629 : i32
      %dma_start3A_631 = tpu.memref_slice %arg10[%select_n3A_612, %mul3A_630] : memref<256x128xf32, #tpu.memory_space<vmem>> -> memref<1x64xf32, #tpu.memory_space<vmem>>
      %dma_start3A_632 = tpu.memref_squeeze %dma_start3A_631 : memref<1x64xf32, #tpu.memory_space<vmem>> -> memref<64xf32, #tpu.memory_space<vmem>>
      %dma_start3A_633 = arith.constant 0 : i32
      %dma_start3A_634 = tpu.memref_slice %arg4[%squeeze3A_588, %dma_start3A_633] : memref<100000x64xf32, #tpu.memory_space<hbm>> -> memref<1x64xf32, #tpu.memory_space<hbm>>
      %dma_start3A_635 = tpu.memref_squeeze %dma_start3A_634 : memref<1x64xf32, #tpu.memory_space<hbm>> -> memref<64xf32, #tpu.memory_space<hbm>>
      %dma_start3A_636 = tpu.memref_slice %arg10[%select_n3A_612, %mul3A_630] : memref<256x128xf32, #tpu.memory_space<vmem>> -> memref<1x64xf32, #tpu.memory_space<vmem>>
      %dma_start3A_637 = tpu.memref_squeeze %dma_start3A_636 : memref<1x64xf32, #tpu.memory_space<vmem>> -> memref<64xf32, #tpu.memory_space<vmem>>
      %dma_start3A_638 = arith.constant 0 : i32
      %dma_start3A_639 = tpu.memref_slice %arg4[%squeeze3A_588, %dma_start3A_638] : memref<100000x64xf32, #tpu.memory_space<hbm>> -> memref<1x64xf32, #tpu.memory_space<hbm>>
      %dma_start3A_640 = tpu.memref_squeeze %dma_start3A_639 : memref<1x64xf32, #tpu.memory_space<hbm>> -> memref<64xf32, #tpu.memory_space<hbm>>
      tpu.enqueue_dma source(%dma_start3A_640 : memref<64xf32, #tpu.memory_space<hbm>>) target(%dma_start3A_637 : memref<64xf32, #tpu.memory_space<vmem>>) target_semaphore(%arg14 : memref<!tpu.dma_semaphore, #tpu.memory_space<semaphore_mem>>)
      %add3A_641 = arith.constant 7 : i32
      %add3A_642 = arith.addi %mul3A_258, %add3A_641 : i32
      %slice3A_643 = vector.extract_strided_slice %get3A_260 {offsets = [7], sizes = [1], strides = [1]} : vector<16xi32> to vector<1xi32>
      %squeeze3A_644 = vector.extract %slice3A_643[0] : i32 from vector<1xi32>
      %jit3A_645 = arith.constant 2 : i32
      %div3A_646 = arith.divsi %add3A_642, %jit3A_645 : i32
      %sign3A_647 = arith.constant 0 : i32
      %sign3A_648 = arith.cmpi sgt, %add3A_642, %sign3A_647 : i32
      %sign3A_649 = arith.extui %sign3A_648 : i1 to i32
      %sign3A_650 = arith.constant 0 : i32
      %sign3A_651 = arith.cmpi slt, %add3A_642, %sign3A_650 : i32
      %sign3A_652 = arith.extui %sign3A_651 : i1 to i32
      %sign3A_653 = arith.subi %sign3A_649, %sign3A_652 : i32
      %sign3A_654 = arith.constant 0 : i32
      %sign3A_655 = arith.cmpi sgt, %jit3A_645, %sign3A_654 : i32
      %sign3A_656 = arith.extui %sign3A_655 : i1 to i32
      %sign3A_657 = arith.constant 0 : i32
      %sign3A_658 = arith.cmpi slt, %jit3A_645, %sign3A_657 : i32
      %sign3A_659 = arith.extui %sign3A_658 : i1 to i32
      %sign3A_660 = arith.subi %sign3A_656, %sign3A_659 : i32
      %ne3A_661 = arith.cmpi ne, %sign3A_653, %sign3A_660 : i32
      %rem3A_662 = arith.remsi %add3A_642, %jit3A_645 : i32
      %ne3A_663 = arith.constant 0 : i32
      %ne3A_664 = arith.cmpi ne, %rem3A_662, %ne3A_663 : i32
      %and3A_665 = arith.andi %ne3A_661, %ne3A_664 : i1
      %sub3A_666 = arith.constant 1 : i32
      %sub3A_667 = arith.subi %div3A_646, %sub3A_666 : i32
      %select_n3A_668 = arith.select %and3A_665, %sub3A_667, %div3A_646 : i32
      %jit3A_669 = arith.constant 2 : i32
      %eq3A_670 = arith.constant 0 : i32
      %eq3A_671 = arith.cmpi eq, %jit3A_669, %eq3A_670 : i32
      %jit3A_672 = arith.constant 1 : i32
      %select_n3A_673 = arith.select %eq3A_671, %jit3A_672, %jit3A_669 : i32
      %rem3A_674 = arith.remsi %add3A_642, %select_n3A_673 : i32
      %ne3A_675 = arith.constant 0 : i32
      %ne3A_676 = arith.cmpi ne, %rem3A_674, %ne3A_675 : i32
      %lt3A_677 = arith.constant 0 : i32
      %lt3A_678 = arith.cmpi slt, %rem3A_674, %lt3A_677 : i32
      %lt3A_679 = arith.constant 0 : i32
      %lt3A_680 = arith.cmpi slt, %select_n3A_673, %lt3A_679 : i32
      %ne3A_681 = arith.xori %lt3A_678, %lt3A_680 : i1
      %and3A_682 = arith.andi %ne3A_681, %ne3A_676 : i1
      %add3A_683 = arith.addi %rem3A_674, %select_n3A_673 : i32
      %select_n3A_684 = arith.select %and3A_682, %add3A_683, %rem3A_674 : i32
      %mul3A_685 = arith.constant 64 : i32
      %mul3A_686 = arith.muli %select_n3A_684, %mul3A_685 : i32
      %dma_start3A_687 = tpu.memref_slice %arg10[%select_n3A_668, %mul3A_686] : memref<256x128xf32, #tpu.memory_space<vmem>> -> memref<1x64xf32, #tpu.memory_space<vmem>>
      %dma_start3A_688 = tpu.memref_squeeze %dma_start3A_687 : memref<1x64xf32, #tpu.memory_space<vmem>> -> memref<64xf32, #tpu.memory_space<vmem>>
      %dma_start3A_689 = arith.constant 0 : i32
      %dma_start3A_690 = tpu.memref_slice %arg4[%squeeze3A_644, %dma_start3A_689] : memref<100000x64xf32, #tpu.memory_space<hbm>> -> memref<1x64xf32, #tpu.memory_space<hbm>>
      %dma_start3A_691 = tpu.memref_squeeze %dma_start3A_690 : memref<1x64xf32, #tpu.memory_space<hbm>> -> memref<64xf32, #tpu.memory_space<hbm>>
      %dma_start3A_692 = tpu.memref_slice %arg10[%select_n3A_668, %mul3A_686] : memref<256x128xf32, #tpu.memory_space<vmem>> -> memref<1x64xf32, #tpu.memory_space<vmem>>
      %dma_start3A_693 = tpu.memref_squeeze %dma_start3A_692 : memref<1x64xf32, #tpu.memory_space<vmem>> -> memref<64xf32, #tpu.memory_space<vmem>>
      %dma_start3A_694 = arith.constant 0 : i32
      %dma_start3A_695 = tpu.memref_slice %arg4[%squeeze3A_644, %dma_start3A_694] : memref<100000x64xf32, #tpu.memory_space<hbm>> -> memref<1x64xf32, #tpu.memory_space<hbm>>
      %dma_start3A_696 = tpu.memref_squeeze %dma_start3A_695 : memref<1x64xf32, #tpu.memory_space<hbm>> -> memref<64xf32, #tpu.memory_space<hbm>>
      tpu.enqueue_dma source(%dma_start3A_696 : memref<64xf32, #tpu.memory_space<hbm>>) target(%dma_start3A_693 : memref<64xf32, #tpu.memory_space<vmem>>) target_semaphore(%arg14 : memref<!tpu.dma_semaphore, #tpu.memory_space<semaphore_mem>>)
      %add3A_697 = arith.constant 8 : i32
      %add3A_698 = arith.addi %mul3A_258, %add3A_697 : i32
      %slice3A_699 = vector.extract_strided_slice %get3A_260 {offsets = [8], sizes = [1], strides = [1]} : vector<16xi32> to vector<1xi32>
      %squeeze3A_700 = vector.extract %slice3A_699[0] : i32 from vector<1xi32>
      %jit3A_701 = arith.constant 2 : i32
      %div3A_702 = arith.divsi %add3A_698, %jit3A_701 : i32
      %sign3A_703 = arith.constant 0 : i32
      %sign3A_704 = arith.cmpi sgt, %add3A_698, %sign3A_703 : i32
      %sign3A_705 = arith.extui %sign3A_704 : i1 to i32
      %sign3A_706 = arith.constant 0 : i32
      %sign3A_707 = arith.cmpi slt, %add3A_698, %sign3A_706 : i32
      %sign3A_708 = arith.extui %sign3A_707 : i1 to i32
      %sign3A_709 = arith.subi %sign3A_705, %sign3A_708 : i32
      %sign3A_710 = arith.constant 0 : i32
      %sign3A_711 = arith.cmpi sgt, %jit3A_701, %sign3A_710 : i32
      %sign3A_712 = arith.extui %sign3A_711 : i1 to i32
      %sign3A_713 = arith.constant 0 : i32
      %sign3A_714 = arith.cmpi slt, %jit3A_701, %sign3A_713 : i32
      %sign3A_715 = arith.extui %sign3A_714 : i1 to i32
      %sign3A_716 = arith.subi %sign3A_712, %sign3A_715 : i32
      %ne3A_717 = arith.cmpi ne, %sign3A_709, %sign3A_716 : i32
      %rem3A_718 = arith.remsi %add3A_698, %jit3A_701 : i32
      %ne3A_719 = arith.constant 0 : i32
      %ne3A_720 = arith.cmpi ne, %rem3A_718, %ne3A_719 : i32
      %and3A_721 = arith.andi %ne3A_717, %ne3A_720 : i1
      %sub3A_722 = arith.constant 1 : i32
      %sub3A_723 = arith.subi %div3A_702, %sub3A_722 : i32
      %select_n3A_724 = arith.select %and3A_721, %sub3A_723, %div3A_702 : i32
      %jit3A_725 = arith.constant 2 : i32
      %eq3A_726 = arith.constant 0 : i32
      %eq3A_727 = arith.cmpi eq, %jit3A_725, %eq3A_726 : i32
      %jit3A_728 = arith.constant 1 : i32
      %select_n3A_729 = arith.select %eq3A_727, %jit3A_728, %jit3A_725 : i32
      %rem3A_730 = arith.remsi %add3A_698, %select_n3A_729 : i32
      %ne3A_731 = arith.constant 0 : i32
      %ne3A_732 = arith.cmpi ne, %rem3A_730, %ne3A_731 : i32
      %lt3A_733 = arith.constant 0 : i32
      %lt3A_734 = arith.cmpi slt, %rem3A_730, %lt3A_733 : i32
      %lt3A_735 = arith.constant 0 : i32
      %lt3A_736 = arith.cmpi slt, %select_n3A_729, %lt3A_735 : i32
      %ne3A_737 = arith.xori %lt3A_734, %lt3A_736 : i1
      %and3A_738 = arith.andi %ne3A_737, %ne3A_732 : i1
      %add3A_739 = arith.addi %rem3A_730, %select_n3A_729 : i32
      %select_n3A_740 = arith.select %and3A_738, %add3A_739, %rem3A_730 : i32
      %mul3A_741 = arith.constant 64 : i32
      %mul3A_742 = arith.muli %select_n3A_740, %mul3A_741 : i32
      %dma_start3A_743 = tpu.memref_slice %arg10[%select_n3A_724, %mul3A_742] : memref<256x128xf32, #tpu.memory_space<vmem>> -> memref<1x64xf32, #tpu.memory_space<vmem>>
      %dma_start3A_744 = tpu.memref_squeeze %dma_start3A_743 : memref<1x64xf32, #tpu.memory_space<vmem>> -> memref<64xf32, #tpu.memory_space<vmem>>
      %dma_start3A_745 = arith.constant 0 : i32
      %dma_start3A_746 = tpu.memref_slice %arg4[%squeeze3A_700, %dma_start3A_745] : memref<100000x64xf32, #tpu.memory_space<hbm>> -> memref<1x64xf32, #tpu.memory_space<hbm>>
      %dma_start3A_747 = tpu.memref_squeeze %dma_start3A_746 : memref<1x64xf32, #tpu.memory_space<hbm>> -> memref<64xf32, #tpu.memory_space<hbm>>
      %dma_start3A_748 = tpu.memref_slice %arg10[%select_n3A_724, %mul3A_742] : memref<256x128xf32, #tpu.memory_space<vmem>> -> memref<1x64xf32, #tpu.memory_space<vmem>>
      %dma_start3A_749 = tpu.memref_squeeze %dma_start3A_748 : memref<1x64xf32, #tpu.memory_space<vmem>> -> memref<64xf32, #tpu.memory_space<vmem>>
      %dma_start3A_750 = arith.constant 0 : i32
      %dma_start3A_751 = tpu.memref_slice %arg4[%squeeze3A_700, %dma_start3A_750] : memref<100000x64xf32, #tpu.memory_space<hbm>> -> memref<1x64xf32, #tpu.memory_space<hbm>>
      %dma_start3A_752 = tpu.memref_squeeze %dma_start3A_751 : memref<1x64xf32, #tpu.memory_space<hbm>> -> memref<64xf32, #tpu.memory_space<hbm>>
      tpu.enqueue_dma source(%dma_start3A_752 : memref<64xf32, #tpu.memory_space<hbm>>) target(%dma_start3A_749 : memref<64xf32, #tpu.memory_space<vmem>>) target_semaphore(%arg14 : memref<!tpu.dma_semaphore, #tpu.memory_space<semaphore_mem>>)
      %add3A_753 = arith.constant 9 : i32
      %add3A_754 = arith.addi %mul3A_258, %add3A_753 : i32
      %slice3A_755 = vector.extract_strided_slice %get3A_260 {offsets = [9], sizes = [1], strides = [1]} : vector<16xi32> to vector<1xi32>
      %squeeze3A_756 = vector.extract %slice3A_755[0] : i32 from vector<1xi32>
      %jit3A_757 = arith.constant 2 : i32
      %div3A_758 = arith.divsi %add3A_754, %jit3A_757 : i32
      %sign3A_759 = arith.constant 0 : i32
      %sign3A_760 = arith.cmpi sgt, %add3A_754, %sign3A_759 : i32
      %sign3A_761 = arith.extui %sign3A_760 : i1 to i32
      %sign3A_762 = arith.constant 0 : i32
      %sign3A_763 = arith.cmpi slt, %add3A_754, %sign3A_762 : i32
      %sign3A_764 = arith.extui %sign3A_763 : i1 to i32
      %sign3A_765 = arith.subi %sign3A_761, %sign3A_764 : i32
      %sign3A_766 = arith.constant 0 : i32
      %sign3A_767 = arith.cmpi sgt, %jit3A_757, %sign3A_766 : i32
      %sign3A_768 = arith.extui %sign3A_767 : i1 to i32
      %sign3A_769 = arith.constant 0 : i32
      %sign3A_770 = arith.cmpi slt, %jit3A_757, %sign3A_769 : i32
      %sign3A_771 = arith.extui %sign3A_770 : i1 to i32
      %sign3A_772 = arith.subi %sign3A_768, %sign3A_771 : i32
      %ne3A_773 = arith.cmpi ne, %sign3A_765, %sign3A_772 : i32
      %rem3A_774 = arith.remsi %add3A_754, %jit3A_757 : i32
      %ne3A_775 = arith.constant 0 : i32
      %ne3A_776 = arith.cmpi ne, %rem3A_774, %ne3A_775 : i32
      %and3A_777 = arith.andi %ne3A_773, %ne3A_776 : i1
      %sub3A_778 = arith.constant 1 : i32
      %sub3A_779 = arith.subi %div3A_758, %sub3A_778 : i32
      %select_n3A_780 = arith.select %and3A_777, %sub3A_779, %div3A_758 : i32
      %jit3A_781 = arith.constant 2 : i32
      %eq3A_782 = arith.constant 0 : i32
      %eq3A_783 = arith.cmpi eq, %jit3A_781, %eq3A_782 : i32
      %jit3A_784 = arith.constant 1 : i32
      %select_n3A_785 = arith.select %eq3A_783, %jit3A_784, %jit3A_781 : i32
      %rem3A_786 = arith.remsi %add3A_754, %select_n3A_785 : i32
      %ne3A_787 = arith.constant 0 : i32
      %ne3A_788 = arith.cmpi ne, %rem3A_786, %ne3A_787 : i32
      %lt3A_789 = arith.constant 0 : i32
      %lt3A_790 = arith.cmpi slt, %rem3A_786, %lt3A_789 : i32
      %lt3A_791 = arith.constant 0 : i32
      %lt3A_792 = arith.cmpi slt, %select_n3A_785, %lt3A_791 : i32
      %ne3A_793 = arith.xori %lt3A_790, %lt3A_792 : i1
      %and3A_794 = arith.andi %ne3A_793, %ne3A_788 : i1
      %add3A_795 = arith.addi %rem3A_786, %select_n3A_785 : i32
      %select_n3A_796 = arith.select %and3A_794, %add3A_795, %rem3A_786 : i32
      %mul3A_797 = arith.constant 64 : i32
      %mul3A_798 = arith.muli %select_n3A_796, %mul3A_797 : i32
      %dma_start3A_799 = tpu.memref_slice %arg10[%select_n3A_780, %mul3A_798] : memref<256x128xf32, #tpu.memory_space<vmem>> -> memref<1x64xf32, #tpu.memory_space<vmem>>
      %dma_start3A_800 = tpu.memref_squeeze %dma_start3A_799 : memref<1x64xf32, #tpu.memory_space<vmem>> -> memref<64xf32, #tpu.memory_space<vmem>>
      %dma_start3A_801 = arith.constant 0 : i32
      %dma_start3A_802 = tpu.memref_slice %arg4[%squeeze3A_756, %dma_start3A_801] : memref<100000x64xf32, #tpu.memory_space<hbm>> -> memref<1x64xf32, #tpu.memory_space<hbm>>
      %dma_start3A_803 = tpu.memref_squeeze %dma_start3A_802 : memref<1x64xf32, #tpu.memory_space<hbm>> -> memref<64xf32, #tpu.memory_space<hbm>>
      %dma_start3A_804 = tpu.memref_slice %arg10[%select_n3A_780, %mul3A_798] : memref<256x128xf32, #tpu.memory_space<vmem>> -> memref<1x64xf32, #tpu.memory_space<vmem>>
      %dma_start3A_805 = tpu.memref_squeeze %dma_start3A_804 : memref<1x64xf32, #tpu.memory_space<vmem>> -> memref<64xf32, #tpu.memory_space<vmem>>
      %dma_start3A_806 = arith.constant 0 : i32
      %dma_start3A_807 = tpu.memref_slice %arg4[%squeeze3A_756, %dma_start3A_806] : memref<100000x64xf32, #tpu.memory_space<hbm>> -> memref<1x64xf32, #tpu.memory_space<hbm>>
      %dma_start3A_808 = tpu.memref_squeeze %dma_start3A_807 : memref<1x64xf32, #tpu.memory_space<hbm>> -> memref<64xf32, #tpu.memory_space<hbm>>
      tpu.enqueue_dma source(%dma_start3A_808 : memref<64xf32, #tpu.memory_space<hbm>>) target(%dma_start3A_805 : memref<64xf32, #tpu.memory_space<vmem>>) target_semaphore(%arg14 : memref<!tpu.dma_semaphore, #tpu.memory_space<semaphore_mem>>)
      %add3A_809 = arith.constant 10 : i32
      %add3A_810 = arith.addi %mul3A_258, %add3A_809 : i32
      %slice3A_811 = vector.extract_strided_slice %get3A_260 {offsets = [10], sizes = [1], strides = [1]} : vector<16xi32> to vector<1xi32>
      %squeeze3A_812 = vector.extract %slice3A_811[0] : i32 from vector<1xi32>
      %jit3A_813 = arith.constant 2 : i32
      %div3A_814 = arith.divsi %add3A_810, %jit3A_813 : i32
      %sign3A_815 = arith.constant 0 : i32
      %sign3A_816 = arith.cmpi sgt, %add3A_810, %sign3A_815 : i32
      %sign3A_817 = arith.extui %sign3A_816 : i1 to i32
      %sign3A_818 = arith.constant 0 : i32
      %sign3A_819 = arith.cmpi slt, %add3A_810, %sign3A_818 : i32
      %sign3A_820 = arith.extui %sign3A_819 : i1 to i32
      %sign3A_821 = arith.subi %sign3A_817, %sign3A_820 : i32
      %sign3A_822 = arith.constant 0 : i32
      %sign3A_823 = arith.cmpi sgt, %jit3A_813, %sign3A_822 : i32
      %sign3A_824 = arith.extui %sign3A_823 : i1 to i32
      %sign3A_825 = arith.constant 0 : i32
      %sign3A_826 = arith.cmpi slt, %jit3A_813, %sign3A_825 : i32
      %sign3A_827 = arith.extui %sign3A_826 : i1 to i32
      %sign3A_828 = arith.subi %sign3A_824, %sign3A_827 : i32
      %ne3A_829 = arith.cmpi ne, %sign3A_821, %sign3A_828 : i32
      %rem3A_830 = arith.remsi %add3A_810, %jit3A_813 : i32
      %ne3A_831 = arith.constant 0 : i32
      %ne3A_832 = arith.cmpi ne, %rem3A_830, %ne3A_831 : i32
      %and3A_833 = arith.andi %ne3A_829, %ne3A_832 : i1
      %sub3A_834 = arith.constant 1 : i32
      %sub3A_835 = arith.subi %div3A_814, %sub3A_834 : i32
      %select_n3A_836 = arith.select %and3A_833, %sub3A_835, %div3A_814 : i32
      %jit3A_837 = arith.constant 2 : i32
      %eq3A_838 = arith.constant 0 : i32
      %eq3A_839 = arith.cmpi eq, %jit3A_837, %eq3A_838 : i32
      %jit3A_840 = arith.constant 1 : i32
      %select_n3A_841 = arith.select %eq3A_839, %jit3A_840, %jit3A_837 : i32
      %rem3A_842 = arith.remsi %add3A_810, %select_n3A_841 : i32
      %ne3A_843 = arith.constant 0 : i32
      %ne3A_844 = arith.cmpi ne, %rem3A_842, %ne3A_843 : i32
      %lt3A_845 = arith.constant 0 : i32
      %lt3A_846 = arith.cmpi slt, %rem3A_842, %lt3A_845 : i32
      %lt3A_847 = arith.constant 0 : i32
      %lt3A_848 = arith.cmpi slt, %select_n3A_841, %lt3A_847 : i32
      %ne3A_849 = arith.xori %lt3A_846, %lt3A_848 : i1
      %and3A_850 = arith.andi %ne3A_849, %ne3A_844 : i1
      %add3A_851 = arith.addi %rem3A_842, %select_n3A_841 : i32
      %select_n3A_852 = arith.select %and3A_850, %add3A_851, %rem3A_842 : i32
      %mul3A_853 = arith.constant 64 : i32
      %mul3A_854 = arith.muli %select_n3A_852, %mul3A_853 : i32
      %dma_start3A_855 = tpu.memref_slice %arg10[%select_n3A_836, %mul3A_854] : memref<256x128xf32, #tpu.memory_space<vmem>> -> memref<1x64xf32, #tpu.memory_space<vmem>>
      %dma_start3A_856 = tpu.memref_squeeze %dma_start3A_855 : memref<1x64xf32, #tpu.memory_space<vmem>> -> memref<64xf32, #tpu.memory_space<vmem>>
      %dma_start3A_857 = arith.constant 0 : i32
      %dma_start3A_858 = tpu.memref_slice %arg4[%squeeze3A_812, %dma_start3A_857] : memref<100000x64xf32, #tpu.memory_space<hbm>> -> memref<1x64xf32, #tpu.memory_space<hbm>>
      %dma_start3A_859 = tpu.memref_squeeze %dma_start3A_858 : memref<1x64xf32, #tpu.memory_space<hbm>> -> memref<64xf32, #tpu.memory_space<hbm>>
      %dma_start3A_860 = tpu.memref_slice %arg10[%select_n3A_836, %mul3A_854] : memref<256x128xf32, #tpu.memory_space<vmem>> -> memref<1x64xf32, #tpu.memory_space<vmem>>
      %dma_start3A_861 = tpu.memref_squeeze %dma_start3A_860 : memref<1x64xf32, #tpu.memory_space<vmem>> -> memref<64xf32, #tpu.memory_space<vmem>>
      %dma_start3A_862 = arith.constant 0 : i32
      %dma_start3A_863 = tpu.memref_slice %arg4[%squeeze3A_812, %dma_start3A_862] : memref<100000x64xf32, #tpu.memory_space<hbm>> -> memref<1x64xf32, #tpu.memory_space<hbm>>
      %dma_start3A_864 = tpu.memref_squeeze %dma_start3A_863 : memref<1x64xf32, #tpu.memory_space<hbm>> -> memref<64xf32, #tpu.memory_space<hbm>>
      tpu.enqueue_dma source(%dma_start3A_864 : memref<64xf32, #tpu.memory_space<hbm>>) target(%dma_start3A_861 : memref<64xf32, #tpu.memory_space<vmem>>) target_semaphore(%arg14 : memref<!tpu.dma_semaphore, #tpu.memory_space<semaphore_mem>>)
      %add3A_865 = arith.constant 11 : i32
      %add3A_866 = arith.addi %mul3A_258, %add3A_865 : i32
      %slice3A_867 = vector.extract_strided_slice %get3A_260 {offsets = [11], sizes = [1], strides = [1]} : vector<16xi32> to vector<1xi32>
      %squeeze3A_868 = vector.extract %slice3A_867[0] : i32 from vector<1xi32>
      %jit3A_869 = arith.constant 2 : i32
      %div3A_870 = arith.divsi %add3A_866, %jit3A_869 : i32
      %sign3A_871 = arith.constant 0 : i32
      %sign3A_872 = arith.cmpi sgt, %add3A_866, %sign3A_871 : i32
      %sign3A_873 = arith.extui %sign3A_872 : i1 to i32
      %sign3A_874 = arith.constant 0 : i32
      %sign3A_875 = arith.cmpi slt, %add3A_866, %sign3A_874 : i32
      %sign3A_876 = arith.extui %sign3A_875 : i1 to i32
      %sign3A_877 = arith.subi %sign3A_873, %sign3A_876 : i32
      %sign3A_878 = arith.constant 0 : i32
      %sign3A_879 = arith.cmpi sgt, %jit3A_869, %sign3A_878 : i32
      %sign3A_880 = arith.extui %sign3A_879 : i1 to i32
      %sign3A_881 = arith.constant 0 : i32
      %sign3A_882 = arith.cmpi slt, %jit3A_869, %sign3A_881 : i32
      %sign3A_883 = arith.extui %sign3A_882 : i1 to i32
      %sign3A_884 = arith.subi %sign3A_880, %sign3A_883 : i32
      %ne3A_885 = arith.cmpi ne, %sign3A_877, %sign3A_884 : i32
      %rem3A_886 = arith.remsi %add3A_866, %jit3A_869 : i32
      %ne3A_887 = arith.constant 0 : i32
      %ne3A_888 = arith.cmpi ne, %rem3A_886, %ne3A_887 : i32
      %and3A_889 = arith.andi %ne3A_885, %ne3A_888 : i1
      %sub3A_890 = arith.constant 1 : i32
      %sub3A_891 = arith.subi %div3A_870, %sub3A_890 : i32
      %select_n3A_892 = arith.select %and3A_889, %sub3A_891, %div3A_870 : i32
      %jit3A_893 = arith.constant 2 : i32
      %eq3A_894 = arith.constant 0 : i32
      %eq3A_895 = arith.cmpi eq, %jit3A_893, %eq3A_894 : i32
      %jit3A_896 = arith.constant 1 : i32
      %select_n3A_897 = arith.select %eq3A_895, %jit3A_896, %jit3A_893 : i32
      %rem3A_898 = arith.remsi %add3A_866, %select_n3A_897 : i32
      %ne3A_899 = arith.constant 0 : i32
      %ne3A_900 = arith.cmpi ne, %rem3A_898, %ne3A_899 : i32
      %lt3A_901 = arith.constant 0 : i32
      %lt3A_902 = arith.cmpi slt, %rem3A_898, %lt3A_901 : i32
      %lt3A_903 = arith.constant 0 : i32
      %lt3A_904 = arith.cmpi slt, %select_n3A_897, %lt3A_903 : i32
      %ne3A_905 = arith.xori %lt3A_902, %lt3A_904 : i1
      %and3A_906 = arith.andi %ne3A_905, %ne3A_900 : i1
      %add3A_907 = arith.addi %rem3A_898, %select_n3A_897 : i32
      %select_n3A_908 = arith.select %and3A_906, %add3A_907, %rem3A_898 : i32
      %mul3A_909 = arith.constant 64 : i32
      %mul3A_910 = arith.muli %select_n3A_908, %mul3A_909 : i32
      %dma_start3A_911 = tpu.memref_slice %arg10[%select_n3A_892, %mul3A_910] : memref<256x128xf32, #tpu.memory_space<vmem>> -> memref<1x64xf32, #tpu.memory_space<vmem>>
      %dma_start3A_912 = tpu.memref_squeeze %dma_start3A_911 : memref<1x64xf32, #tpu.memory_space<vmem>> -> memref<64xf32, #tpu.memory_space<vmem>>
      %dma_start3A_913 = arith.constant 0 : i32
      %dma_start3A_914 = tpu.memref_slice %arg4[%squeeze3A_868, %dma_start3A_913] : memref<100000x64xf32, #tpu.memory_space<hbm>> -> memref<1x64xf32, #tpu.memory_space<hbm>>
      %dma_start3A_915 = tpu.memref_squeeze %dma_start3A_914 : memref<1x64xf32, #tpu.memory_space<hbm>> -> memref<64xf32, #tpu.memory_space<hbm>>
      %dma_start3A_916 = tpu.memref_slice %arg10[%select_n3A_892, %mul3A_910] : memref<256x128xf32, #tpu.memory_space<vmem>> -> memref<1x64xf32, #tpu.memory_space<vmem>>
      %dma_start3A_917 = tpu.memref_squeeze %dma_start3A_916 : memref<1x64xf32, #tpu.memory_space<vmem>> -> memref<64xf32, #tpu.memory_space<vmem>>
      %dma_start3A_918 = arith.constant 0 : i32
      %dma_start3A_919 = tpu.memref_slice %arg4[%squeeze3A_868, %dma_start3A_918] : memref<100000x64xf32, #tpu.memory_space<hbm>> -> memref<1x64xf32, #tpu.memory_space<hbm>>
      %dma_start3A_920 = tpu.memref_squeeze %dma_start3A_919 : memref<1x64xf32, #tpu.memory_space<hbm>> -> memref<64xf32, #tpu.memory_space<hbm>>
      tpu.enqueue_dma source(%dma_start3A_920 : memref<64xf32, #tpu.memory_space<hbm>>) target(%dma_start3A_917 : memref<64xf32, #tpu.memory_space<vmem>>) target_semaphore(%arg14 : memref<!tpu.dma_semaphore, #tpu.memory_space<semaphore_mem>>)
      %add3A_921 = arith.constant 12 : i32
      %add3A_922 = arith.addi %mul3A_258, %add3A_921 : i32
      %slice3A_923 = vector.extract_strided_slice %get3A_260 {offsets = [12], sizes = [1], strides = [1]} : vector<16xi32> to vector<1xi32>
      %squeeze3A_924 = vector.extract %slice3A_923[0] : i32 from vector<1xi32>
      %jit3A_925 = arith.constant 2 : i32
      %div3A_926 = arith.divsi %add3A_922, %jit3A_925 : i32
      %sign3A_927 = arith.constant 0 : i32
      %sign3A_928 = arith.cmpi sgt, %add3A_922, %sign3A_927 : i32
      %sign3A_929 = arith.extui %sign3A_928 : i1 to i32
      %sign3A_930 = arith.constant 0 : i32
      %sign3A_931 = arith.cmpi slt, %add3A_922, %sign3A_930 : i32
      %sign3A_932 = arith.extui %sign3A_931 : i1 to i32
      %sign3A_933 = arith.subi %sign3A_929, %sign3A_932 : i32
      %sign3A_934 = arith.constant 0 : i32
      %sign3A_935 = arith.cmpi sgt, %jit3A_925, %sign3A_934 : i32
      %sign3A_936 = arith.extui %sign3A_935 : i1 to i32
      %sign3A_937 = arith.constant 0 : i32
      %sign3A_938 = arith.cmpi slt, %jit3A_925, %sign3A_937 : i32
      %sign3A_939 = arith.extui %sign3A_938 : i1 to i32
      %sign3A_940 = arith.subi %sign3A_936, %sign3A_939 : i32
      %ne3A_941 = arith.cmpi ne, %sign3A_933, %sign3A_940 : i32
      %rem3A_942 = arith.remsi %add3A_922, %jit3A_925 : i32
      %ne3A_943 = arith.constant 0 : i32
      %ne3A_944 = arith.cmpi ne, %rem3A_942, %ne3A_943 : i32
      %and3A_945 = arith.andi %ne3A_941, %ne3A_944 : i1
      %sub3A_946 = arith.constant 1 : i32
      %sub3A_947 = arith.subi %div3A_926, %sub3A_946 : i32
      %select_n3A_948 = arith.select %and3A_945, %sub3A_947, %div3A_926 : i32
      %jit3A_949 = arith.constant 2 : i32
      %eq3A_950 = arith.constant 0 : i32
      %eq3A_951 = arith.cmpi eq, %jit3A_949, %eq3A_950 : i32
      %jit3A_952 = arith.constant 1 : i32
      %select_n3A_953 = arith.select %eq3A_951, %jit3A_952, %jit3A_949 : i32
      %rem3A_954 = arith.remsi %add3A_922, %select_n3A_953 : i32
      %ne3A_955 = arith.constant 0 : i32
      %ne3A_956 = arith.cmpi ne, %rem3A_954, %ne3A_955 : i32
      %lt3A_957 = arith.constant 0 : i32
      %lt3A_958 = arith.cmpi slt, %rem3A_954, %lt3A_957 : i32
      %lt3A_959 = arith.constant 0 : i32
      %lt3A_960 = arith.cmpi slt, %select_n3A_953, %lt3A_959 : i32
      %ne3A_961 = arith.xori %lt3A_958, %lt3A_960 : i1
      %and3A_962 = arith.andi %ne3A_961, %ne3A_956 : i1
      %add3A_963 = arith.addi %rem3A_954, %select_n3A_953 : i32
      %select_n3A_964 = arith.select %and3A_962, %add3A_963, %rem3A_954 : i32
      %mul3A_965 = arith.constant 64 : i32
      %mul3A_966 = arith.muli %select_n3A_964, %mul3A_965 : i32
      %dma_start3A_967 = tpu.memref_slice %arg10[%select_n3A_948, %mul3A_966] : memref<256x128xf32, #tpu.memory_space<vmem>> -> memref<1x64xf32, #tpu.memory_space<vmem>>
      %dma_start3A_968 = tpu.memref_squeeze %dma_start3A_967 : memref<1x64xf32, #tpu.memory_space<vmem>> -> memref<64xf32, #tpu.memory_space<vmem>>
      %dma_start3A_969 = arith.constant 0 : i32
      %dma_start3A_970 = tpu.memref_slice %arg4[%squeeze3A_924, %dma_start3A_969] : memref<100000x64xf32, #tpu.memory_space<hbm>> -> memref<1x64xf32, #tpu.memory_space<hbm>>
      %dma_start3A_971 = tpu.memref_squeeze %dma_start3A_970 : memref<1x64xf32, #tpu.memory_space<hbm>> -> memref<64xf32, #tpu.memory_space<hbm>>
      %dma_start3A_972 = tpu.memref_slice %arg10[%select_n3A_948, %mul3A_966] : memref<256x128xf32, #tpu.memory_space<vmem>> -> memref<1x64xf32, #tpu.memory_space<vmem>>
      %dma_start3A_973 = tpu.memref_squeeze %dma_start3A_972 : memref<1x64xf32, #tpu.memory_space<vmem>> -> memref<64xf32, #tpu.memory_space<vmem>>
      %dma_start3A_974 = arith.constant 0 : i32
      %dma_start3A_975 = tpu.memref_slice %arg4[%squeeze3A_924, %dma_start3A_974] : memref<100000x64xf32, #tpu.memory_space<hbm>> -> memref<1x64xf32, #tpu.memory_space<hbm>>
      %dma_start3A_976 = tpu.memref_squeeze %dma_start3A_975 : memref<1x64xf32, #tpu.memory_space<hbm>> -> memref<64xf32, #tpu.memory_space<hbm>>
      tpu.enqueue_dma source(%dma_start3A_976 : memref<64xf32, #tpu.memory_space<hbm>>) target(%dma_start3A_973 : memref<64xf32, #tpu.memory_space<vmem>>) target_semaphore(%arg14 : memref<!tpu.dma_semaphore, #tpu.memory_space<semaphore_mem>>)
      %add3A_977 = arith.constant 13 : i32
      %add3A_978 = arith.addi %mul3A_258, %add3A_977 : i32
      %slice3A_979 = vector.extract_strided_slice %get3A_260 {offsets = [13], sizes = [1], strides = [1]} : vector<16xi32> to vector<1xi32>
      %squeeze3A_980 = vector.extract %slice3A_979[0] : i32 from vector<1xi32>
      %jit3A_981 = arith.constant 2 : i32
      %div3A_982 = arith.divsi %add3A_978, %jit3A_981 : i32
      %sign3A_983 = arith.constant 0 : i32
      %sign3A_984 = arith.cmpi sgt, %add3A_978, %sign3A_983 : i32
      %sign3A_985 = arith.extui %sign3A_984 : i1 to i32
      %sign3A_986 = arith.constant 0 : i32
      %sign3A_987 = arith.cmpi slt, %add3A_978, %sign3A_986 : i32
      %sign3A_988 = arith.extui %sign3A_987 : i1 to i32
      %sign3A_989 = arith.subi %sign3A_985, %sign3A_988 : i32
      %sign3A_990 = arith.constant 0 : i32
      %sign3A_991 = arith.cmpi sgt, %jit3A_981, %sign3A_990 : i32
      %sign3A_992 = arith.extui %sign3A_991 : i1 to i32
      %sign3A_993 = arith.constant 0 : i32
      %sign3A_994 = arith.cmpi slt, %jit3A_981, %sign3A_993 : i32
      %sign3A_995 = arith.extui %sign3A_994 : i1 to i32
      %sign3A_996 = arith.subi %sign3A_992, %sign3A_995 : i32
      %ne3A_997 = arith.cmpi ne, %sign3A_989, %sign3A_996 : i32
      %rem3A_998 = arith.remsi %add3A_978, %jit3A_981 : i32
      %ne3A_999 = arith.constant 0 : i32
      %ne3A_1000 = arith.cmpi ne, %rem3A_998, %ne3A_999 : i32
      %and3A_1001 = arith.andi %ne3A_997, %ne3A_1000 : i1
      %sub3A_1002 = arith.constant 1 : i32
      %sub3A_1003 = arith.subi %div3A_982, %sub3A_1002 : i32
      %select_n3A_1004 = arith.select %and3A_1001, %sub3A_1003, %div3A_982 : i32
      %jit3A_1005 = arith.constant 2 : i32
      %eq3A_1006 = arith.constant 0 : i32
      %eq3A_1007 = arith.cmpi eq, %jit3A_1005, %eq3A_1006 : i32
      %jit3A_1008 = arith.constant 1 : i32
      %select_n3A_1009 = arith.select %eq3A_1007, %jit3A_1008, %jit3A_1005 : i32
      %rem3A_1010 = arith.remsi %add3A_978, %select_n3A_1009 : i32
      %ne3A_1011 = arith.constant 0 : i32
      %ne3A_1012 = arith.cmpi ne, %rem3A_1010, %ne3A_1011 : i32
      %lt3A_1013 = arith.constant 0 : i32
      %lt3A_1014 = arith.cmpi slt, %rem3A_1010, %lt3A_1013 : i32
      %lt3A_1015 = arith.constant 0 : i32
      %lt3A_1016 = arith.cmpi slt, %select_n3A_1009, %lt3A_1015 : i32
      %ne3A_1017 = arith.xori %lt3A_1014, %lt3A_1016 : i1
      %and3A_1018 = arith.andi %ne3A_1017, %ne3A_1012 : i1
      %add3A_1019 = arith.addi %rem3A_1010, %select_n3A_1009 : i32
      %select_n3A_1020 = arith.select %and3A_1018, %add3A_1019, %rem3A_1010 : i32
      %mul3A_1021 = arith.constant 64 : i32
      %mul3A_1022 = arith.muli %select_n3A_1020, %mul3A_1021 : i32
      %dma_start3A_1023 = tpu.memref_slice %arg10[%select_n3A_1004, %mul3A_1022] : memref<256x128xf32, #tpu.memory_space<vmem>> -> memref<1x64xf32, #tpu.memory_space<vmem>>
      %dma_start3A_1024 = tpu.memref_squeeze %dma_start3A_1023 : memref<1x64xf32, #tpu.memory_space<vmem>> -> memref<64xf32, #tpu.memory_space<vmem>>
      %dma_start3A_1025 = arith.constant 0 : i32
      %dma_start3A_1026 = tpu.memref_slice %arg4[%squeeze3A_980, %dma_start3A_1025] : memref<100000x64xf32, #tpu.memory_space<hbm>> -> memref<1x64xf32, #tpu.memory_space<hbm>>
      %dma_start3A_1027 = tpu.memref_squeeze %dma_start3A_1026 : memref<1x64xf32, #tpu.memory_space<hbm>> -> memref<64xf32, #tpu.memory_space<hbm>>
      %dma_start3A_1028 = tpu.memref_slice %arg10[%select_n3A_1004, %mul3A_1022] : memref<256x128xf32, #tpu.memory_space<vmem>> -> memref<1x64xf32, #tpu.memory_space<vmem>>
      %dma_start3A_1029 = tpu.memref_squeeze %dma_start3A_1028 : memref<1x64xf32, #tpu.memory_space<vmem>> -> memref<64xf32, #tpu.memory_space<vmem>>
      %dma_start3A_1030 = arith.constant 0 : i32
      %dma_start3A_1031 = tpu.memref_slice %arg4[%squeeze3A_980, %dma_start3A_1030] : memref<100000x64xf32, #tpu.memory_space<hbm>> -> memref<1x64xf32, #tpu.memory_space<hbm>>
      %dma_start3A_1032 = tpu.memref_squeeze %dma_start3A_1031 : memref<1x64xf32, #tpu.memory_space<hbm>> -> memref<64xf32, #tpu.memory_space<hbm>>
      tpu.enqueue_dma source(%dma_start3A_1032 : memref<64xf32, #tpu.memory_space<hbm>>) target(%dma_start3A_1029 : memref<64xf32, #tpu.memory_space<vmem>>) target_semaphore(%arg14 : memref<!tpu.dma_semaphore, #tpu.memory_space<semaphore_mem>>)
      %add3A_1033 = arith.constant 14 : i32
      %add3A_1034 = arith.addi %mul3A_258, %add3A_1033 : i32
      %slice3A_1035 = vector.extract_strided_slice %get3A_260 {offsets = [14], sizes = [1], strides = [1]} : vector<16xi32> to vector<1xi32>
      %squeeze3A_1036 = vector.extract %slice3A_1035[0] : i32 from vector<1xi32>
      %jit3A_1037 = arith.constant 2 : i32
      %div3A_1038 = arith.divsi %add3A_1034, %jit3A_1037 : i32
      %sign3A_1039 = arith.constant 0 : i32
      %sign3A_1040 = arith.cmpi sgt, %add3A_1034, %sign3A_1039 : i32
      %sign3A_1041 = arith.extui %sign3A_1040 : i1 to i32
      %sign3A_1042 = arith.constant 0 : i32
      %sign3A_1043 = arith.cmpi slt, %add3A_1034, %sign3A_1042 : i32
      %sign3A_1044 = arith.extui %sign3A_1043 : i1 to i32
      %sign3A_1045 = arith.subi %sign3A_1041, %sign3A_1044 : i32
      %sign3A_1046 = arith.constant 0 : i32
      %sign3A_1047 = arith.cmpi sgt, %jit3A_1037, %sign3A_1046 : i32
      %sign3A_1048 = arith.extui %sign3A_1047 : i1 to i32
      %sign3A_1049 = arith.constant 0 : i32
      %sign3A_1050 = arith.cmpi slt, %jit3A_1037, %sign3A_1049 : i32
      %sign3A_1051 = arith.extui %sign3A_1050 : i1 to i32
      %sign3A_1052 = arith.subi %sign3A_1048, %sign3A_1051 : i32
      %ne3A_1053 = arith.cmpi ne, %sign3A_1045, %sign3A_1052 : i32
      %rem3A_1054 = arith.remsi %add3A_1034, %jit3A_1037 : i32
      %ne3A_1055 = arith.constant 0 : i32
      %ne3A_1056 = arith.cmpi ne, %rem3A_1054, %ne3A_1055 : i32
      %and3A_1057 = arith.andi %ne3A_1053, %ne3A_1056 : i1
      %sub3A_1058 = arith.constant 1 : i32
      %sub3A_1059 = arith.subi %div3A_1038, %sub3A_1058 : i32
      %select_n3A_1060 = arith.select %and3A_1057, %sub3A_1059, %div3A_1038 : i32
      %jit3A_1061 = arith.constant 2 : i32
      %eq3A_1062 = arith.constant 0 : i32
      %eq3A_1063 = arith.cmpi eq, %jit3A_1061, %eq3A_1062 : i32
      %jit3A_1064 = arith.constant 1 : i32
      %select_n3A_1065 = arith.select %eq3A_1063, %jit3A_1064, %jit3A_1061 : i32
      %rem3A_1066 = arith.remsi %add3A_1034, %select_n3A_1065 : i32
      %ne3A_1067 = arith.constant 0 : i32
      %ne3A_1068 = arith.cmpi ne, %rem3A_1066, %ne3A_1067 : i32
      %lt3A_1069 = arith.constant 0 : i32
      %lt3A_1070 = arith.cmpi slt, %rem3A_1066, %lt3A_1069 : i32
      %lt3A_1071 = arith.constant 0 : i32
      %lt3A_1072 = arith.cmpi slt, %select_n3A_1065, %lt3A_1071 : i32
      %ne3A_1073 = arith.xori %lt3A_1070, %lt3A_1072 : i1
      %and3A_1074 = arith.andi %ne3A_1073, %ne3A_1068 : i1
      %add3A_1075 = arith.addi %rem3A_1066, %select_n3A_1065 : i32
      %select_n3A_1076 = arith.select %and3A_1074, %add3A_1075, %rem3A_1066 : i32
      %mul3A_1077 = arith.constant 64 : i32
      %mul3A_1078 = arith.muli %select_n3A_1076, %mul3A_1077 : i32
      %dma_start3A_1079 = tpu.memref_slice %arg10[%select_n3A_1060, %mul3A_1078] : memref<256x128xf32, #tpu.memory_space<vmem>> -> memref<1x64xf32, #tpu.memory_space<vmem>>
      %dma_start3A_1080 = tpu.memref_squeeze %dma_start3A_1079 : memref<1x64xf32, #tpu.memory_space<vmem>> -> memref<64xf32, #tpu.memory_space<vmem>>
      %dma_start3A_1081 = arith.constant 0 : i32
      %dma_start3A_1082 = tpu.memref_slice %arg4[%squeeze3A_1036, %dma_start3A_1081] : memref<100000x64xf32, #tpu.memory_space<hbm>> -> memref<1x64xf32, #tpu.memory_space<hbm>>
      %dma_start3A_1083 = tpu.memref_squeeze %dma_start3A_1082 : memref<1x64xf32, #tpu.memory_space<hbm>> -> memref<64xf32, #tpu.memory_space<hbm>>
      %dma_start3A_1084 = tpu.memref_slice %arg10[%select_n3A_1060, %mul3A_1078] : memref<256x128xf32, #tpu.memory_space<vmem>> -> memref<1x64xf32, #tpu.memory_space<vmem>>
      %dma_start3A_1085 = tpu.memref_squeeze %dma_start3A_1084 : memref<1x64xf32, #tpu.memory_space<vmem>> -> memref<64xf32, #tpu.memory_space<vmem>>
      %dma_start3A_1086 = arith.constant 0 : i32
      %dma_start3A_1087 = tpu.memref_slice %arg4[%squeeze3A_1036, %dma_start3A_1086] : memref<100000x64xf32, #tpu.memory_space<hbm>> -> memref<1x64xf32, #tpu.memory_space<hbm>>
      %dma_start3A_1088 = tpu.memref_squeeze %dma_start3A_1087 : memref<1x64xf32, #tpu.memory_space<hbm>> -> memref<64xf32, #tpu.memory_space<hbm>>
      tpu.enqueue_dma source(%dma_start3A_1088 : memref<64xf32, #tpu.memory_space<hbm>>) target(%dma_start3A_1085 : memref<64xf32, #tpu.memory_space<vmem>>) target_semaphore(%arg14 : memref<!tpu.dma_semaphore, #tpu.memory_space<semaphore_mem>>)
      %add3A_1089 = arith.constant 15 : i32
      %add3A_1090 = arith.addi %mul3A_258, %add3A_1089 : i32
      %slice3A_1091 = vector.extract_strided_slice %get3A_260 {offsets = [15], sizes = [1], strides = [1]} : vector<16xi32> to vector<1xi32>
      %squeeze3A_1092 = vector.extract %slice3A_1091[0] : i32 from vector<1xi32>
      %jit3A_1093 = arith.constant 2 : i32
      %div3A_1094 = arith.divsi %add3A_1090, %jit3A_1093 : i32
      %sign3A_1095 = arith.constant 0 : i32
      %sign3A_1096 = arith.cmpi sgt, %add3A_1090, %sign3A_1095 : i32
      %sign3A_1097 = arith.extui %sign3A_1096 : i1 to i32
      %sign3A_1098 = arith.constant 0 : i32
      %sign3A_1099 = arith.cmpi slt, %add3A_1090, %sign3A_1098 : i32
      %sign3A_1100 = arith.extui %sign3A_1099 : i1 to i32
      %sign3A_1101 = arith.subi %sign3A_1097, %sign3A_1100 : i32
      %sign3A_1102 = arith.constant 0 : i32
      %sign3A_1103 = arith.cmpi sgt, %jit3A_1093, %sign3A_1102 : i32
      %sign3A_1104 = arith.extui %sign3A_1103 : i1 to i32
      %sign3A_1105 = arith.constant 0 : i32
      %sign3A_1106 = arith.cmpi slt, %jit3A_1093, %sign3A_1105 : i32
      %sign3A_1107 = arith.extui %sign3A_1106 : i1 to i32
      %sign3A_1108 = arith.subi %sign3A_1104, %sign3A_1107 : i32
      %ne3A_1109 = arith.cmpi ne, %sign3A_1101, %sign3A_1108 : i32
      %rem3A_1110 = arith.remsi %add3A_1090, %jit3A_1093 : i32
      %ne3A_1111 = arith.constant 0 : i32
      %ne3A_1112 = arith.cmpi ne, %rem3A_1110, %ne3A_1111 : i32
      %and3A_1113 = arith.andi %ne3A_1109, %ne3A_1112 : i1
      %sub3A_1114 = arith.constant 1 : i32
      %sub3A_1115 = arith.subi %div3A_1094, %sub3A_1114 : i32
      %select_n3A_1116 = arith.select %and3A_1113, %sub3A_1115, %div3A_1094 : i32
      %jit3A_1117 = arith.constant 2 : i32
      %eq3A_1118 = arith.constant 0 : i32
      %eq3A_1119 = arith.cmpi eq, %jit3A_1117, %eq3A_1118 : i32
      %jit3A_1120 = arith.constant 1 : i32
      %select_n3A_1121 = arith.select %eq3A_1119, %jit3A_1120, %jit3A_1117 : i32
      %rem3A_1122 = arith.remsi %add3A_1090, %select_n3A_1121 : i32
      %ne3A_1123 = arith.constant 0 : i32
      %ne3A_1124 = arith.cmpi ne, %rem3A_1122, %ne3A_1123 : i32
      %lt3A_1125 = arith.constant 0 : i32
      %lt3A_1126 = arith.cmpi slt, %rem3A_1122, %lt3A_1125 : i32
      %lt3A_1127 = arith.constant 0 : i32
      %lt3A_1128 = arith.cmpi slt, %select_n3A_1121, %lt3A_1127 : i32
      %ne3A_1129 = arith.xori %lt3A_1126, %lt3A_1128 : i1
      %and3A_1130 = arith.andi %ne3A_1129, %ne3A_1124 : i1
      %add3A_1131 = arith.addi %rem3A_1122, %select_n3A_1121 : i32
      %select_n3A_1132 = arith.select %and3A_1130, %add3A_1131, %rem3A_1122 : i32
      %mul3A_1133 = arith.constant 64 : i32
      %mul3A_1134 = arith.muli %select_n3A_1132, %mul3A_1133 : i32
      %dma_start3A_1135 = tpu.memref_slice %arg10[%select_n3A_1116, %mul3A_1134] : memref<256x128xf32, #tpu.memory_space<vmem>> -> memref<1x64xf32, #tpu.memory_space<vmem>>
      %dma_start3A_1136 = tpu.memref_squeeze %dma_start3A_1135 : memref<1x64xf32, #tpu.memory_space<vmem>> -> memref<64xf32, #tpu.memory_space<vmem>>
      %dma_start3A_1137 = arith.constant 0 : i32
      %dma_start3A_1138 = tpu.memref_slice %arg4[%squeeze3A_1092, %dma_start3A_1137] : memref<100000x64xf32, #tpu.memory_space<hbm>> -> memref<1x64xf32, #tpu.memory_space<hbm>>
      %dma_start3A_1139 = tpu.memref_squeeze %dma_start3A_1138 : memref<1x64xf32, #tpu.memory_space<hbm>> -> memref<64xf32, #tpu.memory_space<hbm>>
      %dma_start3A_1140 = tpu.memref_slice %arg10[%select_n3A_1116, %mul3A_1134] : memref<256x128xf32, #tpu.memory_space<vmem>> -> memref<1x64xf32, #tpu.memory_space<vmem>>
      %dma_start3A_1141 = tpu.memref_squeeze %dma_start3A_1140 : memref<1x64xf32, #tpu.memory_space<vmem>> -> memref<64xf32, #tpu.memory_space<vmem>>
      %dma_start3A_1142 = arith.constant 0 : i32
      %dma_start3A_1143 = tpu.memref_slice %arg4[%squeeze3A_1092, %dma_start3A_1142] : memref<100000x64xf32, #tpu.memory_space<hbm>> -> memref<1x64xf32, #tpu.memory_space<hbm>>
      %dma_start3A_1144 = tpu.memref_squeeze %dma_start3A_1143 : memref<1x64xf32, #tpu.memory_space<hbm>> -> memref<64xf32, #tpu.memory_space<hbm>>
      tpu.enqueue_dma source(%dma_start3A_1144 : memref<64xf32, #tpu.memory_space<hbm>>) target(%dma_start3A_1141 : memref<64xf32, #tpu.memory_space<vmem>>) target_semaphore(%arg14 : memref<!tpu.dma_semaphore, #tpu.memory_space<semaphore_mem>>)
      %dma_wait3A_1145 = tpu.memref_slice %arg10[%select_n3A, %mul3A_294] : memref<256x128xf32, #tpu.memory_space<vmem>> -> memref<1x64xf32, #tpu.memory_space<vmem>>
      %dma_wait3A_1146 = tpu.memref_squeeze %dma_wait3A_1145 : memref<1x64xf32, #tpu.memory_space<vmem>> -> memref<64xf32, #tpu.memory_space<vmem>>
      %dma_wait3A_1147 = arith.constant 0 : i32
      %dma_wait3A_1148 = tpu.memref_slice %arg4[%squeeze3A, %dma_wait3A_1147] : memref<100000x64xf32, #tpu.memory_space<hbm>> -> memref<1x64xf32, #tpu.memory_space<hbm>>
      %dma_wait3A_1149 = tpu.memref_squeeze %dma_wait3A_1148 : memref<1x64xf32, #tpu.memory_space<hbm>> -> memref<64xf32, #tpu.memory_space<hbm>>
      %dma_wait3A_1150 = tpu.memref_slice %arg10[%select_n3A, %mul3A_294] : memref<256x128xf32, #tpu.memory_space<vmem>> -> memref<1x64xf32, #tpu.memory_space<vmem>>
      %dma_wait3A_1151 = tpu.memref_squeeze %dma_wait3A_1150 : memref<1x64xf32, #tpu.memory_space<vmem>> -> memref<64xf32, #tpu.memory_space<vmem>>
      %dma_wait3A_1152 = arith.constant 0 : i32
      %dma_wait3A_1153 = tpu.memref_slice %arg4[%squeeze3A, %dma_wait3A_1152] : memref<100000x64xf32, #tpu.memory_space<hbm>> -> memref<1x64xf32, #tpu.memory_space<hbm>>
      %dma_wait3A_1154 = tpu.memref_squeeze %dma_wait3A_1153 : memref<1x64xf32, #tpu.memory_space<hbm>> -> memref<64xf32, #tpu.memory_space<hbm>>
      tpu.wait_dma2 semaphore(%arg14 : memref<!tpu.dma_semaphore, #tpu.memory_space<semaphore_mem>>) src(%dma_wait3A_1154 : memref<64xf32, #tpu.memory_space<hbm>>) dst(%dma_wait3A_1151 : memref<64xf32, #tpu.memory_space<vmem>>)
      %dma_wait3A_1155 = tpu.memref_slice %arg10[%select_n3A_332, %mul3A_350] : memref<256x128xf32, #tpu.memory_space<vmem>> -> memref<1x64xf32, #tpu.memory_space<vmem>>
      %dma_wait3A_1156 = tpu.memref_squeeze %dma_wait3A_1155 : memref<1x64xf32, #tpu.memory_space<vmem>> -> memref<64xf32, #tpu.memory_space<vmem>>
      %dma_wait3A_1157 = arith.constant 0 : i32
      %dma_wait3A_1158 = tpu.memref_slice %arg4[%squeeze3A_308, %dma_wait3A_1157] : memref<100000x64xf32, #tpu.memory_space<hbm>> -> memref<1x64xf32, #tpu.memory_space<hbm>>
      %dma_wait3A_1159 = tpu.memref_squeeze %dma_wait3A_1158 : memref<1x64xf32, #tpu.memory_space<hbm>> -> memref<64xf32, #tpu.memory_space<hbm>>
      %dma_wait3A_1160 = tpu.memref_slice %arg10[%select_n3A_332, %mul3A_350] : memref<256x128xf32, #tpu.memory_space<vmem>> -> memref<1x64xf32, #tpu.memory_space<vmem>>
      %dma_wait3A_1161 = tpu.memref_squeeze %dma_wait3A_1160 : memref<1x64xf32, #tpu.memory_space<vmem>> -> memref<64xf32, #tpu.memory_space<vmem>>
      %dma_wait3A_1162 = arith.constant 0 : i32
      %dma_wait3A_1163 = tpu.memref_slice %arg4[%squeeze3A_308, %dma_wait3A_1162] : memref<100000x64xf32, #tpu.memory_space<hbm>> -> memref<1x64xf32, #tpu.memory_space<hbm>>
      %dma_wait3A_1164 = tpu.memref_squeeze %dma_wait3A_1163 : memref<1x64xf32, #tpu.memory_space<hbm>> -> memref<64xf32, #tpu.memory_space<hbm>>
      tpu.wait_dma2 semaphore(%arg14 : memref<!tpu.dma_semaphore, #tpu.memory_space<semaphore_mem>>) src(%dma_wait3A_1164 : memref<64xf32, #tpu.memory_space<hbm>>) dst(%dma_wait3A_1161 : memref<64xf32, #tpu.memory_space<vmem>>)
      %dma_wait3A_1165 = tpu.memref_slice %arg10[%select_n3A_388, %mul3A_406] : memref<256x128xf32, #tpu.memory_space<vmem>> -> memref<1x64xf32, #tpu.memory_space<vmem>>
      %dma_wait3A_1166 = tpu.memref_squeeze %dma_wait3A_1165 : memref<1x64xf32, #tpu.memory_space<vmem>> -> memref<64xf32, #tpu.memory_space<vmem>>
      %dma_wait3A_1167 = arith.constant 0 : i32
      %dma_wait3A_1168 = tpu.memref_slice %arg4[%squeeze3A_364, %dma_wait3A_1167] : memref<100000x64xf32, #tpu.memory_space<hbm>> -> memref<1x64xf32, #tpu.memory_space<hbm>>
      %dma_wait3A_1169 = tpu.memref_squeeze %dma_wait3A_1168 : memref<1x64xf32, #tpu.memory_space<hbm>> -> memref<64xf32, #tpu.memory_space<hbm>>
      %dma_wait3A_1170 = tpu.memref_slice %arg10[%select_n3A_388, %mul3A_406] : memref<256x128xf32, #tpu.memory_space<vmem>> -> memref<1x64xf32, #tpu.memory_space<vmem>>
      %dma_wait3A_1171 = tpu.memref_squeeze %dma_wait3A_1170 : memref<1x64xf32, #tpu.memory_space<vmem>> -> memref<64xf32, #tpu.memory_space<vmem>>
      %dma_wait3A_1172 = arith.constant 0 : i32
      %dma_wait3A_1173 = tpu.memref_slice %arg4[%squeeze3A_364, %dma_wait3A_1172] : memref<100000x64xf32, #tpu.memory_space<hbm>> -> memref<1x64xf32, #tpu.memory_space<hbm>>
      %dma_wait3A_1174 = tpu.memref_squeeze %dma_wait3A_1173 : memref<1x64xf32, #tpu.memory_space<hbm>> -> memref<64xf32, #tpu.memory_space<hbm>>
      tpu.wait_dma2 semaphore(%arg14 : memref<!tpu.dma_semaphore, #tpu.memory_space<semaphore_mem>>) src(%dma_wait3A_1174 : memref<64xf32, #tpu.memory_space<hbm>>) dst(%dma_wait3A_1171 : memref<64xf32, #tpu.memory_space<vmem>>)
      %dma_wait3A_1175 = tpu.memref_slice %arg10[%select_n3A_444, %mul3A_462] : memref<256x128xf32, #tpu.memory_space<vmem>> -> memref<1x64xf32, #tpu.memory_space<vmem>>
      %dma_wait3A_1176 = tpu.memref_squeeze %dma_wait3A_1175 : memref<1x64xf32, #tpu.memory_space<vmem>> -> memref<64xf32, #tpu.memory_space<vmem>>
      %dma_wait3A_1177 = arith.constant 0 : i32
      %dma_wait3A_1178 = tpu.memref_slice %arg4[%squeeze3A_420, %dma_wait3A_1177] : memref<100000x64xf32, #tpu.memory_space<hbm>> -> memref<1x64xf32, #tpu.memory_space<hbm>>
      %dma_wait3A_1179 = tpu.memref_squeeze %dma_wait3A_1178 : memref<1x64xf32, #tpu.memory_space<hbm>> -> memref<64xf32, #tpu.memory_space<hbm>>
      %dma_wait3A_1180 = tpu.memref_slice %arg10[%select_n3A_444, %mul3A_462] : memref<256x128xf32, #tpu.memory_space<vmem>> -> memref<1x64xf32, #tpu.memory_space<vmem>>
      %dma_wait3A_1181 = tpu.memref_squeeze %dma_wait3A_1180 : memref<1x64xf32, #tpu.memory_space<vmem>> -> memref<64xf32, #tpu.memory_space<vmem>>
      %dma_wait3A_1182 = arith.constant 0 : i32
      %dma_wait3A_1183 = tpu.memref_slice %arg4[%squeeze3A_420, %dma_wait3A_1182] : memref<100000x64xf32, #tpu.memory_space<hbm>> -> memref<1x64xf32, #tpu.memory_space<hbm>>
      %dma_wait3A_1184 = tpu.memref_squeeze %dma_wait3A_1183 : memref<1x64xf32, #tpu.memory_space<hbm>> -> memref<64xf32, #tpu.memory_space<hbm>>
      tpu.wait_dma2 semaphore(%arg14 : memref<!tpu.dma_semaphore, #tpu.memory_space<semaphore_mem>>) src(%dma_wait3A_1184 : memref<64xf32, #tpu.memory_space<hbm>>) dst(%dma_wait3A_1181 : memref<64xf32, #tpu.memory_space<vmem>>)
      %dma_wait3A_1185 = tpu.memref_slice %arg10[%select_n3A_500, %mul3A_518] : memref<256x128xf32, #tpu.memory_space<vmem>> -> memref<1x64xf32, #tpu.memory_space<vmem>>
      %dma_wait3A_1186 = tpu.memref_squeeze %dma_wait3A_1185 : memref<1x64xf32, #tpu.memory_space<vmem>> -> memref<64xf32, #tpu.memory_space<vmem>>
      %dma_wait3A_1187 = arith.constant 0 : i32
      %dma_wait3A_1188 = tpu.memref_slice %arg4[%squeeze3A_476, %dma_wait3A_1187] : memref<100000x64xf32, #tpu.memory_space<hbm>> -> memref<1x64xf32, #tpu.memory_space<hbm>>
      %dma_wait3A_1189 = tpu.memref_squeeze %dma_wait3A_1188 : memref<1x64xf32, #tpu.memory_space<hbm>> -> memref<64xf32, #tpu.memory_space<hbm>>
      %dma_wait3A_1190 = tpu.memref_slice %arg10[%select_n3A_500, %mul3A_518] : memref<256x128xf32, #tpu.memory_space<vmem>> -> memref<1x64xf32, #tpu.memory_space<vmem>>
      %dma_wait3A_1191 = tpu.memref_squeeze %dma_wait3A_1190 : memref<1x64xf32, #tpu.memory_space<vmem>> -> memref<64xf32, #tpu.memory_space<vmem>>
      %dma_wait3A_1192 = arith.constant 0 : i32
      %dma_wait3A_1193 = tpu.memref_slice %arg4[%squeeze3A_476, %dma_wait3A_1192] : memref<100000x64xf32, #tpu.memory_space<hbm>> -> memref<1x64xf32, #tpu.memory_space<hbm>>
      %dma_wait3A_1194 = tpu.memref_squeeze %dma_wait3A_1193 : memref<1x64xf32, #tpu.memory_space<hbm>> -> memref<64xf32, #tpu.memory_space<hbm>>
      tpu.wait_dma2 semaphore(%arg14 : memref<!tpu.dma_semaphore, #tpu.memory_space<semaphore_mem>>) src(%dma_wait3A_1194 : memref<64xf32, #tpu.memory_space<hbm>>) dst(%dma_wait3A_1191 : memref<64xf32, #tpu.memory_space<vmem>>)
      %dma_wait3A_1195 = tpu.memref_slice %arg10[%select_n3A_556, %mul3A_574] : memref<256x128xf32, #tpu.memory_space<vmem>> -> memref<1x64xf32, #tpu.memory_space<vmem>>
      %dma_wait3A_1196 = tpu.memref_squeeze %dma_wait3A_1195 : memref<1x64xf32, #tpu.memory_space<vmem>> -> memref<64xf32, #tpu.memory_space<vmem>>
      %dma_wait3A_1197 = arith.constant 0 : i32
      %dma_wait3A_1198 = tpu.memref_slice %arg4[%squeeze3A_532, %dma_wait3A_1197] : memref<100000x64xf32, #tpu.memory_space<hbm>> -> memref<1x64xf32, #tpu.memory_space<hbm>>
      %dma_wait3A_1199 = tpu.memref_squeeze %dma_wait3A_1198 : memref<1x64xf32, #tpu.memory_space<hbm>> -> memref<64xf32, #tpu.memory_space<hbm>>
      %dma_wait3A_1200 = tpu.memref_slice %arg10[%select_n3A_556, %mul3A_574] : memref<256x128xf32, #tpu.memory_space<vmem>> -> memref<1x64xf32, #tpu.memory_space<vmem>>
      %dma_wait3A_1201 = tpu.memref_squeeze %dma_wait3A_1200 : memref<1x64xf32, #tpu.memory_space<vmem>> -> memref<64xf32, #tpu.memory_space<vmem>>
      %dma_wait3A_1202 = arith.constant 0 : i32
      %dma_wait3A_1203 = tpu.memref_slice %arg4[%squeeze3A_532, %dma_wait3A_1202] : memref<100000x64xf32, #tpu.memory_space<hbm>> -> memref<1x64xf32, #tpu.memory_space<hbm>>
      %dma_wait3A_1204 = tpu.memref_squeeze %dma_wait3A_1203 : memref<1x64xf32, #tpu.memory_space<hbm>> -> memref<64xf32, #tpu.memory_space<hbm>>
      tpu.wait_dma2 semaphore(%arg14 : memref<!tpu.dma_semaphore, #tpu.memory_space<semaphore_mem>>) src(%dma_wait3A_1204 : memref<64xf32, #tpu.memory_space<hbm>>) dst(%dma_wait3A_1201 : memref<64xf32, #tpu.memory_space<vmem>>)
      %dma_wait3A_1205 = tpu.memref_slice %arg10[%select_n3A_612, %mul3A_630] : memref<256x128xf32, #tpu.memory_space<vmem>> -> memref<1x64xf32, #tpu.memory_space<vmem>>
      %dma_wait3A_1206 = tpu.memref_squeeze %dma_wait3A_1205 : memref<1x64xf32, #tpu.memory_space<vmem>> -> memref<64xf32, #tpu.memory_space<vmem>>
      %dma_wait3A_1207 = arith.constant 0 : i32
      %dma_wait3A_1208 = tpu.memref_slice %arg4[%squeeze3A_588, %dma_wait3A_1207] : memref<100000x64xf32, #tpu.memory_space<hbm>> -> memref<1x64xf32, #tpu.memory_space<hbm>>
      %dma_wait3A_1209 = tpu.memref_squeeze %dma_wait3A_1208 : memref<1x64xf32, #tpu.memory_space<hbm>> -> memref<64xf32, #tpu.memory_space<hbm>>
      %dma_wait3A_1210 = tpu.memref_slice %arg10[%select_n3A_612, %mul3A_630] : memref<256x128xf32, #tpu.memory_space<vmem>> -> memref<1x64xf32, #tpu.memory_space<vmem>>
      %dma_wait3A_1211 = tpu.memref_squeeze %dma_wait3A_1210 : memref<1x64xf32, #tpu.memory_space<vmem>> -> memref<64xf32, #tpu.memory_space<vmem>>
      %dma_wait3A_1212 = arith.constant 0 : i32
      %dma_wait3A_1213 = tpu.memref_slice %arg4[%squeeze3A_588, %dma_wait3A_1212] : memref<100000x64xf32, #tpu.memory_space<hbm>> -> memref<1x64xf32, #tpu.memory_space<hbm>>
      %dma_wait3A_1214 = tpu.memref_squeeze %dma_wait3A_1213 : memref<1x64xf32, #tpu.memory_space<hbm>> -> memref<64xf32, #tpu.memory_space<hbm>>
      tpu.wait_dma2 semaphore(%arg14 : memref<!tpu.dma_semaphore, #tpu.memory_space<semaphore_mem>>) src(%dma_wait3A_1214 : memref<64xf32, #tpu.memory_space<hbm>>) dst(%dma_wait3A_1211 : memref<64xf32, #tpu.memory_space<vmem>>)
      %dma_wait3A_1215 = tpu.memref_slice %arg10[%select_n3A_668, %mul3A_686] : memref<256x128xf32, #tpu.memory_space<vmem>> -> memref<1x64xf32, #tpu.memory_space<vmem>>
      %dma_wait3A_1216 = tpu.memref_squeeze %dma_wait3A_1215 : memref<1x64xf32, #tpu.memory_space<vmem>> -> memref<64xf32, #tpu.memory_space<vmem>>
      %dma_wait3A_1217 = arith.constant 0 : i32
      %dma_wait3A_1218 = tpu.memref_slice %arg4[%squeeze3A_644, %dma_wait3A_1217] : memref<100000x64xf32, #tpu.memory_space<hbm>> -> memref<1x64xf32, #tpu.memory_space<hbm>>
      %dma_wait3A_1219 = tpu.memref_squeeze %dma_wait3A_1218 : memref<1x64xf32, #tpu.memory_space<hbm>> -> memref<64xf32, #tpu.memory_space<hbm>>
      %dma_wait3A_1220 = tpu.memref_slice %arg10[%select_n3A_668, %mul3A_686] : memref<256x128xf32, #tpu.memory_space<vmem>> -> memref<1x64xf32, #tpu.memory_space<vmem>>
      %dma_wait3A_1221 = tpu.memref_squeeze %dma_wait3A_1220 : memref<1x64xf32, #tpu.memory_space<vmem>> -> memref<64xf32, #tpu.memory_space<vmem>>
      %dma_wait3A_1222 = arith.constant 0 : i32
      %dma_wait3A_1223 = tpu.memref_slice %arg4[%squeeze3A_644, %dma_wait3A_1222] : memref<100000x64xf32, #tpu.memory_space<hbm>> -> memref<1x64xf32, #tpu.memory_space<hbm>>
      %dma_wait3A_1224 = tpu.memref_squeeze %dma_wait3A_1223 : memref<1x64xf32, #tpu.memory_space<hbm>> -> memref<64xf32, #tpu.memory_space<hbm>>
      tpu.wait_dma2 semaphore(%arg14 : memref<!tpu.dma_semaphore, #tpu.memory_space<semaphore_mem>>) src(%dma_wait3A_1224 : memref<64xf32, #tpu.memory_space<hbm>>) dst(%dma_wait3A_1221 : memref<64xf32, #tpu.memory_space<vmem>>)
      %dma_wait3A_1225 = tpu.memref_slice %arg10[%select_n3A_724, %mul3A_742] : memref<256x128xf32, #tpu.memory_space<vmem>> -> memref<1x64xf32, #tpu.memory_space<vmem>>
      %dma_wait3A_1226 = tpu.memref_squeeze %dma_wait3A_1225 : memref<1x64xf32, #tpu.memory_space<vmem>> -> memref<64xf32, #tpu.memory_space<vmem>>
      %dma_wait3A_1227 = arith.constant 0 : i32
      %dma_wait3A_1228 = tpu.memref_slice %arg4[%squeeze3A_700, %dma_wait3A_1227] : memref<100000x64xf32, #tpu.memory_space<hbm>> -> memref<1x64xf32, #tpu.memory_space<hbm>>
      %dma_wait3A_1229 = tpu.memref_squeeze %dma_wait3A_1228 : memref<1x64xf32, #tpu.memory_space<hbm>> -> memref<64xf32, #tpu.memory_space<hbm>>
      %dma_wait3A_1230 = tpu.memref_slice %arg10[%select_n3A_724, %mul3A_742] : memref<256x128xf32, #tpu.memory_space<vmem>> -> memref<1x64xf32, #tpu.memory_space<vmem>>
      %dma_wait3A_1231 = tpu.memref_squeeze %dma_wait3A_1230 : memref<1x64xf32, #tpu.memory_space<vmem>> -> memref<64xf32, #tpu.memory_space<vmem>>
      %dma_wait3A_1232 = arith.constant 0 : i32
      %dma_wait3A_1233 = tpu.memref_slice %arg4[%squeeze3A_700, %dma_wait3A_1232] : memref<100000x64xf32, #tpu.memory_space<hbm>> -> memref<1x64xf32, #tpu.memory_space<hbm>>
      %dma_wait3A_1234 = tpu.memref_squeeze %dma_wait3A_1233 : memref<1x64xf32, #tpu.memory_space<hbm>> -> memref<64xf32, #tpu.memory_space<hbm>>
      tpu.wait_dma2 semaphore(%arg14 : memref<!tpu.dma_semaphore, #tpu.memory_space<semaphore_mem>>) src(%dma_wait3A_1234 : memref<64xf32, #tpu.memory_space<hbm>>) dst(%dma_wait3A_1231 : memref<64xf32, #tpu.memory_space<vmem>>)
      %dma_wait3A_1235 = tpu.memref_slice %arg10[%select_n3A_780, %mul3A_798] : memref<256x128xf32, #tpu.memory_space<vmem>> -> memref<1x64xf32, #tpu.memory_space<vmem>>
      %dma_wait3A_1236 = tpu.memref_squeeze %dma_wait3A_1235 : memref<1x64xf32, #tpu.memory_space<vmem>> -> memref<64xf32, #tpu.memory_space<vmem>>
      %dma_wait3A_1237 = arith.constant 0 : i32
      %dma_wait3A_1238 = tpu.memref_slice %arg4[%squeeze3A_756, %dma_wait3A_1237] : memref<100000x64xf32, #tpu.memory_space<hbm>> -> memref<1x64xf32, #tpu.memory_space<hbm>>
      %dma_wait3A_1239 = tpu.memref_squeeze %dma_wait3A_1238 : memref<1x64xf32, #tpu.memory_space<hbm>> -> memref<64xf32, #tpu.memory_space<hbm>>
      %dma_wait3A_1240 = tpu.memref_slice %arg10[%select_n3A_780, %mul3A_798] : memref<256x128xf32, #tpu.memory_space<vmem>> -> memref<1x64xf32, #tpu.memory_space<vmem>>
      %dma_wait3A_1241 = tpu.memref_squeeze %dma_wait3A_1240 : memref<1x64xf32, #tpu.memory_space<vmem>> -> memref<64xf32, #tpu.memory_space<vmem>>
      %dma_wait3A_1242 = arith.constant 0 : i32
      %dma_wait3A_1243 = tpu.memref_slice %arg4[%squeeze3A_756, %dma_wait3A_1242] : memref<100000x64xf32, #tpu.memory_space<hbm>> -> memref<1x64xf32, #tpu.memory_space<hbm>>
      %dma_wait3A_1244 = tpu.memref_squeeze %dma_wait3A_1243 : memref<1x64xf32, #tpu.memory_space<hbm>> -> memref<64xf32, #tpu.memory_space<hbm>>
      tpu.wait_dma2 semaphore(%arg14 : memref<!tpu.dma_semaphore, #tpu.memory_space<semaphore_mem>>) src(%dma_wait3A_1244 : memref<64xf32, #tpu.memory_space<hbm>>) dst(%dma_wait3A_1241 : memref<64xf32, #tpu.memory_space<vmem>>)
      %dma_wait3A_1245 = tpu.memref_slice %arg10[%select_n3A_836, %mul3A_854] : memref<256x128xf32, #tpu.memory_space<vmem>> -> memref<1x64xf32, #tpu.memory_space<vmem>>
      %dma_wait3A_1246 = tpu.memref_squeeze %dma_wait3A_1245 : memref<1x64xf32, #tpu.memory_space<vmem>> -> memref<64xf32, #tpu.memory_space<vmem>>
      %dma_wait3A_1247 = arith.constant 0 : i32
      %dma_wait3A_1248 = tpu.memref_slice %arg4[%squeeze3A_812, %dma_wait3A_1247] : memref<100000x64xf32, #tpu.memory_space<hbm>> -> memref<1x64xf32, #tpu.memory_space<hbm>>
      %dma_wait3A_1249 = tpu.memref_squeeze %dma_wait3A_1248 : memref<1x64xf32, #tpu.memory_space<hbm>> -> memref<64xf32, #tpu.memory_space<hbm>>
      %dma_wait3A_1250 = tpu.memref_slice %arg10[%select_n3A_836, %mul3A_854] : memref<256x128xf32, #tpu.memory_space<vmem>> -> memref<1x64xf32, #tpu.memory_space<vmem>>
      %dma_wait3A_1251 = tpu.memref_squeeze %dma_wait3A_1250 : memref<1x64xf32, #tpu.memory_space<vmem>> -> memref<64xf32, #tpu.memory_space<vmem>>
      %dma_wait3A_1252 = arith.constant 0 : i32
      %dma_wait3A_1253 = tpu.memref_slice %arg4[%squeeze3A_812, %dma_wait3A_1252] : memref<100000x64xf32, #tpu.memory_space<hbm>> -> memref<1x64xf32, #tpu.memory_space<hbm>>
      %dma_wait3A_1254 = tpu.memref_squeeze %dma_wait3A_1253 : memref<1x64xf32, #tpu.memory_space<hbm>> -> memref<64xf32, #tpu.memory_space<hbm>>
      tpu.wait_dma2 semaphore(%arg14 : memref<!tpu.dma_semaphore, #tpu.memory_space<semaphore_mem>>) src(%dma_wait3A_1254 : memref<64xf32, #tpu.memory_space<hbm>>) dst(%dma_wait3A_1251 : memref<64xf32, #tpu.memory_space<vmem>>)
      %dma_wait3A_1255 = tpu.memref_slice %arg10[%select_n3A_892, %mul3A_910] : memref<256x128xf32, #tpu.memory_space<vmem>> -> memref<1x64xf32, #tpu.memory_space<vmem>>
      %dma_wait3A_1256 = tpu.memref_squeeze %dma_wait3A_1255 : memref<1x64xf32, #tpu.memory_space<vmem>> -> memref<64xf32, #tpu.memory_space<vmem>>
      %dma_wait3A_1257 = arith.constant 0 : i32
      %dma_wait3A_1258 = tpu.memref_slice %arg4[%squeeze3A_868, %dma_wait3A_1257] : memref<100000x64xf32, #tpu.memory_space<hbm>> -> memref<1x64xf32, #tpu.memory_space<hbm>>
      %dma_wait3A_1259 = tpu.memref_squeeze %dma_wait3A_1258 : memref<1x64xf32, #tpu.memory_space<hbm>> -> memref<64xf32, #tpu.memory_space<hbm>>
      %dma_wait3A_1260 = tpu.memref_slice %arg10[%select_n3A_892, %mul3A_910] : memref<256x128xf32, #tpu.memory_space<vmem>> -> memref<1x64xf32, #tpu.memory_space<vmem>>
      %dma_wait3A_1261 = tpu.memref_squeeze %dma_wait3A_1260 : memref<1x64xf32, #tpu.memory_space<vmem>> -> memref<64xf32, #tpu.memory_space<vmem>>
      %dma_wait3A_1262 = arith.constant 0 : i32
      %dma_wait3A_1263 = tpu.memref_slice %arg4[%squeeze3A_868, %dma_wait3A_1262] : memref<100000x64xf32, #tpu.memory_space<hbm>> -> memref<1x64xf32, #tpu.memory_space<hbm>>
      %dma_wait3A_1264 = tpu.memref_squeeze %dma_wait3A_1263 : memref<1x64xf32, #tpu.memory_space<hbm>> -> memref<64xf32, #tpu.memory_space<hbm>>
      tpu.wait_dma2 semaphore(%arg14 : memref<!tpu.dma_semaphore, #tpu.memory_space<semaphore_mem>>) src(%dma_wait3A_1264 : memref<64xf32, #tpu.memory_space<hbm>>) dst(%dma_wait3A_1261 : memref<64xf32, #tpu.memory_space<vmem>>)
      %dma_wait3A_1265 = tpu.memref_slice %arg10[%select_n3A_948, %mul3A_966] : memref<256x128xf32, #tpu.memory_space<vmem>> -> memref<1x64xf32, #tpu.memory_space<vmem>>
      %dma_wait3A_1266 = tpu.memref_squeeze %dma_wait3A_1265 : memref<1x64xf32, #tpu.memory_space<vmem>> -> memref<64xf32, #tpu.memory_space<vmem>>
      %dma_wait3A_1267 = arith.constant 0 : i32
      %dma_wait3A_1268 = tpu.memref_slice %arg4[%squeeze3A_924, %dma_wait3A_1267] : memref<100000x64xf32, #tpu.memory_space<hbm>> -> memref<1x64xf32, #tpu.memory_space<hbm>>
      %dma_wait3A_1269 = tpu.memref_squeeze %dma_wait3A_1268 : memref<1x64xf32, #tpu.memory_space<hbm>> -> memref<64xf32, #tpu.memory_space<hbm>>
      %dma_wait3A_1270 = tpu.memref_slice %arg10[%select_n3A_948, %mul3A_966] : memref<256x128xf32, #tpu.memory_space<vmem>> -> memref<1x64xf32, #tpu.memory_space<vmem>>
      %dma_wait3A_1271 = tpu.memref_squeeze %dma_wait3A_1270 : memref<1x64xf32, #tpu.memory_space<vmem>> -> memref<64xf32, #tpu.memory_space<vmem>>
      %dma_wait3A_1272 = arith.constant 0 : i32
      %dma_wait3A_1273 = tpu.memref_slice %arg4[%squeeze3A_924, %dma_wait3A_1272] : memref<100000x64xf32, #tpu.memory_space<hbm>> -> memref<1x64xf32, #tpu.memory_space<hbm>>
      %dma_wait3A_1274 = tpu.memref_squeeze %dma_wait3A_1273 : memref<1x64xf32, #tpu.memory_space<hbm>> -> memref<64xf32, #tpu.memory_space<hbm>>
      tpu.wait_dma2 semaphore(%arg14 : memref<!tpu.dma_semaphore, #tpu.memory_space<semaphore_mem>>) src(%dma_wait3A_1274 : memref<64xf32, #tpu.memory_space<hbm>>) dst(%dma_wait3A_1271 : memref<64xf32, #tpu.memory_space<vmem>>)
      %dma_wait3A_1275 = tpu.memref_slice %arg10[%select_n3A_1004, %mul3A_1022] : memref<256x128xf32, #tpu.memory_space<vmem>> -> memref<1x64xf32, #tpu.memory_space<vmem>>
      %dma_wait3A_1276 = tpu.memref_squeeze %dma_wait3A_1275 : memref<1x64xf32, #tpu.memory_space<vmem>> -> memref<64xf32, #tpu.memory_space<vmem>>
      %dma_wait3A_1277 = arith.constant 0 : i32
      %dma_wait3A_1278 = tpu.memref_slice %arg4[%squeeze3A_980, %dma_wait3A_1277] : memref<100000x64xf32, #tpu.memory_space<hbm>> -> memref<1x64xf32, #tpu.memory_space<hbm>>
      %dma_wait3A_1279 = tpu.memref_squeeze %dma_wait3A_1278 : memref<1x64xf32, #tpu.memory_space<hbm>> -> memref<64xf32, #tpu.memory_space<hbm>>
      %dma_wait3A_1280 = tpu.memref_slice %arg10[%select_n3A_1004, %mul3A_1022] : memref<256x128xf32, #tpu.memory_space<vmem>> -> memref<1x64xf32, #tpu.memory_space<vmem>>
      %dma_wait3A_1281 = tpu.memref_squeeze %dma_wait3A_1280 : memref<1x64xf32, #tpu.memory_space<vmem>> -> memref<64xf32, #tpu.memory_space<vmem>>
      %dma_wait3A_1282 = arith.constant 0 : i32
      %dma_wait3A_1283 = tpu.memref_slice %arg4[%squeeze3A_980, %dma_wait3A_1282] : memref<100000x64xf32, #tpu.memory_space<hbm>> -> memref<1x64xf32, #tpu.memory_space<hbm>>
      %dma_wait3A_1284 = tpu.memref_squeeze %dma_wait3A_1283 : memref<1x64xf32, #tpu.memory_space<hbm>> -> memref<64xf32, #tpu.memory_space<hbm>>
      tpu.wait_dma2 semaphore(%arg14 : memref<!tpu.dma_semaphore, #tpu.memory_space<semaphore_mem>>) src(%dma_wait3A_1284 : memref<64xf32, #tpu.memory_space<hbm>>) dst(%dma_wait3A_1281 : memref<64xf32, #tpu.memory_space<vmem>>)
      %dma_wait3A_1285 = tpu.memref_slice %arg10[%select_n3A_1060, %mul3A_1078] : memref<256x128xf32, #tpu.memory_space<vmem>> -> memref<1x64xf32, #tpu.memory_space<vmem>>
      %dma_wait3A_1286 = tpu.memref_squeeze %dma_wait3A_1285 : memref<1x64xf32, #tpu.memory_space<vmem>> -> memref<64xf32, #tpu.memory_space<vmem>>
      %dma_wait3A_1287 = arith.constant 0 : i32
      %dma_wait3A_1288 = tpu.memref_slice %arg4[%squeeze3A_1036, %dma_wait3A_1287] : memref<100000x64xf32, #tpu.memory_space<hbm>> -> memref<1x64xf32, #tpu.memory_space<hbm>>
      %dma_wait3A_1289 = tpu.memref_squeeze %dma_wait3A_1288 : memref<1x64xf32, #tpu.memory_space<hbm>> -> memref<64xf32, #tpu.memory_space<hbm>>
      %dma_wait3A_1290 = tpu.memref_slice %arg10[%select_n3A_1060, %mul3A_1078] : memref<256x128xf32, #tpu.memory_space<vmem>> -> memref<1x64xf32, #tpu.memory_space<vmem>>
      %dma_wait3A_1291 = tpu.memref_squeeze %dma_wait3A_1290 : memref<1x64xf32, #tpu.memory_space<vmem>> -> memref<64xf32, #tpu.memory_space<vmem>>
      %dma_wait3A_1292 = arith.constant 0 : i32
      %dma_wait3A_1293 = tpu.memref_slice %arg4[%squeeze3A_1036, %dma_wait3A_1292] : memref<100000x64xf32, #tpu.memory_space<hbm>> -> memref<1x64xf32, #tpu.memory_space<hbm>>
      %dma_wait3A_1294 = tpu.memref_squeeze %dma_wait3A_1293 : memref<1x64xf32, #tpu.memory_space<hbm>> -> memref<64xf32, #tpu.memory_space<hbm>>
      tpu.wait_dma2 semaphore(%arg14 : memref<!tpu.dma_semaphore, #tpu.memory_space<semaphore_mem>>) src(%dma_wait3A_1294 : memref<64xf32, #tpu.memory_space<hbm>>) dst(%dma_wait3A_1291 : memref<64xf32, #tpu.memory_space<vmem>>)
      %dma_wait3A_1295 = tpu.memref_slice %arg10[%select_n3A_1116, %mul3A_1134] : memref<256x128xf32, #tpu.memory_space<vmem>> -> memref<1x64xf32, #tpu.memory_space<vmem>>
      %dma_wait3A_1296 = tpu.memref_squeeze %dma_wait3A_1295 : memref<1x64xf32, #tpu.memory_space<vmem>> -> memref<64xf32, #tpu.memory_space<vmem>>
      %dma_wait3A_1297 = arith.constant 0 : i32
      %dma_wait3A_1298 = tpu.memref_slice %arg4[%squeeze3A_1092, %dma_wait3A_1297] : memref<100000x64xf32, #tpu.memory_space<hbm>> -> memref<1x64xf32, #tpu.memory_space<hbm>>
      %dma_wait3A_1299 = tpu.memref_squeeze %dma_wait3A_1298 : memref<1x64xf32, #tpu.memory_space<hbm>> -> memref<64xf32, #tpu.memory_space<hbm>>
      %dma_wait3A_1300 = tpu.memref_slice %arg10[%select_n3A_1116, %mul3A_1134] : memref<256x128xf32, #tpu.memory_space<vmem>> -> memref<1x64xf32, #tpu.memory_space<vmem>>
      %dma_wait3A_1301 = tpu.memref_squeeze %dma_wait3A_1300 : memref<1x64xf32, #tpu.memory_space<vmem>> -> memref<64xf32, #tpu.memory_space<vmem>>
      %dma_wait3A_1302 = arith.constant 0 : i32
      %dma_wait3A_1303 = tpu.memref_slice %arg4[%squeeze3A_1092, %dma_wait3A_1302] : memref<100000x64xf32, #tpu.memory_space<hbm>> -> memref<1x64xf32, #tpu.memory_space<hbm>>
      %dma_wait3A_1304 = tpu.memref_squeeze %dma_wait3A_1303 : memref<1x64xf32, #tpu.memory_space<hbm>> -> memref<64xf32, #tpu.memory_space<hbm>>
      tpu.wait_dma2 semaphore(%arg14 : memref<!tpu.dma_semaphore, #tpu.memory_space<semaphore_mem>>) src(%dma_wait3A_1304 : memref<64xf32, #tpu.memory_space<hbm>>) dst(%dma_wait3A_1301 : memref<64xf32, #tpu.memory_space<vmem>>)
      %scan3A_1305 = arith.constant 0 : i32
      scf.yield %scan3A_1305 : i32
    }
    %scan3A_127 = arith.constant 32 : i32
    %dma_wait3A = arith.constant 0 : i32
    %dma_wait3A_128 = arith.constant 0 : i32
    %dma_wait3A_129 = arith.constant 0 : i32
    %dma_wait3A_130 = tpu.memref_slice %arg9[%dma_wait3A, %dma_wait3A_128, %dma_wait3A_129] : memref<8x64x64xf32, #tpu.memory_space<vmem>> -> memref<1x64x64xf32, #tpu.memory_space<vmem>>
    %dma_wait3A_131 = tpu.memref_squeeze %dma_wait3A_130 : memref<1x64x64xf32, #tpu.memory_space<vmem>> -> memref<64x64xf32, #tpu.memory_space<vmem>>
    %dma_wait3A_132 = arith.constant 0 : i32
    %dma_wait3A_133 = tpu.memref_slice %arg3[%add3A_4, %dma_wait3A_132] : memref<16384x64xf32, #tpu.memory_space<hbm>> -> memref<64x64xf32, #tpu.memory_space<hbm>>
    %dma_wait3A_134 = arith.constant 0 : i32
    %dma_wait3A_135 = arith.constant 0 : i32
    %dma_wait3A_136 = tpu.memref_slice %arg9[%dma_wait3A, %dma_wait3A_134, %dma_wait3A_135] : memref<8x64x64xf32, #tpu.memory_space<vmem>> -> memref<1x64x64xf32, #tpu.memory_space<vmem>>
    %dma_wait3A_137 = tpu.memref_squeeze %dma_wait3A_136 : memref<1x64x64xf32, #tpu.memory_space<vmem>> -> memref<64x64xf32, #tpu.memory_space<vmem>>
    %dma_wait3A_138 = arith.constant 0 : i32
    %dma_wait3A_139 = tpu.memref_slice %arg3[%add3A_4, %dma_wait3A_138] : memref<16384x64xf32, #tpu.memory_space<hbm>> -> memref<64x64xf32, #tpu.memory_space<hbm>>
    tpu.wait_dma2 semaphore(%arg14 : memref<!tpu.dma_semaphore, #tpu.memory_space<semaphore_mem>>) src(%dma_wait3A_139 : memref<64x64xf32, #tpu.memory_space<hbm>>) dst(%dma_wait3A_137 : memref<64x64xf32, #tpu.memory_space<vmem>>)
    %dma_wait3A_140 = arith.constant 1 : i32
    %dma_wait3A_141 = arith.constant 0 : i32
    %dma_wait3A_142 = arith.constant 0 : i32
    %dma_wait3A_143 = tpu.memref_slice %arg9[%dma_wait3A_140, %dma_wait3A_141, %dma_wait3A_142] : memref<8x64x64xf32, #tpu.memory_space<vmem>> -> memref<1x64x64xf32, #tpu.memory_space<vmem>>
    %dma_wait3A_144 = tpu.memref_squeeze %dma_wait3A_143 : memref<1x64x64xf32, #tpu.memory_space<vmem>> -> memref<64x64xf32, #tpu.memory_space<vmem>>
    %dma_wait3A_145 = arith.constant 0 : i32
    %dma_wait3A_146 = tpu.memref_slice %arg3[%add3A_18, %dma_wait3A_145] : memref<16384x64xf32, #tpu.memory_space<hbm>> -> memref<64x64xf32, #tpu.memory_space<hbm>>
    %dma_wait3A_147 = arith.constant 0 : i32
    %dma_wait3A_148 = arith.constant 0 : i32
    %dma_wait3A_149 = tpu.memref_slice %arg9[%dma_wait3A_140, %dma_wait3A_147, %dma_wait3A_148] : memref<8x64x64xf32, #tpu.memory_space<vmem>> -> memref<1x64x64xf32, #tpu.memory_space<vmem>>
    %dma_wait3A_150 = tpu.memref_squeeze %dma_wait3A_149 : memref<1x64x64xf32, #tpu.memory_space<vmem>> -> memref<64x64xf32, #tpu.memory_space<vmem>>
    %dma_wait3A_151 = arith.constant 0 : i32
    %dma_wait3A_152 = tpu.memref_slice %arg3[%add3A_18, %dma_wait3A_151] : memref<16384x64xf32, #tpu.memory_space<hbm>> -> memref<64x64xf32, #tpu.memory_space<hbm>>
    tpu.wait_dma2 semaphore(%arg14 : memref<!tpu.dma_semaphore, #tpu.memory_space<semaphore_mem>>) src(%dma_wait3A_152 : memref<64x64xf32, #tpu.memory_space<hbm>>) dst(%dma_wait3A_150 : memref<64x64xf32, #tpu.memory_space<vmem>>)
    %dma_wait3A_153 = arith.constant 2 : i32
    %dma_wait3A_154 = arith.constant 0 : i32
    %dma_wait3A_155 = arith.constant 0 : i32
    %dma_wait3A_156 = tpu.memref_slice %arg9[%dma_wait3A_153, %dma_wait3A_154, %dma_wait3A_155] : memref<8x64x64xf32, #tpu.memory_space<vmem>> -> memref<1x64x64xf32, #tpu.memory_space<vmem>>
    %dma_wait3A_157 = tpu.memref_squeeze %dma_wait3A_156 : memref<1x64x64xf32, #tpu.memory_space<vmem>> -> memref<64x64xf32, #tpu.memory_space<vmem>>
    %dma_wait3A_158 = arith.constant 0 : i32
    %dma_wait3A_159 = tpu.memref_slice %arg3[%add3A_33, %dma_wait3A_158] : memref<16384x64xf32, #tpu.memory_space<hbm>> -> memref<64x64xf32, #tpu.memory_space<hbm>>
    %dma_wait3A_160 = arith.constant 0 : i32
    %dma_wait3A_161 = arith.constant 0 : i32
    %dma_wait3A_162 = tpu.memref_slice %arg9[%dma_wait3A_153, %dma_wait3A_160, %dma_wait3A_161] : memref<8x64x64xf32, #tpu.memory_space<vmem>> -> memref<1x64x64xf32, #tpu.memory_space<vmem>>
    %dma_wait3A_163 = tpu.memref_squeeze %dma_wait3A_162 : memref<1x64x64xf32, #tpu.memory_space<vmem>> -> memref<64x64xf32, #tpu.memory_space<vmem>>
    %dma_wait3A_164 = arith.constant 0 : i32
    %dma_wait3A_165 = tpu.memref_slice %arg3[%add3A_33, %dma_wait3A_164] : memref<16384x64xf32, #tpu.memory_space<hbm>> -> memref<64x64xf32, #tpu.memory_space<hbm>>
    tpu.wait_dma2 semaphore(%arg14 : memref<!tpu.dma_semaphore, #tpu.memory_space<semaphore_mem>>) src(%dma_wait3A_165 : memref<64x64xf32, #tpu.memory_space<hbm>>) dst(%dma_wait3A_163 : memref<64x64xf32, #tpu.memory_space<vmem>>)
    %dma_wait3A_166 = arith.constant 3 : i32
    %dma_wait3A_167 = arith.constant 0 : i32
    %dma_wait3A_168 = arith.constant 0 : i32
    %dma_wait3A_169 = tpu.memref_slice %arg9[%dma_wait3A_166, %dma_wait3A_167, %dma_wait3A_168] : memref<8x64x64xf32, #tpu.memory_space<vmem>> -> memref<1x64x64xf32, #tpu.memory_space<vmem>>
    %dma_wait3A_170 = tpu.memref_squeeze %dma_wait3A_169 : memref<1x64x64xf32, #tpu.memory_space<vmem>> -> memref<64x64xf32, #tpu.memory_space<vmem>>
    %dma_wait3A_171 = arith.constant 0 : i32
    %dma_wait3A_172 = tpu.memref_slice %arg3[%add3A_48, %dma_wait3A_171] : memref<16384x64xf32, #tpu.memory_space<hbm>> -> memref<64x64xf32, #tpu.memory_space<hbm>>
    %dma_wait3A_173 = arith.constant 0 : i32
    %dma_wait3A_174 = arith.constant 0 : i32
    %dma_wait3A_175 = tpu.memref_slice %arg9[%dma_wait3A_166, %dma_wait3A_173, %dma_wait3A_174] : memref<8x64x64xf32, #tpu.memory_space<vmem>> -> memref<1x64x64xf32, #tpu.memory_space<vmem>>
    %dma_wait3A_176 = tpu.memref_squeeze %dma_wait3A_175 : memref<1x64x64xf32, #tpu.memory_space<vmem>> -> memref<64x64xf32, #tpu.memory_space<vmem>>
    %dma_wait3A_177 = arith.constant 0 : i32
    %dma_wait3A_178 = tpu.memref_slice %arg3[%add3A_48, %dma_wait3A_177] : memref<16384x64xf32, #tpu.memory_space<hbm>> -> memref<64x64xf32, #tpu.memory_space<hbm>>
    tpu.wait_dma2 semaphore(%arg14 : memref<!tpu.dma_semaphore, #tpu.memory_space<semaphore_mem>>) src(%dma_wait3A_178 : memref<64x64xf32, #tpu.memory_space<hbm>>) dst(%dma_wait3A_176 : memref<64x64xf32, #tpu.memory_space<vmem>>)
    %dma_wait3A_179 = arith.constant 4 : i32
    %dma_wait3A_180 = arith.constant 0 : i32
    %dma_wait3A_181 = arith.constant 0 : i32
    %dma_wait3A_182 = tpu.memref_slice %arg9[%dma_wait3A_179, %dma_wait3A_180, %dma_wait3A_181] : memref<8x64x64xf32, #tpu.memory_space<vmem>> -> memref<1x64x64xf32, #tpu.memory_space<vmem>>
    %dma_wait3A_183 = tpu.memref_squeeze %dma_wait3A_182 : memref<1x64x64xf32, #tpu.memory_space<vmem>> -> memref<64x64xf32, #tpu.memory_space<vmem>>
    %dma_wait3A_184 = arith.constant 0 : i32
    %dma_wait3A_185 = tpu.memref_slice %arg3[%add3A_63, %dma_wait3A_184] : memref<16384x64xf32, #tpu.memory_space<hbm>> -> memref<64x64xf32, #tpu.memory_space<hbm>>
    %dma_wait3A_186 = arith.constant 0 : i32
    %dma_wait3A_187 = arith.constant 0 : i32
    %dma_wait3A_188 = tpu.memref_slice %arg9[%dma_wait3A_179, %dma_wait3A_186, %dma_wait3A_187] : memref<8x64x64xf32, #tpu.memory_space<vmem>> -> memref<1x64x64xf32, #tpu.memory_space<vmem>>
    %dma_wait3A_189 = tpu.memref_squeeze %dma_wait3A_188 : memref<1x64x64xf32, #tpu.memory_space<vmem>> -> memref<64x64xf32, #tpu.memory_space<vmem>>
    %dma_wait3A_190 = arith.constant 0 : i32
    %dma_wait3A_191 = tpu.memref_slice %arg3[%add3A_63, %dma_wait3A_190] : memref<16384x64xf32, #tpu.memory_space<hbm>> -> memref<64x64xf32, #tpu.memory_space<hbm>>
    tpu.wait_dma2 semaphore(%arg14 : memref<!tpu.dma_semaphore, #tpu.memory_space<semaphore_mem>>) src(%dma_wait3A_191 : memref<64x64xf32, #tpu.memory_space<hbm>>) dst(%dma_wait3A_189 : memref<64x64xf32, #tpu.memory_space<vmem>>)
    %dma_wait3A_192 = arith.constant 5 : i32
    %dma_wait3A_193 = arith.constant 0 : i32
    %dma_wait3A_194 = arith.constant 0 : i32
    %dma_wait3A_195 = tpu.memref_slice %arg9[%dma_wait3A_192, %dma_wait3A_193, %dma_wait3A_194] : memref<8x64x64xf32, #tpu.memory_space<vmem>> -> memref<1x64x64xf32, #tpu.memory_space<vmem>>
    %dma_wait3A_196 = tpu.memref_squeeze %dma_wait3A_195 : memref<1x64x64xf32, #tpu.memory_space<vmem>> -> memref<64x64xf32, #tpu.memory_space<vmem>>
    %dma_wait3A_197 = arith.constant 0 : i32
    %dma_wait3A_198 = tpu.memref_slice %arg3[%add3A_78, %dma_wait3A_197] : memref<16384x64xf32, #tpu.memory_space<hbm>> -> memref<64x64xf32, #tpu.memory_space<hbm>>
    %dma_wait3A_199 = arith.constant 0 : i32
    %dma_wait3A_200 = arith.constant 0 : i32
    %dma_wait3A_201 = tpu.memref_slice %arg9[%dma_wait3A_192, %dma_wait3A_199, %dma_wait3A_200] : memref<8x64x64xf32, #tpu.memory_space<vmem>> -> memref<1x64x64xf32, #tpu.memory_space<vmem>>
    %dma_wait3A_202 = tpu.memref_squeeze %dma_wait3A_201 : memref<1x64x64xf32, #tpu.memory_space<vmem>> -> memref<64x64xf32, #tpu.memory_space<vmem>>
    %dma_wait3A_203 = arith.constant 0 : i32
    %dma_wait3A_204 = tpu.memref_slice %arg3[%add3A_78, %dma_wait3A_203] : memref<16384x64xf32, #tpu.memory_space<hbm>> -> memref<64x64xf32, #tpu.memory_space<hbm>>
    tpu.wait_dma2 semaphore(%arg14 : memref<!tpu.dma_semaphore, #tpu.memory_space<semaphore_mem>>) src(%dma_wait3A_204 : memref<64x64xf32, #tpu.memory_space<hbm>>) dst(%dma_wait3A_202 : memref<64x64xf32, #tpu.memory_space<vmem>>)
    %dma_wait3A_205 = arith.constant 6 : i32
    %dma_wait3A_206 = arith.constant 0 : i32
    %dma_wait3A_207 = arith.constant 0 : i32
    %dma_wait3A_208 = tpu.memref_slice %arg9[%dma_wait3A_205, %dma_wait3A_206, %dma_wait3A_207] : memref<8x64x64xf32, #tpu.memory_space<vmem>> -> memref<1x64x64xf32, #tpu.memory_space<vmem>>
    %dma_wait3A_209 = tpu.memref_squeeze %dma_wait3A_208 : memref<1x64x64xf32, #tpu.memory_space<vmem>> -> memref<64x64xf32, #tpu.memory_space<vmem>>
    %dma_wait3A_210 = arith.constant 0 : i32
    %dma_wait3A_211 = tpu.memref_slice %arg3[%add3A_93, %dma_wait3A_210] : memref<16384x64xf32, #tpu.memory_space<hbm>> -> memref<64x64xf32, #tpu.memory_space<hbm>>
    %dma_wait3A_212 = arith.constant 0 : i32
    %dma_wait3A_213 = arith.constant 0 : i32
    %dma_wait3A_214 = tpu.memref_slice %arg9[%dma_wait3A_205, %dma_wait3A_212, %dma_wait3A_213] : memref<8x64x64xf32, #tpu.memory_space<vmem>> -> memref<1x64x64xf32, #tpu.memory_space<vmem>>
    %dma_wait3A_215 = tpu.memref_squeeze %dma_wait3A_214 : memref<1x64x64xf32, #tpu.memory_space<vmem>> -> memref<64x64xf32, #tpu.memory_space<vmem>>
    %dma_wait3A_216 = arith.constant 0 : i32
    %dma_wait3A_217 = tpu.memref_slice %arg3[%add3A_93, %dma_wait3A_216] : memref<16384x64xf32, #tpu.memory_space<hbm>> -> memref<64x64xf32, #tpu.memory_space<hbm>>
    tpu.wait_dma2 semaphore(%arg14 : memref<!tpu.dma_semaphore, #tpu.memory_space<semaphore_mem>>) src(%dma_wait3A_217 : memref<64x64xf32, #tpu.memory_space<hbm>>) dst(%dma_wait3A_215 : memref<64x64xf32, #tpu.memory_space<vmem>>)
    %dma_wait3A_218 = arith.constant 7 : i32
    %dma_wait3A_219 = arith.constant 0 : i32
    %dma_wait3A_220 = arith.constant 0 : i32
    %dma_wait3A_221 = tpu.memref_slice %arg9[%dma_wait3A_218, %dma_wait3A_219, %dma_wait3A_220] : memref<8x64x64xf32, #tpu.memory_space<vmem>> -> memref<1x64x64xf32, #tpu.memory_space<vmem>>
    %dma_wait3A_222 = tpu.memref_squeeze %dma_wait3A_221 : memref<1x64x64xf32, #tpu.memory_space<vmem>> -> memref<64x64xf32, #tpu.memory_space<vmem>>
    %dma_wait3A_223 = arith.constant 0 : i32
    %dma_wait3A_224 = tpu.memref_slice %arg3[%add3A_108, %dma_wait3A_223] : memref<16384x64xf32, #tpu.memory_space<hbm>> -> memref<64x64xf32, #tpu.memory_space<hbm>>
    %dma_wait3A_225 = arith.constant 0 : i32
    %dma_wait3A_226 = arith.constant 0 : i32
    %dma_wait3A_227 = tpu.memref_slice %arg9[%dma_wait3A_218, %dma_wait3A_225, %dma_wait3A_226] : memref<8x64x64xf32, #tpu.memory_space<vmem>> -> memref<1x64x64xf32, #tpu.memory_space<vmem>>
    %dma_wait3A_228 = tpu.memref_squeeze %dma_wait3A_227 : memref<1x64x64xf32, #tpu.memory_space<vmem>> -> memref<64x64xf32, #tpu.memory_space<vmem>>
    %dma_wait3A_229 = arith.constant 0 : i32
    %dma_wait3A_230 = tpu.memref_slice %arg3[%add3A_108, %dma_wait3A_229] : memref<16384x64xf32, #tpu.memory_space<hbm>> -> memref<64x64xf32, #tpu.memory_space<hbm>>
    tpu.wait_dma2 semaphore(%arg14 : memref<!tpu.dma_semaphore, #tpu.memory_space<semaphore_mem>>) src(%dma_wait3A_230 : memref<64x64xf32, #tpu.memory_space<hbm>>) dst(%dma_wait3A_228 : memref<64x64xf32, #tpu.memory_space<vmem>>)
    %get3A = arith.constant 0 : i32
    %get3A_231 = arith.index_cast %get3A : i32 to index
    %get3A_232 = arith.constant 0 : index
    %get3A_233 = tpu.vector_load %arg11[%get3A_231, %get3A_232] {strides = array<i32>} : memref<4x16xf32, #tpu.memory_space<vmem>>, vector<16xf32>,
    %get3A_234 = arith.constant 1 : i32
    %get3A_235 = arith.index_cast %get3A_234 : i32 to index
    %get3A_236 = arith.constant 0 : index
    %get3A_237 = tpu.vector_load %arg11[%get3A_235, %get3A_236] {strides = array<i32>} : memref<4x16xf32, #tpu.memory_space<vmem>>, vector<16xf32>,
    %get3A_238 = arith.constant 2 : i32
    %get3A_239 = arith.index_cast %get3A_238 : i32 to index
    %get3A_240 = arith.constant 0 : index
    %get3A_241 = tpu.vector_load %arg11[%get3A_239, %get3A_240] {strides = array<i32>} : memref<4x16xf32, #tpu.memory_space<vmem>>, vector<16xf32>,
    %get3A_242 = arith.constant 3 : i32
    %get3A_243 = arith.index_cast %get3A_242 : i32 to index
    %get3A_244 = arith.constant 0 : index
    %get3A_245 = tpu.vector_load %arg11[%get3A_243, %get3A_244] {strides = array<i32>} : memref<4x16xf32, #tpu.memory_space<vmem>>, vector<16xf32>,
    %get3A_246 = arith.constant 0 : index
    %get3A_247 = tpu.vector_load %arg12[%get3A_246] {strides = array<i32>} : memref<16xf32, #tpu.memory_space<vmem>>, vector<16xf32>,
    %iota3A = tpu.iota {dimensions = array<i32: 0>} : vector<16xi32>
    %scan3A_248 = arith.constant 0 : i32
    %scan3A_249 = arith.constant 0 : i32
    %scan3A_250 = arith.constant 32 : i32
    %scan3A_251 = arith.addi %scan3A_249, %scan3A_250 : i32
    %scan3A_252 = arith.constant 1 : i32
    %scan3A_253 = scf.for %scan3A_255 = %scan3A_249 to %scan3A_251 step %scan3A_252 iter_args(%scan3A_256 = %scan3A_248) -> (i32)  : i32 {
      %mul3A_257 = arith.constant 16 : i32
      %mul3A_258 = arith.muli %scan3A_255, %mul3A_257 : i32
      %broadcast_in_dim3A = arith.constant 0.000000e+00 : f32
      %broadcast_in_dim3A_259 = vector.broadcast %broadcast_in_dim3A : f32 to vector<16xf32>
      %jit3A = arith.constant 2 : i32
      %div3A = arith.divsi %mul3A_258, %jit3A : i32
      %sign3A = arith.constant 0 : i32
      %sign3A_260 = arith.cmpi sgt, %mul3A_258, %sign3A : i32
      %sign3A_261 = arith.extui %sign3A_260 : i1 to i32
      %sign3A_262 = arith.constant 0 : i32
      %sign3A_263 = arith.cmpi slt, %mul3A_258, %sign3A_262 : i32
      %sign3A_264 = arith.extui %sign3A_263 : i1 to i32
      %sign3A_265 = arith.subi %sign3A_261, %sign3A_264 : i32
      %sign3A_266 = arith.constant 0 : i32
      %sign3A_267 = arith.cmpi sgt, %jit3A, %sign3A_266 : i32
      %sign3A_268 = arith.extui %sign3A_267 : i1 to i32
      %sign3A_269 = arith.constant 0 : i32
      %sign3A_270 = arith.cmpi slt, %jit3A, %sign3A_269 : i32
      %sign3A_271 = arith.extui %sign3A_270 : i1 to i32
      %sign3A_272 = arith.subi %sign3A_268, %sign3A_271 : i32
      %ne3A = arith.cmpi ne, %sign3A_265, %sign3A_272 : i32
      %rem3A = arith.remsi %mul3A_258, %jit3A : i32
      %ne3A_273 = arith.constant 0 : i32
      %ne3A_274 = arith.cmpi ne, %rem3A, %ne3A_273 : i32
      %and3A = arith.andi %ne3A, %ne3A_274 : i1
      %sub3A = arith.constant 1 : i32
      %sub3A_275 = arith.subi %div3A, %sub3A : i32
      %select_n3A = arith.select %and3A, %sub3A_275, %div3A : i32
      %add3A_276 = arith.constant 0 : i32
      %add3A_277 = arith.addi %select_n3A, %add3A_276 : i32
      %add3A_278 = arith.constant 0 : i32
      %add3A_279 = arith.addi %mul3A_258, %add3A_278 : i32
      %jit3A_280 = arith.constant 64 : i32
      %div3A_281 = arith.divsi %add3A_279, %jit3A_280 : i32
      %sign3A_282 = arith.constant 0 : i32
      %sign3A_283 = arith.cmpi sgt, %add3A_279, %sign3A_282 : i32
      %sign3A_284 = arith.extui %sign3A_283 : i1 to i32
      %sign3A_285 = arith.constant 0 : i32
      %sign3A_286 = arith.cmpi slt, %add3A_279, %sign3A_285 : i32
      %sign3A_287 = arith.extui %sign3A_286 : i1 to i32
      %sign3A_288 = arith.subi %sign3A_284, %sign3A_287 : i32
      %sign3A_289 = arith.constant 0 : i32
      %sign3A_290 = arith.cmpi sgt, %jit3A_280, %sign3A_289 : i32
      %sign3A_291 = arith.extui %sign3A_290 : i1 to i32
      %sign3A_292 = arith.constant 0 : i32
      %sign3A_293 = arith.cmpi slt, %jit3A_280, %sign3A_292 : i32
      %sign3A_294 = arith.extui %sign3A_293 : i1 to i32
      %sign3A_295 = arith.subi %sign3A_291, %sign3A_294 : i32
      %ne3A_296 = arith.cmpi ne, %sign3A_288, %sign3A_295 : i32
      %rem3A_297 = arith.remsi %add3A_279, %jit3A_280 : i32
      %ne3A_298 = arith.constant 0 : i32
      %ne3A_299 = arith.cmpi ne, %rem3A_297, %ne3A_298 : i32
      %and3A_300 = arith.andi %ne3A_296, %ne3A_299 : i1
      %sub3A_301 = arith.constant 1 : i32
      %sub3A_302 = arith.subi %div3A_281, %sub3A_301 : i32
      %select_n3A_303 = arith.select %and3A_300, %sub3A_302, %div3A_281 : i32
      %add3A_304 = arith.constant 0 : i32
      %add3A_305 = arith.addi %mul3A_258, %add3A_304 : i32
      %jit3A_306 = arith.constant 64 : i32
      %eq3A = arith.constant 0 : i32
      %eq3A_307 = arith.cmpi eq, %jit3A_306, %eq3A : i32
      %jit3A_308 = arith.constant 1 : i32
      %select_n3A_309 = arith.select %eq3A_307, %jit3A_308, %jit3A_306 : i32
      %rem3A_310 = arith.remsi %add3A_305, %select_n3A_309 : i32
      %ne3A_311 = arith.constant 0 : i32
      %ne3A_312 = arith.cmpi ne, %rem3A_310, %ne3A_311 : i32
      %lt3A = arith.constant 0 : i32
      %lt3A_313 = arith.cmpi slt, %rem3A_310, %lt3A : i32
      %lt3A_314 = arith.constant 0 : i32
      %lt3A_315 = arith.cmpi slt, %select_n3A_309, %lt3A_314 : i32
      %ne3A_316 = arith.xori %lt3A_313, %lt3A_315 : i1
      %and3A_317 = arith.andi %ne3A_316, %ne3A_312 : i1
      %add3A_318 = arith.addi %rem3A_310, %select_n3A_309 : i32
      %select_n3A_319 = arith.select %and3A_317, %add3A_318, %rem3A_310 : i32
      %get3A_320 = arith.index_cast %select_n3A_303 : i32 to index
      %get3A_321 = arith.index_cast %select_n3A_319 : i32 to index
      %get3A_322 = arith.constant 0 : index
      %get3A_323 = tpu.vector_load %arg9[%get3A_320, %get3A_321, %get3A_322] {strides = array<i32>} : memref<8x64x64xf32, #tpu.memory_space<vmem>>, vector<16xf32>,
      %get3A_324 = arith.index_cast %add3A_277 : i32 to index
      %get3A_325 = arith.constant 0 : index
      %get3A_326 = tpu.vector_load %arg10[%get3A_324, %get3A_325] {strides = array<i32>} : memref<256x128xf32, #tpu.memory_space<vmem>>, vector<16xf32>,
      %mul3A_327 = arith.mulf %get3A_323, %get3A_326 : vector<16xf32>
      %mul3A_328 = arith.mulf %mul3A_327, %get3A_233 : vector<16xf32>
      %get3A_329 = arith.index_cast %select_n3A_303 : i32 to index
      %get3A_330 = arith.index_cast %select_n3A_319 : i32 to index
      %get3A_331 = arith.constant 16 : index
      %get3A_332 = tpu.vector_load %arg9[%get3A_329, %get3A_330, %get3A_331] {strides = array<i32>} : memref<8x64x64xf32, #tpu.memory_space<vmem>>, vector<16xf32>,
      %get3A_333 = arith.index_cast %add3A_277 : i32 to index
      %get3A_334 = arith.constant 16 : index
      %get3A_335 = tpu.vector_load %arg10[%get3A_333, %get3A_334] {strides = array<i32>} : memref<256x128xf32, #tpu.memory_space<vmem>>, vector<16xf32>,
      %mul3A_336 = arith.mulf %get3A_332, %get3A_335 : vector<16xf32>
      %mul3A_337 = arith.mulf %mul3A_336, %get3A_237 : vector<16xf32>
      %add3A_338 = arith.addf %mul3A_328, %mul3A_337 : vector<16xf32>
      %get3A_339 = arith.index_cast %select_n3A_303 : i32 to index
      %get3A_340 = arith.index_cast %select_n3A_319 : i32 to index
      %get3A_341 = arith.constant 32 : index
      %get3A_342 = tpu.vector_load %arg9[%get3A_339, %get3A_340, %get3A_341] {strides = array<i32>} : memref<8x64x64xf32, #tpu.memory_space<vmem>>, vector<16xf32>,
      %get3A_343 = arith.index_cast %add3A_277 : i32 to index
      %get3A_344 = arith.constant 32 : index
      %get3A_345 = tpu.vector_load %arg10[%get3A_343, %get3A_344] {strides = array<i32>} : memref<256x128xf32, #tpu.memory_space<vmem>>, vector<16xf32>,
      %mul3A_346 = arith.mulf %get3A_342, %get3A_345 : vector<16xf32>
      %mul3A_347 = arith.mulf %mul3A_346, %get3A_241 : vector<16xf32>
      %add3A_348 = arith.addf %add3A_338, %mul3A_347 : vector<16xf32>
      %get3A_349 = arith.index_cast %select_n3A_303 : i32 to index
      %get3A_350 = arith.index_cast %select_n3A_319 : i32 to index
      %get3A_351 = arith.constant 48 : index
      %get3A_352 = tpu.vector_load %arg9[%get3A_349, %get3A_350, %get3A_351] {strides = array<i32>} : memref<8x64x64xf32, #tpu.memory_space<vmem>>, vector<16xf32>,
      %get3A_353 = arith.index_cast %add3A_277 : i32 to index
      %get3A_354 = arith.constant 48 : index
      %get3A_355 = tpu.vector_load %arg10[%get3A_353, %get3A_354] {strides = array<i32>} : memref<256x128xf32, #tpu.memory_space<vmem>>, vector<16xf32>,
      %mul3A_356 = arith.mulf %get3A_352, %get3A_355 : vector<16xf32>
      %mul3A_357 = arith.mulf %mul3A_356, %get3A_245 : vector<16xf32>
      %add3A_358 = arith.addf %add3A_348, %mul3A_357 : vector<16xf32>
      %add3A_359 = arith.addf %add3A_358, %get3A_247 : vector<16xf32>
      %reduce_sum3A = arith.constant true
      %reduce_sum3A_360 = vector.broadcast %reduce_sum3A : i1 to vector<16xi1>
      %reduce_sum3A_361 = tpu.scan <sum>, %add3A_359 masked %reduce_sum3A_360 : vector<16xf32>, vector<16xi1> -> vector<16xf32>
      %reduce_sum3A_362 = vector.extract %reduce_sum3A_361[15] : f32 from vector<16xf32>
      %eq3A_363 = arith.constant 0 : i32
      %eq3A_364 = vector.broadcast %eq3A_363 : i32 to vector<16xi32>
      %eq3A_365 = arith.cmpi eq, %iota3A, %eq3A_364 : vector<16xi32>
      %broadcast_in_dim3A_366 = vector.broadcast %reduce_sum3A_362 : f32 to vector<16xf32>
      %select_n3A_367 = arith.select %eq3A_365, %broadcast_in_dim3A_366, %broadcast_in_dim3A_259 : vector<16xi1>, vector<16xf32>
      %jit3A_368 = arith.constant 2 : i32
      %div3A_369 = arith.divsi %mul3A_258, %jit3A_368 : i32
      %sign3A_370 = arith.constant 0 : i32
      %sign3A_371 = arith.cmpi sgt, %mul3A_258, %sign3A_370 : i32
      %sign3A_372 = arith.extui %sign3A_371 : i1 to i32
      %sign3A_373 = arith.constant 0 : i32
      %sign3A_374 = arith.cmpi slt, %mul3A_258, %sign3A_373 : i32
      %sign3A_375 = arith.extui %sign3A_374 : i1 to i32
      %sign3A_376 = arith.subi %sign3A_372, %sign3A_375 : i32
      %sign3A_377 = arith.constant 0 : i32
      %sign3A_378 = arith.cmpi sgt, %jit3A_368, %sign3A_377 : i32
      %sign3A_379 = arith.extui %sign3A_378 : i1 to i32
      %sign3A_380 = arith.constant 0 : i32
      %sign3A_381 = arith.cmpi slt, %jit3A_368, %sign3A_380 : i32
      %sign3A_382 = arith.extui %sign3A_381 : i1 to i32
      %sign3A_383 = arith.subi %sign3A_379, %sign3A_382 : i32
      %ne3A_384 = arith.cmpi ne, %sign3A_376, %sign3A_383 : i32
      %rem3A_385 = arith.remsi %mul3A_258, %jit3A_368 : i32
      %ne3A_386 = arith.constant 0 : i32
      %ne3A_387 = arith.cmpi ne, %rem3A_385, %ne3A_386 : i32
      %and3A_388 = arith.andi %ne3A_384, %ne3A_387 : i1
      %sub3A_389 = arith.constant 1 : i32
      %sub3A_390 = arith.subi %div3A_369, %sub3A_389 : i32
      %select_n3A_391 = arith.select %and3A_388, %sub3A_390, %div3A_369 : i32
      %add3A_392 = arith.constant 0 : i32
      %add3A_393 = arith.addi %select_n3A_391, %add3A_392 : i32
      %add3A_394 = arith.constant 1 : i32
      %add3A_395 = arith.addi %mul3A_258, %add3A_394 : i32
      %jit3A_396 = arith.constant 64 : i32
      %div3A_397 = arith.divsi %add3A_395, %jit3A_396 : i32
      %sign3A_398 = arith.constant 0 : i32
      %sign3A_399 = arith.cmpi sgt, %add3A_395, %sign3A_398 : i32
      %sign3A_400 = arith.extui %sign3A_399 : i1 to i32
      %sign3A_401 = arith.constant 0 : i32
      %sign3A_402 = arith.cmpi slt, %add3A_395, %sign3A_401 : i32
      %sign3A_403 = arith.extui %sign3A_402 : i1 to i32
      %sign3A_404 = arith.subi %sign3A_400, %sign3A_403 : i32
      %sign3A_405 = arith.constant 0 : i32
      %sign3A_406 = arith.cmpi sgt, %jit3A_396, %sign3A_405 : i32
      %sign3A_407 = arith.extui %sign3A_406 : i1 to i32
      %sign3A_408 = arith.constant 0 : i32
      %sign3A_409 = arith.cmpi slt, %jit3A_396, %sign3A_408 : i32
      %sign3A_410 = arith.extui %sign3A_409 : i1 to i32
      %sign3A_411 = arith.subi %sign3A_407, %sign3A_410 : i32
      %ne3A_412 = arith.cmpi ne, %sign3A_404, %sign3A_411 : i32
      %rem3A_413 = arith.remsi %add3A_395, %jit3A_396 : i32
      %ne3A_414 = arith.constant 0 : i32
      %ne3A_415 = arith.cmpi ne, %rem3A_413, %ne3A_414 : i32
      %and3A_416 = arith.andi %ne3A_412, %ne3A_415 : i1
      %sub3A_417 = arith.constant 1 : i32
      %sub3A_418 = arith.subi %div3A_397, %sub3A_417 : i32
      %select_n3A_419 = arith.select %and3A_416, %sub3A_418, %div3A_397 : i32
      %add3A_420 = arith.constant 1 : i32
      %add3A_421 = arith.addi %mul3A_258, %add3A_420 : i32
      %jit3A_422 = arith.constant 64 : i32
      %eq3A_423 = arith.constant 0 : i32
      %eq3A_424 = arith.cmpi eq, %jit3A_422, %eq3A_423 : i32
      %jit3A_425 = arith.constant 1 : i32
      %select_n3A_426 = arith.select %eq3A_424, %jit3A_425, %jit3A_422 : i32
      %rem3A_427 = arith.remsi %add3A_421, %select_n3A_426 : i32
      %ne3A_428 = arith.constant 0 : i32
      %ne3A_429 = arith.cmpi ne, %rem3A_427, %ne3A_428 : i32
      %lt3A_430 = arith.constant 0 : i32
      %lt3A_431 = arith.cmpi slt, %rem3A_427, %lt3A_430 : i32
      %lt3A_432 = arith.constant 0 : i32
      %lt3A_433 = arith.cmpi slt, %select_n3A_426, %lt3A_432 : i32
      %ne3A_434 = arith.xori %lt3A_431, %lt3A_433 : i1
      %and3A_435 = arith.andi %ne3A_434, %ne3A_429 : i1
      %add3A_436 = arith.addi %rem3A_427, %select_n3A_426 : i32
      %select_n3A_437 = arith.select %and3A_435, %add3A_436, %rem3A_427 : i32
      %get3A_438 = arith.index_cast %select_n3A_419 : i32 to index
      %get3A_439 = arith.index_cast %select_n3A_437 : i32 to index
      %get3A_440 = arith.constant 0 : index
      %get3A_441 = tpu.vector_load %arg9[%get3A_438, %get3A_439, %get3A_440] {strides = array<i32>} : memref<8x64x64xf32, #tpu.memory_space<vmem>>, vector<16xf32>,
      %get3A_442 = arith.index_cast %add3A_393 : i32 to index
      %get3A_443 = arith.constant 64 : index
      %get3A_444 = tpu.vector_load %arg10[%get3A_442, %get3A_443] {strides = array<i32>} : memref<256x128xf32, #tpu.memory_space<vmem>>, vector<16xf32>,
      %mul3A_445 = arith.mulf %get3A_441, %get3A_444 : vector<16xf32>
      %mul3A_446 = arith.mulf %mul3A_445, %get3A_233 : vector<16xf32>
      %get3A_447 = arith.index_cast %select_n3A_419 : i32 to index
      %get3A_448 = arith.index_cast %select_n3A_437 : i32 to index
      %get3A_449 = arith.constant 16 : index
      %get3A_450 = tpu.vector_load %arg9[%get3A_447, %get3A_448, %get3A_449] {strides = array<i32>} : memref<8x64x64xf32, #tpu.memory_space<vmem>>, vector<16xf32>,
      %get3A_451 = arith.index_cast %add3A_393 : i32 to index
      %get3A_452 = arith.constant 80 : index
      %get3A_453 = tpu.vector_load %arg10[%get3A_451, %get3A_452] {strides = array<i32>} : memref<256x128xf32, #tpu.memory_space<vmem>>, vector<16xf32>,
      %mul3A_454 = arith.mulf %get3A_450, %get3A_453 : vector<16xf32>
      %mul3A_455 = arith.mulf %mul3A_454, %get3A_237 : vector<16xf32>
      %add3A_456 = arith.addf %mul3A_446, %mul3A_455 : vector<16xf32>
      %get3A_457 = arith.index_cast %select_n3A_419 : i32 to index
      %get3A_458 = arith.index_cast %select_n3A_437 : i32 to index
      %get3A_459 = arith.constant 32 : index
      %get3A_460 = tpu.vector_load %arg9[%get3A_457, %get3A_458, %get3A_459] {strides = array<i32>} : memref<8x64x64xf32, #tpu.memory_space<vmem>>, vector<16xf32>,
      %get3A_461 = arith.index_cast %add3A_393 : i32 to index
      %get3A_462 = arith.constant 96 : index
      %get3A_463 = tpu.vector_load %arg10[%get3A_461, %get3A_462] {strides = array<i32>} : memref<256x128xf32, #tpu.memory_space<vmem>>, vector<16xf32>,
      %mul3A_464 = arith.mulf %get3A_460, %get3A_463 : vector<16xf32>
      %mul3A_465 = arith.mulf %mul3A_464, %get3A_241 : vector<16xf32>
      %add3A_466 = arith.addf %add3A_456, %mul3A_465 : vector<16xf32>
      %get3A_467 = arith.index_cast %select_n3A_419 : i32 to index
      %get3A_468 = arith.index_cast %select_n3A_437 : i32 to index
      %get3A_469 = arith.constant 48 : index
      %get3A_470 = tpu.vector_load %arg9[%get3A_467, %get3A_468, %get3A_469] {strides = array<i32>} : memref<8x64x64xf32, #tpu.memory_space<vmem>>, vector<16xf32>,
      %get3A_471 = arith.index_cast %add3A_393 : i32 to index
      %get3A_472 = arith.constant 112 : index
      %get3A_473 = tpu.vector_load %arg10[%get3A_471, %get3A_472] {strides = array<i32>} : memref<256x128xf32, #tpu.memory_space<vmem>>, vector<16xf32>,
      %mul3A_474 = arith.mulf %get3A_470, %get3A_473 : vector<16xf32>
      %mul3A_475 = arith.mulf %mul3A_474, %get3A_245 : vector<16xf32>
      %add3A_476 = arith.addf %add3A_466, %mul3A_475 : vector<16xf32>
      %add3A_477 = arith.addf %add3A_476, %get3A_247 : vector<16xf32>
      %reduce_sum3A_478 = arith.constant true
      %reduce_sum3A_479 = vector.broadcast %reduce_sum3A_478 : i1 to vector<16xi1>
      %reduce_sum3A_480 = tpu.scan <sum>, %add3A_477 masked %reduce_sum3A_479 : vector<16xf32>, vector<16xi1> -> vector<16xf32>
      %reduce_sum3A_481 = vector.extract %reduce_sum3A_480[15] : f32 from vector<16xf32>
      %eq3A_482 = arith.constant 1 : i32
      %eq3A_483 = vector.broadcast %eq3A_482 : i32 to vector<16xi32>
      %eq3A_484 = arith.cmpi eq, %iota3A, %eq3A_483 : vector<16xi32>
      %broadcast_in_dim3A_485 = vector.broadcast %reduce_sum3A_481 : f32 to vector<16xf32>
      %select_n3A_486 = arith.select %eq3A_484, %broadcast_in_dim3A_485, %select_n3A_367 : vector<16xi1>, vector<16xf32>
      %jit3A_487 = arith.constant 2 : i32
      %div3A_488 = arith.divsi %mul3A_258, %jit3A_487 : i32
      %sign3A_489 = arith.constant 0 : i32
      %sign3A_490 = arith.cmpi sgt, %mul3A_258, %sign3A_489 : i32
      %sign3A_491 = arith.extui %sign3A_490 : i1 to i32
      %sign3A_492 = arith.constant 0 : i32
      %sign3A_493 = arith.cmpi slt, %mul3A_258, %sign3A_492 : i32
      %sign3A_494 = arith.extui %sign3A_493 : i1 to i32
      %sign3A_495 = arith.subi %sign3A_491, %sign3A_494 : i32
      %sign3A_496 = arith.constant 0 : i32
      %sign3A_497 = arith.cmpi sgt, %jit3A_487, %sign3A_496 : i32
      %sign3A_498 = arith.extui %sign3A_497 : i1 to i32
      %sign3A_499 = arith.constant 0 : i32
      %sign3A_500 = arith.cmpi slt, %jit3A_487, %sign3A_499 : i32
      %sign3A_501 = arith.extui %sign3A_500 : i1 to i32
      %sign3A_502 = arith.subi %sign3A_498, %sign3A_501 : i32
      %ne3A_503 = arith.cmpi ne, %sign3A_495, %sign3A_502 : i32
      %rem3A_504 = arith.remsi %mul3A_258, %jit3A_487 : i32
      %ne3A_505 = arith.constant 0 : i32
      %ne3A_506 = arith.cmpi ne, %rem3A_504, %ne3A_505 : i32
      %and3A_507 = arith.andi %ne3A_503, %ne3A_506 : i1
      %sub3A_508 = arith.constant 1 : i32
      %sub3A_509 = arith.subi %div3A_488, %sub3A_508 : i32
      %select_n3A_510 = arith.select %and3A_507, %sub3A_509, %div3A_488 : i32
      %add3A_511 = arith.constant 1 : i32
      %add3A_512 = arith.addi %select_n3A_510, %add3A_511 : i32
      %add3A_513 = arith.constant 2 : i32
      %add3A_514 = arith.addi %mul3A_258, %add3A_513 : i32
      %jit3A_515 = arith.constant 64 : i32
      %div3A_516 = arith.divsi %add3A_514, %jit3A_515 : i32
      %sign3A_517 = arith.constant 0 : i32
      %sign3A_518 = arith.cmpi sgt, %add3A_514, %sign3A_517 : i32
      %sign3A_519 = arith.extui %sign3A_518 : i1 to i32
      %sign3A_520 = arith.constant 0 : i32
      %sign3A_521 = arith.cmpi slt, %add3A_514, %sign3A_520 : i32
      %sign3A_522 = arith.extui %sign3A_521 : i1 to i32
      %sign3A_523 = arith.subi %sign3A_519, %sign3A_522 : i32
      %sign3A_524 = arith.constant 0 : i32
      %sign3A_525 = arith.cmpi sgt, %jit3A_515, %sign3A_524 : i32
      %sign3A_526 = arith.extui %sign3A_525 : i1 to i32
      %sign3A_527 = arith.constant 0 : i32
      %sign3A_528 = arith.cmpi slt, %jit3A_515, %sign3A_527 : i32
      %sign3A_529 = arith.extui %sign3A_528 : i1 to i32
      %sign3A_530 = arith.subi %sign3A_526, %sign3A_529 : i32
      %ne3A_531 = arith.cmpi ne, %sign3A_523, %sign3A_530 : i32
      %rem3A_532 = arith.remsi %add3A_514, %jit3A_515 : i32
      %ne3A_533 = arith.constant 0 : i32
      %ne3A_534 = arith.cmpi ne, %rem3A_532, %ne3A_533 : i32
      %and3A_535 = arith.andi %ne3A_531, %ne3A_534 : i1
      %sub3A_536 = arith.constant 1 : i32
      %sub3A_537 = arith.subi %div3A_516, %sub3A_536 : i32
      %select_n3A_538 = arith.select %and3A_535, %sub3A_537, %div3A_516 : i32
      %add3A_539 = arith.constant 2 : i32
      %add3A_540 = arith.addi %mul3A_258, %add3A_539 : i32
      %jit3A_541 = arith.constant 64 : i32
      %eq3A_542 = arith.constant 0 : i32
      %eq3A_543 = arith.cmpi eq, %jit3A_541, %eq3A_542 : i32
      %jit3A_544 = arith.constant 1 : i32
      %select_n3A_545 = arith.select %eq3A_543, %jit3A_544, %jit3A_541 : i32
      %rem3A_546 = arith.remsi %add3A_540, %select_n3A_545 : i32
      %ne3A_547 = arith.constant 0 : i32
      %ne3A_548 = arith.cmpi ne, %rem3A_546, %ne3A_547 : i32
      %lt3A_549 = arith.constant 0 : i32
      %lt3A_550 = arith.cmpi slt, %rem3A_546, %lt3A_549 : i32
      %lt3A_551 = arith.constant 0 : i32
      %lt3A_552 = arith.cmpi slt, %select_n3A_545, %lt3A_551 : i32
      %ne3A_553 = arith.xori %lt3A_550, %lt3A_552 : i1
      %and3A_554 = arith.andi %ne3A_553, %ne3A_548 : i1
      %add3A_555 = arith.addi %rem3A_546, %select_n3A_545 : i32
      %select_n3A_556 = arith.select %and3A_554, %add3A_555, %rem3A_546 : i32
      %get3A_557 = arith.index_cast %select_n3A_538 : i32 to index
      %get3A_558 = arith.index_cast %select_n3A_556 : i32 to index
      %get3A_559 = arith.constant 0 : index
      %get3A_560 = tpu.vector_load %arg9[%get3A_557, %get3A_558, %get3A_559] {strides = array<i32>} : memref<8x64x64xf32, #tpu.memory_space<vmem>>, vector<16xf32>,
      %get3A_561 = arith.index_cast %add3A_512 : i32 to index
      %get3A_562 = arith.constant 0 : index
      %get3A_563 = tpu.vector_load %arg10[%get3A_561, %get3A_562] {strides = array<i32>} : memref<256x128xf32, #tpu.memory_space<vmem>>, vector<16xf32>,
      %mul3A_564 = arith.mulf %get3A_560, %get3A_563 : vector<16xf32>
      %mul3A_565 = arith.mulf %mul3A_564, %get3A_233 : vector<16xf32>
      %get3A_566 = arith.index_cast %select_n3A_538 : i32 to index
      %get3A_567 = arith.index_cast %select_n3A_556 : i32 to index
      %get3A_568 = arith.constant 16 : index
      %get3A_569 = tpu.vector_load %arg9[%get3A_566, %get3A_567, %get3A_568] {strides = array<i32>} : memref<8x64x64xf32, #tpu.memory_space<vmem>>, vector<16xf32>,
      %get3A_570 = arith.index_cast %add3A_512 : i32 to index
      %get3A_571 = arith.constant 16 : index
      %get3A_572 = tpu.vector_load %arg10[%get3A_570, %get3A_571] {strides = array<i32>} : memref<256x128xf32, #tpu.memory_space<vmem>>, vector<16xf32>,
      %mul3A_573 = arith.mulf %get3A_569, %get3A_572 : vector<16xf32>
      %mul3A_574 = arith.mulf %mul3A_573, %get3A_237 : vector<16xf32>
      %add3A_575 = arith.addf %mul3A_565, %mul3A_574 : vector<16xf32>
      %get3A_576 = arith.index_cast %select_n3A_538 : i32 to index
      %get3A_577 = arith.index_cast %select_n3A_556 : i32 to index
      %get3A_578 = arith.constant 32 : index
      %get3A_579 = tpu.vector_load %arg9[%get3A_576, %get3A_577, %get3A_578] {strides = array<i32>} : memref<8x64x64xf32, #tpu.memory_space<vmem>>, vector<16xf32>,
      %get3A_580 = arith.index_cast %add3A_512 : i32 to index
      %get3A_581 = arith.constant 32 : index
      %get3A_582 = tpu.vector_load %arg10[%get3A_580, %get3A_581] {strides = array<i32>} : memref<256x128xf32, #tpu.memory_space<vmem>>, vector<16xf32>,
      %mul3A_583 = arith.mulf %get3A_579, %get3A_582 : vector<16xf32>
      %mul3A_584 = arith.mulf %mul3A_583, %get3A_241 : vector<16xf32>
      %add3A_585 = arith.addf %add3A_575, %mul3A_584 : vector<16xf32>
      %get3A_586 = arith.index_cast %select_n3A_538 : i32 to index
      %get3A_587 = arith.index_cast %select_n3A_556 : i32 to index
      %get3A_588 = arith.constant 48 : index
      %get3A_589 = tpu.vector_load %arg9[%get3A_586, %get3A_587, %get3A_588] {strides = array<i32>} : memref<8x64x64xf32, #tpu.memory_space<vmem>>, vector<16xf32>,
      %get3A_590 = arith.index_cast %add3A_512 : i32 to index
      %get3A_591 = arith.constant 48 : index
      %get3A_592 = tpu.vector_load %arg10[%get3A_590, %get3A_591] {strides = array<i32>} : memref<256x128xf32, #tpu.memory_space<vmem>>, vector<16xf32>,
      %mul3A_593 = arith.mulf %get3A_589, %get3A_592 : vector<16xf32>
      %mul3A_594 = arith.mulf %mul3A_593, %get3A_245 : vector<16xf32>
      %add3A_595 = arith.addf %add3A_585, %mul3A_594 : vector<16xf32>
      %add3A_596 = arith.addf %add3A_595, %get3A_247 : vector<16xf32>
      %reduce_sum3A_597 = arith.constant true
      %reduce_sum3A_598 = vector.broadcast %reduce_sum3A_597 : i1 to vector<16xi1>
      %reduce_sum3A_599 = tpu.scan <sum>, %add3A_596 masked %reduce_sum3A_598 : vector<16xf32>, vector<16xi1> -> vector<16xf32>
      %reduce_sum3A_600 = vector.extract %reduce_sum3A_599[15] : f32 from vector<16xf32>
      %eq3A_601 = arith.constant 2 : i32
      %eq3A_602 = vector.broadcast %eq3A_601 : i32 to vector<16xi32>
      %eq3A_603 = arith.cmpi eq, %iota3A, %eq3A_602 : vector<16xi32>
      %broadcast_in_dim3A_604 = vector.broadcast %reduce_sum3A_600 : f32 to vector<16xf32>
      %select_n3A_605 = arith.select %eq3A_603, %broadcast_in_dim3A_604, %select_n3A_486 : vector<16xi1>, vector<16xf32>
      %jit3A_606 = arith.constant 2 : i32
      %div3A_607 = arith.divsi %mul3A_258, %jit3A_606 : i32
      %sign3A_608 = arith.constant 0 : i32
      %sign3A_609 = arith.cmpi sgt, %mul3A_258, %sign3A_608 : i32
      %sign3A_610 = arith.extui %sign3A_609 : i1 to i32
      %sign3A_611 = arith.constant 0 : i32
      %sign3A_612 = arith.cmpi slt, %mul3A_258, %sign3A_611 : i32
      %sign3A_613 = arith.extui %sign3A_612 : i1 to i32
      %sign3A_614 = arith.subi %sign3A_610, %sign3A_613 : i32
      %sign3A_615 = arith.constant 0 : i32
      %sign3A_616 = arith.cmpi sgt, %jit3A_606, %sign3A_615 : i32
      %sign3A_617 = arith.extui %sign3A_616 : i1 to i32
      %sign3A_618 = arith.constant 0 : i32
      %sign3A_619 = arith.cmpi slt, %jit3A_606, %sign3A_618 : i32
      %sign3A_620 = arith.extui %sign3A_619 : i1 to i32
      %sign3A_621 = arith.subi %sign3A_617, %sign3A_620 : i32
      %ne3A_622 = arith.cmpi ne, %sign3A_614, %sign3A_621 : i32
      %rem3A_623 = arith.remsi %mul3A_258, %jit3A_606 : i32
      %ne3A_624 = arith.constant 0 : i32
      %ne3A_625 = arith.cmpi ne, %rem3A_623, %ne3A_624 : i32
      %and3A_626 = arith.andi %ne3A_622, %ne3A_625 : i1
      %sub3A_627 = arith.constant 1 : i32
      %sub3A_628 = arith.subi %div3A_607, %sub3A_627 : i32
      %select_n3A_629 = arith.select %and3A_626, %sub3A_628, %div3A_607 : i32
      %add3A_630 = arith.constant 1 : i32
      %add3A_631 = arith.addi %select_n3A_629, %add3A_630 : i32
      %add3A_632 = arith.constant 3 : i32
      %add3A_633 = arith.addi %mul3A_258, %add3A_632 : i32
      %jit3A_634 = arith.constant 64 : i32
      %div3A_635 = arith.divsi %add3A_633, %jit3A_634 : i32
      %sign3A_636 = arith.constant 0 : i32
      %sign3A_637 = arith.cmpi sgt, %add3A_633, %sign3A_636 : i32
      %sign3A_638 = arith.extui %sign3A_637 : i1 to i32
      %sign3A_639 = arith.constant 0 : i32
      %sign3A_640 = arith.cmpi slt, %add3A_633, %sign3A_639 : i32
      %sign3A_641 = arith.extui %sign3A_640 : i1 to i32
      %sign3A_642 = arith.subi %sign3A_638, %sign3A_641 : i32
      %sign3A_643 = arith.constant 0 : i32
      %sign3A_644 = arith.cmpi sgt, %jit3A_634, %sign3A_643 : i32
      %sign3A_645 = arith.extui %sign3A_644 : i1 to i32
      %sign3A_646 = arith.constant 0 : i32
      %sign3A_647 = arith.cmpi slt, %jit3A_634, %sign3A_646 : i32
      %sign3A_648 = arith.extui %sign3A_647 : i1 to i32
      %sign3A_649 = arith.subi %sign3A_645, %sign3A_648 : i32
      %ne3A_650 = arith.cmpi ne, %sign3A_642, %sign3A_649 : i32
      %rem3A_651 = arith.remsi %add3A_633, %jit3A_634 : i32
      %ne3A_652 = arith.constant 0 : i32
      %ne3A_653 = arith.cmpi ne, %rem3A_651, %ne3A_652 : i32
      %and3A_654 = arith.andi %ne3A_650, %ne3A_653 : i1
      %sub3A_655 = arith.constant 1 : i32
      %sub3A_656 = arith.subi %div3A_635, %sub3A_655 : i32
      %select_n3A_657 = arith.select %and3A_654, %sub3A_656, %div3A_635 : i32
      %add3A_658 = arith.constant 3 : i32
      %add3A_659 = arith.addi %mul3A_258, %add3A_658 : i32
      %jit3A_660 = arith.constant 64 : i32
      %eq3A_661 = arith.constant 0 : i32
      %eq3A_662 = arith.cmpi eq, %jit3A_660, %eq3A_661 : i32
      %jit3A_663 = arith.constant 1 : i32
      %select_n3A_664 = arith.select %eq3A_662, %jit3A_663, %jit3A_660 : i32
      %rem3A_665 = arith.remsi %add3A_659, %select_n3A_664 : i32
      %ne3A_666 = arith.constant 0 : i32
      %ne3A_667 = arith.cmpi ne, %rem3A_665, %ne3A_666 : i32
      %lt3A_668 = arith.constant 0 : i32
      %lt3A_669 = arith.cmpi slt, %rem3A_665, %lt3A_668 : i32
      %lt3A_670 = arith.constant 0 : i32
      %lt3A_671 = arith.cmpi slt, %select_n3A_664, %lt3A_670 : i32
      %ne3A_672 = arith.xori %lt3A_669, %lt3A_671 : i1
      %and3A_673 = arith.andi %ne3A_672, %ne3A_667 : i1
      %add3A_674 = arith.addi %rem3A_665, %select_n3A_664 : i32
      %select_n3A_675 = arith.select %and3A_673, %add3A_674, %rem3A_665 : i32
      %get3A_676 = arith.index_cast %select_n3A_657 : i32 to index
      %get3A_677 = arith.index_cast %select_n3A_675 : i32 to index
      %get3A_678 = arith.constant 0 : index
      %get3A_679 = tpu.vector_load %arg9[%get3A_676, %get3A_677, %get3A_678] {strides = array<i32>} : memref<8x64x64xf32, #tpu.memory_space<vmem>>, vector<16xf32>,
      %get3A_680 = arith.index_cast %add3A_631 : i32 to index
      %get3A_681 = arith.constant 64 : index
      %get3A_682 = tpu.vector_load %arg10[%get3A_680, %get3A_681] {strides = array<i32>} : memref<256x128xf32, #tpu.memory_space<vmem>>, vector<16xf32>,
      %mul3A_683 = arith.mulf %get3A_679, %get3A_682 : vector<16xf32>
      %mul3A_684 = arith.mulf %mul3A_683, %get3A_233 : vector<16xf32>
      %get3A_685 = arith.index_cast %select_n3A_657 : i32 to index
      %get3A_686 = arith.index_cast %select_n3A_675 : i32 to index
      %get3A_687 = arith.constant 16 : index
      %get3A_688 = tpu.vector_load %arg9[%get3A_685, %get3A_686, %get3A_687] {strides = array<i32>} : memref<8x64x64xf32, #tpu.memory_space<vmem>>, vector<16xf32>,
      %get3A_689 = arith.index_cast %add3A_631 : i32 to index
      %get3A_690 = arith.constant 80 : index
      %get3A_691 = tpu.vector_load %arg10[%get3A_689, %get3A_690] {strides = array<i32>} : memref<256x128xf32, #tpu.memory_space<vmem>>, vector<16xf32>,
      %mul3A_692 = arith.mulf %get3A_688, %get3A_691 : vector<16xf32>
      %mul3A_693 = arith.mulf %mul3A_692, %get3A_237 : vector<16xf32>
      %add3A_694 = arith.addf %mul3A_684, %mul3A_693 : vector<16xf32>
      %get3A_695 = arith.index_cast %select_n3A_657 : i32 to index
      %get3A_696 = arith.index_cast %select_n3A_675 : i32 to index
      %get3A_697 = arith.constant 32 : index
      %get3A_698 = tpu.vector_load %arg9[%get3A_695, %get3A_696, %get3A_697] {strides = array<i32>} : memref<8x64x64xf32, #tpu.memory_space<vmem>>, vector<16xf32>,
      %get3A_699 = arith.index_cast %add3A_631 : i32 to index
      %get3A_700 = arith.constant 96 : index
      %get3A_701 = tpu.vector_load %arg10[%get3A_699, %get3A_700] {strides = array<i32>} : memref<256x128xf32, #tpu.memory_space<vmem>>, vector<16xf32>,
      %mul3A_702 = arith.mulf %get3A_698, %get3A_701 : vector<16xf32>
      %mul3A_703 = arith.mulf %mul3A_702, %get3A_241 : vector<16xf32>
      %add3A_704 = arith.addf %add3A_694, %mul3A_703 : vector<16xf32>
      %get3A_705 = arith.index_cast %select_n3A_657 : i32 to index
      %get3A_706 = arith.index_cast %select_n3A_675 : i32 to index
      %get3A_707 = arith.constant 48 : index
      %get3A_708 = tpu.vector_load %arg9[%get3A_705, %get3A_706, %get3A_707] {strides = array<i32>} : memref<8x64x64xf32, #tpu.memory_space<vmem>>, vector<16xf32>,
      %get3A_709 = arith.index_cast %add3A_631 : i32 to index
      %get3A_710 = arith.constant 112 : index
      %get3A_711 = tpu.vector_load %arg10[%get3A_709, %get3A_710] {strides = array<i32>} : memref<256x128xf32, #tpu.memory_space<vmem>>, vector<16xf32>,
      %mul3A_712 = arith.mulf %get3A_708, %get3A_711 : vector<16xf32>
      %mul3A_713 = arith.mulf %mul3A_712, %get3A_245 : vector<16xf32>
      %add3A_714 = arith.addf %add3A_704, %mul3A_713 : vector<16xf32>
      %add3A_715 = arith.addf %add3A_714, %get3A_247 : vector<16xf32>
      %reduce_sum3A_716 = arith.constant true
      %reduce_sum3A_717 = vector.broadcast %reduce_sum3A_716 : i1 to vector<16xi1>
      %reduce_sum3A_718 = tpu.scan <sum>, %add3A_715 masked %reduce_sum3A_717 : vector<16xf32>, vector<16xi1> -> vector<16xf32>
      %reduce_sum3A_719 = vector.extract %reduce_sum3A_718[15] : f32 from vector<16xf32>
      %eq3A_720 = arith.constant 3 : i32
      %eq3A_721 = vector.broadcast %eq3A_720 : i32 to vector<16xi32>
      %eq3A_722 = arith.cmpi eq, %iota3A, %eq3A_721 : vector<16xi32>
      %broadcast_in_dim3A_723 = vector.broadcast %reduce_sum3A_719 : f32 to vector<16xf32>
      %select_n3A_724 = arith.select %eq3A_722, %broadcast_in_dim3A_723, %select_n3A_605 : vector<16xi1>, vector<16xf32>
      %jit3A_725 = arith.constant 2 : i32
      %div3A_726 = arith.divsi %mul3A_258, %jit3A_725 : i32
      %sign3A_727 = arith.constant 0 : i32
      %sign3A_728 = arith.cmpi sgt, %mul3A_258, %sign3A_727 : i32
      %sign3A_729 = arith.extui %sign3A_728 : i1 to i32
      %sign3A_730 = arith.constant 0 : i32
      %sign3A_731 = arith.cmpi slt, %mul3A_258, %sign3A_730 : i32
      %sign3A_732 = arith.extui %sign3A_731 : i1 to i32
      %sign3A_733 = arith.subi %sign3A_729, %sign3A_732 : i32
      %sign3A_734 = arith.constant 0 : i32
      %sign3A_735 = arith.cmpi sgt, %jit3A_725, %sign3A_734 : i32
      %sign3A_736 = arith.extui %sign3A_735 : i1 to i32
      %sign3A_737 = arith.constant 0 : i32
      %sign3A_738 = arith.cmpi slt, %jit3A_725, %sign3A_737 : i32
      %sign3A_739 = arith.extui %sign3A_738 : i1 to i32
      %sign3A_740 = arith.subi %sign3A_736, %sign3A_739 : i32
      %ne3A_741 = arith.cmpi ne, %sign3A_733, %sign3A_740 : i32
      %rem3A_742 = arith.remsi %mul3A_258, %jit3A_725 : i32
      %ne3A_743 = arith.constant 0 : i32
      %ne3A_744 = arith.cmpi ne, %rem3A_742, %ne3A_743 : i32
      %and3A_745 = arith.andi %ne3A_741, %ne3A_744 : i1
      %sub3A_746 = arith.constant 1 : i32
      %sub3A_747 = arith.subi %div3A_726, %sub3A_746 : i32
      %select_n3A_748 = arith.select %and3A_745, %sub3A_747, %div3A_726 : i32
      %add3A_749 = arith.constant 2 : i32
      %add3A_750 = arith.addi %select_n3A_748, %add3A_749 : i32
      %add3A_751 = arith.constant 4 : i32
      %add3A_752 = arith.addi %mul3A_258, %add3A_751 : i32
      %jit3A_753 = arith.constant 64 : i32
      %div3A_754 = arith.divsi %add3A_752, %jit3A_753 : i32
      %sign3A_755 = arith.constant 0 : i32
      %sign3A_756 = arith.cmpi sgt, %add3A_752, %sign3A_755 : i32
      %sign3A_757 = arith.extui %sign3A_756 : i1 to i32
      %sign3A_758 = arith.constant 0 : i32
      %sign3A_759 = arith.cmpi slt, %add3A_752, %sign3A_758 : i32
      %sign3A_760 = arith.extui %sign3A_759 : i1 to i32
      %sign3A_761 = arith.subi %sign3A_757, %sign3A_760 : i32
      %sign3A_762 = arith.constant 0 : i32
      %sign3A_763 = arith.cmpi sgt, %jit3A_753, %sign3A_762 : i32
      %sign3A_764 = arith.extui %sign3A_763 : i1 to i32
      %sign3A_765 = arith.constant 0 : i32
      %sign3A_766 = arith.cmpi slt, %jit3A_753, %sign3A_765 : i32
      %sign3A_767 = arith.extui %sign3A_766 : i1 to i32
      %sign3A_768 = arith.subi %sign3A_764, %sign3A_767 : i32
      %ne3A_769 = arith.cmpi ne, %sign3A_761, %sign3A_768 : i32
      %rem3A_770 = arith.remsi %add3A_752, %jit3A_753 : i32
      %ne3A_771 = arith.constant 0 : i32
      %ne3A_772 = arith.cmpi ne, %rem3A_770, %ne3A_771 : i32
      %and3A_773 = arith.andi %ne3A_769, %ne3A_772 : i1
      %sub3A_774 = arith.constant 1 : i32
      %sub3A_775 = arith.subi %div3A_754, %sub3A_774 : i32
      %select_n3A_776 = arith.select %and3A_773, %sub3A_775, %div3A_754 : i32
      %add3A_777 = arith.constant 4 : i32
      %add3A_778 = arith.addi %mul3A_258, %add3A_777 : i32
      %jit3A_779 = arith.constant 64 : i32
      %eq3A_780 = arith.constant 0 : i32
      %eq3A_781 = arith.cmpi eq, %jit3A_779, %eq3A_780 : i32
      %jit3A_782 = arith.constant 1 : i32
      %select_n3A_783 = arith.select %eq3A_781, %jit3A_782, %jit3A_779 : i32
      %rem3A_784 = arith.remsi %add3A_778, %select_n3A_783 : i32
      %ne3A_785 = arith.constant 0 : i32
      %ne3A_786 = arith.cmpi ne, %rem3A_784, %ne3A_785 : i32
      %lt3A_787 = arith.constant 0 : i32
      %lt3A_788 = arith.cmpi slt, %rem3A_784, %lt3A_787 : i32
      %lt3A_789 = arith.constant 0 : i32
      %lt3A_790 = arith.cmpi slt, %select_n3A_783, %lt3A_789 : i32
      %ne3A_791 = arith.xori %lt3A_788, %lt3A_790 : i1
      %and3A_792 = arith.andi %ne3A_791, %ne3A_786 : i1
      %add3A_793 = arith.addi %rem3A_784, %select_n3A_783 : i32
      %select_n3A_794 = arith.select %and3A_792, %add3A_793, %rem3A_784 : i32
      %get3A_795 = arith.index_cast %select_n3A_776 : i32 to index
      %get3A_796 = arith.index_cast %select_n3A_794 : i32 to index
      %get3A_797 = arith.constant 0 : index
      %get3A_798 = tpu.vector_load %arg9[%get3A_795, %get3A_796, %get3A_797] {strides = array<i32>} : memref<8x64x64xf32, #tpu.memory_space<vmem>>, vector<16xf32>,
      %get3A_799 = arith.index_cast %add3A_750 : i32 to index
      %get3A_800 = arith.constant 0 : index
      %get3A_801 = tpu.vector_load %arg10[%get3A_799, %get3A_800] {strides = array<i32>} : memref<256x128xf32, #tpu.memory_space<vmem>>, vector<16xf32>,
      %mul3A_802 = arith.mulf %get3A_798, %get3A_801 : vector<16xf32>
      %mul3A_803 = arith.mulf %mul3A_802, %get3A_233 : vector<16xf32>
      %get3A_804 = arith.index_cast %select_n3A_776 : i32 to index
      %get3A_805 = arith.index_cast %select_n3A_794 : i32 to index
      %get3A_806 = arith.constant 16 : index
      %get3A_807 = tpu.vector_load %arg9[%get3A_804, %get3A_805, %get3A_806] {strides = array<i32>} : memref<8x64x64xf32, #tpu.memory_space<vmem>>, vector<16xf32>,
      %get3A_808 = arith.index_cast %add3A_750 : i32 to index
      %get3A_809 = arith.constant 16 : index
      %get3A_810 = tpu.vector_load %arg10[%get3A_808, %get3A_809] {strides = array<i32>} : memref<256x128xf32, #tpu.memory_space<vmem>>, vector<16xf32>,
      %mul3A_811 = arith.mulf %get3A_807, %get3A_810 : vector<16xf32>
      %mul3A_812 = arith.mulf %mul3A_811, %get3A_237 : vector<16xf32>
      %add3A_813 = arith.addf %mul3A_803, %mul3A_812 : vector<16xf32>
      %get3A_814 = arith.index_cast %select_n3A_776 : i32 to index
      %get3A_815 = arith.index_cast %select_n3A_794 : i32 to index
      %get3A_816 = arith.constant 32 : index
      %get3A_817 = tpu.vector_load %arg9[%get3A_814, %get3A_815, %get3A_816] {strides = array<i32>} : memref<8x64x64xf32, #tpu.memory_space<vmem>>, vector<16xf32>,
      %get3A_818 = arith.index_cast %add3A_750 : i32 to index
      %get3A_819 = arith.constant 32 : index
      %get3A_820 = tpu.vector_load %arg10[%get3A_818, %get3A_819] {strides = array<i32>} : memref<256x128xf32, #tpu.memory_space<vmem>>, vector<16xf32>,
      %mul3A_821 = arith.mulf %get3A_817, %get3A_820 : vector<16xf32>
      %mul3A_822 = arith.mulf %mul3A_821, %get3A_241 : vector<16xf32>
      %add3A_823 = arith.addf %add3A_813, %mul3A_822 : vector<16xf32>
      %get3A_824 = arith.index_cast %select_n3A_776 : i32 to index
      %get3A_825 = arith.index_cast %select_n3A_794 : i32 to index
      %get3A_826 = arith.constant 48 : index
      %get3A_827 = tpu.vector_load %arg9[%get3A_824, %get3A_825, %get3A_826] {strides = array<i32>} : memref<8x64x64xf32, #tpu.memory_space<vmem>>, vector<16xf32>,
      %get3A_828 = arith.index_cast %add3A_750 : i32 to index
      %get3A_829 = arith.constant 48 : index
      %get3A_830 = tpu.vector_load %arg10[%get3A_828, %get3A_829] {strides = array<i32>} : memref<256x128xf32, #tpu.memory_space<vmem>>, vector<16xf32>,
      %mul3A_831 = arith.mulf %get3A_827, %get3A_830 : vector<16xf32>
      %mul3A_832 = arith.mulf %mul3A_831, %get3A_245 : vector<16xf32>
      %add3A_833 = arith.addf %add3A_823, %mul3A_832 : vector<16xf32>
      %add3A_834 = arith.addf %add3A_833, %get3A_247 : vector<16xf32>
      %reduce_sum3A_835 = arith.constant true
      %reduce_sum3A_836 = vector.broadcast %reduce_sum3A_835 : i1 to vector<16xi1>
      %reduce_sum3A_837 = tpu.scan <sum>, %add3A_834 masked %reduce_sum3A_836 : vector<16xf32>, vector<16xi1> -> vector<16xf32>
      %reduce_sum3A_838 = vector.extract %reduce_sum3A_837[15] : f32 from vector<16xf32>
      %eq3A_839 = arith.constant 4 : i32
      %eq3A_840 = vector.broadcast %eq3A_839 : i32 to vector<16xi32>
      %eq3A_841 = arith.cmpi eq, %iota3A, %eq3A_840 : vector<16xi32>
      %broadcast_in_dim3A_842 = vector.broadcast %reduce_sum3A_838 : f32 to vector<16xf32>
      %select_n3A_843 = arith.select %eq3A_841, %broadcast_in_dim3A_842, %select_n3A_724 : vector<16xi1>, vector<16xf32>
      %jit3A_844 = arith.constant 2 : i32
      %div3A_845 = arith.divsi %mul3A_258, %jit3A_844 : i32
      %sign3A_846 = arith.constant 0 : i32
      %sign3A_847 = arith.cmpi sgt, %mul3A_258, %sign3A_846 : i32
      %sign3A_848 = arith.extui %sign3A_847 : i1 to i32
      %sign3A_849 = arith.constant 0 : i32
      %sign3A_850 = arith.cmpi slt, %mul3A_258, %sign3A_849 : i32
      %sign3A_851 = arith.extui %sign3A_850 : i1 to i32
      %sign3A_852 = arith.subi %sign3A_848, %sign3A_851 : i32
      %sign3A_853 = arith.constant 0 : i32
      %sign3A_854 = arith.cmpi sgt, %jit3A_844, %sign3A_853 : i32
      %sign3A_855 = arith.extui %sign3A_854 : i1 to i32
      %sign3A_856 = arith.constant 0 : i32
      %sign3A_857 = arith.cmpi slt, %jit3A_844, %sign3A_856 : i32
      %sign3A_858 = arith.extui %sign3A_857 : i1 to i32
      %sign3A_859 = arith.subi %sign3A_855, %sign3A_858 : i32
      %ne3A_860 = arith.cmpi ne, %sign3A_852, %sign3A_859 : i32
      %rem3A_861 = arith.remsi %mul3A_258, %jit3A_844 : i32
      %ne3A_862 = arith.constant 0 : i32
      %ne3A_863 = arith.cmpi ne, %rem3A_861, %ne3A_862 : i32
      %and3A_864 = arith.andi %ne3A_860, %ne3A_863 : i1
      %sub3A_865 = arith.constant 1 : i32
      %sub3A_866 = arith.subi %div3A_845, %sub3A_865 : i32
      %select_n3A_867 = arith.select %and3A_864, %sub3A_866, %div3A_845 : i32
      %add3A_868 = arith.constant 2 : i32
      %add3A_869 = arith.addi %select_n3A_867, %add3A_868 : i32
      %add3A_870 = arith.constant 5 : i32
      %add3A_871 = arith.addi %mul3A_258, %add3A_870 : i32
      %jit3A_872 = arith.constant 64 : i32
      %div3A_873 = arith.divsi %add3A_871, %jit3A_872 : i32
      %sign3A_874 = arith.constant 0 : i32
      %sign3A_875 = arith.cmpi sgt, %add3A_871, %sign3A_874 : i32
      %sign3A_876 = arith.extui %sign3A_875 : i1 to i32
      %sign3A_877 = arith.constant 0 : i32
      %sign3A_878 = arith.cmpi slt, %add3A_871, %sign3A_877 : i32
      %sign3A_879 = arith.extui %sign3A_878 : i1 to i32
      %sign3A_880 = arith.subi %sign3A_876, %sign3A_879 : i32
      %sign3A_881 = arith.constant 0 : i32
      %sign3A_882 = arith.cmpi sgt, %jit3A_872, %sign3A_881 : i32
      %sign3A_883 = arith.extui %sign3A_882 : i1 to i32
      %sign3A_884 = arith.constant 0 : i32
      %sign3A_885 = arith.cmpi slt, %jit3A_872, %sign3A_884 : i32
      %sign3A_886 = arith.extui %sign3A_885 : i1 to i32
      %sign3A_887 = arith.subi %sign3A_883, %sign3A_886 : i32
      %ne3A_888 = arith.cmpi ne, %sign3A_880, %sign3A_887 : i32
      %rem3A_889 = arith.remsi %add3A_871, %jit3A_872 : i32
      %ne3A_890 = arith.constant 0 : i32
      %ne3A_891 = arith.cmpi ne, %rem3A_889, %ne3A_890 : i32
      %and3A_892 = arith.andi %ne3A_888, %ne3A_891 : i1
      %sub3A_893 = arith.constant 1 : i32
      %sub3A_894 = arith.subi %div3A_873, %sub3A_893 : i32
      %select_n3A_895 = arith.select %and3A_892, %sub3A_894, %div3A_873 : i32
      %add3A_896 = arith.constant 5 : i32
      %add3A_897 = arith.addi %mul3A_258, %add3A_896 : i32
      %jit3A_898 = arith.constant 64 : i32
      %eq3A_899 = arith.constant 0 : i32
      %eq3A_900 = arith.cmpi eq, %jit3A_898, %eq3A_899 : i32
      %jit3A_901 = arith.constant 1 : i32
      %select_n3A_902 = arith.select %eq3A_900, %jit3A_901, %jit3A_898 : i32
      %rem3A_903 = arith.remsi %add3A_897, %select_n3A_902 : i32
      %ne3A_904 = arith.constant 0 : i32
      %ne3A_905 = arith.cmpi ne, %rem3A_903, %ne3A_904 : i32
      %lt3A_906 = arith.constant 0 : i32
      %lt3A_907 = arith.cmpi slt, %rem3A_903, %lt3A_906 : i32
      %lt3A_908 = arith.constant 0 : i32
      %lt3A_909 = arith.cmpi slt, %select_n3A_902, %lt3A_908 : i32
      %ne3A_910 = arith.xori %lt3A_907, %lt3A_909 : i1
      %and3A_911 = arith.andi %ne3A_910, %ne3A_905 : i1
      %add3A_912 = arith.addi %rem3A_903, %select_n3A_902 : i32
      %select_n3A_913 = arith.select %and3A_911, %add3A_912, %rem3A_903 : i32
      %get3A_914 = arith.index_cast %select_n3A_895 : i32 to index
      %get3A_915 = arith.index_cast %select_n3A_913 : i32 to index
      %get3A_916 = arith.constant 0 : index
      %get3A_917 = tpu.vector_load %arg9[%get3A_914, %get3A_915, %get3A_916] {strides = array<i32>} : memref<8x64x64xf32, #tpu.memory_space<vmem>>, vector<16xf32>,
      %get3A_918 = arith.index_cast %add3A_869 : i32 to index
      %get3A_919 = arith.constant 64 : index
      %get3A_920 = tpu.vector_load %arg10[%get3A_918, %get3A_919] {strides = array<i32>} : memref<256x128xf32, #tpu.memory_space<vmem>>, vector<16xf32>,
      %mul3A_921 = arith.mulf %get3A_917, %get3A_920 : vector<16xf32>
      %mul3A_922 = arith.mulf %mul3A_921, %get3A_233 : vector<16xf32>
      %get3A_923 = arith.index_cast %select_n3A_895 : i32 to index
      %get3A_924 = arith.index_cast %select_n3A_913 : i32 to index
      %get3A_925 = arith.constant 16 : index
      %get3A_926 = tpu.vector_load %arg9[%get3A_923, %get3A_924, %get3A_925] {strides = array<i32>} : memref<8x64x64xf32, #tpu.memory_space<vmem>>, vector<16xf32>,
      %get3A_927 = arith.index_cast %add3A_869 : i32 to index
      %get3A_928 = arith.constant 80 : index
      %get3A_929 = tpu.vector_load %arg10[%get3A_927, %get3A_928] {strides = array<i32>} : memref<256x128xf32, #tpu.memory_space<vmem>>, vector<16xf32>,
      %mul3A_930 = arith.mulf %get3A_926, %get3A_929 : vector<16xf32>
      %mul3A_931 = arith.mulf %mul3A_930, %get3A_237 : vector<16xf32>
      %add3A_932 = arith.addf %mul3A_922, %mul3A_931 : vector<16xf32>
      %get3A_933 = arith.index_cast %select_n3A_895 : i32 to index
      %get3A_934 = arith.index_cast %select_n3A_913 : i32 to index
      %get3A_935 = arith.constant 32 : index
      %get3A_936 = tpu.vector_load %arg9[%get3A_933, %get3A_934, %get3A_935] {strides = array<i32>} : memref<8x64x64xf32, #tpu.memory_space<vmem>>, vector<16xf32>,
      %get3A_937 = arith.index_cast %add3A_869 : i32 to index
      %get3A_938 = arith.constant 96 : index
      %get3A_939 = tpu.vector_load %arg10[%get3A_937, %get3A_938] {strides = array<i32>} : memref<256x128xf32, #tpu.memory_space<vmem>>, vector<16xf32>,
      %mul3A_940 = arith.mulf %get3A_936, %get3A_939 : vector<16xf32>
      %mul3A_941 = arith.mulf %mul3A_940, %get3A_241 : vector<16xf32>
      %add3A_942 = arith.addf %add3A_932, %mul3A_941 : vector<16xf32>
      %get3A_943 = arith.index_cast %select_n3A_895 : i32 to index
      %get3A_944 = arith.index_cast %select_n3A_913 : i32 to index
      %get3A_945 = arith.constant 48 : index
      %get3A_946 = tpu.vector_load %arg9[%get3A_943, %get3A_944, %get3A_945] {strides = array<i32>} : memref<8x64x64xf32, #tpu.memory_space<vmem>>, vector<16xf32>,
      %get3A_947 = arith.index_cast %add3A_869 : i32 to index
      %get3A_948 = arith.constant 112 : index
      %get3A_949 = tpu.vector_load %arg10[%get3A_947, %get3A_948] {strides = array<i32>} : memref<256x128xf32, #tpu.memory_space<vmem>>, vector<16xf32>,
      %mul3A_950 = arith.mulf %get3A_946, %get3A_949 : vector<16xf32>
      %mul3A_951 = arith.mulf %mul3A_950, %get3A_245 : vector<16xf32>
      %add3A_952 = arith.addf %add3A_942, %mul3A_951 : vector<16xf32>
      %add3A_953 = arith.addf %add3A_952, %get3A_247 : vector<16xf32>
      %reduce_sum3A_954 = arith.constant true
      %reduce_sum3A_955 = vector.broadcast %reduce_sum3A_954 : i1 to vector<16xi1>
      %reduce_sum3A_956 = tpu.scan <sum>, %add3A_953 masked %reduce_sum3A_955 : vector<16xf32>, vector<16xi1> -> vector<16xf32>
      %reduce_sum3A_957 = vector.extract %reduce_sum3A_956[15] : f32 from vector<16xf32>
      %eq3A_958 = arith.constant 5 : i32
      %eq3A_959 = vector.broadcast %eq3A_958 : i32 to vector<16xi32>
      %eq3A_960 = arith.cmpi eq, %iota3A, %eq3A_959 : vector<16xi32>
      %broadcast_in_dim3A_961 = vector.broadcast %reduce_sum3A_957 : f32 to vector<16xf32>
      %select_n3A_962 = arith.select %eq3A_960, %broadcast_in_dim3A_961, %select_n3A_843 : vector<16xi1>, vector<16xf32>
      %jit3A_963 = arith.constant 2 : i32
      %div3A_964 = arith.divsi %mul3A_258, %jit3A_963 : i32
      %sign3A_965 = arith.constant 0 : i32
      %sign3A_966 = arith.cmpi sgt, %mul3A_258, %sign3A_965 : i32
      %sign3A_967 = arith.extui %sign3A_966 : i1 to i32
      %sign3A_968 = arith.constant 0 : i32
      %sign3A_969 = arith.cmpi slt, %mul3A_258, %sign3A_968 : i32
      %sign3A_970 = arith.extui %sign3A_969 : i1 to i32
      %sign3A_971 = arith.subi %sign3A_967, %sign3A_970 : i32
      %sign3A_972 = arith.constant 0 : i32
      %sign3A_973 = arith.cmpi sgt, %jit3A_963, %sign3A_972 : i32
      %sign3A_974 = arith.extui %sign3A_973 : i1 to i32
      %sign3A_975 = arith.constant 0 : i32
      %sign3A_976 = arith.cmpi slt, %jit3A_963, %sign3A_975 : i32
      %sign3A_977 = arith.extui %sign3A_976 : i1 to i32
      %sign3A_978 = arith.subi %sign3A_974, %sign3A_977 : i32
      %ne3A_979 = arith.cmpi ne, %sign3A_971, %sign3A_978 : i32
      %rem3A_980 = arith.remsi %mul3A_258, %jit3A_963 : i32
      %ne3A_981 = arith.constant 0 : i32
      %ne3A_982 = arith.cmpi ne, %rem3A_980, %ne3A_981 : i32
      %and3A_983 = arith.andi %ne3A_979, %ne3A_982 : i1
      %sub3A_984 = arith.constant 1 : i32
      %sub3A_985 = arith.subi %div3A_964, %sub3A_984 : i32
      %select_n3A_986 = arith.select %and3A_983, %sub3A_985, %div3A_964 : i32
      %add3A_987 = arith.constant 3 : i32
      %add3A_988 = arith.addi %select_n3A_986, %add3A_987 : i32
      %add3A_989 = arith.constant 6 : i32
      %add3A_990 = arith.addi %mul3A_258, %add3A_989 : i32
      %jit3A_991 = arith.constant 64 : i32
      %div3A_992 = arith.divsi %add3A_990, %jit3A_991 : i32
      %sign3A_993 = arith.constant 0 : i32
      %sign3A_994 = arith.cmpi sgt, %add3A_990, %sign3A_993 : i32
      %sign3A_995 = arith.extui %sign3A_994 : i1 to i32
      %sign3A_996 = arith.constant 0 : i32
      %sign3A_997 = arith.cmpi slt, %add3A_990, %sign3A_996 : i32
      %sign3A_998 = arith.extui %sign3A_997 : i1 to i32
      %sign3A_999 = arith.subi %sign3A_995, %sign3A_998 : i32
      %sign3A_1000 = arith.constant 0 : i32
      %sign3A_1001 = arith.cmpi sgt, %jit3A_991, %sign3A_1000 : i32
      %sign3A_1002 = arith.extui %sign3A_1001 : i1 to i32
      %sign3A_1003 = arith.constant 0 : i32
      %sign3A_1004 = arith.cmpi slt, %jit3A_991, %sign3A_1003 : i32
      %sign3A_1005 = arith.extui %sign3A_1004 : i1 to i32
      %sign3A_1006 = arith.subi %sign3A_1002, %sign3A_1005 : i32
      %ne3A_1007 = arith.cmpi ne, %sign3A_999, %sign3A_1006 : i32
      %rem3A_1008 = arith.remsi %add3A_990, %jit3A_991 : i32
      %ne3A_1009 = arith.constant 0 : i32
      %ne3A_1010 = arith.cmpi ne, %rem3A_1008, %ne3A_1009 : i32
      %and3A_1011 = arith.andi %ne3A_1007, %ne3A_1010 : i1
      %sub3A_1012 = arith.constant 1 : i32
      %sub3A_1013 = arith.subi %div3A_992, %sub3A_1012 : i32
      %select_n3A_1014 = arith.select %and3A_1011, %sub3A_1013, %div3A_992 : i32
      %add3A_1015 = arith.constant 6 : i32
      %add3A_1016 = arith.addi %mul3A_258, %add3A_1015 : i32
      %jit3A_1017 = arith.constant 64 : i32
      %eq3A_1018 = arith.constant 0 : i32
      %eq3A_1019 = arith.cmpi eq, %jit3A_1017, %eq3A_1018 : i32
      %jit3A_1020 = arith.constant 1 : i32
      %select_n3A_1021 = arith.select %eq3A_1019, %jit3A_1020, %jit3A_1017 : i32
      %rem3A_1022 = arith.remsi %add3A_1016, %select_n3A_1021 : i32
      %ne3A_1023 = arith.constant 0 : i32
      %ne3A_1024 = arith.cmpi ne, %rem3A_1022, %ne3A_1023 : i32
      %lt3A_1025 = arith.constant 0 : i32
      %lt3A_1026 = arith.cmpi slt, %rem3A_1022, %lt3A_1025 : i32
      %lt3A_1027 = arith.constant 0 : i32
      %lt3A_1028 = arith.cmpi slt, %select_n3A_1021, %lt3A_1027 : i32
      %ne3A_1029 = arith.xori %lt3A_1026, %lt3A_1028 : i1
      %and3A_1030 = arith.andi %ne3A_1029, %ne3A_1024 : i1
      %add3A_1031 = arith.addi %rem3A_1022, %select_n3A_1021 : i32
      %select_n3A_1032 = arith.select %and3A_1030, %add3A_1031, %rem3A_1022 : i32
      %get3A_1033 = arith.index_cast %select_n3A_1014 : i32 to index
      %get3A_1034 = arith.index_cast %select_n3A_1032 : i32 to index
      %get3A_1035 = arith.constant 0 : index
      %get3A_1036 = tpu.vector_load %arg9[%get3A_1033, %get3A_1034, %get3A_1035] {strides = array<i32>} : memref<8x64x64xf32, #tpu.memory_space<vmem>>, vector<16xf32>,
      %get3A_1037 = arith.index_cast %add3A_988 : i32 to index
      %get3A_1038 = arith.constant 0 : index
      %get3A_1039 = tpu.vector_load %arg10[%get3A_1037, %get3A_1038] {strides = array<i32>} : memref<256x128xf32, #tpu.memory_space<vmem>>, vector<16xf32>,
      %mul3A_1040 = arith.mulf %get3A_1036, %get3A_1039 : vector<16xf32>
      %mul3A_1041 = arith.mulf %mul3A_1040, %get3A_233 : vector<16xf32>
      %get3A_1042 = arith.index_cast %select_n3A_1014 : i32 to index
      %get3A_1043 = arith.index_cast %select_n3A_1032 : i32 to index
      %get3A_1044 = arith.constant 16 : index
      %get3A_1045 = tpu.vector_load %arg9[%get3A_1042, %get3A_1043, %get3A_1044] {strides = array<i32>} : memref<8x64x64xf32, #tpu.memory_space<vmem>>, vector<16xf32>,
      %get3A_1046 = arith.index_cast %add3A_988 : i32 to index
      %get3A_1047 = arith.constant 16 : index
      %get3A_1048 = tpu.vector_load %arg10[%get3A_1046, %get3A_1047] {strides = array<i32>} : memref<256x128xf32, #tpu.memory_space<vmem>>, vector<16xf32>,
      %mul3A_1049 = arith.mulf %get3A_1045, %get3A_1048 : vector<16xf32>
      %mul3A_1050 = arith.mulf %mul3A_1049, %get3A_237 : vector<16xf32>
      %add3A_1051 = arith.addf %mul3A_1041, %mul3A_1050 : vector<16xf32>
      %get3A_1052 = arith.index_cast %select_n3A_1014 : i32 to index
      %get3A_1053 = arith.index_cast %select_n3A_1032 : i32 to index
      %get3A_1054 = arith.constant 32 : index
      %get3A_1055 = tpu.vector_load %arg9[%get3A_1052, %get3A_1053, %get3A_1054] {strides = array<i32>} : memref<8x64x64xf32, #tpu.memory_space<vmem>>, vector<16xf32>,
      %get3A_1056 = arith.index_cast %add3A_988 : i32 to index
      %get3A_1057 = arith.constant 32 : index
      %get3A_1058 = tpu.vector_load %arg10[%get3A_1056, %get3A_1057] {strides = array<i32>} : memref<256x128xf32, #tpu.memory_space<vmem>>, vector<16xf32>,
      %mul3A_1059 = arith.mulf %get3A_1055, %get3A_1058 : vector<16xf32>
      %mul3A_1060 = arith.mulf %mul3A_1059, %get3A_241 : vector<16xf32>
      %add3A_1061 = arith.addf %add3A_1051, %mul3A_1060 : vector<16xf32>
      %get3A_1062 = arith.index_cast %select_n3A_1014 : i32 to index
      %get3A_1063 = arith.index_cast %select_n3A_1032 : i32 to index
      %get3A_1064 = arith.constant 48 : index
      %get3A_1065 = tpu.vector_load %arg9[%get3A_1062, %get3A_1063, %get3A_1064] {strides = array<i32>} : memref<8x64x64xf32, #tpu.memory_space<vmem>>, vector<16xf32>,
      %get3A_1066 = arith.index_cast %add3A_988 : i32 to index
      %get3A_1067 = arith.constant 48 : index
      %get3A_1068 = tpu.vector_load %arg10[%get3A_1066, %get3A_1067] {strides = array<i32>} : memref<256x128xf32, #tpu.memory_space<vmem>>, vector<16xf32>,
      %mul3A_1069 = arith.mulf %get3A_1065, %get3A_1068 : vector<16xf32>
      %mul3A_1070 = arith.mulf %mul3A_1069, %get3A_245 : vector<16xf32>
      %add3A_1071 = arith.addf %add3A_1061, %mul3A_1070 : vector<16xf32>
      %add3A_1072 = arith.addf %add3A_1071, %get3A_247 : vector<16xf32>
      %reduce_sum3A_1073 = arith.constant true
      %reduce_sum3A_1074 = vector.broadcast %reduce_sum3A_1073 : i1 to vector<16xi1>
      %reduce_sum3A_1075 = tpu.scan <sum>, %add3A_1072 masked %reduce_sum3A_1074 : vector<16xf32>, vector<16xi1> -> vector<16xf32>
      %reduce_sum3A_1076 = vector.extract %reduce_sum3A_1075[15] : f32 from vector<16xf32>
      %eq3A_1077 = arith.constant 6 : i32
      %eq3A_1078 = vector.broadcast %eq3A_1077 : i32 to vector<16xi32>
      %eq3A_1079 = arith.cmpi eq, %iota3A, %eq3A_1078 : vector<16xi32>
      %broadcast_in_dim3A_1080 = vector.broadcast %reduce_sum3A_1076 : f32 to vector<16xf32>
      %select_n3A_1081 = arith.select %eq3A_1079, %broadcast_in_dim3A_1080, %select_n3A_962 : vector<16xi1>, vector<16xf32>
      %jit3A_1082 = arith.constant 2 : i32
      %div3A_1083 = arith.divsi %mul3A_258, %jit3A_1082 : i32
      %sign3A_1084 = arith.constant 0 : i32
      %sign3A_1085 = arith.cmpi sgt, %mul3A_258, %sign3A_1084 : i32
      %sign3A_1086 = arith.extui %sign3A_1085 : i1 to i32
      %sign3A_1087 = arith.constant 0 : i32
      %sign3A_1088 = arith.cmpi slt, %mul3A_258, %sign3A_1087 : i32
      %sign3A_1089 = arith.extui %sign3A_1088 : i1 to i32
      %sign3A_1090 = arith.subi %sign3A_1086, %sign3A_1089 : i32
      %sign3A_1091 = arith.constant 0 : i32
      %sign3A_1092 = arith.cmpi sgt, %jit3A_1082, %sign3A_1091 : i32
      %sign3A_1093 = arith.extui %sign3A_1092 : i1 to i32
      %sign3A_1094 = arith.constant 0 : i32
      %sign3A_1095 = arith.cmpi slt, %jit3A_1082, %sign3A_1094 : i32
      %sign3A_1096 = arith.extui %sign3A_1095 : i1 to i32
      %sign3A_1097 = arith.subi %sign3A_1093, %sign3A_1096 : i32
      %ne3A_1098 = arith.cmpi ne, %sign3A_1090, %sign3A_1097 : i32
      %rem3A_1099 = arith.remsi %mul3A_258, %jit3A_1082 : i32
      %ne3A_1100 = arith.constant 0 : i32
      %ne3A_1101 = arith.cmpi ne, %rem3A_1099, %ne3A_1100 : i32
      %and3A_1102 = arith.andi %ne3A_1098, %ne3A_1101 : i1
      %sub3A_1103 = arith.constant 1 : i32
      %sub3A_1104 = arith.subi %div3A_1083, %sub3A_1103 : i32
      %select_n3A_1105 = arith.select %and3A_1102, %sub3A_1104, %div3A_1083 : i32
      %add3A_1106 = arith.constant 3 : i32
      %add3A_1107 = arith.addi %select_n3A_1105, %add3A_1106 : i32
      %add3A_1108 = arith.constant 7 : i32
      %add3A_1109 = arith.addi %mul3A_258, %add3A_1108 : i32
      %jit3A_1110 = arith.constant 64 : i32
      %div3A_1111 = arith.divsi %add3A_1109, %jit3A_1110 : i32
      %sign3A_1112 = arith.constant 0 : i32
      %sign3A_1113 = arith.cmpi sgt, %add3A_1109, %sign3A_1112 : i32
      %sign3A_1114 = arith.extui %sign3A_1113 : i1 to i32
      %sign3A_1115 = arith.constant 0 : i32
      %sign3A_1116 = arith.cmpi slt, %add3A_1109, %sign3A_1115 : i32
      %sign3A_1117 = arith.extui %sign3A_1116 : i1 to i32
      %sign3A_1118 = arith.subi %sign3A_1114, %sign3A_1117 : i32
      %sign3A_1119 = arith.constant 0 : i32
      %sign3A_1120 = arith.cmpi sgt, %jit3A_1110, %sign3A_1119 : i32
      %sign3A_1121 = arith.extui %sign3A_1120 : i1 to i32
      %sign3A_1122 = arith.constant 0 : i32
      %sign3A_1123 = arith.cmpi slt, %jit3A_1110, %sign3A_1122 : i32
      %sign3A_1124 = arith.extui %sign3A_1123 : i1 to i32
      %sign3A_1125 = arith.subi %sign3A_1121, %sign3A_1124 : i32
      %ne3A_1126 = arith.cmpi ne, %sign3A_1118, %sign3A_1125 : i32
      %rem3A_1127 = arith.remsi %add3A_1109, %jit3A_1110 : i32
      %ne3A_1128 = arith.constant 0 : i32
      %ne3A_1129 = arith.cmpi ne, %rem3A_1127, %ne3A_1128 : i32
      %and3A_1130 = arith.andi %ne3A_1126, %ne3A_1129 : i1
      %sub3A_1131 = arith.constant 1 : i32
      %sub3A_1132 = arith.subi %div3A_1111, %sub3A_1131 : i32
      %select_n3A_1133 = arith.select %and3A_1130, %sub3A_1132, %div3A_1111 : i32
      %add3A_1134 = arith.constant 7 : i32
      %add3A_1135 = arith.addi %mul3A_258, %add3A_1134 : i32
      %jit3A_1136 = arith.constant 64 : i32
      %eq3A_1137 = arith.constant 0 : i32
      %eq3A_1138 = arith.cmpi eq, %jit3A_1136, %eq3A_1137 : i32
      %jit3A_1139 = arith.constant 1 : i32
      %select_n3A_1140 = arith.select %eq3A_1138, %jit3A_1139, %jit3A_1136 : i32
      %rem3A_1141 = arith.remsi %add3A_1135, %select_n3A_1140 : i32
      %ne3A_1142 = arith.constant 0 : i32
      %ne3A_1143 = arith.cmpi ne, %rem3A_1141, %ne3A_1142 : i32
      %lt3A_1144 = arith.constant 0 : i32
      %lt3A_1145 = arith.cmpi slt, %rem3A_1141, %lt3A_1144 : i32
      %lt3A_1146 = arith.constant 0 : i32
      %lt3A_1147 = arith.cmpi slt, %select_n3A_1140, %lt3A_1146 : i32
      %ne3A_1148 = arith.xori %lt3A_1145, %lt3A_1147 : i1
      %and3A_1149 = arith.andi %ne3A_1148, %ne3A_1143 : i1
      %add3A_1150 = arith.addi %rem3A_1141, %select_n3A_1140 : i32
      %select_n3A_1151 = arith.select %and3A_1149, %add3A_1150, %rem3A_1141 : i32
      %get3A_1152 = arith.index_cast %select_n3A_1133 : i32 to index
      %get3A_1153 = arith.index_cast %select_n3A_1151 : i32 to index
      %get3A_1154 = arith.constant 0 : index
      %get3A_1155 = tpu.vector_load %arg9[%get3A_1152, %get3A_1153, %get3A_1154] {strides = array<i32>} : memref<8x64x64xf32, #tpu.memory_space<vmem>>, vector<16xf32>,
      %get3A_1156 = arith.index_cast %add3A_1107 : i32 to index
      %get3A_1157 = arith.constant 64 : index
      %get3A_1158 = tpu.vector_load %arg10[%get3A_1156, %get3A_1157] {strides = array<i32>} : memref<256x128xf32, #tpu.memory_space<vmem>>, vector<16xf32>,
      %mul3A_1159 = arith.mulf %get3A_1155, %get3A_1158 : vector<16xf32>
      %mul3A_1160 = arith.mulf %mul3A_1159, %get3A_233 : vector<16xf32>
      %get3A_1161 = arith.index_cast %select_n3A_1133 : i32 to index
      %get3A_1162 = arith.index_cast %select_n3A_1151 : i32 to index
      %get3A_1163 = arith.constant 16 : index
      %get3A_1164 = tpu.vector_load %arg9[%get3A_1161, %get3A_1162, %get3A_1163] {strides = array<i32>} : memref<8x64x64xf32, #tpu.memory_space<vmem>>, vector<16xf32>,
      %get3A_1165 = arith.index_cast %add3A_1107 : i32 to index
      %get3A_1166 = arith.constant 80 : index
      %get3A_1167 = tpu.vector_load %arg10[%get3A_1165, %get3A_1166] {strides = array<i32>} : memref<256x128xf32, #tpu.memory_space<vmem>>, vector<16xf32>,
      %mul3A_1168 = arith.mulf %get3A_1164, %get3A_1167 : vector<16xf32>
      %mul3A_1169 = arith.mulf %mul3A_1168, %get3A_237 : vector<16xf32>
      %add3A_1170 = arith.addf %mul3A_1160, %mul3A_1169 : vector<16xf32>
      %get3A_1171 = arith.index_cast %select_n3A_1133 : i32 to index
      %get3A_1172 = arith.index_cast %select_n3A_1151 : i32 to index
      %get3A_1173 = arith.constant 32 : index
      %get3A_1174 = tpu.vector_load %arg9[%get3A_1171, %get3A_1172, %get3A_1173] {strides = array<i32>} : memref<8x64x64xf32, #tpu.memory_space<vmem>>, vector<16xf32>,
      %get3A_1175 = arith.index_cast %add3A_1107 : i32 to index
      %get3A_1176 = arith.constant 96 : index
      %get3A_1177 = tpu.vector_load %arg10[%get3A_1175, %get3A_1176] {strides = array<i32>} : memref<256x128xf32, #tpu.memory_space<vmem>>, vector<16xf32>,
      %mul3A_1178 = arith.mulf %get3A_1174, %get3A_1177 : vector<16xf32>
      %mul3A_1179 = arith.mulf %mul3A_1178, %get3A_241 : vector<16xf32>
      %add3A_1180 = arith.addf %add3A_1170, %mul3A_1179 : vector<16xf32>
      %get3A_1181 = arith.index_cast %select_n3A_1133 : i32 to index
      %get3A_1182 = arith.index_cast %select_n3A_1151 : i32 to index
      %get3A_1183 = arith.constant 48 : index
      %get3A_1184 = tpu.vector_load %arg9[%get3A_1181, %get3A_1182, %get3A_1183] {strides = array<i32>} : memref<8x64x64xf32, #tpu.memory_space<vmem>>, vector<16xf32>,
      %get3A_1185 = arith.index_cast %add3A_1107 : i32 to index
      %get3A_1186 = arith.constant 112 : index
      %get3A_1187 = tpu.vector_load %arg10[%get3A_1185, %get3A_1186] {strides = array<i32>} : memref<256x128xf32, #tpu.memory_space<vmem>>, vector<16xf32>,
      %mul3A_1188 = arith.mulf %get3A_1184, %get3A_1187 : vector<16xf32>
      %mul3A_1189 = arith.mulf %mul3A_1188, %get3A_245 : vector<16xf32>
      %add3A_1190 = arith.addf %add3A_1180, %mul3A_1189 : vector<16xf32>
      %add3A_1191 = arith.addf %add3A_1190, %get3A_247 : vector<16xf32>
      %reduce_sum3A_1192 = arith.constant true
      %reduce_sum3A_1193 = vector.broadcast %reduce_sum3A_1192 : i1 to vector<16xi1>
      %reduce_sum3A_1194 = tpu.scan <sum>, %add3A_1191 masked %reduce_sum3A_1193 : vector<16xf32>, vector<16xi1> -> vector<16xf32>
      %reduce_sum3A_1195 = vector.extract %reduce_sum3A_1194[15] : f32 from vector<16xf32>
      %eq3A_1196 = arith.constant 7 : i32
      %eq3A_1197 = vector.broadcast %eq3A_1196 : i32 to vector<16xi32>
      %eq3A_1198 = arith.cmpi eq, %iota3A, %eq3A_1197 : vector<16xi32>
      %broadcast_in_dim3A_1199 = vector.broadcast %reduce_sum3A_1195 : f32 to vector<16xf32>
      %select_n3A_1200 = arith.select %eq3A_1198, %broadcast_in_dim3A_1199, %select_n3A_1081 : vector<16xi1>, vector<16xf32>
      %jit3A_1201 = arith.constant 2 : i32
      %div3A_1202 = arith.divsi %mul3A_258, %jit3A_1201 : i32
      %sign3A_1203 = arith.constant 0 : i32
      %sign3A_1204 = arith.cmpi sgt, %mul3A_258, %sign3A_1203 : i32
      %sign3A_1205 = arith.extui %sign3A_1204 : i1 to i32
      %sign3A_1206 = arith.constant 0 : i32
      %sign3A_1207 = arith.cmpi slt, %mul3A_258, %sign3A_1206 : i32
      %sign3A_1208 = arith.extui %sign3A_1207 : i1 to i32
      %sign3A_1209 = arith.subi %sign3A_1205, %sign3A_1208 : i32
      %sign3A_1210 = arith.constant 0 : i32
      %sign3A_1211 = arith.cmpi sgt, %jit3A_1201, %sign3A_1210 : i32
      %sign3A_1212 = arith.extui %sign3A_1211 : i1 to i32
      %sign3A_1213 = arith.constant 0 : i32
      %sign3A_1214 = arith.cmpi slt, %jit3A_1201, %sign3A_1213 : i32
      %sign3A_1215 = arith.extui %sign3A_1214 : i1 to i32
      %sign3A_1216 = arith.subi %sign3A_1212, %sign3A_1215 : i32
      %ne3A_1217 = arith.cmpi ne, %sign3A_1209, %sign3A_1216 : i32
      %rem3A_1218 = arith.remsi %mul3A_258, %jit3A_1201 : i32
      %ne3A_1219 = arith.constant 0 : i32
      %ne3A_1220 = arith.cmpi ne, %rem3A_1218, %ne3A_1219 : i32
      %and3A_1221 = arith.andi %ne3A_1217, %ne3A_1220 : i1
      %sub3A_1222 = arith.constant 1 : i32
      %sub3A_1223 = arith.subi %div3A_1202, %sub3A_1222 : i32
      %select_n3A_1224 = arith.select %and3A_1221, %sub3A_1223, %div3A_1202 : i32
      %add3A_1225 = arith.constant 4 : i32
      %add3A_1226 = arith.addi %select_n3A_1224, %add3A_1225 : i32
      %add3A_1227 = arith.constant 8 : i32
      %add3A_1228 = arith.addi %mul3A_258, %add3A_1227 : i32
      %jit3A_1229 = arith.constant 64 : i32
      %div3A_1230 = arith.divsi %add3A_1228, %jit3A_1229 : i32
      %sign3A_1231 = arith.constant 0 : i32
      %sign3A_1232 = arith.cmpi sgt, %add3A_1228, %sign3A_1231 : i32
      %sign3A_1233 = arith.extui %sign3A_1232 : i1 to i32
      %sign3A_1234 = arith.constant 0 : i32
      %sign3A_1235 = arith.cmpi slt, %add3A_1228, %sign3A_1234 : i32
      %sign3A_1236 = arith.extui %sign3A_1235 : i1 to i32
      %sign3A_1237 = arith.subi %sign3A_1233, %sign3A_1236 : i32
      %sign3A_1238 = arith.constant 0 : i32
      %sign3A_1239 = arith.cmpi sgt, %jit3A_1229, %sign3A_1238 : i32
      %sign3A_1240 = arith.extui %sign3A_1239 : i1 to i32
      %sign3A_1241 = arith.constant 0 : i32
      %sign3A_1242 = arith.cmpi slt, %jit3A_1229, %sign3A_1241 : i32
      %sign3A_1243 = arith.extui %sign3A_1242 : i1 to i32
      %sign3A_1244 = arith.subi %sign3A_1240, %sign3A_1243 : i32
      %ne3A_1245 = arith.cmpi ne, %sign3A_1237, %sign3A_1244 : i32
      %rem3A_1246 = arith.remsi %add3A_1228, %jit3A_1229 : i32
      %ne3A_1247 = arith.constant 0 : i32
      %ne3A_1248 = arith.cmpi ne, %rem3A_1246, %ne3A_1247 : i32
      %and3A_1249 = arith.andi %ne3A_1245, %ne3A_1248 : i1
      %sub3A_1250 = arith.constant 1 : i32
      %sub3A_1251 = arith.subi %div3A_1230, %sub3A_1250 : i32
      %select_n3A_1252 = arith.select %and3A_1249, %sub3A_1251, %div3A_1230 : i32
      %add3A_1253 = arith.constant 8 : i32
      %add3A_1254 = arith.addi %mul3A_258, %add3A_1253 : i32
      %jit3A_1255 = arith.constant 64 : i32
      %eq3A_1256 = arith.constant 0 : i32
      %eq3A_1257 = arith.cmpi eq, %jit3A_1255, %eq3A_1256 : i32
      %jit3A_1258 = arith.constant 1 : i32
      %select_n3A_1259 = arith.select %eq3A_1257, %jit3A_1258, %jit3A_1255 : i32
      %rem3A_1260 = arith.remsi %add3A_1254, %select_n3A_1259 : i32
      %ne3A_1261 = arith.constant 0 : i32
      %ne3A_1262 = arith.cmpi ne, %rem3A_1260, %ne3A_1261 : i32
      %lt3A_1263 = arith.constant 0 : i32
      %lt3A_1264 = arith.cmpi slt, %rem3A_1260, %lt3A_1263 : i32
      %lt3A_1265 = arith.constant 0 : i32
      %lt3A_1266 = arith.cmpi slt, %select_n3A_1259, %lt3A_1265 : i32
      %ne3A_1267 = arith.xori %lt3A_1264, %lt3A_1266 : i1
      %and3A_1268 = arith.andi %ne3A_1267, %ne3A_1262 : i1
      %add3A_1269 = arith.addi %rem3A_1260, %select_n3A_1259 : i32
      %select_n3A_1270 = arith.select %and3A_1268, %add3A_1269, %rem3A_1260 : i32
      %get3A_1271 = arith.index_cast %select_n3A_1252 : i32 to index
      %get3A_1272 = arith.index_cast %select_n3A_1270 : i32 to index
      %get3A_1273 = arith.constant 0 : index
      %get3A_1274 = tpu.vector_load %arg9[%get3A_1271, %get3A_1272, %get3A_1273] {strides = array<i32>} : memref<8x64x64xf32, #tpu.memory_space<vmem>>, vector<16xf32>,
      %get3A_1275 = arith.index_cast %add3A_1226 : i32 to index
      %get3A_1276 = arith.constant 0 : index
      %get3A_1277 = tpu.vector_load %arg10[%get3A_1275, %get3A_1276] {strides = array<i32>} : memref<256x128xf32, #tpu.memory_space<vmem>>, vector<16xf32>,
      %mul3A_1278 = arith.mulf %get3A_1274, %get3A_1277 : vector<16xf32>
      %mul3A_1279 = arith.mulf %mul3A_1278, %get3A_233 : vector<16xf32>
      %get3A_1280 = arith.index_cast %select_n3A_1252 : i32 to index
      %get3A_1281 = arith.index_cast %select_n3A_1270 : i32 to index
      %get3A_1282 = arith.constant 16 : index
      %get3A_1283 = tpu.vector_load %arg9[%get3A_1280, %get3A_1281, %get3A_1282] {strides = array<i32>} : memref<8x64x64xf32, #tpu.memory_space<vmem>>, vector<16xf32>,
      %get3A_1284 = arith.index_cast %add3A_1226 : i32 to index
      %get3A_1285 = arith.constant 16 : index
      %get3A_1286 = tpu.vector_load %arg10[%get3A_1284, %get3A_1285] {strides = array<i32>} : memref<256x128xf32, #tpu.memory_space<vmem>>, vector<16xf32>,
      %mul3A_1287 = arith.mulf %get3A_1283, %get3A_1286 : vector<16xf32>
      %mul3A_1288 = arith.mulf %mul3A_1287, %get3A_237 : vector<16xf32>
      %add3A_1289 = arith.addf %mul3A_1279, %mul3A_1288 : vector<16xf32>
      %get3A_1290 = arith.index_cast %select_n3A_1252 : i32 to index
      %get3A_1291 = arith.index_cast %select_n3A_1270 : i32 to index
      %get3A_1292 = arith.constant 32 : index
      %get3A_1293 = tpu.vector_load %arg9[%get3A_1290, %get3A_1291, %get3A_1292] {strides = array<i32>} : memref<8x64x64xf32, #tpu.memory_space<vmem>>, vector<16xf32>,
      %get3A_1294 = arith.index_cast %add3A_1226 : i32 to index
      %get3A_1295 = arith.constant 32 : index
      %get3A_1296 = tpu.vector_load %arg10[%get3A_1294, %get3A_1295] {strides = array<i32>} : memref<256x128xf32, #tpu.memory_space<vmem>>, vector<16xf32>,
      %mul3A_1297 = arith.mulf %get3A_1293, %get3A_1296 : vector<16xf32>
      %mul3A_1298 = arith.mulf %mul3A_1297, %get3A_241 : vector<16xf32>
      %add3A_1299 = arith.addf %add3A_1289, %mul3A_1298 : vector<16xf32>
      %get3A_1300 = arith.index_cast %select_n3A_1252 : i32 to index
      %get3A_1301 = arith.index_cast %select_n3A_1270 : i32 to index
      %get3A_1302 = arith.constant 48 : index
      %get3A_1303 = tpu.vector_load %arg9[%get3A_1300, %get3A_1301, %get3A_1302] {strides = array<i32>} : memref<8x64x64xf32, #tpu.memory_space<vmem>>, vector<16xf32>,
      %get3A_1304 = arith.index_cast %add3A_1226 : i32 to index
      %get3A_1305 = arith.constant 48 : index
      %get3A_1306 = tpu.vector_load %arg10[%get3A_1304, %get3A_1305] {strides = array<i32>} : memref<256x128xf32, #tpu.memory_space<vmem>>, vector<16xf32>,
      %mul3A_1307 = arith.mulf %get3A_1303, %get3A_1306 : vector<16xf32>
      %mul3A_1308 = arith.mulf %mul3A_1307, %get3A_245 : vector<16xf32>
      %add3A_1309 = arith.addf %add3A_1299, %mul3A_1308 : vector<16xf32>
      %add3A_1310 = arith.addf %add3A_1309, %get3A_247 : vector<16xf32>
      %reduce_sum3A_1311 = arith.constant true
      %reduce_sum3A_1312 = vector.broadcast %reduce_sum3A_1311 : i1 to vector<16xi1>
      %reduce_sum3A_1313 = tpu.scan <sum>, %add3A_1310 masked %reduce_sum3A_1312 : vector<16xf32>, vector<16xi1> -> vector<16xf32>
      %reduce_sum3A_1314 = vector.extract %reduce_sum3A_1313[15] : f32 from vector<16xf32>
      %eq3A_1315 = arith.constant 8 : i32
      %eq3A_1316 = vector.broadcast %eq3A_1315 : i32 to vector<16xi32>
      %eq3A_1317 = arith.cmpi eq, %iota3A, %eq3A_1316 : vector<16xi32>
      %broadcast_in_dim3A_1318 = vector.broadcast %reduce_sum3A_1314 : f32 to vector<16xf32>
      %select_n3A_1319 = arith.select %eq3A_1317, %broadcast_in_dim3A_1318, %select_n3A_1200 : vector<16xi1>, vector<16xf32>
      %jit3A_1320 = arith.constant 2 : i32
      %div3A_1321 = arith.divsi %mul3A_258, %jit3A_1320 : i32
      %sign3A_1322 = arith.constant 0 : i32
      %sign3A_1323 = arith.cmpi sgt, %mul3A_258, %sign3A_1322 : i32
      %sign3A_1324 = arith.extui %sign3A_1323 : i1 to i32
      %sign3A_1325 = arith.constant 0 : i32
      %sign3A_1326 = arith.cmpi slt, %mul3A_258, %sign3A_1325 : i32
      %sign3A_1327 = arith.extui %sign3A_1326 : i1 to i32
      %sign3A_1328 = arith.subi %sign3A_1324, %sign3A_1327 : i32
      %sign3A_1329 = arith.constant 0 : i32
      %sign3A_1330 = arith.cmpi sgt, %jit3A_1320, %sign3A_1329 : i32
      %sign3A_1331 = arith.extui %sign3A_1330 : i1 to i32
      %sign3A_1332 = arith.constant 0 : i32
      %sign3A_1333 = arith.cmpi slt, %jit3A_1320, %sign3A_1332 : i32
      %sign3A_1334 = arith.extui %sign3A_1333 : i1 to i32
      %sign3A_1335 = arith.subi %sign3A_1331, %sign3A_1334 : i32
      %ne3A_1336 = arith.cmpi ne, %sign3A_1328, %sign3A_1335 : i32
      %rem3A_1337 = arith.remsi %mul3A_258, %jit3A_1320 : i32
      %ne3A_1338 = arith.constant 0 : i32
      %ne3A_1339 = arith.cmpi ne, %rem3A_1337, %ne3A_1338 : i32
      %and3A_1340 = arith.andi %ne3A_1336, %ne3A_1339 : i1
      %sub3A_1341 = arith.constant 1 : i32
      %sub3A_1342 = arith.subi %div3A_1321, %sub3A_1341 : i32
      %select_n3A_1343 = arith.select %and3A_1340, %sub3A_1342, %div3A_1321 : i32
      %add3A_1344 = arith.constant 4 : i32
      %add3A_1345 = arith.addi %select_n3A_1343, %add3A_1344 : i32
      %add3A_1346 = arith.constant 9 : i32
      %add3A_1347 = arith.addi %mul3A_258, %add3A_1346 : i32
      %jit3A_1348 = arith.constant 64 : i32
      %div3A_1349 = arith.divsi %add3A_1347, %jit3A_1348 : i32
      %sign3A_1350 = arith.constant 0 : i32
      %sign3A_1351 = arith.cmpi sgt, %add3A_1347, %sign3A_1350 : i32
      %sign3A_1352 = arith.extui %sign3A_1351 : i1 to i32
      %sign3A_1353 = arith.constant 0 : i32
      %sign3A_1354 = arith.cmpi slt, %add3A_1347, %sign3A_1353 : i32
      %sign3A_1355 = arith.extui %sign3A_1354 : i1 to i32
      %sign3A_1356 = arith.subi %sign3A_1352, %sign3A_1355 : i32
      %sign3A_1357 = arith.constant 0 : i32
      %sign3A_1358 = arith.cmpi sgt, %jit3A_1348, %sign3A_1357 : i32
      %sign3A_1359 = arith.extui %sign3A_1358 : i1 to i32
      %sign3A_1360 = arith.constant 0 : i32
      %sign3A_1361 = arith.cmpi slt, %jit3A_1348, %sign3A_1360 : i32
      %sign3A_1362 = arith.extui %sign3A_1361 : i1 to i32
      %sign3A_1363 = arith.subi %sign3A_1359, %sign3A_1362 : i32
      %ne3A_1364 = arith.cmpi ne, %sign3A_1356, %sign3A_1363 : i32
      %rem3A_1365 = arith.remsi %add3A_1347, %jit3A_1348 : i32
      %ne3A_1366 = arith.constant 0 : i32
      %ne3A_1367 = arith.cmpi ne, %rem3A_1365, %ne3A_1366 : i32
      %and3A_1368 = arith.andi %ne3A_1364, %ne3A_1367 : i1
      %sub3A_1369 = arith.constant 1 : i32
      %sub3A_1370 = arith.subi %div3A_1349, %sub3A_1369 : i32
      %select_n3A_1371 = arith.select %and3A_1368, %sub3A_1370, %div3A_1349 : i32
      %add3A_1372 = arith.constant 9 : i32
      %add3A_1373 = arith.addi %mul3A_258, %add3A_1372 : i32
      %jit3A_1374 = arith.constant 64 : i32
      %eq3A_1375 = arith.constant 0 : i32
      %eq3A_1376 = arith.cmpi eq, %jit3A_1374, %eq3A_1375 : i32
      %jit3A_1377 = arith.constant 1 : i32
      %select_n3A_1378 = arith.select %eq3A_1376, %jit3A_1377, %jit3A_1374 : i32
      %rem3A_1379 = arith.remsi %add3A_1373, %select_n3A_1378 : i32
      %ne3A_1380 = arith.constant 0 : i32
      %ne3A_1381 = arith.cmpi ne, %rem3A_1379, %ne3A_1380 : i32
      %lt3A_1382 = arith.constant 0 : i32
      %lt3A_1383 = arith.cmpi slt, %rem3A_1379, %lt3A_1382 : i32
      %lt3A_1384 = arith.constant 0 : i32
      %lt3A_1385 = arith.cmpi slt, %select_n3A_1378, %lt3A_1384 : i32
      %ne3A_1386 = arith.xori %lt3A_1383, %lt3A_1385 : i1
      %and3A_1387 = arith.andi %ne3A_1386, %ne3A_1381 : i1
      %add3A_1388 = arith.addi %rem3A_1379, %select_n3A_1378 : i32
      %select_n3A_1389 = arith.select %and3A_1387, %add3A_1388, %rem3A_1379 : i32
      %get3A_1390 = arith.index_cast %select_n3A_1371 : i32 to index
      %get3A_1391 = arith.index_cast %select_n3A_1389 : i32 to index
      %get3A_1392 = arith.constant 0 : index
      %get3A_1393 = tpu.vector_load %arg9[%get3A_1390, %get3A_1391, %get3A_1392] {strides = array<i32>} : memref<8x64x64xf32, #tpu.memory_space<vmem>>, vector<16xf32>,
      %get3A_1394 = arith.index_cast %add3A_1345 : i32 to index
      %get3A_1395 = arith.constant 64 : index
      %get3A_1396 = tpu.vector_load %arg10[%get3A_1394, %get3A_1395] {strides = array<i32>} : memref<256x128xf32, #tpu.memory_space<vmem>>, vector<16xf32>,
      %mul3A_1397 = arith.mulf %get3A_1393, %get3A_1396 : vector<16xf32>
      %mul3A_1398 = arith.mulf %mul3A_1397, %get3A_233 : vector<16xf32>
      %get3A_1399 = arith.index_cast %select_n3A_1371 : i32 to index
      %get3A_1400 = arith.index_cast %select_n3A_1389 : i32 to index
      %get3A_1401 = arith.constant 16 : index
      %get3A_1402 = tpu.vector_load %arg9[%get3A_1399, %get3A_1400, %get3A_1401] {strides = array<i32>} : memref<8x64x64xf32, #tpu.memory_space<vmem>>, vector<16xf32>,
      %get3A_1403 = arith.index_cast %add3A_1345 : i32 to index
      %get3A_1404 = arith.constant 80 : index
      %get3A_1405 = tpu.vector_load %arg10[%get3A_1403, %get3A_1404] {strides = array<i32>} : memref<256x128xf32, #tpu.memory_space<vmem>>, vector<16xf32>,
      %mul3A_1406 = arith.mulf %get3A_1402, %get3A_1405 : vector<16xf32>
      %mul3A_1407 = arith.mulf %mul3A_1406, %get3A_237 : vector<16xf32>
      %add3A_1408 = arith.addf %mul3A_1398, %mul3A_1407 : vector<16xf32>
      %get3A_1409 = arith.index_cast %select_n3A_1371 : i32 to index
      %get3A_1410 = arith.index_cast %select_n3A_1389 : i32 to index
      %get3A_1411 = arith.constant 32 : index
      %get3A_1412 = tpu.vector_load %arg9[%get3A_1409, %get3A_1410, %get3A_1411] {strides = array<i32>} : memref<8x64x64xf32, #tpu.memory_space<vmem>>, vector<16xf32>,
      %get3A_1413 = arith.index_cast %add3A_1345 : i32 to index
      %get3A_1414 = arith.constant 96 : index
      %get3A_1415 = tpu.vector_load %arg10[%get3A_1413, %get3A_1414] {strides = array<i32>} : memref<256x128xf32, #tpu.memory_space<vmem>>, vector<16xf32>,
      %mul3A_1416 = arith.mulf %get3A_1412, %get3A_1415 : vector<16xf32>
      %mul3A_1417 = arith.mulf %mul3A_1416, %get3A_241 : vector<16xf32>
      %add3A_1418 = arith.addf %add3A_1408, %mul3A_1417 : vector<16xf32>
      %get3A_1419 = arith.index_cast %select_n3A_1371 : i32 to index
      %get3A_1420 = arith.index_cast %select_n3A_1389 : i32 to index
      %get3A_1421 = arith.constant 48 : index
      %get3A_1422 = tpu.vector_load %arg9[%get3A_1419, %get3A_1420, %get3A_1421] {strides = array<i32>} : memref<8x64x64xf32, #tpu.memory_space<vmem>>, vector<16xf32>,
      %get3A_1423 = arith.index_cast %add3A_1345 : i32 to index
      %get3A_1424 = arith.constant 112 : index
      %get3A_1425 = tpu.vector_load %arg10[%get3A_1423, %get3A_1424] {strides = array<i32>} : memref<256x128xf32, #tpu.memory_space<vmem>>, vector<16xf32>,
      %mul3A_1426 = arith.mulf %get3A_1422, %get3A_1425 : vector<16xf32>
      %mul3A_1427 = arith.mulf %mul3A_1426, %get3A_245 : vector<16xf32>
      %add3A_1428 = arith.addf %add3A_1418, %mul3A_1427 : vector<16xf32>
      %add3A_1429 = arith.addf %add3A_1428, %get3A_247 : vector<16xf32>
      %reduce_sum3A_1430 = arith.constant true
      %reduce_sum3A_1431 = vector.broadcast %reduce_sum3A_1430 : i1 to vector<16xi1>
      %reduce_sum3A_1432 = tpu.scan <sum>, %add3A_1429 masked %reduce_sum3A_1431 : vector<16xf32>, vector<16xi1> -> vector<16xf32>
      %reduce_sum3A_1433 = vector.extract %reduce_sum3A_1432[15] : f32 from vector<16xf32>
      %eq3A_1434 = arith.constant 9 : i32
      %eq3A_1435 = vector.broadcast %eq3A_1434 : i32 to vector<16xi32>
      %eq3A_1436 = arith.cmpi eq, %iota3A, %eq3A_1435 : vector<16xi32>
      %broadcast_in_dim3A_1437 = vector.broadcast %reduce_sum3A_1433 : f32 to vector<16xf32>
      %select_n3A_1438 = arith.select %eq3A_1436, %broadcast_in_dim3A_1437, %select_n3A_1319 : vector<16xi1>, vector<16xf32>
      %jit3A_1439 = arith.constant 2 : i32
      %div3A_1440 = arith.divsi %mul3A_258, %jit3A_1439 : i32
      %sign3A_1441 = arith.constant 0 : i32
      %sign3A_1442 = arith.cmpi sgt, %mul3A_258, %sign3A_1441 : i32
      %sign3A_1443 = arith.extui %sign3A_1442 : i1 to i32
      %sign3A_1444 = arith.constant 0 : i32
      %sign3A_1445 = arith.cmpi slt, %mul3A_258, %sign3A_1444 : i32
      %sign3A_1446 = arith.extui %sign3A_1445 : i1 to i32
      %sign3A_1447 = arith.subi %sign3A_1443, %sign3A_1446 : i32
      %sign3A_1448 = arith.constant 0 : i32
      %sign3A_1449 = arith.cmpi sgt, %jit3A_1439, %sign3A_1448 : i32
      %sign3A_1450 = arith.extui %sign3A_1449 : i1 to i32
      %sign3A_1451 = arith.constant 0 : i32
      %sign3A_1452 = arith.cmpi slt, %jit3A_1439, %sign3A_1451 : i32
      %sign3A_1453 = arith.extui %sign3A_1452 : i1 to i32
      %sign3A_1454 = arith.subi %sign3A_1450, %sign3A_1453 : i32
      %ne3A_1455 = arith.cmpi ne, %sign3A_1447, %sign3A_1454 : i32
      %rem3A_1456 = arith.remsi %mul3A_258, %jit3A_1439 : i32
      %ne3A_1457 = arith.constant 0 : i32
      %ne3A_1458 = arith.cmpi ne, %rem3A_1456, %ne3A_1457 : i32
      %and3A_1459 = arith.andi %ne3A_1455, %ne3A_1458 : i1
      %sub3A_1460 = arith.constant 1 : i32
      %sub3A_1461 = arith.subi %div3A_1440, %sub3A_1460 : i32
      %select_n3A_1462 = arith.select %and3A_1459, %sub3A_1461, %div3A_1440 : i32
      %add3A_1463 = arith.constant 5 : i32
      %add3A_1464 = arith.addi %select_n3A_1462, %add3A_1463 : i32
      %add3A_1465 = arith.constant 10 : i32
      %add3A_1466 = arith.addi %mul3A_258, %add3A_1465 : i32
      %jit3A_1467 = arith.constant 64 : i32
      %div3A_1468 = arith.divsi %add3A_1466, %jit3A_1467 : i32
      %sign3A_1469 = arith.constant 0 : i32
      %sign3A_1470 = arith.cmpi sgt, %add3A_1466, %sign3A_1469 : i32
      %sign3A_1471 = arith.extui %sign3A_1470 : i1 to i32
      %sign3A_1472 = arith.constant 0 : i32
      %sign3A_1473 = arith.cmpi slt, %add3A_1466, %sign3A_1472 : i32
      %sign3A_1474 = arith.extui %sign3A_1473 : i1 to i32
      %sign3A_1475 = arith.subi %sign3A_1471, %sign3A_1474 : i32
      %sign3A_1476 = arith.constant 0 : i32
      %sign3A_1477 = arith.cmpi sgt, %jit3A_1467, %sign3A_1476 : i32
      %sign3A_1478 = arith.extui %sign3A_1477 : i1 to i32
      %sign3A_1479 = arith.constant 0 : i32
      %sign3A_1480 = arith.cmpi slt, %jit3A_1467, %sign3A_1479 : i32
      %sign3A_1481 = arith.extui %sign3A_1480 : i1 to i32
      %sign3A_1482 = arith.subi %sign3A_1478, %sign3A_1481 : i32
      %ne3A_1483 = arith.cmpi ne, %sign3A_1475, %sign3A_1482 : i32
      %rem3A_1484 = arith.remsi %add3A_1466, %jit3A_1467 : i32
      %ne3A_1485 = arith.constant 0 : i32
      %ne3A_1486 = arith.cmpi ne, %rem3A_1484, %ne3A_1485 : i32
      %and3A_1487 = arith.andi %ne3A_1483, %ne3A_1486 : i1
      %sub3A_1488 = arith.constant 1 : i32
      %sub3A_1489 = arith.subi %div3A_1468, %sub3A_1488 : i32
      %select_n3A_1490 = arith.select %and3A_1487, %sub3A_1489, %div3A_1468 : i32
      %add3A_1491 = arith.constant 10 : i32
      %add3A_1492 = arith.addi %mul3A_258, %add3A_1491 : i32
      %jit3A_1493 = arith.constant 64 : i32
      %eq3A_1494 = arith.constant 0 : i32
      %eq3A_1495 = arith.cmpi eq, %jit3A_1493, %eq3A_1494 : i32
      %jit3A_1496 = arith.constant 1 : i32
      %select_n3A_1497 = arith.select %eq3A_1495, %jit3A_1496, %jit3A_1493 : i32
      %rem3A_1498 = arith.remsi %add3A_1492, %select_n3A_1497 : i32
      %ne3A_1499 = arith.constant 0 : i32
      %ne3A_1500 = arith.cmpi ne, %rem3A_1498, %ne3A_1499 : i32
      %lt3A_1501 = arith.constant 0 : i32
      %lt3A_1502 = arith.cmpi slt, %rem3A_1498, %lt3A_1501 : i32
      %lt3A_1503 = arith.constant 0 : i32
      %lt3A_1504 = arith.cmpi slt, %select_n3A_1497, %lt3A_1503 : i32
      %ne3A_1505 = arith.xori %lt3A_1502, %lt3A_1504 : i1
      %and3A_1506 = arith.andi %ne3A_1505, %ne3A_1500 : i1
      %add3A_1507 = arith.addi %rem3A_1498, %select_n3A_1497 : i32
      %select_n3A_1508 = arith.select %and3A_1506, %add3A_1507, %rem3A_1498 : i32
      %get3A_1509 = arith.index_cast %select_n3A_1490 : i32 to index
      %get3A_1510 = arith.index_cast %select_n3A_1508 : i32 to index
      %get3A_1511 = arith.constant 0 : index
      %get3A_1512 = tpu.vector_load %arg9[%get3A_1509, %get3A_1510, %get3A_1511] {strides = array<i32>} : memref<8x64x64xf32, #tpu.memory_space<vmem>>, vector<16xf32>,
      %get3A_1513 = arith.index_cast %add3A_1464 : i32 to index
      %get3A_1514 = arith.constant 0 : index
      %get3A_1515 = tpu.vector_load %arg10[%get3A_1513, %get3A_1514] {strides = array<i32>} : memref<256x128xf32, #tpu.memory_space<vmem>>, vector<16xf32>,
      %mul3A_1516 = arith.mulf %get3A_1512, %get3A_1515 : vector<16xf32>
      %mul3A_1517 = arith.mulf %mul3A_1516, %get3A_233 : vector<16xf32>
      %get3A_1518 = arith.index_cast %select_n3A_1490 : i32 to index
      %get3A_1519 = arith.index_cast %select_n3A_1508 : i32 to index
      %get3A_1520 = arith.constant 16 : index
      %get3A_1521 = tpu.vector_load %arg9[%get3A_1518, %get3A_1519, %get3A_1520] {strides = array<i32>} : memref<8x64x64xf32, #tpu.memory_space<vmem>>, vector<16xf32>,
      %get3A_1522 = arith.index_cast %add3A_1464 : i32 to index
      %get3A_1523 = arith.constant 16 : index
      %get3A_1524 = tpu.vector_load %arg10[%get3A_1522, %get3A_1523] {strides = array<i32>} : memref<256x128xf32, #tpu.memory_space<vmem>>, vector<16xf32>,
      %mul3A_1525 = arith.mulf %get3A_1521, %get3A_1524 : vector<16xf32>
      %mul3A_1526 = arith.mulf %mul3A_1525, %get3A_237 : vector<16xf32>
      %add3A_1527 = arith.addf %mul3A_1517, %mul3A_1526 : vector<16xf32>
      %get3A_1528 = arith.index_cast %select_n3A_1490 : i32 to index
      %get3A_1529 = arith.index_cast %select_n3A_1508 : i32 to index
      %get3A_1530 = arith.constant 32 : index
      %get3A_1531 = tpu.vector_load %arg9[%get3A_1528, %get3A_1529, %get3A_1530] {strides = array<i32>} : memref<8x64x64xf32, #tpu.memory_space<vmem>>, vector<16xf32>,
      %get3A_1532 = arith.index_cast %add3A_1464 : i32 to index
      %get3A_1533 = arith.constant 32 : index
      %get3A_1534 = tpu.vector_load %arg10[%get3A_1532, %get3A_1533] {strides = array<i32>} : memref<256x128xf32, #tpu.memory_space<vmem>>, vector<16xf32>,
      %mul3A_1535 = arith.mulf %get3A_1531, %get3A_1534 : vector<16xf32>
      %mul3A_1536 = arith.mulf %mul3A_1535, %get3A_241 : vector<16xf32>
      %add3A_1537 = arith.addf %add3A_1527, %mul3A_1536 : vector<16xf32>
      %get3A_1538 = arith.index_cast %select_n3A_1490 : i32 to index
      %get3A_1539 = arith.index_cast %select_n3A_1508 : i32 to index
      %get3A_1540 = arith.constant 48 : index
      %get3A_1541 = tpu.vector_load %arg9[%get3A_1538, %get3A_1539, %get3A_1540] {strides = array<i32>} : memref<8x64x64xf32, #tpu.memory_space<vmem>>, vector<16xf32>,
      %get3A_1542 = arith.index_cast %add3A_1464 : i32 to index
      %get3A_1543 = arith.constant 48 : index
      %get3A_1544 = tpu.vector_load %arg10[%get3A_1542, %get3A_1543] {strides = array<i32>} : memref<256x128xf32, #tpu.memory_space<vmem>>, vector<16xf32>,
      %mul3A_1545 = arith.mulf %get3A_1541, %get3A_1544 : vector<16xf32>
      %mul3A_1546 = arith.mulf %mul3A_1545, %get3A_245 : vector<16xf32>
      %add3A_1547 = arith.addf %add3A_1537, %mul3A_1546 : vector<16xf32>
      %add3A_1548 = arith.addf %add3A_1547, %get3A_247 : vector<16xf32>
      %reduce_sum3A_1549 = arith.constant true
      %reduce_sum3A_1550 = vector.broadcast %reduce_sum3A_1549 : i1 to vector<16xi1>
      %reduce_sum3A_1551 = tpu.scan <sum>, %add3A_1548 masked %reduce_sum3A_1550 : vector<16xf32>, vector<16xi1> -> vector<16xf32>
      %reduce_sum3A_1552 = vector.extract %reduce_sum3A_1551[15] : f32 from vector<16xf32>
      %eq3A_1553 = arith.constant 10 : i32
      %eq3A_1554 = vector.broadcast %eq3A_1553 : i32 to vector<16xi32>
      %eq3A_1555 = arith.cmpi eq, %iota3A, %eq3A_1554 : vector<16xi32>
      %broadcast_in_dim3A_1556 = vector.broadcast %reduce_sum3A_1552 : f32 to vector<16xf32>
      %select_n3A_1557 = arith.select %eq3A_1555, %broadcast_in_dim3A_1556, %select_n3A_1438 : vector<16xi1>, vector<16xf32>
      %jit3A_1558 = arith.constant 2 : i32
      %div3A_1559 = arith.divsi %mul3A_258, %jit3A_1558 : i32
      %sign3A_1560 = arith.constant 0 : i32
      %sign3A_1561 = arith.cmpi sgt, %mul3A_258, %sign3A_1560 : i32
      %sign3A_1562 = arith.extui %sign3A_1561 : i1 to i32
      %sign3A_1563 = arith.constant 0 : i32
      %sign3A_1564 = arith.cmpi slt, %mul3A_258, %sign3A_1563 : i32
      %sign3A_1565 = arith.extui %sign3A_1564 : i1 to i32
      %sign3A_1566 = arith.subi %sign3A_1562, %sign3A_1565 : i32
      %sign3A_1567 = arith.constant 0 : i32
      %sign3A_1568 = arith.cmpi sgt, %jit3A_1558, %sign3A_1567 : i32
      %sign3A_1569 = arith.extui %sign3A_1568 : i1 to i32
      %sign3A_1570 = arith.constant 0 : i32
      %sign3A_1571 = arith.cmpi slt, %jit3A_1558, %sign3A_1570 : i32
      %sign3A_1572 = arith.extui %sign3A_1571 : i1 to i32
      %sign3A_1573 = arith.subi %sign3A_1569, %sign3A_1572 : i32
      %ne3A_1574 = arith.cmpi ne, %sign3A_1566, %sign3A_1573 : i32
      %rem3A_1575 = arith.remsi %mul3A_258, %jit3A_1558 : i32
      %ne3A_1576 = arith.constant 0 : i32
      %ne3A_1577 = arith.cmpi ne, %rem3A_1575, %ne3A_1576 : i32
      %and3A_1578 = arith.andi %ne3A_1574, %ne3A_1577 : i1
      %sub3A_1579 = arith.constant 1 : i32
      %sub3A_1580 = arith.subi %div3A_1559, %sub3A_1579 : i32
      %select_n3A_1581 = arith.select %and3A_1578, %sub3A_1580, %div3A_1559 : i32
      %add3A_1582 = arith.constant 5 : i32
      %add3A_1583 = arith.addi %select_n3A_1581, %add3A_1582 : i32
      %add3A_1584 = arith.constant 11 : i32
      %add3A_1585 = arith.addi %mul3A_258, %add3A_1584 : i32
      %jit3A_1586 = arith.constant 64 : i32
      %div3A_1587 = arith.divsi %add3A_1585, %jit3A_1586 : i32
      %sign3A_1588 = arith.constant 0 : i32
      %sign3A_1589 = arith.cmpi sgt, %add3A_1585, %sign3A_1588 : i32
      %sign3A_1590 = arith.extui %sign3A_1589 : i1 to i32
      %sign3A_1591 = arith.constant 0 : i32
      %sign3A_1592 = arith.cmpi slt, %add3A_1585, %sign3A_1591 : i32
      %sign3A_1593 = arith.extui %sign3A_1592 : i1 to i32
      %sign3A_1594 = arith.subi %sign3A_1590, %sign3A_1593 : i32
      %sign3A_1595 = arith.constant 0 : i32
      %sign3A_1596 = arith.cmpi sgt, %jit3A_1586, %sign3A_1595 : i32
      %sign3A_1597 = arith.extui %sign3A_1596 : i1 to i32
      %sign3A_1598 = arith.constant 0 : i32
      %sign3A_1599 = arith.cmpi slt, %jit3A_1586, %sign3A_1598 : i32
      %sign3A_1600 = arith.extui %sign3A_1599 : i1 to i32
      %sign3A_1601 = arith.subi %sign3A_1597, %sign3A_1600 : i32
      %ne3A_1602 = arith.cmpi ne, %sign3A_1594, %sign3A_1601 : i32
      %rem3A_1603 = arith.remsi %add3A_1585, %jit3A_1586 : i32
      %ne3A_1604 = arith.constant 0 : i32
      %ne3A_1605 = arith.cmpi ne, %rem3A_1603, %ne3A_1604 : i32
      %and3A_1606 = arith.andi %ne3A_1602, %ne3A_1605 : i1
      %sub3A_1607 = arith.constant 1 : i32
      %sub3A_1608 = arith.subi %div3A_1587, %sub3A_1607 : i32
      %select_n3A_1609 = arith.select %and3A_1606, %sub3A_1608, %div3A_1587 : i32
      %add3A_1610 = arith.constant 11 : i32
      %add3A_1611 = arith.addi %mul3A_258, %add3A_1610 : i32
      %jit3A_1612 = arith.constant 64 : i32
      %eq3A_1613 = arith.constant 0 : i32
      %eq3A_1614 = arith.cmpi eq, %jit3A_1612, %eq3A_1613 : i32
      %jit3A_1615 = arith.constant 1 : i32
      %select_n3A_1616 = arith.select %eq3A_1614, %jit3A_1615, %jit3A_1612 : i32
      %rem3A_1617 = arith.remsi %add3A_1611, %select_n3A_1616 : i32
      %ne3A_1618 = arith.constant 0 : i32
      %ne3A_1619 = arith.cmpi ne, %rem3A_1617, %ne3A_1618 : i32
      %lt3A_1620 = arith.constant 0 : i32
      %lt3A_1621 = arith.cmpi slt, %rem3A_1617, %lt3A_1620 : i32
      %lt3A_1622 = arith.constant 0 : i32
      %lt3A_1623 = arith.cmpi slt, %select_n3A_1616, %lt3A_1622 : i32
      %ne3A_1624 = arith.xori %lt3A_1621, %lt3A_1623 : i1
      %and3A_1625 = arith.andi %ne3A_1624, %ne3A_1619 : i1
      %add3A_1626 = arith.addi %rem3A_1617, %select_n3A_1616 : i32
      %select_n3A_1627 = arith.select %and3A_1625, %add3A_1626, %rem3A_1617 : i32
      %get3A_1628 = arith.index_cast %select_n3A_1609 : i32 to index
      %get3A_1629 = arith.index_cast %select_n3A_1627 : i32 to index
      %get3A_1630 = arith.constant 0 : index
      %get3A_1631 = tpu.vector_load %arg9[%get3A_1628, %get3A_1629, %get3A_1630] {strides = array<i32>} : memref<8x64x64xf32, #tpu.memory_space<vmem>>, vector<16xf32>,
      %get3A_1632 = arith.index_cast %add3A_1583 : i32 to index
      %get3A_1633 = arith.constant 64 : index
      %get3A_1634 = tpu.vector_load %arg10[%get3A_1632, %get3A_1633] {strides = array<i32>} : memref<256x128xf32, #tpu.memory_space<vmem>>, vector<16xf32>,
      %mul3A_1635 = arith.mulf %get3A_1631, %get3A_1634 : vector<16xf32>
      %mul3A_1636 = arith.mulf %mul3A_1635, %get3A_233 : vector<16xf32>
      %get3A_1637 = arith.index_cast %select_n3A_1609 : i32 to index
      %get3A_1638 = arith.index_cast %select_n3A_1627 : i32 to index
      %get3A_1639 = arith.constant 16 : index
      %get3A_1640 = tpu.vector_load %arg9[%get3A_1637, %get3A_1638, %get3A_1639] {strides = array<i32>} : memref<8x64x64xf32, #tpu.memory_space<vmem>>, vector<16xf32>,
      %get3A_1641 = arith.index_cast %add3A_1583 : i32 to index
      %get3A_1642 = arith.constant 80 : index
      %get3A_1643 = tpu.vector_load %arg10[%get3A_1641, %get3A_1642] {strides = array<i32>} : memref<256x128xf32, #tpu.memory_space<vmem>>, vector<16xf32>,
      %mul3A_1644 = arith.mulf %get3A_1640, %get3A_1643 : vector<16xf32>
      %mul3A_1645 = arith.mulf %mul3A_1644, %get3A_237 : vector<16xf32>
      %add3A_1646 = arith.addf %mul3A_1636, %mul3A_1645 : vector<16xf32>
      %get3A_1647 = arith.index_cast %select_n3A_1609 : i32 to index
      %get3A_1648 = arith.index_cast %select_n3A_1627 : i32 to index
      %get3A_1649 = arith.constant 32 : index
      %get3A_1650 = tpu.vector_load %arg9[%get3A_1647, %get3A_1648, %get3A_1649] {strides = array<i32>} : memref<8x64x64xf32, #tpu.memory_space<vmem>>, vector<16xf32>,
      %get3A_1651 = arith.index_cast %add3A_1583 : i32 to index
      %get3A_1652 = arith.constant 96 : index
      %get3A_1653 = tpu.vector_load %arg10[%get3A_1651, %get3A_1652] {strides = array<i32>} : memref<256x128xf32, #tpu.memory_space<vmem>>, vector<16xf32>,
      %mul3A_1654 = arith.mulf %get3A_1650, %get3A_1653 : vector<16xf32>
      %mul3A_1655 = arith.mulf %mul3A_1654, %get3A_241 : vector<16xf32>
      %add3A_1656 = arith.addf %add3A_1646, %mul3A_1655 : vector<16xf32>
      %get3A_1657 = arith.index_cast %select_n3A_1609 : i32 to index
      %get3A_1658 = arith.index_cast %select_n3A_1627 : i32 to index
      %get3A_1659 = arith.constant 48 : index
      %get3A_1660 = tpu.vector_load %arg9[%get3A_1657, %get3A_1658, %get3A_1659] {strides = array<i32>} : memref<8x64x64xf32, #tpu.memory_space<vmem>>, vector<16xf32>,
      %get3A_1661 = arith.index_cast %add3A_1583 : i32 to index
      %get3A_1662 = arith.constant 112 : index
      %get3A_1663 = tpu.vector_load %arg10[%get3A_1661, %get3A_1662] {strides = array<i32>} : memref<256x128xf32, #tpu.memory_space<vmem>>, vector<16xf32>,
      %mul3A_1664 = arith.mulf %get3A_1660, %get3A_1663 : vector<16xf32>
      %mul3A_1665 = arith.mulf %mul3A_1664, %get3A_245 : vector<16xf32>
      %add3A_1666 = arith.addf %add3A_1656, %mul3A_1665 : vector<16xf32>
      %add3A_1667 = arith.addf %add3A_1666, %get3A_247 : vector<16xf32>
      %reduce_sum3A_1668 = arith.constant true
      %reduce_sum3A_1669 = vector.broadcast %reduce_sum3A_1668 : i1 to vector<16xi1>
      %reduce_sum3A_1670 = tpu.scan <sum>, %add3A_1667 masked %reduce_sum3A_1669 : vector<16xf32>, vector<16xi1> -> vector<16xf32>
      %reduce_sum3A_1671 = vector.extract %reduce_sum3A_1670[15] : f32 from vector<16xf32>
      %eq3A_1672 = arith.constant 11 : i32
      %eq3A_1673 = vector.broadcast %eq3A_1672 : i32 to vector<16xi32>
      %eq3A_1674 = arith.cmpi eq, %iota3A, %eq3A_1673 : vector<16xi32>
      %broadcast_in_dim3A_1675 = vector.broadcast %reduce_sum3A_1671 : f32 to vector<16xf32>
      %select_n3A_1676 = arith.select %eq3A_1674, %broadcast_in_dim3A_1675, %select_n3A_1557 : vector<16xi1>, vector<16xf32>
      %jit3A_1677 = arith.constant 2 : i32
      %div3A_1678 = arith.divsi %mul3A_258, %jit3A_1677 : i32
      %sign3A_1679 = arith.constant 0 : i32
      %sign3A_1680 = arith.cmpi sgt, %mul3A_258, %sign3A_1679 : i32
      %sign3A_1681 = arith.extui %sign3A_1680 : i1 to i32
      %sign3A_1682 = arith.constant 0 : i32
      %sign3A_1683 = arith.cmpi slt, %mul3A_258, %sign3A_1682 : i32
      %sign3A_1684 = arith.extui %sign3A_1683 : i1 to i32
      %sign3A_1685 = arith.subi %sign3A_1681, %sign3A_1684 : i32
      %sign3A_1686 = arith.constant 0 : i32
      %sign3A_1687 = arith.cmpi sgt, %jit3A_1677, %sign3A_1686 : i32
      %sign3A_1688 = arith.extui %sign3A_1687 : i1 to i32
      %sign3A_1689 = arith.constant 0 : i32
      %sign3A_1690 = arith.cmpi slt, %jit3A_1677, %sign3A_1689 : i32
      %sign3A_1691 = arith.extui %sign3A_1690 : i1 to i32
      %sign3A_1692 = arith.subi %sign3A_1688, %sign3A_1691 : i32
      %ne3A_1693 = arith.cmpi ne, %sign3A_1685, %sign3A_1692 : i32
      %rem3A_1694 = arith.remsi %mul3A_258, %jit3A_1677 : i32
      %ne3A_1695 = arith.constant 0 : i32
      %ne3A_1696 = arith.cmpi ne, %rem3A_1694, %ne3A_1695 : i32
      %and3A_1697 = arith.andi %ne3A_1693, %ne3A_1696 : i1
      %sub3A_1698 = arith.constant 1 : i32
      %sub3A_1699 = arith.subi %div3A_1678, %sub3A_1698 : i32
      %select_n3A_1700 = arith.select %and3A_1697, %sub3A_1699, %div3A_1678 : i32
      %add3A_1701 = arith.constant 6 : i32
      %add3A_1702 = arith.addi %select_n3A_1700, %add3A_1701 : i32
      %add3A_1703 = arith.constant 12 : i32
      %add3A_1704 = arith.addi %mul3A_258, %add3A_1703 : i32
      %jit3A_1705 = arith.constant 64 : i32
      %div3A_1706 = arith.divsi %add3A_1704, %jit3A_1705 : i32
      %sign3A_1707 = arith.constant 0 : i32
      %sign3A_1708 = arith.cmpi sgt, %add3A_1704, %sign3A_1707 : i32
      %sign3A_1709 = arith.extui %sign3A_1708 : i1 to i32
      %sign3A_1710 = arith.constant 0 : i32
      %sign3A_1711 = arith.cmpi slt, %add3A_1704, %sign3A_1710 : i32
      %sign3A_1712 = arith.extui %sign3A_1711 : i1 to i32
      %sign3A_1713 = arith.subi %sign3A_1709, %sign3A_1712 : i32
      %sign3A_1714 = arith.constant 0 : i32
      %sign3A_1715 = arith.cmpi sgt, %jit3A_1705, %sign3A_1714 : i32
      %sign3A_1716 = arith.extui %sign3A_1715 : i1 to i32
      %sign3A_1717 = arith.constant 0 : i32
      %sign3A_1718 = arith.cmpi slt, %jit3A_1705, %sign3A_1717 : i32
      %sign3A_1719 = arith.extui %sign3A_1718 : i1 to i32
      %sign3A_1720 = arith.subi %sign3A_1716, %sign3A_1719 : i32
      %ne3A_1721 = arith.cmpi ne, %sign3A_1713, %sign3A_1720 : i32
      %rem3A_1722 = arith.remsi %add3A_1704, %jit3A_1705 : i32
      %ne3A_1723 = arith.constant 0 : i32
      %ne3A_1724 = arith.cmpi ne, %rem3A_1722, %ne3A_1723 : i32
      %and3A_1725 = arith.andi %ne3A_1721, %ne3A_1724 : i1
      %sub3A_1726 = arith.constant 1 : i32
      %sub3A_1727 = arith.subi %div3A_1706, %sub3A_1726 : i32
      %select_n3A_1728 = arith.select %and3A_1725, %sub3A_1727, %div3A_1706 : i32
      %add3A_1729 = arith.constant 12 : i32
      %add3A_1730 = arith.addi %mul3A_258, %add3A_1729 : i32
      %jit3A_1731 = arith.constant 64 : i32
      %eq3A_1732 = arith.constant 0 : i32
      %eq3A_1733 = arith.cmpi eq, %jit3A_1731, %eq3A_1732 : i32
      %jit3A_1734 = arith.constant 1 : i32
      %select_n3A_1735 = arith.select %eq3A_1733, %jit3A_1734, %jit3A_1731 : i32
      %rem3A_1736 = arith.remsi %add3A_1730, %select_n3A_1735 : i32
      %ne3A_1737 = arith.constant 0 : i32
      %ne3A_1738 = arith.cmpi ne, %rem3A_1736, %ne3A_1737 : i32
      %lt3A_1739 = arith.constant 0 : i32
      %lt3A_1740 = arith.cmpi slt, %rem3A_1736, %lt3A_1739 : i32
      %lt3A_1741 = arith.constant 0 : i32
      %lt3A_1742 = arith.cmpi slt, %select_n3A_1735, %lt3A_1741 : i32
      %ne3A_1743 = arith.xori %lt3A_1740, %lt3A_1742 : i1
      %and3A_1744 = arith.andi %ne3A_1743, %ne3A_1738 : i1
      %add3A_1745 = arith.addi %rem3A_1736, %select_n3A_1735 : i32
      %select_n3A_1746 = arith.select %and3A_1744, %add3A_1745, %rem3A_1736 : i32
      %get3A_1747 = arith.index_cast %select_n3A_1728 : i32 to index
      %get3A_1748 = arith.index_cast %select_n3A_1746 : i32 to index
      %get3A_1749 = arith.constant 0 : index
      %get3A_1750 = tpu.vector_load %arg9[%get3A_1747, %get3A_1748, %get3A_1749] {strides = array<i32>} : memref<8x64x64xf32, #tpu.memory_space<vmem>>, vector<16xf32>,
      %get3A_1751 = arith.index_cast %add3A_1702 : i32 to index
      %get3A_1752 = arith.constant 0 : index
      %get3A_1753 = tpu.vector_load %arg10[%get3A_1751, %get3A_1752] {strides = array<i32>} : memref<256x128xf32, #tpu.memory_space<vmem>>, vector<16xf32>,
      %mul3A_1754 = arith.mulf %get3A_1750, %get3A_1753 : vector<16xf32>
      %mul3A_1755 = arith.mulf %mul3A_1754, %get3A_233 : vector<16xf32>
      %get3A_1756 = arith.index_cast %select_n3A_1728 : i32 to index
      %get3A_1757 = arith.index_cast %select_n3A_1746 : i32 to index
      %get3A_1758 = arith.constant 16 : index
      %get3A_1759 = tpu.vector_load %arg9[%get3A_1756, %get3A_1757, %get3A_1758] {strides = array<i32>} : memref<8x64x64xf32, #tpu.memory_space<vmem>>, vector<16xf32>,
      %get3A_1760 = arith.index_cast %add3A_1702 : i32 to index
      %get3A_1761 = arith.constant 16 : index
      %get3A_1762 = tpu.vector_load %arg10[%get3A_1760, %get3A_1761] {strides = array<i32>} : memref<256x128xf32, #tpu.memory_space<vmem>>, vector<16xf32>,
      %mul3A_1763 = arith.mulf %get3A_1759, %get3A_1762 : vector<16xf32>
      %mul3A_1764 = arith.mulf %mul3A_1763, %get3A_237 : vector<16xf32>
      %add3A_1765 = arith.addf %mul3A_1755, %mul3A_1764 : vector<16xf32>
      %get3A_1766 = arith.index_cast %select_n3A_1728 : i32 to index
      %get3A_1767 = arith.index_cast %select_n3A_1746 : i32 to index
      %get3A_1768 = arith.constant 32 : index
      %get3A_1769 = tpu.vector_load %arg9[%get3A_1766, %get3A_1767, %get3A_1768] {strides = array<i32>} : memref<8x64x64xf32, #tpu.memory_space<vmem>>, vector<16xf32>,
      %get3A_1770 = arith.index_cast %add3A_1702 : i32 to index
      %get3A_1771 = arith.constant 32 : index
      %get3A_1772 = tpu.vector_load %arg10[%get3A_1770, %get3A_1771] {strides = array<i32>} : memref<256x128xf32, #tpu.memory_space<vmem>>, vector<16xf32>,
      %mul3A_1773 = arith.mulf %get3A_1769, %get3A_1772 : vector<16xf32>
      %mul3A_1774 = arith.mulf %mul3A_1773, %get3A_241 : vector<16xf32>
      %add3A_1775 = arith.addf %add3A_1765, %mul3A_1774 : vector<16xf32>
      %get3A_1776 = arith.index_cast %select_n3A_1728 : i32 to index
      %get3A_1777 = arith.index_cast %select_n3A_1746 : i32 to index
      %get3A_1778 = arith.constant 48 : index
      %get3A_1779 = tpu.vector_load %arg9[%get3A_1776, %get3A_1777, %get3A_1778] {strides = array<i32>} : memref<8x64x64xf32, #tpu.memory_space<vmem>>, vector<16xf32>,
      %get3A_1780 = arith.index_cast %add3A_1702 : i32 to index
      %get3A_1781 = arith.constant 48 : index
      %get3A_1782 = tpu.vector_load %arg10[%get3A_1780, %get3A_1781] {strides = array<i32>} : memref<256x128xf32, #tpu.memory_space<vmem>>, vector<16xf32>,
      %mul3A_1783 = arith.mulf %get3A_1779, %get3A_1782 : vector<16xf32>
      %mul3A_1784 = arith.mulf %mul3A_1783, %get3A_245 : vector<16xf32>
      %add3A_1785 = arith.addf %add3A_1775, %mul3A_1784 : vector<16xf32>
      %add3A_1786 = arith.addf %add3A_1785, %get3A_247 : vector<16xf32>
      %reduce_sum3A_1787 = arith.constant true
      %reduce_sum3A_1788 = vector.broadcast %reduce_sum3A_1787 : i1 to vector<16xi1>
      %reduce_sum3A_1789 = tpu.scan <sum>, %add3A_1786 masked %reduce_sum3A_1788 : vector<16xf32>, vector<16xi1> -> vector<16xf32>
      %reduce_sum3A_1790 = vector.extract %reduce_sum3A_1789[15] : f32 from vector<16xf32>
      %eq3A_1791 = arith.constant 12 : i32
      %eq3A_1792 = vector.broadcast %eq3A_1791 : i32 to vector<16xi32>
      %eq3A_1793 = arith.cmpi eq, %iota3A, %eq3A_1792 : vector<16xi32>
      %broadcast_in_dim3A_1794 = vector.broadcast %reduce_sum3A_1790 : f32 to vector<16xf32>
      %select_n3A_1795 = arith.select %eq3A_1793, %broadcast_in_dim3A_1794, %select_n3A_1676 : vector<16xi1>, vector<16xf32>
      %jit3A_1796 = arith.constant 2 : i32
      %div3A_1797 = arith.divsi %mul3A_258, %jit3A_1796 : i32
      %sign3A_1798 = arith.constant 0 : i32
      %sign3A_1799 = arith.cmpi sgt, %mul3A_258, %sign3A_1798 : i32
      %sign3A_1800 = arith.extui %sign3A_1799 : i1 to i32
      %sign3A_1801 = arith.constant 0 : i32
      %sign3A_1802 = arith.cmpi slt, %mul3A_258, %sign3A_1801 : i32
      %sign3A_1803 = arith.extui %sign3A_1802 : i1 to i32
      %sign3A_1804 = arith.subi %sign3A_1800, %sign3A_1803 : i32
      %sign3A_1805 = arith.constant 0 : i32
      %sign3A_1806 = arith.cmpi sgt, %jit3A_1796, %sign3A_1805 : i32
      %sign3A_1807 = arith.extui %sign3A_1806 : i1 to i32
      %sign3A_1808 = arith.constant 0 : i32
      %sign3A_1809 = arith.cmpi slt, %jit3A_1796, %sign3A_1808 : i32
      %sign3A_1810 = arith.extui %sign3A_1809 : i1 to i32
      %sign3A_1811 = arith.subi %sign3A_1807, %sign3A_1810 : i32
      %ne3A_1812 = arith.cmpi ne, %sign3A_1804, %sign3A_1811 : i32
      %rem3A_1813 = arith.remsi %mul3A_258, %jit3A_1796 : i32
      %ne3A_1814 = arith.constant 0 : i32
      %ne3A_1815 = arith.cmpi ne, %rem3A_1813, %ne3A_1814 : i32
      %and3A_1816 = arith.andi %ne3A_1812, %ne3A_1815 : i1
      %sub3A_1817 = arith.constant 1 : i32
      %sub3A_1818 = arith.subi %div3A_1797, %sub3A_1817 : i32
      %select_n3A_1819 = arith.select %and3A_1816, %sub3A_1818, %div3A_1797 : i32
      %add3A_1820 = arith.constant 6 : i32
      %add3A_1821 = arith.addi %select_n3A_1819, %add3A_1820 : i32
      %add3A_1822 = arith.constant 13 : i32
      %add3A_1823 = arith.addi %mul3A_258, %add3A_1822 : i32
      %jit3A_1824 = arith.constant 64 : i32
      %div3A_1825 = arith.divsi %add3A_1823, %jit3A_1824 : i32
      %sign3A_1826 = arith.constant 0 : i32
      %sign3A_1827 = arith.cmpi sgt, %add3A_1823, %sign3A_1826 : i32
      %sign3A_1828 = arith.extui %sign3A_1827 : i1 to i32
      %sign3A_1829 = arith.constant 0 : i32
      %sign3A_1830 = arith.cmpi slt, %add3A_1823, %sign3A_1829 : i32
      %sign3A_1831 = arith.extui %sign3A_1830 : i1 to i32
      %sign3A_1832 = arith.subi %sign3A_1828, %sign3A_1831 : i32
      %sign3A_1833 = arith.constant 0 : i32
      %sign3A_1834 = arith.cmpi sgt, %jit3A_1824, %sign3A_1833 : i32
      %sign3A_1835 = arith.extui %sign3A_1834 : i1 to i32
      %sign3A_1836 = arith.constant 0 : i32
      %sign3A_1837 = arith.cmpi slt, %jit3A_1824, %sign3A_1836 : i32
      %sign3A_1838 = arith.extui %sign3A_1837 : i1 to i32
      %sign3A_1839 = arith.subi %sign3A_1835, %sign3A_1838 : i32
      %ne3A_1840 = arith.cmpi ne, %sign3A_1832, %sign3A_1839 : i32
      %rem3A_1841 = arith.remsi %add3A_1823, %jit3A_1824 : i32
      %ne3A_1842 = arith.constant 0 : i32
      %ne3A_1843 = arith.cmpi ne, %rem3A_1841, %ne3A_1842 : i32
      %and3A_1844 = arith.andi %ne3A_1840, %ne3A_1843 : i1
      %sub3A_1845 = arith.constant 1 : i32
      %sub3A_1846 = arith.subi %div3A_1825, %sub3A_1845 : i32
      %select_n3A_1847 = arith.select %and3A_1844, %sub3A_1846, %div3A_1825 : i32
      %add3A_1848 = arith.constant 13 : i32
      %add3A_1849 = arith.addi %mul3A_258, %add3A_1848 : i32
      %jit3A_1850 = arith.constant 64 : i32
      %eq3A_1851 = arith.constant 0 : i32
      %eq3A_1852 = arith.cmpi eq, %jit3A_1850, %eq3A_1851 : i32
      %jit3A_1853 = arith.constant 1 : i32
      %select_n3A_1854 = arith.select %eq3A_1852, %jit3A_1853, %jit3A_1850 : i32
      %rem3A_1855 = arith.remsi %add3A_1849, %select_n3A_1854 : i32
      %ne3A_1856 = arith.constant 0 : i32
      %ne3A_1857 = arith.cmpi ne, %rem3A_1855, %ne3A_1856 : i32
      %lt3A_1858 = arith.constant 0 : i32
      %lt3A_1859 = arith.cmpi slt, %rem3A_1855, %lt3A_1858 : i32
      %lt3A_1860 = arith.constant 0 : i32
      %lt3A_1861 = arith.cmpi slt, %select_n3A_1854, %lt3A_1860 : i32
      %ne3A_1862 = arith.xori %lt3A_1859, %lt3A_1861 : i1
      %and3A_1863 = arith.andi %ne3A_1862, %ne3A_1857 : i1
      %add3A_1864 = arith.addi %rem3A_1855, %select_n3A_1854 : i32
      %select_n3A_1865 = arith.select %and3A_1863, %add3A_1864, %rem3A_1855 : i32
      %get3A_1866 = arith.index_cast %select_n3A_1847 : i32 to index
      %get3A_1867 = arith.index_cast %select_n3A_1865 : i32 to index
      %get3A_1868 = arith.constant 0 : index
      %get3A_1869 = tpu.vector_load %arg9[%get3A_1866, %get3A_1867, %get3A_1868] {strides = array<i32>} : memref<8x64x64xf32, #tpu.memory_space<vmem>>, vector<16xf32>,
      %get3A_1870 = arith.index_cast %add3A_1821 : i32 to index
      %get3A_1871 = arith.constant 64 : index
      %get3A_1872 = tpu.vector_load %arg10[%get3A_1870, %get3A_1871] {strides = array<i32>} : memref<256x128xf32, #tpu.memory_space<vmem>>, vector<16xf32>,
      %mul3A_1873 = arith.mulf %get3A_1869, %get3A_1872 : vector<16xf32>
      %mul3A_1874 = arith.mulf %mul3A_1873, %get3A_233 : vector<16xf32>
      %get3A_1875 = arith.index_cast %select_n3A_1847 : i32 to index
      %get3A_1876 = arith.index_cast %select_n3A_1865 : i32 to index
      %get3A_1877 = arith.constant 16 : index
      %get3A_1878 = tpu.vector_load %arg9[%get3A_1875, %get3A_1876, %get3A_1877] {strides = array<i32>} : memref<8x64x64xf32, #tpu.memory_space<vmem>>, vector<16xf32>,
      %get3A_1879 = arith.index_cast %add3A_1821 : i32 to index
      %get3A_1880 = arith.constant 80 : index
      %get3A_1881 = tpu.vector_load %arg10[%get3A_1879, %get3A_1880] {strides = array<i32>} : memref<256x128xf32, #tpu.memory_space<vmem>>, vector<16xf32>,
      %mul3A_1882 = arith.mulf %get3A_1878, %get3A_1881 : vector<16xf32>
      %mul3A_1883 = arith.mulf %mul3A_1882, %get3A_237 : vector<16xf32>
      %add3A_1884 = arith.addf %mul3A_1874, %mul3A_1883 : vector<16xf32>
      %get3A_1885 = arith.index_cast %select_n3A_1847 : i32 to index
      %get3A_1886 = arith.index_cast %select_n3A_1865 : i32 to index
      %get3A_1887 = arith.constant 32 : index
      %get3A_1888 = tpu.vector_load %arg9[%get3A_1885, %get3A_1886, %get3A_1887] {strides = array<i32>} : memref<8x64x64xf32, #tpu.memory_space<vmem>>, vector<16xf32>,
      %get3A_1889 = arith.index_cast %add3A_1821 : i32 to index
      %get3A_1890 = arith.constant 96 : index
      %get3A_1891 = tpu.vector_load %arg10[%get3A_1889, %get3A_1890] {strides = array<i32>} : memref<256x128xf32, #tpu.memory_space<vmem>>, vector<16xf32>,
      %mul3A_1892 = arith.mulf %get3A_1888, %get3A_1891 : vector<16xf32>
      %mul3A_1893 = arith.mulf %mul3A_1892, %get3A_241 : vector<16xf32>
      %add3A_1894 = arith.addf %add3A_1884, %mul3A_1893 : vector<16xf32>
      %get3A_1895 = arith.index_cast %select_n3A_1847 : i32 to index
      %get3A_1896 = arith.index_cast %select_n3A_1865 : i32 to index
      %get3A_1897 = arith.constant 48 : index
      %get3A_1898 = tpu.vector_load %arg9[%get3A_1895, %get3A_1896, %get3A_1897] {strides = array<i32>} : memref<8x64x64xf32, #tpu.memory_space<vmem>>, vector<16xf32>,
      %get3A_1899 = arith.index_cast %add3A_1821 : i32 to index
      %get3A_1900 = arith.constant 112 : index
      %get3A_1901 = tpu.vector_load %arg10[%get3A_1899, %get3A_1900] {strides = array<i32>} : memref<256x128xf32, #tpu.memory_space<vmem>>, vector<16xf32>,
      %mul3A_1902 = arith.mulf %get3A_1898, %get3A_1901 : vector<16xf32>
      %mul3A_1903 = arith.mulf %mul3A_1902, %get3A_245 : vector<16xf32>
      %add3A_1904 = arith.addf %add3A_1894, %mul3A_1903 : vector<16xf32>
      %add3A_1905 = arith.addf %add3A_1904, %get3A_247 : vector<16xf32>
      %reduce_sum3A_1906 = arith.constant true
      %reduce_sum3A_1907 = vector.broadcast %reduce_sum3A_1906 : i1 to vector<16xi1>
      %reduce_sum3A_1908 = tpu.scan <sum>, %add3A_1905 masked %reduce_sum3A_1907 : vector<16xf32>, vector<16xi1> -> vector<16xf32>
      %reduce_sum3A_1909 = vector.extract %reduce_sum3A_1908[15] : f32 from vector<16xf32>
      %eq3A_1910 = arith.constant 13 : i32
      %eq3A_1911 = vector.broadcast %eq3A_1910 : i32 to vector<16xi32>
      %eq3A_1912 = arith.cmpi eq, %iota3A, %eq3A_1911 : vector<16xi32>
      %broadcast_in_dim3A_1913 = vector.broadcast %reduce_sum3A_1909 : f32 to vector<16xf32>
      %select_n3A_1914 = arith.select %eq3A_1912, %broadcast_in_dim3A_1913, %select_n3A_1795 : vector<16xi1>, vector<16xf32>
      %jit3A_1915 = arith.constant 2 : i32
      %div3A_1916 = arith.divsi %mul3A_258, %jit3A_1915 : i32
      %sign3A_1917 = arith.constant 0 : i32
      %sign3A_1918 = arith.cmpi sgt, %mul3A_258, %sign3A_1917 : i32
      %sign3A_1919 = arith.extui %sign3A_1918 : i1 to i32
      %sign3A_1920 = arith.constant 0 : i32
      %sign3A_1921 = arith.cmpi slt, %mul3A_258, %sign3A_1920 : i32
      %sign3A_1922 = arith.extui %sign3A_1921 : i1 to i32
      %sign3A_1923 = arith.subi %sign3A_1919, %sign3A_1922 : i32
      %sign3A_1924 = arith.constant 0 : i32
      %sign3A_1925 = arith.cmpi sgt, %jit3A_1915, %sign3A_1924 : i32
      %sign3A_1926 = arith.extui %sign3A_1925 : i1 to i32
      %sign3A_1927 = arith.constant 0 : i32
      %sign3A_1928 = arith.cmpi slt, %jit3A_1915, %sign3A_1927 : i32
      %sign3A_1929 = arith.extui %sign3A_1928 : i1 to i32
      %sign3A_1930 = arith.subi %sign3A_1926, %sign3A_1929 : i32
      %ne3A_1931 = arith.cmpi ne, %sign3A_1923, %sign3A_1930 : i32
      %rem3A_1932 = arith.remsi %mul3A_258, %jit3A_1915 : i32
      %ne3A_1933 = arith.constant 0 : i32
      %ne3A_1934 = arith.cmpi ne, %rem3A_1932, %ne3A_1933 : i32
      %and3A_1935 = arith.andi %ne3A_1931, %ne3A_1934 : i1
      %sub3A_1936 = arith.constant 1 : i32
      %sub3A_1937 = arith.subi %div3A_1916, %sub3A_1936 : i32
      %select_n3A_1938 = arith.select %and3A_1935, %sub3A_1937, %div3A_1916 : i32
      %add3A_1939 = arith.constant 7 : i32
      %add3A_1940 = arith.addi %select_n3A_1938, %add3A_1939 : i32
      %add3A_1941 = arith.constant 14 : i32
      %add3A_1942 = arith.addi %mul3A_258, %add3A_1941 : i32
      %jit3A_1943 = arith.constant 64 : i32
      %div3A_1944 = arith.divsi %add3A_1942, %jit3A_1943 : i32
      %sign3A_1945 = arith.constant 0 : i32
      %sign3A_1946 = arith.cmpi sgt, %add3A_1942, %sign3A_1945 : i32
      %sign3A_1947 = arith.extui %sign3A_1946 : i1 to i32
      %sign3A_1948 = arith.constant 0 : i32
      %sign3A_1949 = arith.cmpi slt, %add3A_1942, %sign3A_1948 : i32
      %sign3A_1950 = arith.extui %sign3A_1949 : i1 to i32
      %sign3A_1951 = arith.subi %sign3A_1947, %sign3A_1950 : i32
      %sign3A_1952 = arith.constant 0 : i32
      %sign3A_1953 = arith.cmpi sgt, %jit3A_1943, %sign3A_1952 : i32
      %sign3A_1954 = arith.extui %sign3A_1953 : i1 to i32
      %sign3A_1955 = arith.constant 0 : i32
      %sign3A_1956 = arith.cmpi slt, %jit3A_1943, %sign3A_1955 : i32
      %sign3A_1957 = arith.extui %sign3A_1956 : i1 to i32
      %sign3A_1958 = arith.subi %sign3A_1954, %sign3A_1957 : i32
      %ne3A_1959 = arith.cmpi ne, %sign3A_1951, %sign3A_1958 : i32
      %rem3A_1960 = arith.remsi %add3A_1942, %jit3A_1943 : i32
      %ne3A_1961 = arith.constant 0 : i32
      %ne3A_1962 = arith.cmpi ne, %rem3A_1960, %ne3A_1961 : i32
      %and3A_1963 = arith.andi %ne3A_1959, %ne3A_1962 : i1
      %sub3A_1964 = arith.constant 1 : i32
      %sub3A_1965 = arith.subi %div3A_1944, %sub3A_1964 : i32
      %select_n3A_1966 = arith.select %and3A_1963, %sub3A_1965, %div3A_1944 : i32
      %add3A_1967 = arith.constant 14 : i32
      %add3A_1968 = arith.addi %mul3A_258, %add3A_1967 : i32
      %jit3A_1969 = arith.constant 64 : i32
      %eq3A_1970 = arith.constant 0 : i32
      %eq3A_1971 = arith.cmpi eq, %jit3A_1969, %eq3A_1970 : i32
      %jit3A_1972 = arith.constant 1 : i32
      %select_n3A_1973 = arith.select %eq3A_1971, %jit3A_1972, %jit3A_1969 : i32
      %rem3A_1974 = arith.remsi %add3A_1968, %select_n3A_1973 : i32
      %ne3A_1975 = arith.constant 0 : i32
      %ne3A_1976 = arith.cmpi ne, %rem3A_1974, %ne3A_1975 : i32
      %lt3A_1977 = arith.constant 0 : i32
      %lt3A_1978 = arith.cmpi slt, %rem3A_1974, %lt3A_1977 : i32
      %lt3A_1979 = arith.constant 0 : i32
      %lt3A_1980 = arith.cmpi slt, %select_n3A_1973, %lt3A_1979 : i32
      %ne3A_1981 = arith.xori %lt3A_1978, %lt3A_1980 : i1
      %and3A_1982 = arith.andi %ne3A_1981, %ne3A_1976 : i1
      %add3A_1983 = arith.addi %rem3A_1974, %select_n3A_1973 : i32
      %select_n3A_1984 = arith.select %and3A_1982, %add3A_1983, %rem3A_1974 : i32
      %get3A_1985 = arith.index_cast %select_n3A_1966 : i32 to index
      %get3A_1986 = arith.index_cast %select_n3A_1984 : i32 to index
      %get3A_1987 = arith.constant 0 : index
      %get3A_1988 = tpu.vector_load %arg9[%get3A_1985, %get3A_1986, %get3A_1987] {strides = array<i32>} : memref<8x64x64xf32, #tpu.memory_space<vmem>>, vector<16xf32>,
      %get3A_1989 = arith.index_cast %add3A_1940 : i32 to index
      %get3A_1990 = arith.constant 0 : index
      %get3A_1991 = tpu.vector_load %arg10[%get3A_1989, %get3A_1990] {strides = array<i32>} : memref<256x128xf32, #tpu.memory_space<vmem>>, vector<16xf32>,
      %mul3A_1992 = arith.mulf %get3A_1988, %get3A_1991 : vector<16xf32>
      %mul3A_1993 = arith.mulf %mul3A_1992, %get3A_233 : vector<16xf32>
      %get3A_1994 = arith.index_cast %select_n3A_1966 : i32 to index
      %get3A_1995 = arith.index_cast %select_n3A_1984 : i32 to index
      %get3A_1996 = arith.constant 16 : index
      %get3A_1997 = tpu.vector_load %arg9[%get3A_1994, %get3A_1995, %get3A_1996] {strides = array<i32>} : memref<8x64x64xf32, #tpu.memory_space<vmem>>, vector<16xf32>,
      %get3A_1998 = arith.index_cast %add3A_1940 : i32 to index
      %get3A_1999 = arith.constant 16 : index
      %get3A_2000 = tpu.vector_load %arg10[%get3A_1998, %get3A_1999] {strides = array<i32>} : memref<256x128xf32, #tpu.memory_space<vmem>>, vector<16xf32>,
      %mul3A_2001 = arith.mulf %get3A_1997, %get3A_2000 : vector<16xf32>
      %mul3A_2002 = arith.mulf %mul3A_2001, %get3A_237 : vector<16xf32>
      %add3A_2003 = arith.addf %mul3A_1993, %mul3A_2002 : vector<16xf32>
      %get3A_2004 = arith.index_cast %select_n3A_1966 : i32 to index
      %get3A_2005 = arith.index_cast %select_n3A_1984 : i32 to index
      %get3A_2006 = arith.constant 32 : index
      %get3A_2007 = tpu.vector_load %arg9[%get3A_2004, %get3A_2005, %get3A_2006] {strides = array<i32>} : memref<8x64x64xf32, #tpu.memory_space<vmem>>, vector<16xf32>,
      %get3A_2008 = arith.index_cast %add3A_1940 : i32 to index
      %get3A_2009 = arith.constant 32 : index
      %get3A_2010 = tpu.vector_load %arg10[%get3A_2008, %get3A_2009] {strides = array<i32>} : memref<256x128xf32, #tpu.memory_space<vmem>>, vector<16xf32>,
      %mul3A_2011 = arith.mulf %get3A_2007, %get3A_2010 : vector<16xf32>
      %mul3A_2012 = arith.mulf %mul3A_2011, %get3A_241 : vector<16xf32>
      %add3A_2013 = arith.addf %add3A_2003, %mul3A_2012 : vector<16xf32>
      %get3A_2014 = arith.index_cast %select_n3A_1966 : i32 to index
      %get3A_2015 = arith.index_cast %select_n3A_1984 : i32 to index
      %get3A_2016 = arith.constant 48 : index
      %get3A_2017 = tpu.vector_load %arg9[%get3A_2014, %get3A_2015, %get3A_2016] {strides = array<i32>} : memref<8x64x64xf32, #tpu.memory_space<vmem>>, vector<16xf32>,
      %get3A_2018 = arith.index_cast %add3A_1940 : i32 to index
      %get3A_2019 = arith.constant 48 : index
      %get3A_2020 = tpu.vector_load %arg10[%get3A_2018, %get3A_2019] {strides = array<i32>} : memref<256x128xf32, #tpu.memory_space<vmem>>, vector<16xf32>,
      %mul3A_2021 = arith.mulf %get3A_2017, %get3A_2020 : vector<16xf32>
      %mul3A_2022 = arith.mulf %mul3A_2021, %get3A_245 : vector<16xf32>
      %add3A_2023 = arith.addf %add3A_2013, %mul3A_2022 : vector<16xf32>
      %add3A_2024 = arith.addf %add3A_2023, %get3A_247 : vector<16xf32>
      %reduce_sum3A_2025 = arith.constant true
      %reduce_sum3A_2026 = vector.broadcast %reduce_sum3A_2025 : i1 to vector<16xi1>
      %reduce_sum3A_2027 = tpu.scan <sum>, %add3A_2024 masked %reduce_sum3A_2026 : vector<16xf32>, vector<16xi1> -> vector<16xf32>
      %reduce_sum3A_2028 = vector.extract %reduce_sum3A_2027[15] : f32 from vector<16xf32>
      %eq3A_2029 = arith.constant 14 : i32
      %eq3A_2030 = vector.broadcast %eq3A_2029 : i32 to vector<16xi32>
      %eq3A_2031 = arith.cmpi eq, %iota3A, %eq3A_2030 : vector<16xi32>
      %broadcast_in_dim3A_2032 = vector.broadcast %reduce_sum3A_2028 : f32 to vector<16xf32>
      %select_n3A_2033 = arith.select %eq3A_2031, %broadcast_in_dim3A_2032, %select_n3A_1914 : vector<16xi1>, vector<16xf32>
      %jit3A_2034 = arith.constant 2 : i32
      %div3A_2035 = arith.divsi %mul3A_258, %jit3A_2034 : i32
      %sign3A_2036 = arith.constant 0 : i32
      %sign3A_2037 = arith.cmpi sgt, %mul3A_258, %sign3A_2036 : i32
      %sign3A_2038 = arith.extui %sign3A_2037 : i1 to i32
      %sign3A_2039 = arith.constant 0 : i32
      %sign3A_2040 = arith.cmpi slt, %mul3A_258, %sign3A_2039 : i32
      %sign3A_2041 = arith.extui %sign3A_2040 : i1 to i32
      %sign3A_2042 = arith.subi %sign3A_2038, %sign3A_2041 : i32
      %sign3A_2043 = arith.constant 0 : i32
      %sign3A_2044 = arith.cmpi sgt, %jit3A_2034, %sign3A_2043 : i32
      %sign3A_2045 = arith.extui %sign3A_2044 : i1 to i32
      %sign3A_2046 = arith.constant 0 : i32
      %sign3A_2047 = arith.cmpi slt, %jit3A_2034, %sign3A_2046 : i32
      %sign3A_2048 = arith.extui %sign3A_2047 : i1 to i32
      %sign3A_2049 = arith.subi %sign3A_2045, %sign3A_2048 : i32
      %ne3A_2050 = arith.cmpi ne, %sign3A_2042, %sign3A_2049 : i32
      %rem3A_2051 = arith.remsi %mul3A_258, %jit3A_2034 : i32
      %ne3A_2052 = arith.constant 0 : i32
      %ne3A_2053 = arith.cmpi ne, %rem3A_2051, %ne3A_2052 : i32
      %and3A_2054 = arith.andi %ne3A_2050, %ne3A_2053 : i1
      %sub3A_2055 = arith.constant 1 : i32
      %sub3A_2056 = arith.subi %div3A_2035, %sub3A_2055 : i32
      %select_n3A_2057 = arith.select %and3A_2054, %sub3A_2056, %div3A_2035 : i32
      %add3A_2058 = arith.constant 7 : i32
      %add3A_2059 = arith.addi %select_n3A_2057, %add3A_2058 : i32
      %add3A_2060 = arith.constant 15 : i32
      %add3A_2061 = arith.addi %mul3A_258, %add3A_2060 : i32
      %jit3A_2062 = arith.constant 64 : i32
      %div3A_2063 = arith.divsi %add3A_2061, %jit3A_2062 : i32
      %sign3A_2064 = arith.constant 0 : i32
      %sign3A_2065 = arith.cmpi sgt, %add3A_2061, %sign3A_2064 : i32
      %sign3A_2066 = arith.extui %sign3A_2065 : i1 to i32
      %sign3A_2067 = arith.constant 0 : i32
      %sign3A_2068 = arith.cmpi slt, %add3A_2061, %sign3A_2067 : i32
      %sign3A_2069 = arith.extui %sign3A_2068 : i1 to i32
      %sign3A_2070 = arith.subi %sign3A_2066, %sign3A_2069 : i32
      %sign3A_2071 = arith.constant 0 : i32
      %sign3A_2072 = arith.cmpi sgt, %jit3A_2062, %sign3A_2071 : i32
      %sign3A_2073 = arith.extui %sign3A_2072 : i1 to i32
      %sign3A_2074 = arith.constant 0 : i32
      %sign3A_2075 = arith.cmpi slt, %jit3A_2062, %sign3A_2074 : i32
      %sign3A_2076 = arith.extui %sign3A_2075 : i1 to i32
      %sign3A_2077 = arith.subi %sign3A_2073, %sign3A_2076 : i32
      %ne3A_2078 = arith.cmpi ne, %sign3A_2070, %sign3A_2077 : i32
      %rem3A_2079 = arith.remsi %add3A_2061, %jit3A_2062 : i32
      %ne3A_2080 = arith.constant 0 : i32
      %ne3A_2081 = arith.cmpi ne, %rem3A_2079, %ne3A_2080 : i32
      %and3A_2082 = arith.andi %ne3A_2078, %ne3A_2081 : i1
      %sub3A_2083 = arith.constant 1 : i32
      %sub3A_2084 = arith.subi %div3A_2063, %sub3A_2083 : i32
      %select_n3A_2085 = arith.select %and3A_2082, %sub3A_2084, %div3A_2063 : i32
      %add3A_2086 = arith.constant 15 : i32
      %add3A_2087 = arith.addi %mul3A_258, %add3A_2086 : i32
      %jit3A_2088 = arith.constant 64 : i32
      %eq3A_2089 = arith.constant 0 : i32
      %eq3A_2090 = arith.cmpi eq, %jit3A_2088, %eq3A_2089 : i32
      %jit3A_2091 = arith.constant 1 : i32
      %select_n3A_2092 = arith.select %eq3A_2090, %jit3A_2091, %jit3A_2088 : i32
      %rem3A_2093 = arith.remsi %add3A_2087, %select_n3A_2092 : i32
      %ne3A_2094 = arith.constant 0 : i32
      %ne3A_2095 = arith.cmpi ne, %rem3A_2093, %ne3A_2094 : i32
      %lt3A_2096 = arith.constant 0 : i32
      %lt3A_2097 = arith.cmpi slt, %rem3A_2093, %lt3A_2096 : i32
      %lt3A_2098 = arith.constant 0 : i32
      %lt3A_2099 = arith.cmpi slt, %select_n3A_2092, %lt3A_2098 : i32
      %ne3A_2100 = arith.xori %lt3A_2097, %lt3A_2099 : i1
      %and3A_2101 = arith.andi %ne3A_2100, %ne3A_2095 : i1
      %add3A_2102 = arith.addi %rem3A_2093, %select_n3A_2092 : i32
      %select_n3A_2103 = arith.select %and3A_2101, %add3A_2102, %rem3A_2093 : i32
      %get3A_2104 = arith.index_cast %select_n3A_2085 : i32 to index
      %get3A_2105 = arith.index_cast %select_n3A_2103 : i32 to index
      %get3A_2106 = arith.constant 0 : index
      %get3A_2107 = tpu.vector_load %arg9[%get3A_2104, %get3A_2105, %get3A_2106] {strides = array<i32>} : memref<8x64x64xf32, #tpu.memory_space<vmem>>, vector<16xf32>,
      %get3A_2108 = arith.index_cast %add3A_2059 : i32 to index
      %get3A_2109 = arith.constant 64 : index
      %get3A_2110 = tpu.vector_load %arg10[%get3A_2108, %get3A_2109] {strides = array<i32>} : memref<256x128xf32, #tpu.memory_space<vmem>>, vector<16xf32>,
      %mul3A_2111 = arith.mulf %get3A_2107, %get3A_2110 : vector<16xf32>
      %mul3A_2112 = arith.mulf %mul3A_2111, %get3A_233 : vector<16xf32>
      %get3A_2113 = arith.index_cast %select_n3A_2085 : i32 to index
      %get3A_2114 = arith.index_cast %select_n3A_2103 : i32 to index
      %get3A_2115 = arith.constant 16 : index
      %get3A_2116 = tpu.vector_load %arg9[%get3A_2113, %get3A_2114, %get3A_2115] {strides = array<i32>} : memref<8x64x64xf32, #tpu.memory_space<vmem>>, vector<16xf32>,
      %get3A_2117 = arith.index_cast %add3A_2059 : i32 to index
      %get3A_2118 = arith.constant 80 : index
      %get3A_2119 = tpu.vector_load %arg10[%get3A_2117, %get3A_2118] {strides = array<i32>} : memref<256x128xf32, #tpu.memory_space<vmem>>, vector<16xf32>,
      %mul3A_2120 = arith.mulf %get3A_2116, %get3A_2119 : vector<16xf32>
      %mul3A_2121 = arith.mulf %mul3A_2120, %get3A_237 : vector<16xf32>
      %add3A_2122 = arith.addf %mul3A_2112, %mul3A_2121 : vector<16xf32>
      %get3A_2123 = arith.index_cast %select_n3A_2085 : i32 to index
      %get3A_2124 = arith.index_cast %select_n3A_2103 : i32 to index
      %get3A_2125 = arith.constant 32 : index
      %get3A_2126 = tpu.vector_load %arg9[%get3A_2123, %get3A_2124, %get3A_2125] {strides = array<i32>} : memref<8x64x64xf32, #tpu.memory_space<vmem>>, vector<16xf32>,
      %get3A_2127 = arith.index_cast %add3A_2059 : i32 to index
      %get3A_2128 = arith.constant 96 : index
      %get3A_2129 = tpu.vector_load %arg10[%get3A_2127, %get3A_2128] {strides = array<i32>} : memref<256x128xf32, #tpu.memory_space<vmem>>, vector<16xf32>,
      %mul3A_2130 = arith.mulf %get3A_2126, %get3A_2129 : vector<16xf32>
      %mul3A_2131 = arith.mulf %mul3A_2130, %get3A_241 : vector<16xf32>
      %add3A_2132 = arith.addf %add3A_2122, %mul3A_2131 : vector<16xf32>
      %get3A_2133 = arith.index_cast %select_n3A_2085 : i32 to index
      %get3A_2134 = arith.index_cast %select_n3A_2103 : i32 to index
      %get3A_2135 = arith.constant 48 : index
      %get3A_2136 = tpu.vector_load %arg9[%get3A_2133, %get3A_2134, %get3A_2135] {strides = array<i32>} : memref<8x64x64xf32, #tpu.memory_space<vmem>>, vector<16xf32>,
      %get3A_2137 = arith.index_cast %add3A_2059 : i32 to index
      %get3A_2138 = arith.constant 112 : index
      %get3A_2139 = tpu.vector_load %arg10[%get3A_2137, %get3A_2138] {strides = array<i32>} : memref<256x128xf32, #tpu.memory_space<vmem>>, vector<16xf32>,
      %mul3A_2140 = arith.mulf %get3A_2136, %get3A_2139 : vector<16xf32>
      %mul3A_2141 = arith.mulf %mul3A_2140, %get3A_245 : vector<16xf32>
      %add3A_2142 = arith.addf %add3A_2132, %mul3A_2141 : vector<16xf32>
      %add3A_2143 = arith.addf %add3A_2142, %get3A_247 : vector<16xf32>
      %reduce_sum3A_2144 = arith.constant true
      %reduce_sum3A_2145 = vector.broadcast %reduce_sum3A_2144 : i1 to vector<16xi1>
      %reduce_sum3A_2146 = tpu.scan <sum>, %add3A_2143 masked %reduce_sum3A_2145 : vector<16xf32>, vector<16xi1> -> vector<16xf32>
      %reduce_sum3A_2147 = vector.extract %reduce_sum3A_2146[15] : f32 from vector<16xf32>
      %eq3A_2148 = arith.constant 15 : i32
      %eq3A_2149 = vector.broadcast %eq3A_2148 : i32 to vector<16xi32>
      %eq3A_2150 = arith.cmpi eq, %iota3A, %eq3A_2149 : vector<16xi32>
      %broadcast_in_dim3A_2151 = vector.broadcast %reduce_sum3A_2147 : f32 to vector<16xf32>
      %select_n3A_2152 = arith.select %eq3A_2150, %broadcast_in_dim3A_2151, %select_n3A_2033 : vector<16xi1>, vector<16xf32>
      %swap3A = arith.index_cast %mul3A_258 : i32 to index
      %swap3A_2153 = tpu.vector_load %arg13[%swap3A] {strides = array<i32>} : memref<512xf32, #tpu.memory_space<vmem>>, vector<16xf32>,
      tpu.vector_store %arg13[%swap3A], %select_n3A_2152 {strides = array<i32>} : memref<512xf32, #tpu.memory_space<vmem>>, vector<16xf32>,
      %scan3A_2154 = arith.constant 0 : i32
      scf.yield %scan3A_2154 : i32
    }
    %scan3A_254 = arith.constant 32 : i32
    "tpu.region"() ({
      %run_scoped3A = tpu.sem_alloc : memref<!tpu.dma_semaphore, #tpu.memory_space<semaphore_mem>>
      %dma_start3A_255 = tpu.memref_slice %arg7[%mul3A_2] : memref<16384xf32, #tpu.memory_space<hbm>> -> memref<512xf32, #tpu.memory_space<hbm>>
      %dma_start3A_256 = tpu.memref_slice %arg7[%mul3A_2] : memref<16384xf32, #tpu.memory_space<hbm>> -> memref<512xf32, #tpu.memory_space<hbm>>
      tpu.enqueue_dma source(%arg13 : memref<512xf32, #tpu.memory_space<vmem>>) target(%dma_start3A_256 : memref<512xf32, #tpu.memory_space<hbm>>) target_semaphore(%run_scoped3A : memref<!tpu.dma_semaphore, #tpu.memory_space<semaphore_mem>>)
      %dma_wait3A_257 = tpu.memref_slice %arg7[%mul3A_2] : memref<16384xf32, #tpu.memory_space<hbm>> -> memref<512xf32, #tpu.memory_space<hbm>>
      %dma_wait3A_258 = tpu.memref_slice %arg7[%mul3A_2] : memref<16384xf32, #tpu.memory_space<hbm>> -> memref<512xf32, #tpu.memory_space<hbm>>
      tpu.wait_dma2 semaphore(%run_scoped3A : memref<!tpu.dma_semaphore, #tpu.memory_space<semaphore_mem>>) src(%arg13 : memref<512xf32, #tpu.memory_space<vmem>>) dst(%dma_wait3A_258 : memref<512xf32, #tpu.memory_space<hbm>>)
      tpu.yield
    }) : () -> ()
    return
  }
}

module attributes {stable_mosaic.version = 14 : i64} {
  func.func @body(%arg0: i32, %arg1: memref<64x2048xf32, #tpu.memory_space<vmem>>, %arg2: memref<2048x64xf32, #tpu.memory_space<vmem>>) attributes {dimension_semantics = [#tpu.dimension_semantics<arbitrary>], iteration_bounds = array<i64: 49>, scalar_prefetch = 0 : i64, scratch_operands = 0 : i64, tpu.core_type = #tpu.core_type<tc>, window_params = [{transform_indices = @transform_0, window_bounds = array<i64: 64, 2048>}, {transform_indices = @transform_1, window_bounds = array<i64: 2048, 64>}]} {
    %iota3A = tpu.iota {dimensions = array<i32: 0>} : vector<64x64xi32>
    %iota3A_0 = tpu.iota {dimensions = array<i32: 1>} : vector<64x64xi32>
    %eq3A = arith.cmpi eq, %iota3A, %iota3A_0 : vector<64x64xi32>
    %jit3A = arith.constant 1.000000e+00 : f32
    %jit3A_1 = arith.constant 0.000000e+00 : f32
    %broadcast_in_dim3A = vector.broadcast %jit3A : f32 to vector<64x64xf32>
    %broadcast_in_dim3A_2 = vector.broadcast %jit3A_1 : f32 to vector<64x64xf32>
    %select_n3A = arith.select %eq3A, %broadcast_in_dim3A, %broadcast_in_dim3A_2 : vector<64x64xi1>, vector<64x64xf32>
    %get3A = arith.constant 0 : index
    %get3A_3 = arith.constant 0 : index
    %get3A_4 = vector.load %arg1[%get3A, %get3A_3] : memref<64x2048xf32, #tpu.memory_space<vmem>>, vector<64x2048xf32>
    %dot_general3A = arith.constant dense<0.000000e+00> : vector<2048x64xf32>
    %dot_general3A_5 = tpu.matmul %get3A_4, %select_n3A, %dot_general3A {dimension_numbers = #tpu.dot_dimension_numbers<[0], [0], [1], [1], [0, 1, 1, 1], [], []>, transpose_lhs_hint = false} : vector<64x2048xf32>, vector<64x64xf32>, vector<2048x64xf32> -> vector<2048x64xf32>
    %swap3A = arith.constant 0 : index
    %swap3A_6 = arith.constant 0 : index
    %swap3A_7 = vector.load %arg2[%swap3A, %swap3A_6] : memref<2048x64xf32, #tpu.memory_space<vmem>>, vector<2048x64xf32>
    tpu.vector_store %arg2[%swap3A, %swap3A_6], %dot_general3A_5 {strides = array<i32>} : memref<2048x64xf32, #tpu.memory_space<vmem>>, vector<2048x64xf32>,
    return
  }
  func.func @transform_0(%arg0: i32) -> (i32, i32) {
    %c0_i32 = arith.constant 0 : i32
    %c0_i32_0 = arith.constant 0 : i32
    return %c0_i32, %arg0 : i32, i32
  }
  func.func @transform_1(%arg0: i32) -> (i32, i32) {
    %c0_i32 = arith.constant 0 : i32
    %c0_i32_0 = arith.constant 0 : i32
    return %arg0, %c0_i32 : i32, i32
  }
}

</mosaic_0001>

<sc_bundles>
// kernel: gather_offload_async_start
scs
__scs_entry_jumppad:
0x0: {  	(pc) =	sbr.rel $0x88, $3  }
0x1: {  	(tag) =	ssettag $0x0;
	lr =	simm.s32 $0x1  }
0x2: {  	[smem:$0x3F9B] =	sst lr;
	_ =	strace $0xD0000000  }
0x3: {  	_ = 	snop  }
0x4: {  	_ = 	snop  }
0x5: {  	_ = 	snop  }
0x6: {  	_ = 	snop  }
0x7: {  	_ = 	snop  }
__scs_overlays_trampoline_lowered:
0x8: {  	[smem:$0x3FAA] =	sst s0  }
0x9: {  	[smem:$0x3FAB] =	sst s1  }
0xa: {  	[smem:$0x3FAC] =	sst s2  }
0xb: {  	[smem:$0x3FAD] =	sst s3  }
0xc: {  	[smem:$0x3FAE] =	sst s4  }
0xd: {  	[smem:$0x3FAF] =	sst s5  }
0xe: {  	[smem:$0x3FB0] =	sst s6  }
0xf: {  	[smem:$0x3FB1] =	sst s7  }
0x10: {  	[smem:$0x3FB2] =	sst s8  }
0x11: {  	[smem:$0x3FB3] =	sst s9;
	s0 =	simm.s32 @!p0 $0x0  }
0x12: {  	s1 =	sld [smem:$0x3F99];
	s0 =	simm.s32 @p0 $0x1  }
0x13: {  	[smem:$0x3FB4] =	sst s0;
	s0 =	simm.s32 @!p1 $0x0  }
0x14: {  	s2 =	sld [smem:$0x3F98];
	s0 =	simm.s32 @p1 $0x1  }
0x15: {  	[smem:$0x3FB5] =	sst s0;
	s0 =	simm.s32 @!p2 $0x0  }
0x16: {  	s3 =	sld [smem:$0x3FDB];
	s0 =	simm.s32 @p2 $0x1  }
0x17: {  	s4 =	simm.s32 $0x1BF5;
	[smem:$0x3FB7] =	sst s0  }
0x18: {  	s0 =	sld [smem:$0x3F9A];
	_ =	swait.ge [sflag:s4], $0x0  }
0x19: {  	s7 =	sld [smem:$0x3F9B]  }
0x1a: {  	s8 =	sadd.s32 $0xFFFFE003, lr  }
0x1b: {  	s9 =	sadd.s32 $0xFFFFFEF7, lr;
	s5 =	simm.s32 $0xFFFFFFFF;
	p2 =	slt.u32 s8, $0xFFFFF086  }
0x1c: {  	p1 =	slt.u32 s9, $0xF7A;
	s5 =	simm.s32 @!p2 $0x0  }
0x1d: {  	s5 =	simm.s32 @p1 $0x1;
	p0 =	seq.s32 s7, s2  }
0x1e: {  	s7 =	smul.u32 @!p0 $0xF7A, s2;
	p2 =	seq.s32 @!p0 s5, $0x0  }
0x1f: {  	s9 =	smul.u32 $0xF7A, s1;
	s8 =	simm.s32 @!p0 $0x1BF5;
	p2 =	por !p2, p0  }
0x20: {  	[sflag:s8] =	ssyncset.s32 @!p0 $0xFFFFF086;
	s6 =	sadd.s32 @!p0 s3, s7;
	s7 =	simm.s32 @!p0 $0x108  }
0x21: {  	s3 =	sadd.s32 s3, s9;
	s6 =	sadd.s32 @!p0 $0x88, s6;
	s7 =	simm.s32 @p2 $0x1082  }
0x22: {  	[simem:s7], [sflag:s8] =	dma.local @!p0 [hbm:s6], $0xF7A  }
0x23: {  	s9 =	sor.u32 $0xD0000000, s2;
	s6 =	simm.s32 $0x108;
	_ =	swait.ge @!p0 [sflag:s8], $0x0  }
0x24: {  	s3 =	sadd.s32 $0x88, s3;
	s6 =	simm.s32 @!p1 $0x1082;
	[sflag:s4] =	ssyncset.s32 $0xFFFFF086  }
0x25: {  	[simem:s6], [sflag:s4] =	dma.local [hbm:s3], $0xF7A  }
0x26: {  	[smem:$0x3F9B] =	sst s1;
	(tag) =	ssettag s2;
	_ =	strace s9  }
0x27: {  	s1 =	sld [smem:$0x3FAB]  }
0x28: {  	s2 =	sld [smem:$0x3FAC]  }
0x29: {  	s4 =	sld [smem:$0x3FAE]  }
0x2a: {  	p0 =	seq.s32 s5, $0x0;
	s5 =	sld [smem:$0x3FAF]  }
0x2b: {  	s6 =	sld [smem:$0x3FB0]  }
0x2c: {  	s7 =	sld [smem:$0x3FB1]  }
0x2d: {  	s3 =	simm.s32 $0x108;
	s8 =	sld [smem:$0x3FB2]  }
0x2e: {  	s3 =	simm.s32 @!p0 $0x1082;
	s9 =	sld [smem:$0x3FB3]  }
0x2f: {  	lr =	sadd.s32 s0, s3;
	s0 =	sld [smem:$0x3FAA]  }
0x30: {  	s3 =	sld [smem:$0x3FAD]  }
0x31: {  	[smem:$0x3FB6] =	sst s10  }
0x32: {  	s10 =	sld [smem:$0x3FB4];
	_ =	sdelay $0x3  }
0x33: {  	p0 =	seq.s32 s10, $0x1;
	s10 =	sld [smem:$0x3FB6];
	_ =	sdelay $0x3  }
0x34: {  	[smem:$0x3FB6] =	sst s10  }
0x35: {  	s10 =	sld [smem:$0x3FB5];
	_ =	sdelay $0x3  }
0x36: {  	p1 =	seq.s32 s10, $0x1;
	s10 =	sld [smem:$0x3FB6];
	_ =	sdelay $0x3  }
0x37: {  	[smem:$0x3FB6] =	sst s10  }
0x38: {  	s10 =	sld [smem:$0x3FB7]  }
0x39: {  	_ = 	snop;
	(pc) =	sbr.ind lr, $3  }
0x3a: {  	_ = 	snop  }
0x3b: {  	_ = 	snop  }
0x3c: {  	p2 =	seq.s32 s10, $0x1;
	s10 =	sld [smem:$0x3FB6]  }
0x3d: {  	_ =	shalt  }
0x3e: {  	_ =	shalt  }
0x3f: {  	_ =	shalt  }
0x40: {  	_ =	shalt  }
0x41: {  	_ =	shalt  }
0x42: {  	_ =	shalt  }
0x43: {  	_ =	shalt  }
0x44: {  	_ =	shalt  }
0x45: {  	_ =	shalt  }
0x46: {  	_ =	shalt  }
0x47: {  	_ =	shalt  }
0x48: {  	_ =	shalt  }
0x49: {  	_ =	shalt  }
0x4a: {  	_ =	shalt  }
0x4b: {  	_ =	shalt  }
0x4c: {  	_ =	shalt  }
0x4d: {  	_ =	shalt  }
0x4e: {  	_ =	shalt  }
0x4f: {  	_ =	shalt  }
0x50: {  	_ =	shalt  }
0x51: {  	_ =	shalt  }
0x52: {  	_ =	shalt  }
0x53: {  	_ =	shalt  }
0x54: {  	_ =	shalt  }
0x55: {  	_ =	shalt  }
0x56: {  	_ =	shalt  }
0x57: {  	_ =	shalt  }
0x58: {  	_ =	shalt  }
0x59: {  	_ =	shalt  }
0x5a: {  	_ =	shalt  }
0x5b: {  	_ =	shalt  }
0x5c: {  	_ =	shalt  }
0x5d: {  	_ =	shalt  }
0x5e: {  	_ =	shalt  }
0x5f: {  	_ =	shalt  }
0x60: {  	_ =	shalt  }
0x61: {  	_ =	shalt  }
0x62: {  	_ =	shalt  }
0x63: {  	_ =	shalt  }
0x64: {  	_ =	shalt  }
0x65: {  	_ =	shalt  }
0x66: {  	_ =	shalt  }
0x67: {  	_ =	shalt  }
0x68: {  	_ =	shalt  }
0x69: {  	_ =	shalt  }
0x6a: {  	_ =	shalt  }
0x6b: {  	_ =	shalt  }
0x6c: {  	_ =	shalt  }
0x6d: {  	_ =	shalt  }
0x6e: {  	_ =	shalt  }
0x6f: {  	_ =	shalt  }
0x70: {  	_ =	shalt  }
0x71: {  	_ =	shalt  }
0x72: {  	_ =	shalt  }
0x73: {  	_ =	shalt  }
0x74: {  	_ =	shalt  }
0x75: {  	_ =	shalt  }
0x76: {  	_ =	shalt  }
0x77: {  	_ =	shalt  }
0x78: {  	_ =	shalt  }
0x79: {  	_ =	shalt  }
0x7a: {  	_ =	shalt  }
0x7b: {  	_ =	shalt  }
0x7c: {  	_ =	shalt  }
0x7d: {  	_ =	shalt  }
0x7e: {  	_ =	shalt  }
0x7f: {  	_ =	shalt  }
0x80: {  	_ =	shalt  }
0x81: {  	_ =	shalt  }
0x82: {  	_ =	shalt  }
0x83: {  	_ =	shalt  }
0x84: {  	_ =	shalt  }
0x85: {  	_ =	shalt  }
0x86: {  	_ =	shalt  }
0x87: {  	_ =	shalt  }
.Lfunc_end0:
.L_simem_size_0:
called_computation_lowered:
.L_overlay_start_0:
0x88: {  	s2 =	sld [smem:$0x3FD9]  }
0x89: {  	s3 =	sld [smem:$0x3FFE];
	_ =	sdelay $0x1  }
0x8a: {  	s1 =	srdreg.scid  }
0x8b: {  	s0 =	sand.u32 $0x1, s1  }
0x8c: {  	s17 =	sshll.u32 s0, $0xA;
	s2 =	sadd.s32 s3, s2  }
0x8d: {  	s2 =	sadd.s32 s2, s17  }
0x8e: {  	[smem:$0x3FC2] =	sst s2  }
0x8f: {  	_ = 	snop  }
0x90: {  	s2 =	sld [smem:$0x3FC9]  }
0x91: {  	s18 =	sld [smem:$0x3FD0];
	(tm) =	ssettm $0x1  }
0x92: {  	s4 =	sld [smem:$0x3FFB];
	_ =	sdelay $0x3  }
0x93: {  	_ =	strace s4  }
0x94: {  	s4 =	sld [smem:$0x3FFC];
	_ =	sdelay $0x3  }
0x95: {  	_ =	strace s4  }
0x96: {  	s4 =	sld [smem:$0x3FFD];
	_ =	sdelay $0x3  }
0x97: {  	_ =	strace s4  }
0x98: {  	_ =	strace $0x8FFFFFFF  }
0x99: {  	s19 =	sld [smem:$0x3FDB];
	_ =	sdelay $0x1  }
0x9a: {  	s5 =	simm.s32 $_scs_section_size  }
0x9b: {  	s6 =	simm.s32 $_size__tile_overlayer_lowered;
	s7 =	simm.s32 $_tile_overlayer_lowered  }
0x9c: {  	s22 =	simm.s32 $0x1BFF;
	s21 =	sshll.u32 s7, $0x1;
	s4 =	sadd.s32 s5, s19  }
0x9d: {  	s8 =	simm.s32 $0x0;
	s20 =	sshll.u32 s6, $0x1;
	s6 =	sadd.s32 s21, s4  }
0x9e: {  	[timem:s8], [sflag:s22] =	dma.local [hbm:s6], s20  }
0x9f: {  	_ =	swait.ge [sflag:s22], s20  }
0xa0: {  	s5 =	ssub.s32 $0x0, s20;
	[sflag:s22] =	ssyncset.done $0x0  }
0xa1: {  	[sflag:s22] =	ssyncadd.s32 s5;
	_ =	sdelay $0x1  }
0xa2: {  	s23 =	simm.s32 $0x1B8B  }
0xa3: {  	_ =	swait.ge [sflag:s23], $0x1  }
0xa4: {  	[sflag:s23] =	ssyncset.done $0x0  }
0xa5: {  	s25 =	simm.s32 $0x1B8E;
	s24 =	sld [smem:$0x3FFE];
	[sflag:s23] =	ssyncadd.s32 $0xFFFFFFFF  }
0xa6: {  	s26 =	simm.s32 $execute0_lowered;
	[smem:$0x3FD2] =	sst s25  }
0xa7: {  	s6 =	sshll.u32 s26, $0x1;
	_ =	strace $0x80000046;
	[dreg:$0x1] =	wrdreg $0xFFFFFFFF  }
0xa8: {  	s28 =	simm.s32 $_size_execute0_lowered;
	s4 =	sadd.s32 s4, s6;
	[dreg:$0x0] =	wrdreg $0x0  }
0xa9: {  	s6 =	sshll.u32 s28, $0x1;
	[dreg:$0x2] =	wrdreg s4  }
0xaa: {  	[dreg:$0x3] =	wrdreg s6  }
0xab: {  	[dreg:$0x4] =	wrdreg $0xC0  }
0xac: {  	_ =	task [dreg:s8], $0x5FFFF  }
0xad: {  	[dreg:$0x1] =	wrdreg $0xFFFFFFFF  }
0xae: {  	[dreg:$0x0] =	wrdreg $0x60  }
0xaf: {  	[dreg:$0x2] =	wrdreg s2  }
0xb0: {  	[dreg:$0x3] =	wrdreg s18  }
0xb1: {  	[dreg:$0x4] =	wrdreg s24  }
0xb2: {  	[dreg:$0x5] =	wrdreg $0x9  }
0xb3: {  	_ =	task.clear_ibuf [dreg:s8], $0x6FFFF;
	_ =	strace $0x90000046  }
0xb4: {  	s29 =	simm.s32 $0x9;
	_ =	strace $0x80000048  }
0xb5: {  	_ =	swait.ge [sflag:s29], $0x1  }
0xb6: {  	[sflag:s29] =	ssyncadd.s32 $0xFFFFFFFF  }
0xb7: {  	_ =	strace $0x90000048  }
0xb8: {  	_ =	sfence  }
0xb9: {  	s30 =	sld [smem:$0x0];
	_ =	sdelay $0x2  }
0xba: {  	s31 =	sshll.u32 s1, $0xD;
	s1 =	sshrl.u32 s1, $0x2  }
0xbb: {  	s3 =	sand.u32 $0x4000, s31;
	s1 =	sadd.s32 s1, s30  }
0xbc: {  	s0 =	sor.u32 s3, s0;
	s1 =	sshll.u32 s1, $0x11  }
0xbd: {  	s0 =	sor.u32 s1, s0  }
0xbe: {  	s0 =	sadd.s32 $0x8F2B, s0  }
0xbf: {  	[sflag:s0] =	ssyncadd.remote.s32 $0x1  }
0xc0: {  	_ =	sfence.sel $0xFFFF  }
0xc1: {  	[dreg:$0x0] =	wrdreg $0xFFFFFFFF;
	(pc) =	sbr.abs _section_cstart, $3  }
0xc2: {  	[dreg:$0x1] =	wrdreg $0xFFFFFFFF  }
0xc3: {  	_ =	task.clear_ibuf [dreg:s8], $0x2FFFF;
	_ =	strace $0x9FFFFFFF  }
0xc4: {  	(tm) =	ssettm $0x7FFFFFFF  }
0xc5: {  	_ =	shalt  }
tec
execute0_lowered:
.L_overlay_start_1:
0x0: {  	(tag) =	ssettag $0x1  }
0x1: {  	s2 =	rddreg [dreg:$0x0]  }
0x2: {  	s1 =	srdreg.scid;
	s3 =	rddreg [dreg:$0x1]  }
0x3: {  	s0 =	stileid.u32;
	s5 =	rddreg [dreg:$0x2]  }
0x4: {  	s9 =	simm.s32 $0x1;
	s10 =	simm.s32 $0x3;
	s1 =	sshll.u32 s1, $0x8  }
0x5: {  	s13 =	simm.s32 $0x0;
	s4 =	sshll.u32 s0, $0x9;
	s6 =	sand.u32 $0x100, s1  }
0x6: {  	s12 =	simm.s32 $0x0;
	s5 =	sadd.s32 $0x800, s5;
	s4 =	sor.u32 s4, s6  }
0x7: {  	s1 =	rddreg [dreg:$0x3];
	_ =	strace $0x80000047;
	s8 =	ssub.s32 $0x4000, s4  }
.Ltmp0:
0x8: {  	s6 =	simm.s32 $0x1;
	s7 =	sand.u32 $0x1F00, s8;
	(pc) =	sbr.rel .LBB2_1-.Ltmp0, $4  }
0x9: {  	[sflag:s6] =	ssyncpa.u1 $0x0;
	s11 =	smov.u32 s4;
	p0 =	sne.s32 s7, $0x0  }
0xa: {  	s8 =	sshrl.u32 s8, $0xD;
	s7 =	simm.s32 $0x2;
	s9 =	simm.s32 @!p0 $0x0  }
0xb: {  	[sflag:s7] =	ssyncpa.u1 $0x0;
	p0 =	por $0x0, $0x0;
	s8 =	sadd.s32 s9, s8  }
0xc: {  	vm0 =	vmmov $0xffff;
	[sflag:s10] =	ssyncpa.u1 $0x0;
	s10 =	simm.s32 $0x0;
	s9 =	sadd.s32 $0x1, s8  }
.LBB2_4:
0xd: {  	v2 =	vnsel vm1, $0x0, v2  }
0xe: {  	vm1 =	vgt.s32 v0, $0x0;
	v2 =	vmin.u32 v2, $0x3FFF  }
0xf: {  	v0 =	vnsel vm1, $0x0, v0  }
0x10: {  	v0 =	vmin.u32 v0, $0x3FFF  }
0x11: {  	[tilespmem:s15], [sflag:$0x1] =	stream.indirect_vreg.gather [hbm4b:s2+s10], $0x1, v1, vm0, $0x4038;
	[tilespmem:$0x400] =	vst v63  }
0x12: {  	(ifvalue) =	ssetifvalue $0x7FFFFFFF  }
0x13: {  	[tilespmem:s16], [sflag:$0x1] =	stream.indirect_vreg.gather [hbm4b:s2+s10], $0x1, v2, vm0, $0x4038;
	[tilespmem:$0x400] =	vst v63  }
0x14: {  	s29 =	sadd.s32 $0x10, s16;
	(ifvalue) =	ssetifvalue $0x7FFFFFFF  }
0x15: {  	[tilespmem:s29], [sflag:$0x1] =	stream.indirect_vreg.gather [hbm4b:s2+s10], $0x1, v0, vm0, $0x4038;
	[tilespmem:$0x400] =	vst v63  }
0x16: {  	_ =	swait.ge [sflag:s6], $0x100  }
0x17: {  	s30 =	sshrl.u32 s13, $0x3;
	[sflag:s6] =	ssyncset.done $0x0  }
0x18: {  	s31 =	sand.u32 $0x7, s13;
	s15 =	sadd.s32 s5, s30;
	[sflag:s6] =	ssyncadd.s32 $0xFFFFFF00  }
0x19: {  	[hbm4b:s15+s31] =	stream.linear.scatter [tilespmem:s14], [sflag:$0x3], $0x100, $0x38;
	[tilespmem:$0x400] =	vst v63  }
.LBB2_5:
0x1a: {  	s15 =	sadd.s32 $0x2000, s11  }
0x1b: {  	p2 =	sgt.s32 s15, $0x3FFF  }
0x1c: {  	s15 =	smov.u32 @p2 s4;
	p2 =	sne.s32 s12, s9  }
.Ltmp1:
0x1d: {  	p1 =	slt.u32 s12, $0x2;
	(pc) =	sbr.rel @!p2 .LBB2_6-.Ltmp1, $4  }
0x1e: {  	s14 =	simm.s32 @!p1 $0x3  }
0x1f: {  	s16 =	sadd.s32 $0x1, s12;
	_ =	swait.ge @!p1 [sflag:s14], $0x100  }
0x20: {  	s13 =	smov.u32 s11;
	p0 =	por !p0, !p0;
	[sflag:s14] =	ssyncset.done @!p1 $0x0  }
0x21: {  	s12 =	smov.u32 s16;
	s11 =	smov.u32 s15;
	[sflag:s14] =	ssyncadd.s32 @!p1 $0xFFFFFF00  }
.LBB2_1:
0x22: {  	p1 =	sge.u32 s12, s8  }
0x23: {  	s14 =	sxor.u32 @!p1 $0xFFFFFFFF, s12  }
0x24: {  	s31 =	sadd.s32 $0xFFFFFFFF, s12;
	s15 =	sshrl.u32 @!p1 s11, $0x3;
	s14 =	sshll.u32 @!p1 s14, $0x8  }
0x25: {  	s16 =	sand.u32 @!p1 $0x7, s11;
	s15 =	sadd.s32 @!p1 s3, s15;
	s14 =	sand.u32 @!p1 $0x100, s14  }
0x26: {  	[tilespmem:s14], [sflag:$0x2] =	stream.linear.gather @!p1 [hbm4b:s15+s16], $0x100, $0x38;
	[tilespmem:$0x400] =	vst v63  }
0x27: {  	p1 =	sge.u32 s31, s8  }
.Ltmp2:
0x28: {  	_ = 	snop;
	(pc) =	sbr.rel @p1 .LBB2_5-.Ltmp2, $1  }
0x29: {  	_ =	sdelay $0x3  }
0x2a: {  	s14 =	simm.s32 $0x1  }
0x2b: {  	_ =	swait.ge [sflag:s7], $0x100;
	s14 =	simm.s32 @!p0 $0x0  }
0x2c: {  	[sflag:s7] =	ssyncset.done $0x0;
	s14 =	sshll.u32 s14, $0x8  }
0x2d: {  	[sflag:s7] =	ssyncadd.s32 $0xFFFFFF00;
	(ifvalue) =	ssetifvalue $0x7FFFFFFF;
	v0 =	vld.msk [tilespmem:s14+$0x0 ss:$0x1], $0xffff;
	_ =	sdelay $0x4  }
0x2e: {  	s15 =	sadd.s32 $0x10, s14;
	vm1 =	vgt.s32 v0, $0x0  }
0x2f: {  	v2 =	vld.msk [tilespmem:s15+$0x0 ss:$0x1], $0xffff;
	v1 =	vnsel vm1, $0x0, v0  }
0x30: {  	v1 =	vmin.u32 v1, $0x3FFF;
	_ =	sdelay $0x1  }
0x31: {  	s16 =	sshll.u32 s12, $0x8;
	s18 =	simm.s32 $0x20  }
0x32: {  	s16 =	sand.u32 $0x100, s16;
	s17 =	sadd.s32 $0x10, s15;
	s15 =	sor.u32 $0x200, s14  }
0x33: {  	s14 =	sor.u32 $0x200, s16;
	s16 =	sadd.s32 $0x10, s15;
	v0 =	vld.msk [tilespmem:s17+$0x0 ss:$0x1], $0xffff;
	vm1 =	vgt.s32 v2, $0x0;
	(ifvalue) =	ssetifvalue $0x7FFFFFFF  }
.LBB2_3:
0x34: {  	[tilespmem:s15], [sflag:$0x1] =	stream.indirect_vreg.gather [hbm4b:s2+s10], $0x1, v1, vm0, $0x4038;
	[tilespmem:$0x400] =	vst v63  }
0x35: {  	s18 =	sadd.s32 $0x10, s18  }
0x36: {  	v2 =	vnsel vm1, $0x0, v2;
	p1 =	slt.u32 s18, $0xF0  }
.Ltmp3:
0x37: {  	s15 =	smov.u32 s16;
	v1 =	vmin.u32 v2, $0x3FFF;
	(pc) =	sbr.rel @p1 .LBB2_3-.Ltmp3, $3  }
0x38: {  	_ =	sdelay $0x1  }
0x39: {  	s17 =	sadd.s32 $0x10, s17  }
0x3a: {  	vm1 =	vgt.s32 v0, $0x0;
	s16 =	sadd.s32 $0x10, s16;
	v2 =	vmov v0;
	(ifvalue) =	ssetifvalue $0x7FFFFFFF;
	v0 =	vld.msk [tilespmem:s17+$0x0 ss:$0x1], $0xffff  }
.Ltmp4:
0x3b: {  	_ = 	snop;
	(pc) =	sbr.rel .LBB2_4-.Ltmp4, $1  }
0x3c: {  	_ =	sdelay $0x3  }
.LBB2_6:
0x3d: {  	_ =	sfence.sel $0x180000  }
0x3e: {  	s2 =	simm.s32 $0x2;
	[bflag:$0x0] =	sbarrier.arrive $0xFFFF  }
0x3f: {  	s30 =	simm.s32 $0x3;
	[sflag:s2] =	ssyncpa.u1 $0x1  }
0x40: {  	s31 =	simm.s32 $0x1;
	[sflag:s30] =	ssyncpa.u1 $0x1  }
0x41: {  	[sflag:s31] =	ssyncpa.u1 $0x1  }
0x42: {  	p0 =	sne.s32 s0, $0x0;
	_ =	strace $0x90000047  }
0x43: {  	s0 =	sadd.s32 @!p0 $0x100000, s1;
	[bflag:$0x2] =	sbarrier.arrive $0xFFFF  }
0x44: {  	[sflag:s0] =	ssyncadd.tile.s32 @!p0 $0x1;
	_ =	shalt  }
.Lfunc_end2:
_tile_overlayer_lowered:
.L_overlay_start_2:
0x45: {  	(tag) =	ssettag $0x2  }
0x46: {  	s0 =	rddreg [dreg:$0x0];
	s2 =	stileid.u32  }
0x47: {  	s1 =	rddreg [dreg:$0x1];
	p0 =	sne.s32 s2, $0x0  }
0x48: {  	s3 =	rddreg [dreg:$0x2];
	[bflag:$0x3] =	sbarrier.arrive $0xFFFF;
	s2 =	simm.s32 @!p0 $0x1C01  }
0x49: {  	[timem:s3], [sflag:s2] =	dma.local @!p0 [hbm:s0], s1  }
0x4a: {  	s0 =	simm.s32 @!p0 $0x1  }
0x4b: {  	_ =	swait.ge @!p0 [sflag:s0], s1  }
0x4c: {  	s1 =	ssub.s32 @!p0 $0x0, s1;
	[sflag:s0] =	ssyncset.done @!p0 $0x0  }
0x4d: {  	[sflag:s0] =	ssyncadd.s32 @!p0 s1  }
0x4e: {  	[bflag:$0x3] =	sbarrier.arrive $0xFFFF  }
0x4f: {  	_ =	shalt  }

// kernel: kernel.5.cloned.1.call-start
scs
__scs_entry_jumppad:
0x0: {  	(pc) =	sbr.rel $0x88, $3  }
0x1: {  	(tag) =	ssettag $0x0;
	lr =	simm.s32 $0x1  }
0x2: {  	[smem:$0x3F9B] =	sst lr;
	_ =	strace $0xD0000000  }
0x3: {  	_ = 	snop  }
0x4: {  	_ = 	snop  }
0x5: {  	_ = 	snop  }
0x6: {  	_ = 	snop  }
0x7: {  	_ = 	snop  }
__scs_overlays_trampoline_lowered:
0x8: {  	[smem:$0x3FAA] =	sst s0  }
0x9: {  	[smem:$0x3FAB] =	sst s1  }
0xa: {  	[smem:$0x3FAC] =	sst s2  }
0xb: {  	[smem:$0x3FAD] =	sst s3  }
0xc: {  	[smem:$0x3FAE] =	sst s4  }
0xd: {  	[smem:$0x3FAF] =	sst s5  }
0xe: {  	[smem:$0x3FB0] =	sst s6  }
0xf: {  	[smem:$0x3FB1] =	sst s7  }
0x10: {  	[smem:$0x3FB2] =	sst s8  }
0x11: {  	[smem:$0x3FB3] =	sst s9;
	s0 =	simm.s32 @!p0 $0x0  }
0x12: {  	s1 =	sld [smem:$0x3F99];
	s0 =	simm.s32 @p0 $0x1  }
0x13: {  	[smem:$0x3FB4] =	sst s0;
	s0 =	simm.s32 @!p1 $0x0  }
0x14: {  	s2 =	sld [smem:$0x3F98];
	s0 =	simm.s32 @p1 $0x1  }
0x15: {  	[smem:$0x3FB5] =	sst s0;
	s0 =	simm.s32 @!p2 $0x0  }
0x16: {  	s3 =	sld [smem:$0x3FDB];
	s0 =	simm.s32 @p2 $0x1  }
0x17: {  	s4 =	simm.s32 $0x1BF5;
	[smem:$0x3FB7] =	sst s0  }
0x18: {  	s0 =	sld [smem:$0x3F9A];
	_ =	swait.ge [sflag:s4], $0x0  }
0x19: {  	s7 =	sld [smem:$0x3F9B]  }
0x1a: {  	s8 =	sadd.s32 $0xFFFFE003, lr  }
0x1b: {  	s9 =	sadd.s32 $0xFFFFFEF7, lr;
	s5 =	simm.s32 $0xFFFFFFFF;
	p2 =	slt.u32 s8, $0xFFFFF086  }
0x1c: {  	p1 =	slt.u32 s9, $0xF7A;
	s5 =	simm.s32 @!p2 $0x0  }
0x1d: {  	s5 =	simm.s32 @p1 $0x1;
	p0 =	seq.s32 s7, s2  }
0x1e: {  	s7 =	smul.u32 @!p0 $0xF7A, s2;
	p2 =	seq.s32 @!p0 s5, $0x0  }
0x1f: {  	s9 =	smul.u32 $0xF7A, s1;
	s8 =	simm.s32 @!p0 $0x1BF5;
	p2 =	por !p2, p0  }
0x20: {  	[sflag:s8] =	ssyncset.s32 @!p0 $0xFFFFF086;
	s6 =	sadd.s32 @!p0 s3, s7;
	s7 =	simm.s32 @!p0 $0x108  }
0x21: {  	s3 =	sadd.s32 s3, s9;
	s6 =	sadd.s32 @!p0 $0x88, s6;
	s7 =	simm.s32 @p2 $0x1082  }
0x22: {  	[simem:s7], [sflag:s8] =	dma.local @!p0 [hbm:s6], $0xF7A  }
0x23: {  	s9 =	sor.u32 $0xD0000000, s2;
	s6 =	simm.s32 $0x108;
	_ =	swait.ge @!p0 [sflag:s8], $0x0  }
0x24: {  	s3 =	sadd.s32 $0x88, s3;
	s6 =	simm.s32 @!p1 $0x1082;
	[sflag:s4] =	ssyncset.s32 $0xFFFFF086  }
0x25: {  	[simem:s6], [sflag:s4] =	dma.local [hbm:s3], $0xF7A  }
0x26: {  	[smem:$0x3F9B] =	sst s1;
	(tag) =	ssettag s2;
	_ =	strace s9  }
0x27: {  	s1 =	sld [smem:$0x3FAB]  }
0x28: {  	s2 =	sld [smem:$0x3FAC]  }
0x29: {  	s4 =	sld [smem:$0x3FAE]  }
0x2a: {  	p0 =	seq.s32 s5, $0x0;
	s5 =	sld [smem:$0x3FAF]  }
0x2b: {  	s6 =	sld [smem:$0x3FB0]  }
0x2c: {  	s7 =	sld [smem:$0x3FB1]  }
0x2d: {  	s3 =	simm.s32 $0x108;
	s8 =	sld [smem:$0x3FB2]  }
0x2e: {  	s3 =	simm.s32 @!p0 $0x1082;
	s9 =	sld [smem:$0x3FB3]  }
0x2f: {  	lr =	sadd.s32 s0, s3;
	s0 =	sld [smem:$0x3FAA]  }
0x30: {  	s3 =	sld [smem:$0x3FAD]  }
0x31: {  	[smem:$0x3FB6] =	sst s10  }
0x32: {  	s10 =	sld [smem:$0x3FB4];
	_ =	sdelay $0x3  }
0x33: {  	p0 =	seq.s32 s10, $0x1;
	s10 =	sld [smem:$0x3FB6];
	_ =	sdelay $0x3  }
0x34: {  	[smem:$0x3FB6] =	sst s10  }
0x35: {  	s10 =	sld [smem:$0x3FB5];
	_ =	sdelay $0x3  }
0x36: {  	p1 =	seq.s32 s10, $0x1;
	s10 =	sld [smem:$0x3FB6];
	_ =	sdelay $0x3  }
0x37: {  	[smem:$0x3FB6] =	sst s10  }
0x38: {  	s10 =	sld [smem:$0x3FB7]  }
0x39: {  	_ = 	snop;
	(pc) =	sbr.ind lr, $3  }
0x3a: {  	_ = 	snop  }
0x3b: {  	_ = 	snop  }
0x3c: {  	p2 =	seq.s32 s10, $0x1;
	s10 =	sld [smem:$0x3FB6]  }
0x3d: {  	_ =	shalt  }
0x3e: {  	_ =	shalt  }
0x3f: {  	_ =	shalt  }
0x40: {  	_ =	shalt  }
0x41: {  	_ =	shalt  }
0x42: {  	_ =	shalt  }
0x43: {  	_ =	shalt  }
0x44: {  	_ =	shalt  }
0x45: {  	_ =	shalt  }
0x46: {  	_ =	shalt  }
0x47: {  	_ =	shalt  }
0x48: {  	_ =	shalt  }
0x49: {  	_ =	shalt  }
0x4a: {  	_ =	shalt  }
0x4b: {  	_ =	shalt  }
0x4c: {  	_ =	shalt  }
0x4d: {  	_ =	shalt  }
0x4e: {  	_ =	shalt  }
0x4f: {  	_ =	shalt  }
0x50: {  	_ =	shalt  }
0x51: {  	_ =	shalt  }
0x52: {  	_ =	shalt  }
0x53: {  	_ =	shalt  }
0x54: {  	_ =	shalt  }
0x55: {  	_ =	shalt  }
0x56: {  	_ =	shalt  }
0x57: {  	_ =	shalt  }
0x58: {  	_ =	shalt  }
0x59: {  	_ =	shalt  }
0x5a: {  	_ =	shalt  }
0x5b: {  	_ =	shalt  }
0x5c: {  	_ =	shalt  }
0x5d: {  	_ =	shalt  }
0x5e: {  	_ =	shalt  }
0x5f: {  	_ =	shalt  }
0x60: {  	_ =	shalt  }
0x61: {  	_ =	shalt  }
0x62: {  	_ =	shalt  }
0x63: {  	_ =	shalt  }
0x64: {  	_ =	shalt  }
0x65: {  	_ =	shalt  }
0x66: {  	_ =	shalt  }
0x67: {  	_ =	shalt  }
0x68: {  	_ =	shalt  }
0x69: {  	_ =	shalt  }
0x6a: {  	_ =	shalt  }
0x6b: {  	_ =	shalt  }
0x6c: {  	_ =	shalt  }
0x6d: {  	_ =	shalt  }
0x6e: {  	_ =	shalt  }
0x6f: {  	_ =	shalt  }
0x70: {  	_ =	shalt  }
0x71: {  	_ =	shalt  }
0x72: {  	_ =	shalt  }
0x73: {  	_ =	shalt  }
0x74: {  	_ =	shalt  }
0x75: {  	_ =	shalt  }
0x76: {  	_ =	shalt  }
0x77: {  	_ =	shalt  }
0x78: {  	_ =	shalt  }
0x79: {  	_ =	shalt  }
0x7a: {  	_ =	shalt  }
0x7b: {  	_ =	shalt  }
0x7c: {  	_ =	shalt  }
0x7d: {  	_ =	shalt  }
0x7e: {  	_ =	shalt  }
0x7f: {  	_ =	shalt  }
0x80: {  	_ =	shalt  }
0x81: {  	_ =	shalt  }
0x82: {  	_ =	shalt  }
0x83: {  	_ =	shalt  }
0x84: {  	_ =	shalt  }
0x85: {  	_ =	shalt  }
0x86: {  	_ =	shalt  }
0x87: {  	_ =	shalt  }
.Lfunc_end0:
.L_simem_size_0:
called_computation.1_lowered:
.L_overlay_start_0:
0x88: {  	s2 =	sld [smem:$0x3FD9]  }
0x89: {  	s3 =	sld [smem:$0x3FFE];
	_ =	sdelay $0x1  }
0x8a: {  	s1 =	srdreg.scid  }
0x8b: {  	s0 =	sand.u32 $0x1, s1  }
0x8c: {  	s17 =	sshll.u32 s0, $0xA;
	s2 =	sadd.s32 s3, s2  }
0x8d: {  	s2 =	sadd.s32 s2, s17  }
0x8e: {  	[smem:$0x3FC2] =	sst s2  }
0x8f: {  	_ = 	snop  }
0x90: {  	s2 =	sld [smem:$0x3FC7]  }
0x91: {  	s18 =	sld [smem:$0x3FD0];
	(tm) =	ssettm $0x1  }
0x92: {  	s4 =	sld [smem:$0x3FFB];
	_ =	sdelay $0x3  }
0x93: {  	_ =	strace s4  }
0x94: {  	s4 =	sld [smem:$0x3FFC];
	_ =	sdelay $0x3  }
0x95: {  	_ =	strace s4  }
0x96: {  	s4 =	sld [smem:$0x3FFD];
	_ =	sdelay $0x3  }
0x97: {  	_ =	strace s4  }
0x98: {  	_ =	strace $0x8FFFFFFF  }
0x99: {  	s19 =	sld [smem:$0x3FDB];
	_ =	sdelay $0x1  }
0x9a: {  	s5 =	simm.s32 $_scs_section_size  }
0x9b: {  	s6 =	simm.s32 $_size__tile_overlayer_lowered;
	s7 =	simm.s32 $_tile_overlayer_lowered  }
0x9c: {  	s22 =	simm.s32 $0x1BFF;
	s21 =	sshll.u32 s7, $0x1;
	s4 =	sadd.s32 s5, s19  }
0x9d: {  	s8 =	simm.s32 $0x0;
	s20 =	sshll.u32 s6, $0x1;
	s6 =	sadd.s32 s21, s4  }
0x9e: {  	[timem:s8], [sflag:s22] =	dma.local [hbm:s6], s20  }
0x9f: {  	_ =	swait.ge [sflag:s22], s20  }
0xa0: {  	s5 =	ssub.s32 $0x0, s20;
	[sflag:s22] =	ssyncset.done $0x0  }
0xa1: {  	[sflag:s22] =	ssyncadd.s32 s5;
	_ =	sdelay $0x1  }
0xa2: {  	s23 =	simm.s32 $0x1B8B  }
0xa3: {  	_ =	swait.ge [sflag:s23], $0x1  }
0xa4: {  	[sflag:s23] =	ssyncset.done $0x0  }
0xa5: {  	s25 =	simm.s32 $0x1B8E;
	s24 =	sld [smem:$0x3FFE];
	[sflag:s23] =	ssyncadd.s32 $0xFFFFFFFF  }
0xa6: {  	s26 =	simm.s32 $execute0_lowered;
	[smem:$0x3FD2] =	sst s25  }
0xa7: {  	s6 =	sshll.u32 s26, $0x1;
	_ =	strace $0x80000049;
	[dreg:$0x1] =	wrdreg $0xFFFFFFFF  }
0xa8: {  	s28 =	simm.s32 $_size_execute0_lowered;
	s4 =	sadd.s32 s4, s6;
	[dreg:$0x0] =	wrdreg $0x0  }
0xa9: {  	s6 =	sshll.u32 s28, $0x1;
	[dreg:$0x2] =	wrdreg s4  }
0xaa: {  	[dreg:$0x3] =	wrdreg s6  }
0xab: {  	[dreg:$0x4] =	wrdreg $0xC0  }
0xac: {  	_ =	task [dreg:s8], $0x5FFFF  }
0xad: {  	[dreg:$0x1] =	wrdreg $0xFFFFFFFF  }
0xae: {  	[dreg:$0x0] =	wrdreg $0x60  }
0xaf: {  	[dreg:$0x2] =	wrdreg s18  }
0xb0: {  	[dreg:$0x3] =	wrdreg s24  }
0xb1: {  	[dreg:$0x4] =	wrdreg s2  }
0xb2: {  	[dreg:$0x5] =	wrdreg $0x9  }
0xb3: {  	_ =	task.clear_ibuf [dreg:s8], $0x6FFFF;
	_ =	strace $0x90000049  }
0xb4: {  	s29 =	simm.s32 $0x9;
	_ =	strace $0x8000004B  }
0xb5: {  	_ =	swait.ge [sflag:s29], $0x1  }
0xb6: {  	[sflag:s29] =	ssyncadd.s32 $0xFFFFFFFF  }
0xb7: {  	_ =	strace $0x9000004B  }
0xb8: {  	_ =	sfence  }
0xb9: {  	s30 =	sld [smem:$0x0];
	_ =	sdelay $0x2  }
0xba: {  	s31 =	sshll.u32 s1, $0xD;
	s1 =	sshrl.u32 s1, $0x2  }
0xbb: {  	s3 =	sand.u32 $0x4000, s31;
	s1 =	sadd.s32 s1, s30  }
0xbc: {  	s0 =	sor.u32 s3, s0;
	s1 =	sshll.u32 s1, $0x11  }
0xbd: {  	s0 =	sor.u32 s1, s0  }
0xbe: {  	s0 =	sadd.s32 $0x8F2B, s0  }
0xbf: {  	[sflag:s0] =	ssyncadd.remote.s32 $0x1  }
0xc0: {  	_ =	sfence.sel $0xFFFF  }
0xc1: {  	[dreg:$0x0] =	wrdreg $0xFFFFFFFF;
	(pc) =	sbr.abs _section_cstart, $3  }
0xc2: {  	[dreg:$0x1] =	wrdreg $0xFFFFFFFF  }
0xc3: {  	_ =	task.clear_ibuf [dreg:s8], $0x2FFFF;
	_ =	strace $0x9FFFFFFF  }
0xc4: {  	(tm) =	ssettm $0x7FFFFFFF  }
0xc5: {  	_ =	shalt  }
tec
execute0_lowered:
.L_overlay_start_1:
0x0: {  	(tag) =	ssettag $0x1  }
0x1: {  	v0 =	vimm.s32 $0x1380  }
0x2: {  	vm14 =	vcmask $0x300;
	vm13 =	vcmask $0x704;
	vm12 =	vcmask $0xB08  }
0x3: {  	vm11 =	vcmask $0xF0C;
	vm10 =	vcmask $0x1310;
	vm9 =	vcmask $0x1714  }
0x4: {  	vm8 =	vcmask $0x1B18;
	vm7 =	vcmask $0x1F1C;
	vm6 =	vcmask $0x2320  }
0x5: {  	vm5 =	vcmask $0x2724;
	vm4 =	vcmask $0x2B28;
	vm3 =	vcmask $0x2F2C  }
0x6: {  	vm2 =	vcmask $0x3330;
	vm0 =	vcmask $0x3734;
	vm1 =	vcmask $0x3B38  }
0x7: {  	v3 =	vimm.s32 $0x3380;
	v4 =	vimm.s32 $0x5380;
	v5 =	vimm.s32 $0x7380  }
0x8: {  	v6 =	vlaneseq.u32;
	v0 =	vsel vm14, $0x0, v0;
	v3 =	vsel vm14, $0x2000, v3  }
0x9: {  	v4 =	vsel vm14, $0x4000, v4;
	v5 =	vsel vm14, $0x6000, v5;
	v0 =	vsel vm13, $0x80, v0  }
0xa: {  	v3 =	vsel vm13, $0x2080, v3;
	v4 =	vsel vm13, $0x4080, v4;
	v5 =	vsel vm13, $0x6080, v5  }
0xb: {  	v0 =	vsel vm12, $0x100, v0;
	v3 =	vsel vm12, $0x2100, v3;
	v4 =	vsel vm12, $0x4100, v4  }
0xc: {  	v5 =	vsel vm12, $0x6100, v5;
	v0 =	vsel vm11, $0x180, v0;
	v3 =	vsel vm11, $0x2180, v3  }
0xd: {  	s1 =	srdreg.scid;
	s0 =	stileid.u32;
	v4 =	vsel vm11, $0x4180, v4;
	v5 =	vsel vm11, $0x6180, v5;
	v0 =	vsel vm10, $0x200, v0  }
0xe: {  	s3 =	sand.u32 $0x1, s1;
	s30 =	sshll.u32 s0, $0x1;
	v3 =	vsel vm10, $0x2200, v3;
	v4 =	vsel vm10, $0x4200, v4;
	v5 =	vsel vm10, $0x6200, v5  }
0xf: {  	s2 =	rddreg [dreg:$0x1];
	s6 =	sor.u32 s3, s30;
	v0 =	vsel vm9, $0x280, v0;
	v3 =	vsel vm9, $0x2280, v3;
	v4 =	vsel vm9, $0x4280, v4  }
0x10: {  	s4 =	rddreg [dreg:$0x2];
	s10 =	smul.u32 $0x7C00, s6;
	v5 =	vsel vm9, $0x6280, v5;
	v0 =	vsel vm8, $0x300, v0;
	v3 =	vsel vm8, $0x2300, v3  }
0x11: {  	s5 =	simm.s32 $0x0;
	s13 =	simm.s32 $0x13;
	s6 =	smul.u32 $0x3E, s6;
	v4 =	vsel vm8, $0x4300, v4;
	v5 =	vsel vm8, $0x6300, v5;
	v0 =	vsel vm7, $0x380, v0  }
0x12: {  	s14 =	simm.s32 $0x4000;
	s15 =	simm.s32 $0x18000;
	s3 =	ssub.s32 $0x2, s3;
	v3 =	vsel vm7, $0x2380, v3;
	v4 =	vsel vm7, $0x4380, v4;
	v5 =	vsel vm7, $0x6380, v5  }
0x13: {  	s17 =	simm.s32 $0xD;
	s9 =	sshrl.u32 s3, $0x1;
	s11 =	smin.u32 s6, $0x764;
	v0 =	vsel vm6, $0x1000, v0;
	v3 =	vsel vm6, $0x3000, v3;
	v4 =	vsel vm6, $0x5000, v4  }
0x14: {  	s1 =	rddreg [dreg:$0x0];
	s3 =	ssub.s32 s3, s9;
	s9 =	sadd.s32 $0x3E, s11;
	v5 =	vsel vm6, $0x7000, v5;
	v0 =	vsel vm5, $0x1080, v0;
	v3 =	vsel vm5, $0x3080, v3  }
0x15: {  	s18 =	simm.s32 $0x0;
	[smem:$0x7FF] =	sst s5;
	p1 =	sge.u32 s6, s9;
	v4 =	vsel vm5, $0x5080, v4;
	v5 =	vsel vm5, $0x7080, v5;
	v0 =	vsel vm4, $0x1100, v0  }
0x16: {  	s7 =	sadd.s32 $0x1000, s2;
	s16 =	sor.u32 $0x1, s6;
	s0 =	simm.s32 @!p1 $0x0;
	v3 =	vsel vm4, $0x3100, v3;
	v4 =	vsel vm4, $0x5100, v4;
	v5 =	vsel vm4, $0x7100, v5  }
0x17: {  	_ =	strace $0x8000004A;
	p4 =	sge.u32 s16, s9;
	s0 =	simm.s32 @p1 $0x1;
	v0 =	vsel vm3, $0x1180, v0;
	v3 =	vsel vm3, $0x3180, v3;
	v4 =	vsel vm3, $0x5180, v4  }
.Ltmp0:
0x18: {  	[smem:$0x7FB] =	sst s0;
	s0 =	simm.s32 @!p4 $0x0;
	v5 =	vsel vm3, $0x7180, v5;
	v1 =	vsel vm2, $0x1200, v0;
	v0 =	vmov s10;
	(pc) =	sbr.rel .LBB2_1-.Ltmp0, $4  }
0x19: {  	s8 =	sadd.s32 $0x1400, s2;
	p5 =	slt.u32 s6, s9;
	s0 =	simm.s32 @p4 $0x1;
	v3 =	vsel vm2, $0x3200, v3;
	v4 =	vsel vm2, $0x5200, v4;
	v5 =	vsel vm2, $0x7200, v5  }
0x1a: {  	s31 =	sshll.u32 s16, $0x9;
	[smem:$0x7FC] =	sst s0;
	s0 =	simm.s32 @!p5 $0x0;
	v2 =	vsel vm0, $0x1280, v1;
	v1 =	vimm.s32 $0x0;
	v3 =	vsel vm0, $0x3280, v3  }
0x1b: {  	s12 =	smax.u32 s3, $0x1;
	s11 =	sadd.s32 s4, s31;
	s0 =	simm.s32 @p5 $0x1;
	v4 =	vsel vm0, $0x5280, v4;
	v5 =	vsel vm0, $0x7280, v5;
	v2 =	vsel vm1, $0x1300, v2  }
0x1c: {  	s16 =	simm.s32 $0x8000;
	s10 =	sadd.s32 s4, s10;
	[smem:$0x7FD] =	sst s0;
	v3 =	vsel vm1, $0x3300, v3;
	v4 =	vsel vm1, $0x5300, v4;
	v5 =	vsel vm1, $0x7300, v5  }
.LBB2_10:
0x1d: {  	s18 =	sadd.s32 $0x1, s18  }
0x1e: {  	p0 =	sne.s32 s18, s12  }
.Ltmp1:
0x1f: {  	_ = 	snop;
	(pc) =	sbr.rel @!p0 .LBB2_11-.Ltmp1, $1  }
0x20: {  	_ =	sdelay $0x3  }
.LBB2_1:
0x21: {  	[tilespmem:s5], [sflag:$0x13] =	stream.linear.gather [hbm4b:s1+s5], $0x4000, $0x38;
	[tilespmem:$0x1A800] =	vst v63  }
0x22: {  	_ =	swait.ge [sflag:s13], $0x4000  }
0x23: {  	[sflag:s13] =	ssyncset.done $0x0  }
0x24: {  	[sflag:s13] =	ssyncadd.s32 $0xFFFFC000  }
0x25: {  	[tilespmem:s14], [sflag:$0x13] =	stream.linear.gather [hbm4b:s2+s5], $0x4000, $0x38;
	[tilespmem:$0x1A800] =	vst v63  }
0x26: {  	_ =	swait.ge [sflag:s13], $0x4000  }
0x27: {  	[sflag:s13] =	ssyncset.done $0x0  }
0x28: {  	[sflag:s13] =	ssyncadd.s32 $0xFFFFC000  }
0x29: {  	[tilespmem:s15], [sflag:$0x13] =	stream.linear.gather [hbm4b:s7+s5], $0x2000, $0x38;
	[tilespmem:$0x1A800] =	vst v63  }
0x2a: {  	_ =	swait.ge [sflag:s13], $0x2000  }
0x2b: {  	[sflag:s13] =	ssyncset.done $0x0  }
0x2c: {  	s3 =	simm.s32 $0x0;
	[sflag:s13] =	ssyncadd.s32 $0xFFFFE000  }
0x2d: {  	v7 =	vld [tilespmem:s3+$0x0]  }
0x2e: {  	s28 =	simm.s32 $0x10  }
0x2f: {  	s29 =	simm.s32 $0x20;
	v8 =	vld [tilespmem:s28+$0x0]  }
0x30: {  	v9 =	vld [tilespmem:s29+$0x0];
	_ =	sdelay $0x1  }
0x31: {  	vm0 =	vlt.s32 v7, v0  }
0x32: {  	v7 =	vsel vm0, $0x1, v1  }
0x33: {  	vm13 =	vlt.s32 v8, v0;
	(xrf0) =	vadd.scan.msk.s32 $0xffff, v7  }
0x34: {  	vm14 =	vlt.s32 v9, v0;
	v7 =	vsel vm13, $0x1, v1  }
0x35: {  	(xrf0) =	vadd.scan.msk.s32 $0xffff, v7;
	v7 =	vsel vm14, $0x1, v1  }
0x36: {  	s30 =	simm.s32 $0x30;
	(xrf0) =	vadd.scan.msk.s32 $0xffff, v7  }
0x37: {  	v8 =	vld [tilespmem:s30+$0x0];
	_ =	sdelay $0x1  }
0x38: {  	v7, _, _ =	vpop (xrf0)  }
0x39: {  	(v2sf) =	vpush v7, $0xF  }
0x3a: {  	v7, _, _ =	vpop (xrf0)  }
0x3b: {  	vm15 =	vlt.s32 v8, v0;
	(v2sf) =	vpush v7, $0xF;
	v8, _, _ =	vpop (xrf0)  }
0x3c: {  	(v2sf) =	vpush v8, $0xF;
	_ =	sdelay $0x5  }
0x3d: {  	s31 =	simm.s32 $0x40;
	v7 =	vsel vm15, $0x1, v1  }
0x3e: {  	(xrf0) =	vadd.scan.msk.s32 $0xffff, v7;
	v7 =	vld [tilespmem:s31+$0x0];
	_ =	sdelay $0x1  }
0x3f: {  	s20 =	simm.s32 $0x140;
	s19 =	simm.s32 $0x0  }
.LBB2_2:
0x40: {  	p2 =	sne.s32 s20, $0xFFC0  }
.Ltmp2:
0x41: {  	s3 =	sshra.s32 s20, $0x2;
	(pc) =	sbr.rel @p2 .LBB2_2-.Ltmp2, $4  }
0x42: {  	s20 =	sadd.s32 $0x40, s20;
	s21 =	spop (v2sf);
	vm0 =	vlt.s32 v7, v0  }
0x43: {  	s19 =	sadd.s32 s19, s21;
	v7 =	vld [tilespmem:s3+$0x0];
	v9 =	vsel vm0, $0x1, v1  }
0x44: {  	(xrf0) =	vadd.scan.msk.s32 $0xffff, v9;
	v8, _, _ =	vpop (xrf0)  }
0x45: {  	(v2sf) =	vpush v8, $0xF  }
0x46: {  	_ =	sdelay $0x1  }
0x47: {  	vm0 =	vlt.s32 v7, v0  }
0x48: {  	v7 =	vsel vm0, $0x1, v1  }
0x49: {  	(xrf0) =	vadd.scan.msk.s32 $0xffff, v7;
	_ =	sdelay $0x4  }
0x4a: {  	v7, _, _ =	vpop (xrf0)  }
0x4b: {  	(v2sf) =	vpush v7, $0xF;
	v7, _, _ =	vpop (xrf0)  }
0x4c: {  	(v2sf) =	vpush v7, $0xF;
	_ =	sdelay $0x6  }
0x4d: {  	s3 =	simm.s32 @!p1 $0x1000  }
0x4e: {  	s20 =	simm.s32 @!p1 $0x7A1400;
	s21 =	simm.s32 @!p1 $0x8000;
	s25 =	spop (v2sf)  }
0x4f: {  	[tilespmem:s21], [sflag:$0x1] =	stream.strided.gather @!p1 [hbm4b:s10+s3], $0x8000, s20, s3, $0x38;
	[tilespmem:$0x1A800] =	vst v63  }
0x50: {  	s3 =	simm.s32 @!p4 $0x1000;
	s20 =	simm.s32 @!p4 $0x7A1400;
	s21 =	simm.s32 @!p4 $0x10000  }
0x51: {  	[tilespmem:s21], [sflag:$0x2] =	stream.strided.gather @!p4 [hbm4b:s11+s3], $0x8000, s20, s3, $0x38;
	[tilespmem:$0x1A800] =	vst v63  }
.Ltmp3:
0x52: {  	s26 =	spop (v2sf);
	s3 =	sadd.s32 s19, s25;
	(pc) =	sbr.rel @!p5 .LBB2_10-.Ltmp3, $4  }
.Ltmp4:
0x53: {  	s3 =	sadd.s32 s3, s26;
	s28 =	spop (v2sf);
	(pc) =	sbr.rel @p5 .LBB2_4-.Ltmp4, $4  }
0x54: {  	s3 =	sadd.s32 s3, s28;
	s30 =	spop (v2sf)  }
0x55: {  	s3 =	sadd.s32 s3, s30;
	s31 =	spop (v2sf)  }
0x56: {  	s29 =	simm.s32 $0x0;
	s21 =	smov.u32 s6;
	s19 =	sadd.s32 s3, s31  }
0x57: {  	_ = 	snop  }
.LBB2_7:
0x58: {  	s0 =	sadd.s32 $0x2, s21  }
0x59: {  	p2 =	sge.u32 s0, s9  }
0x5a: {  	s0 =	sshll.u32 @!p2 s0, $0x9  }
0x5b: {  	s3 =	sshll.u32 @!p2 s24, $0xF;
	s19 =	simm.s32 @!p2 $0x1000;
	s0 =	smin.u32 @!p2 s0, $0xF4000  }
0x5c: {  	s21 =	simm.s32 @!p2 $0x7A1400;
	s3 =	sadd.s32 @!p2 $0x8000, s3;
	s0 =	sadd.s32 @!p2 s4, s0  }
0x5d: {  	[tilespmem:s3], [sflag:s20] =	stream.strided.gather @!p2 [hbm4b:s0+s19], $0x8000, s21, s19, $0x38;
	[tilespmem:$0x1A800] =	vst v63  }
0x5e: {  	p2 =	slt.u32 s23, s9  }
.Ltmp5:
0x5f: {  	_ = 	snop;
	(pc) =	sbr.rel @!p2 .LBB2_8-.Ltmp5, $2  }
0x60: {  	_ =	sdelay $0x2  }
0x61: {  	s19 =	smov.u32 s31;
	s21 =	smov.u32 s23  }
.LBB2_4:
0x62: {  	s24 =	sand.u32 $0x1, s21  }
0x63: {  	s26 =	sshll.u32 s21, $0x9;
	s23 =	sadd.s32 $0x1, s21;
	s20 =	sadd.s32 $0x1, s24  }
0x64: {  	s22 =	smov.u32 s29;
	s3 =	sshll.u32 s24, $0xF;
	_ =	swait.ge [sflag:s20], $0x8000  }
0x65: {  	s25 =	simm.s32 $0x0;
	p2 =	slt.s32 s26, $0xF4000;
	v7 =	vor.u32 s3, v2;
	[sflag:s20] =	ssyncset.done $0x0  }
0x66: {  	s28 =	sshll.u32 s23, $0x9;
	s26 =	simm.s32 @!p2 $0xF4000;
	v8 =	vor.u32 s3, v3;
	v9 =	vor.u32 s3, v4;
	v10 =	vor.u32 s3, v5;
	[sflag:s20] =	ssyncadd.s32 $0xFFFF8000  }
.LBB2_5:
0x67: {  	s31 =	sadd.s32 s25, s19  }
0x68: {  	s3 =	sshra.s32 s31, $0x1F  }
0x69: {  	s3 =	sshrl.u32 s3, $0x1C  }
0x6a: {  	s3 =	sadd.s32 s3, s31  }
0x6b: {  	s29 =	sand.u32 $0xFFFFFFF0, s3  }
0x6c: {  	p2 =	slt.s32 s31, $0x1;
	p3 =	sne.s32 s31, s29  }
0x6d: {  	p2 =	por !p2, !p3  }
0x6e: {  	s30 =	simm.s32 $0x1;
	p2 =	por !p2, !p2  }
0x6f: {  	s3 =	sshrl.u32 s3, $0x4;
	s30 =	simm.s32 @!p2 $0x0  }
0x70: {  	s3 =	ssub.s32 s3, s30  }
0x71: {  	s3 =	sshll.u32 s3, $0x4  }
0x72: {  	v11 =	vld [tilespmem:s3+$0x0];
	_ =	sdelay $0x1  }
0x73: {  	s29 =	ssub.s32 s31, s29  }
0x74: {  	v12 =	vmov s29  }
0x75: {  	vm0 =	veq.s32 v12, v6  }
0x76: {  	v11 =	vnsel vm0, $0x0, v11  }
0x77: {  	(xrf0) =	vadd.scan.msk.s32 $0xffff, v11;
	_ =	sdelay $0x5  }
0x78: {  	v11, _, _ =	vpop (xrf0)  }
0x79: {  	(v2sf) =	vpush v11, $0xF;
	_ =	sdelay $0xe  }
0x7a: {  	p2 =	sgt.s32 s31, $0x3FFF;
	s30 =	spop (v2sf)  }
0x7b: {  	p3 =	sge.s32 @!p2 s30, s28  }
0x7c: {  	p2 =	por p2, p3  }
.Ltmp6:
0x7d: {  	_ = 	snop;
	(pc) =	sbr.rel @p2 .LBB2_7-.Ltmp6, $2  }
0x7e: {  	_ =	sdelay $0x2  }
0x7f: {  	s29 =	sadd.s32 s25, s22  }
0x80: {  	v11 =	vld [tilespmem:s3+$0x4000];
	_ =	sdelay $0x4  }
0x81: {  	v11 =	vnsel vm0, $0x0, v11  }
0x82: {  	(xrf0) =	vadd.scan.msk.s32 $0xffff, v11;
	_ =	sdelay $0x5  }
0x83: {  	v11, _, _ =	vpop (xrf0)  }
0x84: {  	(v2sf) =	vpush v11, $0xF;
	_ =	sdelay $0x6  }
0x85: {  	s3 =	ssub.s32 s30, s26  }
0x86: {  	p2 =	sgt.s32 s3, $0x0  }
0x87: {  	s3 =	simm.s32 @!p2 $0x0  }
0x88: {  	s31 =	sshra.s32 s29, $0x1F;
	s3 =	smin.u32 s3, $0x1FF  }
0x89: {  	s31 =	sshrl.u32 s31, $0x1C;
	v11 =	vmov s3  }
0x8a: {  	s0 =	sadd.s32 s31, s29;
	v12 =	vand.u32 $0x7F, v11;
	v11 =	vshll.u32 v11, $0x3  }
0x8b: {  	s3 =	sand.u32 $0xFFFFFFF0, s0;
	v11 =	vand.u32 $0xC00, v11;
	v13 =	vor.u32 v7, v12  }
0x8c: {  	p2 =	slt.s32 s29, $0x10;
	s3 =	ssub.s32 s29, s3;
	v13 =	vor.u32 v11, v13  }
0x8d: {  	s31 =	sadd.s32 $0xFFF0BE00, s30;
	s0 =	sadd.s32 @!p2 $0x3, s3;
	s29 =	spop (v2sf)  }
0x8e: {  	p3 =	sgt.s32 s31, $0x0;
	_ =	swait.ge @!p2 [sflag:s0], $0x80  }
0x8f: {  	s31 =	simm.s32 @!p3 $0x0;
	[sflag:s0] =	ssyncset.done @!p2 $0x0  }
0x90: {  	s31 =	smin.u32 s31, $0x3F;
	[sflag:s0] =	ssyncadd.s32 @!p2 $0xFFFFFF80  }
0x91: {  	s0 =	sshll.u32 s31, $0x7;
	v13 =	vld.idx.msk [tilespmem:v13+s16+$0x0], $0xffff  }
0x92: {  	v14 =	vld [tilespmem:s0+$0x18000]  }
0x93: {  	v15 =	vor.u32 v8, v12  }
0x94: {  	v15 =	vor.u32 v11, v15;
	_ =	sdelay $0x1  }
0x95: {  	p6 =	sgt.s32 s30, $0xF41FF;
	s31 =	sshll.u32 s3, $0x9  }
0x96: {  	s30 =	sshra.s32 s31, $0x2;
	v13 =	vpsel p6, v14, v13  }
0x97: {  	[tilespmem:s30+$0x1A000] =	vst v13  }
0x98: {  	v13 =	vld.idx.msk [tilespmem:v15+s16+$0x0], $0xffff  }
0x99: {  	v60 =	vld [tilespmem:s0+$0x18010]  }
0x9a: {  	v61 =	vor.u32 v9, v12  }
0x9b: {  	v15 =	vor.u32 v11, v61;
	_ =	sdelay $0x2  }
0x9c: {  	v13 =	vpsel p6, v60, v13  }
0x9d: {  	[tilespmem:s30+$0x1A010] =	vst v13  }
0x9e: {  	v13 =	vld.idx.msk [tilespmem:v15+s16+$0x0], $0xffff  }
0x9f: {  	v62 =	vld [tilespmem:s0+$0x18020]  }
0xa0: {  	v12 =	vor.u32 v10, v12  }
0xa1: {  	v11 =	vor.u32 v11, v12;
	_ =	sdelay $0x2  }
0xa2: {  	v63 =	vpsel p6, v62, v13  }
0xa3: {  	[tilespmem:s30+$0x1A020] =	vst v63  }
0xa4: {  	v11 =	vld.idx.msk [tilespmem:v11+s16+$0x0], $0xffff  }
0xa5: {  	v12 =	vld [tilespmem:s0+$0x18030];
	_ =	sdelay $0x2  }
.Ltmp7:
0xa6: {  	_ = 	snop;
	(pc) =	sbr.rel .LBB2_5-.Ltmp7, $4  }
0xa7: {  	s29 =	sshll.u32 s29, $0x4  }
0xa8: {  	s25 =	sadd.s32 $0x1, s25;
	s0 =	sand.u32 $0x1FFFFFF0, s29;
	v11 =	vpsel p6, v12, v11  }
0xa9: {  	s3 =	sadd.s32 $0x3, s3;
	s31 =	sadd.s32 $0x1A000, s30;
	s0 =	sadd.s32 s8, s0;
	[tilespmem:s30+$0x1A030] =	vst v11  }
0xaa: {  	[hbm4b:s0+s5] =	stream.linear.scatter [tilespmem:s31], [sflag:s3], $0x80, $0x38;
	[tilespmem:$0x1A800] =	vst v63  }
.LBB2_8:
0xab: {  	s19 =	sadd.s32 s25, s22  }
0xac: {  	p2 =	sgt.s32 s19, $0x0  }
0xad: {  	s3 =	sadd.s32 $0xFFFFFFFF, s19;
	s20 =	simm.s32 @p2 $0x3  }
0xae: {  	p3 =	seq.s32 @p2 s3, $0x0;
	_ =	swait.ge @p2 [sflag:s20], $0x80  }
0xaf: {  	p3 =	por !p2, p3;
	[sflag:s20] =	ssyncset.done @p2 $0x0  }
0xb0: {  	s3 =	simm.s32 @!p3 $0x4;
	[sflag:s20] =	ssyncadd.s32 @p2 $0xFFFFFF80  }
0xb1: {  	p2 =	slt.u32 @!p3 s19, $0x3;
	_ =	swait.ge @!p3 [sflag:s3], $0x80  }
0xb2: {  	p2 =	por p3, p2;
	[sflag:s3] =	ssyncset.done @!p3 $0x0  }
0xb3: {  	s20 =	sadd.s32 $0xFFFFFFFD, s19;
	[sflag:s3] =	ssyncadd.s32 @!p3 $0xFFFFFF80;
	s3 =	simm.s32 @!p2 $0x5  }
0xb4: {  	p3 =	seq.s32 @!p2 s20, $0x0;
	_ =	swait.ge @!p2 [sflag:s3], $0x80  }
0xb5: {  	p3 =	por p2, p3;
	[sflag:s3] =	ssyncset.done @!p2 $0x0  }
0xb6: {  	[sflag:s3] =	ssyncadd.s32 @!p2 $0xFFFFFF80;
	s3 =	simm.s32 @!p3 $0x6  }
0xb7: {  	p2 =	slt.u32 @!p3 s19, $0x5;
	_ =	swait.ge @!p3 [sflag:s3], $0x80  }
0xb8: {  	p2 =	por p3, p2;
	[sflag:s3] =	ssyncset.done @!p3 $0x0  }
0xb9: {  	s20 =	sadd.s32 $0xFFFFFFFB, s19;
	[sflag:s3] =	ssyncadd.s32 @!p3 $0xFFFFFF80;
	s3 =	simm.s32 @!p2 $0x7  }
0xba: {  	p3 =	seq.s32 @!p2 s20, $0x0;
	_ =	swait.ge @!p2 [sflag:s3], $0x80  }
0xbb: {  	p3 =	por p2, p3;
	[sflag:s3] =	ssyncset.done @!p2 $0x0  }
0xbc: {  	[sflag:s3] =	ssyncadd.s32 @!p2 $0xFFFFFF80;
	s3 =	simm.s32 @!p3 $0x8  }
0xbd: {  	p2 =	slt.u32 @!p3 s19, $0x7;
	_ =	swait.ge @!p3 [sflag:s3], $0x80  }
0xbe: {  	p2 =	por p3, p2;
	[sflag:s3] =	ssyncset.done @!p3 $0x0  }
0xbf: {  	s20 =	sadd.s32 $0xFFFFFFF9, s19;
	[sflag:s3] =	ssyncadd.s32 @!p3 $0xFFFFFF80;
	s3 =	simm.s32 @!p2 $0x9  }
0xc0: {  	p3 =	seq.s32 @!p2 s20, $0x0;
	_ =	swait.ge @!p2 [sflag:s3], $0x80  }
0xc1: {  	p3 =	por p2, p3;
	[sflag:s3] =	ssyncset.done @!p2 $0x0  }
0xc2: {  	[sflag:s3] =	ssyncadd.s32 @!p2 $0xFFFFFF80;
	s3 =	simm.s32 @!p3 $0xA  }
0xc3: {  	p2 =	slt.u32 @!p3 s19, $0x9;
	_ =	swait.ge @!p3 [sflag:s3], $0x80  }
0xc4: {  	p2 =	por p3, p2;
	[sflag:s3] =	ssyncset.done @!p3 $0x0  }
0xc5: {  	s20 =	sadd.s32 $0xFFFFFFF7, s19;
	[sflag:s3] =	ssyncadd.s32 @!p3 $0xFFFFFF80;
	s3 =	simm.s32 @!p2 $0xB  }
0xc6: {  	p3 =	seq.s32 @!p2 s20, $0x0;
	_ =	swait.ge @!p2 [sflag:s3], $0x80  }
0xc7: {  	p3 =	por p2, p3;
	[sflag:s3] =	ssyncset.done @!p2 $0x0  }
0xc8: {  	[sflag:s3] =	ssyncadd.s32 @!p2 $0xFFFFFF80;
	p2 =	slt.u32 @!p3 s19, $0xB  }
0xc9: {  	p2 =	por p3, p2  }
.Ltmp8:
0xca: {  	_ = 	snop;
	(pc) =	sbr.rel @p2 .LBB2_10-.Ltmp8, $4  }
0xcb: {  	s3 =	simm.s32 @!p3 $0xC  }
0xcc: {  	_ =	swait.ge @!p3 [sflag:s3], $0x80  }
0xcd: {  	[sflag:s3] =	ssyncset.done @!p3 $0x0  }
0xce: {  	[sflag:s3] =	ssyncadd.s32 @!p3 $0xFFFFFF80  }
0xcf: {  	s0 =	sadd.s32 $0xFFFFFFF5, s19  }
0xd0: {  	p3 =	seq.s32 s0, $0x0  }
0xd1: {  	p4 =	slt.u32 @!p3 s19, $0xD  }
0xd2: {  	s0 =	sadd.s32 $0xFFFFFFF3, s19;
	p5 =	por p4, p3  }
0xd3: {  	_ =	swait.ge [sflag:s17], $0x80;
	p6 =	seq.s32 @!p5 s0, $0x0  }
0xd4: {  	[sflag:s17] =	ssyncset.done $0x0;
	s0 =	simm.s32 @!p6 $0x0  }
0xd5: {  	[sflag:s17] =	ssyncadd.s32 $0xFFFFFF80;
	s0 =	simm.s32 @p6 $0x1  }
0xd6: {  	s3 =	simm.s32 @!p3 $0xE;
	p2 =	por @!p3 p6, p4;
	[smem:$0x7FA] =	sst s0  }
0xd7: {  	p2 =	por p2, p3;
	_ =	swait.ge @!p3 [sflag:s3], $0x80  }
0xd8: {  	p0 =	slt.u32 @!p2 s19, $0xF;
	[sflag:s3] =	ssyncset.done @!p3 $0x0  }
0xd9: {  	[sflag:s3] =	ssyncadd.s32 @!p3 $0xFFFFFF80;
	s3 =	simm.s32 @!p0 $0x0  }
0xda: {  	s3 =	simm.s32 @p0 $0x1  }
0xdb: {  	s0 =	simm.s32 @!p5 $0xF;
	[smem:$0x7F9] =	sst s3  }
0xdc: {  	_ =	swait.ge @!p5 [sflag:s0], $0x80  }
0xdd: {  	[sflag:s0] =	ssyncset.done @!p5 $0x0  }
0xde: {  	[sflag:s0] =	ssyncadd.s32 @!p5 $0xFFFFFF80;
	s0 =	simm.s32 @!p2 $0x10  }
0xdf: {  	_ =	swait.ge @!p2 [sflag:s0], $0x80  }
0xe0: {  	p1 =	por @!p5 p0, p6;
	s26 =	sld [smem:$0x7F9]  }
0xe1: {  	p1 =	por @!p3 p1, p4;
	s28 =	sld [smem:$0x7FA]  }
0xe2: {  	p1 =	por p1, p3;
	s3 =	sadd.s32 $0xFFFFFFF1, s19;
	[sflag:s0] =	ssyncset.done @!p2 $0x0  }
0xe3: {  	p0 =	seq.s32 @!p1 s3, $0x0;
	[sflag:s0] =	ssyncadd.s32 @!p2 $0xFFFFFF80;
	p6 =	seq.s32 s26, $0x1  }
0xe4: {  	s0 =	simm.s32 @!p1 $0x11;
	p0 =	por @!p2 p0, p6;
	p2 =	seq.s32 s28, $0x1  }
0xe5: {  	s29 =	sld [smem:$0x7FD];
	_ =	swait.ge @!p1 [sflag:s0], $0x80;
	p0 =	por @!p5 p0, p2  }
0xe6: {  	s30 =	sld [smem:$0x7FC];
	p0 =	por @!p3 p0, p4  }
.Ltmp9:
0xe7: {  	[sflag:s0] =	ssyncset.done @!p1 $0x0;
	p0 =	por p0, p3;
	(pc) =	sbr.rel .LBB2_10-.Ltmp9, $4  }
0xe8: {  	s31 =	sld [smem:$0x7FB];
	[sflag:s0] =	ssyncadd.s32 @!p1 $0xFFFFFF80;
	s0 =	simm.s32 @!p0 $0x12  }
0xe9: {  	_ =	swait.ge @!p0 [sflag:s0], $0x80  }
0xea: {  	p5 =	seq.s32 s29, $0x1;
	[sflag:s0] =	ssyncset.done @!p0 $0x0  }
0xeb: {  	p4 =	seq.s32 s30, $0x1;
	p1 =	seq.s32 s31, $0x1;
	[sflag:s0] =	ssyncadd.s32 @!p0 $0xFFFFFF80  }
.LBB2_11:
0xec: {  	_ =	sfence.sel $0x180000  }
0xed: {  	[bflag:$0x0] =	sbarrier.arrive $0xFFFF  }
0xee: {  	_ =	strace $0x9000004A  }
0xef: {  	s0 =	stileid.u32;
	[bflag:$0x2] =	sbarrier.arrive $0xFFFF  }
0xf0: {  	p0 =	sne.s32 s0, $0x0;
	s0 =	rddreg [dreg:$0x3]  }
0xf1: {  	s0 =	sadd.s32 @!p0 $0x100000, s0  }
0xf2: {  	[sflag:s0] =	ssyncadd.tile.s32 @!p0 $0x1;
	_ =	shalt  }
.Lfunc_end2:
_tile_overlayer_lowered:
.L_overlay_start_2:
0xf3: {  	(tag) =	ssettag $0x2  }
0xf4: {  	s0 =	rddreg [dreg:$0x0];
	s2 =	stileid.u32  }
0xf5: {  	s1 =	rddreg [dreg:$0x1];
	p0 =	sne.s32 s2, $0x0  }
0xf6: {  	s3 =	rddreg [dreg:$0x2];
	[bflag:$0x3] =	sbarrier.arrive $0xFFFF;
	s2 =	simm.s32 @!p0 $0x1C13  }
0xf7: {  	[timem:s3], [sflag:s2] =	dma.local @!p0 [hbm:s0], s1  }
0xf8: {  	s0 =	simm.s32 @!p0 $0x13  }
0xf9: {  	_ =	swait.ge @!p0 [sflag:s0], s1  }
0xfa: {  	s1 =	ssub.s32 @!p0 $0x0, s1;
	[sflag:s0] =	ssyncset.done @!p0 $0x0  }
0xfb: {  	[sflag:s0] =	ssyncadd.s32 @!p0 s1  }
0xfc: {  	[bflag:$0x3] =	sbarrier.arrive $0xFFFF  }
0xfd: {  	_ =	shalt  }

// kernel: kernel.8.cloned.1.call-start
scs
__scs_entry_jumppad:
0x0: {  	(pc) =	sbr.rel $0x88, $3  }
0x1: {  	(tag) =	ssettag $0x0;
	lr =	simm.s32 $0x1  }
0x2: {  	[smem:$0x3F9B] =	sst lr;
	_ =	strace $0xD0000000  }
0x3: {  	_ = 	snop  }
0x4: {  	_ = 	snop  }
0x5: {  	_ = 	snop  }
0x6: {  	_ = 	snop  }
0x7: {  	_ = 	snop  }
__scs_overlays_trampoline_lowered:
0x8: {  	[smem:$0x3FAA] =	sst s0  }
0x9: {  	[smem:$0x3FAB] =	sst s1  }
0xa: {  	[smem:$0x3FAC] =	sst s2  }
0xb: {  	[smem:$0x3FAD] =	sst s3  }
0xc: {  	[smem:$0x3FAE] =	sst s4  }
0xd: {  	[smem:$0x3FAF] =	sst s5  }
0xe: {  	[smem:$0x3FB0] =	sst s6  }
0xf: {  	[smem:$0x3FB1] =	sst s7  }
0x10: {  	[smem:$0x3FB2] =	sst s8  }
0x11: {  	[smem:$0x3FB3] =	sst s9;
	s0 =	simm.s32 @!p0 $0x0  }
0x12: {  	s1 =	sld [smem:$0x3F99];
	s0 =	simm.s32 @p0 $0x1  }
0x13: {  	[smem:$0x3FB4] =	sst s0;
	s0 =	simm.s32 @!p1 $0x0  }
0x14: {  	s2 =	sld [smem:$0x3F98];
	s0 =	simm.s32 @p1 $0x1  }
0x15: {  	[smem:$0x3FB5] =	sst s0;
	s0 =	simm.s32 @!p2 $0x0  }
0x16: {  	s3 =	sld [smem:$0x3FDB];
	s0 =	simm.s32 @p2 $0x1  }
0x17: {  	s4 =	simm.s32 $0x1BF5;
	[smem:$0x3FB7] =	sst s0  }
0x18: {  	s0 =	sld [smem:$0x3F9A];
	_ =	swait.ge [sflag:s4], $0x0  }
0x19: {  	s7 =	sld [smem:$0x3F9B]  }
0x1a: {  	s8 =	sadd.s32 $0xFFFFE003, lr  }
0x1b: {  	s9 =	sadd.s32 $0xFFFFFEF7, lr;
	s5 =	simm.s32 $0xFFFFFFFF;
	p2 =	slt.u32 s8, $0xFFFFF086  }
0x1c: {  	p1 =	slt.u32 s9, $0xF7A;
	s5 =	simm.s32 @!p2 $0x0  }
0x1d: {  	s5 =	simm.s32 @p1 $0x1;
	p0 =	seq.s32 s7, s2  }
0x1e: {  	s7 =	smul.u32 @!p0 $0xF7A, s2;
	p2 =	seq.s32 @!p0 s5, $0x0  }
0x1f: {  	s9 =	smul.u32 $0xF7A, s1;
	s8 =	simm.s32 @!p0 $0x1BF5;
	p2 =	por !p2, p0  }
0x20: {  	[sflag:s8] =	ssyncset.s32 @!p0 $0xFFFFF086;
	s6 =	sadd.s32 @!p0 s3, s7;
	s7 =	simm.s32 @!p0 $0x108  }
0x21: {  	s3 =	sadd.s32 s3, s9;
	s6 =	sadd.s32 @!p0 $0x88, s6;
	s7 =	simm.s32 @p2 $0x1082  }
0x22: {  	[simem:s7], [sflag:s8] =	dma.local @!p0 [hbm:s6], $0xF7A  }
0x23: {  	s9 =	sor.u32 $0xD0000000, s2;
	s6 =	simm.s32 $0x108;
	_ =	swait.ge @!p0 [sflag:s8], $0x0  }
0x24: {  	s3 =	sadd.s32 $0x88, s3;
	s6 =	simm.s32 @!p1 $0x1082;
	[sflag:s4] =	ssyncset.s32 $0xFFFFF086  }
0x25: {  	[simem:s6], [sflag:s4] =	dma.local [hbm:s3], $0xF7A  }
0x26: {  	[smem:$0x3F9B] =	sst s1;
	(tag) =	ssettag s2;
	_ =	strace s9  }
0x27: {  	s1 =	sld [smem:$0x3FAB]  }
0x28: {  	s2 =	sld [smem:$0x3FAC]  }
0x29: {  	s4 =	sld [smem:$0x3FAE]  }
0x2a: {  	p0 =	seq.s32 s5, $0x0;
	s5 =	sld [smem:$0x3FAF]  }
0x2b: {  	s6 =	sld [smem:$0x3FB0]  }
0x2c: {  	s7 =	sld [smem:$0x3FB1]  }
0x2d: {  	s3 =	simm.s32 $0x108;
	s8 =	sld [smem:$0x3FB2]  }
0x2e: {  	s3 =	simm.s32 @!p0 $0x1082;
	s9 =	sld [smem:$0x3FB3]  }
0x2f: {  	lr =	sadd.s32 s0, s3;
	s0 =	sld [smem:$0x3FAA]  }
0x30: {  	s3 =	sld [smem:$0x3FAD]  }
0x31: {  	[smem:$0x3FB6] =	sst s10  }
0x32: {  	s10 =	sld [smem:$0x3FB4];
	_ =	sdelay $0x3  }
0x33: {  	p0 =	seq.s32 s10, $0x1;
	s10 =	sld [smem:$0x3FB6];
	_ =	sdelay $0x3  }
0x34: {  	[smem:$0x3FB6] =	sst s10  }
0x35: {  	s10 =	sld [smem:$0x3FB5];
	_ =	sdelay $0x3  }
0x36: {  	p1 =	seq.s32 s10, $0x1;
	s10 =	sld [smem:$0x3FB6];
	_ =	sdelay $0x3  }
0x37: {  	[smem:$0x3FB6] =	sst s10  }
0x38: {  	s10 =	sld [smem:$0x3FB7]  }
0x39: {  	_ = 	snop;
	(pc) =	sbr.ind lr, $3  }
0x3a: {  	_ = 	snop  }
0x3b: {  	_ = 	snop  }
0x3c: {  	p2 =	seq.s32 s10, $0x1;
	s10 =	sld [smem:$0x3FB6]  }
0x3d: {  	_ =	shalt  }
0x3e: {  	_ =	shalt  }
0x3f: {  	_ =	shalt  }
0x40: {  	_ =	shalt  }
0x41: {  	_ =	shalt  }
0x42: {  	_ =	shalt  }
0x43: {  	_ =	shalt  }
0x44: {  	_ =	shalt  }
0x45: {  	_ =	shalt  }
0x46: {  	_ =	shalt  }
0x47: {  	_ =	shalt  }
0x48: {  	_ =	shalt  }
0x49: {  	_ =	shalt  }
0x4a: {  	_ =	shalt  }
0x4b: {  	_ =	shalt  }
0x4c: {  	_ =	shalt  }
0x4d: {  	_ =	shalt  }
0x4e: {  	_ =	shalt  }
0x4f: {  	_ =	shalt  }
0x50: {  	_ =	shalt  }
0x51: {  	_ =	shalt  }
0x52: {  	_ =	shalt  }
0x53: {  	_ =	shalt  }
0x54: {  	_ =	shalt  }
0x55: {  	_ =	shalt  }
0x56: {  	_ =	shalt  }
0x57: {  	_ =	shalt  }
0x58: {  	_ =	shalt  }
0x59: {  	_ =	shalt  }
0x5a: {  	_ =	shalt  }
0x5b: {  	_ =	shalt  }
0x5c: {  	_ =	shalt  }
0x5d: {  	_ =	shalt  }
0x5e: {  	_ =	shalt  }
0x5f: {  	_ =	shalt  }
0x60: {  	_ =	shalt  }
0x61: {  	_ =	shalt  }
0x62: {  	_ =	shalt  }
0x63: {  	_ =	shalt  }
0x64: {  	_ =	shalt  }
0x65: {  	_ =	shalt  }
0x66: {  	_ =	shalt  }
0x67: {  	_ =	shalt  }
0x68: {  	_ =	shalt  }
0x69: {  	_ =	shalt  }
0x6a: {  	_ =	shalt  }
0x6b: {  	_ =	shalt  }
0x6c: {  	_ =	shalt  }
0x6d: {  	_ =	shalt  }
0x6e: {  	_ =	shalt  }
0x6f: {  	_ =	shalt  }
0x70: {  	_ =	shalt  }
0x71: {  	_ =	shalt  }
0x72: {  	_ =	shalt  }
0x73: {  	_ =	shalt  }
0x74: {  	_ =	shalt  }
0x75: {  	_ =	shalt  }
0x76: {  	_ =	shalt  }
0x77: {  	_ =	shalt  }
0x78: {  	_ =	shalt  }
0x79: {  	_ =	shalt  }
0x7a: {  	_ =	shalt  }
0x7b: {  	_ =	shalt  }
0x7c: {  	_ =	shalt  }
0x7d: {  	_ =	shalt  }
0x7e: {  	_ =	shalt  }
0x7f: {  	_ =	shalt  }
0x80: {  	_ =	shalt  }
0x81: {  	_ =	shalt  }
0x82: {  	_ =	shalt  }
0x83: {  	_ =	shalt  }
0x84: {  	_ =	shalt  }
0x85: {  	_ =	shalt  }
0x86: {  	_ =	shalt  }
0x87: {  	_ =	shalt  }
.Lfunc_end0:
.L_simem_size_0:
called_computation.2_lowered:
.L_overlay_start_0:
0x88: {  	s2 =	sld [smem:$0x3FD9]  }
0x89: {  	s3 =	sld [smem:$0x3FFE];
	_ =	sdelay $0x1  }
0x8a: {  	s1 =	srdreg.scid  }
0x8b: {  	s0 =	sand.u32 $0x1, s1  }
0x8c: {  	s17 =	sshll.u32 s0, $0xA;
	s2 =	sadd.s32 s3, s2  }
0x8d: {  	s2 =	sadd.s32 s2, s17  }
0x8e: {  	[smem:$0x3FC2] =	sst s2  }
0x8f: {  	_ = 	snop  }
0x90: {  	s2 =	sld [smem:$0x3FC8]  }
0x91: {  	s18 =	sld [smem:$0x3FD0];
	(tm) =	ssettm $0x1  }
0x92: {  	s4 =	sld [smem:$0x3FFB];
	_ =	sdelay $0x3  }
0x93: {  	_ =	strace s4  }
0x94: {  	s4 =	sld [smem:$0x3FFC];
	_ =	sdelay $0x3  }
0x95: {  	_ =	strace s4  }
0x96: {  	s4 =	sld [smem:$0x3FFD];
	_ =	sdelay $0x3  }
0x97: {  	_ =	strace s4  }
0x98: {  	_ =	strace $0x8FFFFFFF  }
0x99: {  	s19 =	sld [smem:$0x3FDB];
	_ =	sdelay $0x1  }
0x9a: {  	s5 =	simm.s32 $_scs_section_size  }
0x9b: {  	s6 =	simm.s32 $_size__tile_overlayer_lowered;
	s7 =	simm.s32 $_tile_overlayer_lowered  }
0x9c: {  	s22 =	simm.s32 $0x1BFF;
	s21 =	sshll.u32 s7, $0x1;
	s4 =	sadd.s32 s5, s19  }
0x9d: {  	s8 =	simm.s32 $0x0;
	s20 =	sshll.u32 s6, $0x1;
	s6 =	sadd.s32 s21, s4  }
0x9e: {  	[timem:s8], [sflag:s22] =	dma.local [hbm:s6], s20  }
0x9f: {  	_ =	swait.ge [sflag:s22], s20  }
0xa0: {  	s5 =	ssub.s32 $0x0, s20;
	[sflag:s22] =	ssyncset.done $0x0  }
0xa1: {  	[sflag:s22] =	ssyncadd.s32 s5;
	_ =	sdelay $0x1  }
0xa2: {  	s23 =	simm.s32 $0x1B8B  }
0xa3: {  	_ =	swait.ge [sflag:s23], $0x1  }
0xa4: {  	[sflag:s23] =	ssyncset.done $0x0  }
0xa5: {  	s25 =	simm.s32 $0x1B8E;
	s24 =	sld [smem:$0x3FFE];
	[sflag:s23] =	ssyncadd.s32 $0xFFFFFFFF  }
0xa6: {  	s26 =	simm.s32 $execute0_lowered;
	[smem:$0x3FD2] =	sst s25  }
0xa7: {  	s6 =	sshll.u32 s26, $0x1;
	_ =	strace $0x8000004C;
	[dreg:$0x1] =	wrdreg $0xFFFFFFFF  }
0xa8: {  	s28 =	simm.s32 $_size_execute0_lowered;
	s4 =	sadd.s32 s4, s6;
	[dreg:$0x0] =	wrdreg $0x0  }
0xa9: {  	s6 =	sshll.u32 s28, $0x1;
	[dreg:$0x2] =	wrdreg s4  }
0xaa: {  	[dreg:$0x3] =	wrdreg s6  }
0xab: {  	[dreg:$0x4] =	wrdreg $0xC0  }
0xac: {  	_ =	task [dreg:s8], $0x5FFFF  }
0xad: {  	[dreg:$0x1] =	wrdreg $0xFFFFFFFF  }
0xae: {  	[dreg:$0x0] =	wrdreg $0x60  }
0xaf: {  	[dreg:$0x2] =	wrdreg s2  }
0xb0: {  	[dreg:$0x3] =	wrdreg s24  }
0xb1: {  	[dreg:$0x4] =	wrdreg s18  }
0xb2: {  	[dreg:$0x5] =	wrdreg $0x9  }
0xb3: {  	_ =	task.clear_ibuf [dreg:s8], $0x6FFFF;
	_ =	strace $0x9000004C  }
0xb4: {  	s29 =	simm.s32 $0x9;
	_ =	strace $0x8000004E  }
0xb5: {  	_ =	swait.ge [sflag:s29], $0x1  }
0xb6: {  	[sflag:s29] =	ssyncadd.s32 $0xFFFFFFFF  }
0xb7: {  	_ =	strace $0x9000004E  }
0xb8: {  	_ =	sfence  }
0xb9: {  	s30 =	sld [smem:$0x0];
	_ =	sdelay $0x2  }
0xba: {  	s31 =	sshll.u32 s1, $0xD;
	s1 =	sshrl.u32 s1, $0x2  }
0xbb: {  	s3 =	sand.u32 $0x4000, s31;
	s1 =	sadd.s32 s1, s30  }
0xbc: {  	s0 =	sor.u32 s3, s0;
	s1 =	sshll.u32 s1, $0x11  }
0xbd: {  	s0 =	sor.u32 s1, s0  }
0xbe: {  	s0 =	sadd.s32 $0x8F2B, s0  }
0xbf: {  	[sflag:s0] =	ssyncadd.remote.s32 $0x1  }
0xc0: {  	_ =	sfence.sel $0xFFFF  }
0xc1: {  	[dreg:$0x0] =	wrdreg $0xFFFFFFFF;
	(pc) =	sbr.abs _section_cstart, $3  }
0xc2: {  	[dreg:$0x1] =	wrdreg $0xFFFFFFFF  }
0xc3: {  	_ =	task.clear_ibuf [dreg:s8], $0x2FFFF;
	_ =	strace $0x9FFFFFFF  }
0xc4: {  	(tm) =	ssettm $0x7FFFFFFF  }
0xc5: {  	_ =	shalt  }
tec
execute0_lowered:
.L_overlay_start_1:
0x0: {  	(tag) =	ssettag $0x1  }
0x1: {  	s0 =	rddreg [dreg:$0x0]  }
0x2: {  	s2 =	rddreg [dreg:$0x1]  }
0x3: {  	s1 =	rddreg [dreg:$0x2]  }
0x4: {  	s3 =	srdreg.scid;
	s5 =	stileid.u32  }
0x5: {  	s17 =	simm.s32 $0x2;
	s28 =	simm.s32 $0xE200;
	s29 =	simm.s32 $0x80  }
0x6: {  	s30 =	simm.s32 $0x400;
	s31 =	simm.s32 $0x1;
	s4 =	sand.u32 $0x1, s3  }
0x7: {  	s3 =	simm.s32 $0x0;
	s5 =	sshll.u32 s5, $0xA;
	s6 =	sshll.u32 s4, $0x9  }
0x8: {  	[smem:$0x7FF] =	sst s3;
	s7 =	ssub.s32 $0x2, s4;
	s4 =	sadd.s32 $0x41400, s2  }
0x9: {  	s6 =	sor.u32 s6, s5;
	_ =	strace $0x8000004D;
	s8 =	sshrl.u32 s7, $0x1  }
0xa: {  	s5 =	sshll.u32 s6, $0x4;
	s16 =	ssub.s32 s7, s8;
	s15 =	sshrl.u32 s6, $0x3  }
0xb: {  	vm0 =	vmmov $0x1;
	vm1 =	vmmov $0x3;
	vm2 =	vmmov $0x7;
	s14 =	sadd.s32 s5, s2;
	s5 =	sadd.s32 $0x800, s2;
	s6 =	sadd.s32 s0, s15  }
0xc: {  	vm3 =	vmmov $0xf;
	vm4 =	vmmov $0x1f;
	vm5 =	vmmov $0x3f;
	s15 =	sadd.s32 s1, s15;
	s16 =	smax.u32 s16, $0x1;
	s0 =	simm.s32 $0x18480  }
0xd: {  	vm6 =	vmmov $0x7f;
	vm7 =	vmmov $0xff;
	vm8 =	vmmov $0x1ff;
	s1 =	simm.s32 $0x0;
	s7 =	sadd.s32 $0x1400, s14;
	s8 =	sadd.s32 $0x1800, s14  }
0xe: {  	vm9 =	vmmov $0x3ff;
	vm10 =	vmmov $0x7ff;
	vm11 =	vmmov $0xfff;
	s9 =	sadd.s32 $0x1C00, s14;
	s10 =	sadd.s32 $0x2000, s14;
	s11 =	sadd.s32 $0x2400, s14  }
0xf: {  	vm12 =	vmmov $0x1fff;
	vm13 =	vmmov $0x3fff;
	vm14 =	vmmov $0x7fff;
	s12 =	sadd.s32 $0x2800, s14;
	s13 =	sadd.s32 $0x2C00, s14;
	s14 =	sadd.s32 $0x3000, s14  }
.LBB2_1:
0x10: {  	[tilespmem:s3], [sflag:$0x2] =	stream.linear.gather [hbm4b:s6+s3], $0x200, $0x38;
	[tilespmem:$0x18680] =	vst v63  }
0x11: {  	_ =	swait.ge [sflag:s17], $0x200  }
0x12: {  	[sflag:s17] =	ssyncset.done $0x0  }
0x13: {  	s18 =	simm.s32 $0x18200;
	[sflag:s17] =	ssyncadd.s32 $0xFFFFFE00  }
0x14: {  	[tilespmem:s18], [sflag:$0x2] =	stream.linear.gather [hbm4b:s5+s3], $0x200, $0x38;
	[tilespmem:$0x18680] =	vst v63  }
0x15: {  	_ =	swait.ge [sflag:s17], $0x200  }
0x16: {  	[sflag:s17] =	ssyncset.done $0x0  }
0x17: {  	s20 =	simm.s32 $0x18400;
	[sflag:s17] =	ssyncadd.s32 $0xFFFFFE00  }
0x18: {  	[tilespmem:s20], [sflag:$0x2] =	stream.linear.gather [hbm4b:s2+s3], $0x80, $0x38;
	[tilespmem:$0x18680] =	vst v63  }
0x19: {  	_ =	swait.ge [sflag:s17], $0x80  }
0x1a: {  	[sflag:s17] =	ssyncset.done $0x0  }
0x1b: {  	s21 =	simm.s32 $0x200;
	[sflag:s17] =	ssyncadd.s32 $0xFFFFFF80  }
0x1c: {  	[tilespmem:s21], [sflag:$0x1] =	stream.linear.gather [hbm4b:s7+s3], $0x2000, $0x38;
	[tilespmem:$0x18680] =	vst v63  }
0x1d: {  	s22 =	simm.s32 $0x2200  }
0x1e: {  	[tilespmem:s22], [sflag:$0x1] =	stream.linear.gather [hbm4b:s8+s3], $0x2000, $0x38;
	[tilespmem:$0x18680] =	vst v63  }
0x1f: {  	s23 =	simm.s32 $0x4200  }
0x20: {  	[tilespmem:s23], [sflag:$0x1] =	stream.linear.gather [hbm4b:s9+s3], $0x2000, $0x38;
	[tilespmem:$0x18680] =	vst v63  }
0x21: {  	s24 =	simm.s32 $0x6200  }
0x22: {  	[tilespmem:s24], [sflag:$0x1] =	stream.linear.gather [hbm4b:s10+s3], $0x2000, $0x38;
	[tilespmem:$0x18680] =	vst v63  }
0x23: {  	s25 =	simm.s32 $0x8200  }
0x24: {  	[tilespmem:s25], [sflag:$0x1] =	stream.linear.gather [hbm4b:s11+s3], $0x2000, $0x38;
	[tilespmem:$0x18680] =	vst v63  }
0x25: {  	s26 =	simm.s32 $0xA200  }
0x26: {  	[tilespmem:s26], [sflag:$0x1] =	stream.linear.gather [hbm4b:s12+s3], $0x2000, $0x38;
	[tilespmem:$0x18680] =	vst v63  }
0x27: {  	s19 =	simm.s32 $0xC200  }
0x28: {  	[tilespmem:s19], [sflag:$0x1] =	stream.linear.gather [hbm4b:s13+s3], $0x2000, $0x38;
	[tilespmem:$0x18680] =	vst v63  }
0x29: {  	_ = 	snop  }
0x2a: {  	[tilespmem:s28], [sflag:$0x1] =	stream.linear.gather [hbm4b:s14+s3], $0x2000, $0x38;
	[tilespmem:$0x18680] =	vst v63  }
0x2b: {  	v0 =	vld [tilespmem:s3+$0x0];
	_ =	sdelay $0x4  }
0x2c: {  	v0 =	vshll.u32 v0, $0x4  }
0x2d: {  	(v2sf) =	vpush v0, $0x0;
	_ =	sdelay $0x3  }
0x2e: {  	(v2sf) =	vpush v0, $0x1;
	_ =	sdelay $0x4  }
0x2f: {  	(v2sf) =	vpush v0, $0x2;
	_ =	sdelay $0x5  }
0x30: {  	s20 =	spop (v2sf)  }
0x31: {  	(v2sf) =	vpush v0, $0x3;
	s18 =	sand.u32 $0x1FFFFFF0, s20  }
0x32: {  	s19 =	simm.s32 $0x10200;
	s18 =	sadd.s32 s4, s18  }
0x33: {  	[tilespmem:s19], [sflag:$0x1] =	stream.strided.gather [hbm4b:s18+s29], $0x0, s30, s29, $0x38;
	[tilespmem:$0x18680] =	vst v63  }
0x34: {  	s21 =	spop (v2sf)  }
0x35: {  	(v2sf) =	vpush v0, $0x4;
	[tilespmem:s19], [sflag:$0x1] =	stream.linear.gather [hbm4b:s18+s3], $0x40, $0x38;
	[tilespmem:$0x18680] =	vst v63  }
0x36: {  	s18 =	sand.u32 $0x1FFFFFF0, s21  }
0x37: {  	s22 =	simm.s32 $0x10240;
	s18 =	sadd.s32 s4, s18  }
0x38: {  	[tilespmem:s22], [sflag:$0x1] =	stream.strided.gather [hbm4b:s18+s29], $0x0, s30, s29, $0x38;
	[tilespmem:$0x18680] =	vst v63  }
0x39: {  	s23 =	spop (v2sf)  }
0x3a: {  	(v2sf) =	vpush v0, $0x5;
	[tilespmem:s22], [sflag:$0x1] =	stream.linear.gather [hbm4b:s18+s3], $0x40, $0x38;
	[tilespmem:$0x18680] =	vst v63  }
0x3b: {  	s18 =	sand.u32 $0x1FFFFFF0, s23  }
0x3c: {  	s24 =	simm.s32 $0x10280;
	s18 =	sadd.s32 s4, s18  }
0x3d: {  	[tilespmem:s24], [sflag:$0x1] =	stream.strided.gather [hbm4b:s18+s29], $0x0, s30, s29, $0x38;
	[tilespmem:$0x18680] =	vst v63  }
0x3e: {  	_ = 	snop  }
0x3f: {  	[tilespmem:s24], [sflag:$0x1] =	stream.linear.gather [hbm4b:s18+s3], $0x40, $0x38;
	[tilespmem:$0x18680] =	vst v63  }
0x40: {  	s25 =	spop (v2sf)  }
0x41: {  	(v2sf) =	vpush v0, $0x6;
	s18 =	sand.u32 $0x1FFFFFF0, s25  }
0x42: {  	s26 =	simm.s32 $0x102C0;
	s18 =	sadd.s32 s4, s18  }
0x43: {  	[tilespmem:s26], [sflag:$0x1] =	stream.strided.gather [hbm4b:s18+s29], $0x0, s30, s29, $0x38;
	[tilespmem:$0x18680] =	vst v63  }
0x44: {  	s19 =	spop (v2sf)  }
0x45: {  	(v2sf) =	vpush v0, $0x7;
	[tilespmem:s26], [sflag:$0x1] =	stream.linear.gather [hbm4b:s18+s3], $0x40, $0x38;
	[tilespmem:$0x18680] =	vst v63  }
0x46: {  	s18 =	sand.u32 $0x1FFFFFF0, s19  }
0x47: {  	s20 =	simm.s32 $0x10300;
	s18 =	sadd.s32 s4, s18  }
0x48: {  	[tilespmem:s20], [sflag:$0x1] =	stream.strided.gather [hbm4b:s18+s29], $0x0, s30, s29, $0x38;
	[tilespmem:$0x18680] =	vst v63  }
0x49: {  	s21 =	spop (v2sf)  }
0x4a: {  	(v2sf) =	vpush v0, $0x8;
	[tilespmem:s20], [sflag:$0x1] =	stream.linear.gather [hbm4b:s18+s3], $0x40, $0x38;
	[tilespmem:$0x18680] =	vst v63  }
0x4b: {  	s18 =	sand.u32 $0x1FFFFFF0, s21  }
0x4c: {  	s22 =	simm.s32 $0x10340;
	s18 =	sadd.s32 s4, s18  }
0x4d: {  	[tilespmem:s22], [sflag:$0x1] =	stream.strided.gather [hbm4b:s18+s29], $0x0, s30, s29, $0x38;
	[tilespmem:$0x18680] =	vst v63  }
0x4e: {  	_ = 	snop  }
0x4f: {  	[tilespmem:s22], [sflag:$0x1] =	stream.linear.gather [hbm4b:s18+s3], $0x40, $0x38;
	[tilespmem:$0x18680] =	vst v63  }
0x50: {  	s23 =	spop (v2sf)  }
0x51: {  	(v2sf) =	vpush v0, $0x9;
	s18 =	sand.u32 $0x1FFFFFF0, s23  }
0x52: {  	s24 =	simm.s32 $0x10380;
	s18 =	sadd.s32 s4, s18  }
0x53: {  	[tilespmem:s24], [sflag:$0x1] =	stream.strided.gather [hbm4b:s18+s29], $0x0, s30, s29, $0x38;
	[tilespmem:$0x18680] =	vst v63  }
0x54: {  	s25 =	spop (v2sf)  }
0x55: {  	(v2sf) =	vpush v0, $0xA;
	[tilespmem:s24], [sflag:$0x1] =	stream.linear.gather [hbm4b:s18+s3], $0x40, $0x38;
	[tilespmem:$0x18680] =	vst v63  }
0x56: {  	s18 =	sand.u32 $0x1FFFFFF0, s25  }
0x57: {  	s26 =	simm.s32 $0x103C0;
	s18 =	sadd.s32 s4, s18  }
0x58: {  	[tilespmem:s26], [sflag:$0x1] =	stream.strided.gather [hbm4b:s18+s29], $0x0, s30, s29, $0x38;
	[tilespmem:$0x18680] =	vst v63  }
0x59: {  	s19 =	spop (v2sf)  }
0x5a: {  	(v2sf) =	vpush v0, $0xB;
	[tilespmem:s26], [sflag:$0x1] =	stream.linear.gather [hbm4b:s18+s3], $0x40, $0x38;
	[tilespmem:$0x18680] =	vst v63  }
0x5b: {  	s18 =	sand.u32 $0x1FFFFFF0, s19  }
0x5c: {  	s20 =	simm.s32 $0x10400;
	s18 =	sadd.s32 s4, s18  }
0x5d: {  	[tilespmem:s20], [sflag:$0x1] =	stream.strided.gather [hbm4b:s18+s29], $0x0, s30, s29, $0x38;
	[tilespmem:$0x18680] =	vst v63  }
0x5e: {  	_ = 	snop  }
0x5f: {  	[tilespmem:s20], [sflag:$0x1] =	stream.linear.gather [hbm4b:s18+s3], $0x40, $0x38;
	[tilespmem:$0x18680] =	vst v63  }
0x60: {  	s21 =	spop (v2sf)  }
0x61: {  	(v2sf) =	vpush v0, $0xC;
	s18 =	sand.u32 $0x1FFFFFF0, s21  }
0x62: {  	s22 =	simm.s32 $0x10440;
	s18 =	sadd.s32 s4, s18  }
0x63: {  	[tilespmem:s22], [sflag:$0x1] =	stream.strided.gather [hbm4b:s18+s29], $0x0, s30, s29, $0x38;
	[tilespmem:$0x18680] =	vst v63  }
0x64: {  	s23 =	spop (v2sf)  }
0x65: {  	(v2sf) =	vpush v0, $0xD;
	[tilespmem:s22], [sflag:$0x1] =	stream.linear.gather [hbm4b:s18+s3], $0x40, $0x38;
	[tilespmem:$0x18680] =	vst v63  }
0x66: {  	s18 =	sand.u32 $0x1FFFFFF0, s23  }
0x67: {  	s24 =	simm.s32 $0x10480;
	s18 =	sadd.s32 s4, s18  }
0x68: {  	[tilespmem:s24], [sflag:$0x1] =	stream.strided.gather [hbm4b:s18+s29], $0x0, s30, s29, $0x38;
	[tilespmem:$0x18680] =	vst v63  }
0x69: {  	s25 =	spop (v2sf)  }
0x6a: {  	(v2sf) =	vpush v0, $0xE;
	[tilespmem:s24], [sflag:$0x1] =	stream.linear.gather [hbm4b:s18+s3], $0x40, $0x38;
	[tilespmem:$0x18680] =	vst v63  }
0x6b: {  	s18 =	sand.u32 $0x1FFFFFF0, s25  }
0x6c: {  	s26 =	simm.s32 $0x104C0;
	s18 =	sadd.s32 s4, s18  }
0x6d: {  	[tilespmem:s26], [sflag:$0x1] =	stream.strided.gather [hbm4b:s18+s29], $0x0, s30, s29, $0x38;
	[tilespmem:$0x18680] =	vst v63  }
0x6e: {  	_ = 	snop  }
0x6f: {  	[tilespmem:s26], [sflag:$0x1] =	stream.linear.gather [hbm4b:s18+s3], $0x40, $0x38;
	[tilespmem:$0x18680] =	vst v63  }
0x70: {  	s19 =	spop (v2sf)  }
0x71: {  	(v2sf) =	vpush v0, $0xF;
	s18 =	sand.u32 $0x1FFFFFF0, s19  }
0x72: {  	s20 =	simm.s32 $0x10500;
	s18 =	sadd.s32 s4, s18  }
0x73: {  	[tilespmem:s20], [sflag:$0x1] =	stream.strided.gather [hbm4b:s18+s29], $0x0, s30, s29, $0x38;
	[tilespmem:$0x18680] =	vst v63  }
0x74: {  	s21 =	spop (v2sf)  }
0x75: {  	[tilespmem:s20], [sflag:$0x1] =	stream.linear.gather [hbm4b:s18+s3], $0x40, $0x38;
	[tilespmem:$0x18680] =	vst v63  }
0x76: {  	s18 =	sand.u32 $0x1FFFFFF0, s21  }
0x77: {  	s22 =	simm.s32 $0x10540;
	s18 =	sadd.s32 s4, s18  }
0x78: {  	[tilespmem:s22], [sflag:$0x1] =	stream.strided.gather [hbm4b:s18+s29], $0x0, s30, s29, $0x38;
	[tilespmem:$0x18680] =	vst v63  }
0x79: {  	s23 =	spop (v2sf)  }
0x7a: {  	[tilespmem:s22], [sflag:$0x1] =	stream.linear.gather [hbm4b:s18+s3], $0x40, $0x38;
	[tilespmem:$0x18680] =	vst v63  }
0x7b: {  	s18 =	sand.u32 $0x1FFFFFF0, s23  }
0x7c: {  	s24 =	simm.s32 $0x10580;
	s18 =	sadd.s32 s4, s18  }
0x7d: {  	[tilespmem:s24], [sflag:$0x1] =	stream.strided.gather [hbm4b:s18+s29], $0x0, s30, s29, $0x38;
	[tilespmem:$0x18680] =	vst v63  }
0x7e: {  	_ = 	snop  }
0x7f: {  	[tilespmem:s24], [sflag:$0x1] =	stream.linear.gather [hbm4b:s18+s3], $0x40, $0x38;
	[tilespmem:$0x18680] =	vst v63  }
0x80: {  	s25 =	spop (v2sf)  }
0x81: {  	s18 =	sand.u32 $0x1FFFFFF0, s25  }
0x82: {  	s26 =	simm.s32 $0x105C0;
	s18 =	sadd.s32 s4, s18  }
0x83: {  	[tilespmem:s26], [sflag:$0x1] =	stream.strided.gather [hbm4b:s18+s29], $0x0, s30, s29, $0x38;
	[tilespmem:$0x18680] =	vst v63  }
0x84: {  	_ = 	snop  }
0x85: {  	[tilespmem:s26], [sflag:$0x1] =	stream.linear.gather [hbm4b:s18+s3], $0x40, $0x38;
	[tilespmem:$0x18680] =	vst v63  }
0x86: {  	_ =	swait.ge [sflag:s31], $0x40  }
0x87: {  	[sflag:s31] =	ssyncset.done $0x0  }
0x88: {  	[sflag:s31] =	ssyncadd.s32 $0xFFFFFFC0  }
0x89: {  	_ =	swait.ge [sflag:s31], $0x40  }
0x8a: {  	[sflag:s31] =	ssyncset.done $0x0  }
0x8b: {  	[sflag:s31] =	ssyncadd.s32 $0xFFFFFFC0  }
0x8c: {  	_ =	swait.ge [sflag:s31], $0x40  }
0x8d: {  	[sflag:s31] =	ssyncset.done $0x0  }
0x8e: {  	[sflag:s31] =	ssyncadd.s32 $0xFFFFFFC0  }
0x8f: {  	_ =	swait.ge [sflag:s31], $0x40  }
0x90: {  	[sflag:s31] =	ssyncset.done $0x0  }
0x91: {  	[sflag:s31] =	ssyncadd.s32 $0xFFFFFFC0  }
0x92: {  	_ =	swait.ge [sflag:s31], $0x40  }
0x93: {  	[sflag:s31] =	ssyncset.done $0x0  }
0x94: {  	[sflag:s31] =	ssyncadd.s32 $0xFFFFFFC0  }
0x95: {  	_ =	swait.ge [sflag:s31], $0x40  }
0x96: {  	[sflag:s31] =	ssyncset.done $0x0  }
0x97: {  	[sflag:s31] =	ssyncadd.s32 $0xFFFFFFC0  }
0x98: {  	_ =	swait.ge [sflag:s31], $0x40  }
0x99: {  	[sflag:s31] =	ssyncset.done $0x0  }
0x9a: {  	[sflag:s31] =	ssyncadd.s32 $0xFFFFFFC0  }
0x9b: {  	_ =	swait.ge [sflag:s31], $0x40  }
0x9c: {  	[sflag:s31] =	ssyncset.done $0x0  }
0x9d: {  	[sflag:s31] =	ssyncadd.s32 $0xFFFFFFC0  }
0x9e: {  	_ =	swait.ge [sflag:s31], $0x40  }
0x9f: {  	[sflag:s31] =	ssyncset.done $0x0  }
0xa0: {  	[sflag:s31] =	ssyncadd.s32 $0xFFFFFFC0  }
0xa1: {  	_ =	swait.ge [sflag:s31], $0x40  }
0xa2: {  	[sflag:s31] =	ssyncset.done $0x0  }
0xa3: {  	[sflag:s31] =	ssyncadd.s32 $0xFFFFFFC0  }
0xa4: {  	_ =	swait.ge [sflag:s31], $0x40  }
0xa5: {  	[sflag:s31] =	ssyncset.done $0x0  }
0xa6: {  	[sflag:s31] =	ssyncadd.s32 $0xFFFFFFC0  }
0xa7: {  	_ =	swait.ge [sflag:s31], $0x40  }
0xa8: {  	[sflag:s31] =	ssyncset.done $0x0  }
0xa9: {  	[sflag:s31] =	ssyncadd.s32 $0xFFFFFFC0  }
0xaa: {  	_ =	swait.ge [sflag:s31], $0x40  }
0xab: {  	[sflag:s31] =	ssyncset.done $0x0  }
0xac: {  	[sflag:s31] =	ssyncadd.s32 $0xFFFFFFC0  }
0xad: {  	_ =	swait.ge [sflag:s31], $0x40  }
0xae: {  	[sflag:s31] =	ssyncset.done $0x0  }
0xaf: {  	[sflag:s31] =	ssyncadd.s32 $0xFFFFFFC0  }
0xb0: {  	_ =	swait.ge [sflag:s31], $0x40  }
0xb1: {  	s19 =	simm.s32 $0x0;
	s18 =	simm.s32 $0x1000;
	[sflag:s31] =	ssyncset.done $0x0  }
.LBB2_2:
0xb2: {  	p0 =	sne.s32 s18, $0x1F000;
	[sflag:s31] =	ssyncadd.s32 $0xFFFFFFC0;
	s19 =	sadd.s32 $0x10, s19  }
0xb3: {  	s20 =	smov.u32 s18;
	s18 =	sadd.s32 $0x1000, s18;
	_ =	swait.ge [sflag:s31], $0x40  }
0xb4: {  	[sflag:s31] =	ssyncset.done $0x0  }
0xb5: {  	[sflag:s31] =	ssyncadd.s32 $0xFFFFFFC0  }
0xb6: {  	v0 =	vld [tilespmem:s19+$0x0];
	_ =	sdelay $0x4  }
0xb7: {  	v0 =	vshll.u32 v0, $0x4  }
0xb8: {  	(v2sf) =	vpush v0, $0x0  }
0xb9: {  	(v2sf) =	vpush v0, $0x1  }
0xba: {  	(v2sf) =	vpush v0, $0x2;
	_ =	sdelay $0x1  }
0xbb: {  	(v2sf) =	vpush v0, $0x3;
	_ =	sdelay $0x1  }
0xbc: {  	(v2sf) =	vpush v0, $0x4;
	_ =	sdelay $0x3  }
0xbd: {  	(v2sf) =	vpush v0, $0x5;
	_ =	sdelay $0x2  }
0xbe: {  	s20 =	sshra.s32 s20, $0x2  }
0xbf: {  	s21 =	sadd.s32 $0x10240, s20;
	(v2sf) =	vpush v0, $0x6  }
0xc0: {  	s22 =	sadd.s32 $0x10200, s20;
	s23 =	spop (v2sf)  }
0xc1: {  	s23 =	sand.u32 $0x1FFFFFF0, s23;
	s24 =	spop (v2sf)  }
0xc2: {  	s23 =	sadd.s32 s4, s23;
	s24 =	sand.u32 $0x1FFFFFF0, s24;
	s25 =	spop (v2sf)  }
0xc3: {  	[tilespmem:s22], [sflag:$0x1] =	stream.strided.gather [hbm4b:s23+s29], $0x0, s30, s29, $0x38;
	(v2sf) =	vpush v0, $0x7;
	[tilespmem:$0x18680] =	vst v63  }
0xc4: {  	s24 =	sadd.s32 s4, s24;
	s25 =	sand.u32 $0x1FFFFFF0, s25;
	s26 =	spop (v2sf)  }
0xc5: {  	[tilespmem:s22], [sflag:$0x1] =	stream.linear.gather [hbm4b:s23+s3], $0x40, $0x38;
	[tilespmem:$0x18680] =	vst v63  }
0xc6: {  	s22 =	sand.u32 $0x1FFFFFF0, s26;
	s23 =	spop (v2sf)  }
0xc7: {  	[tilespmem:s21], [sflag:$0x1] =	stream.strided.gather [hbm4b:s24+s29], $0x0, s30, s29, $0x38;
	(v2sf) =	vpush v0, $0x8;
	[tilespmem:$0x18680] =	vst v63  }
0xc8: {  	s25 =	sadd.s32 s4, s25;
	s26 =	sadd.s32 $0x10280, s20;
	s23 =	sand.u32 $0x1FFFFFF0, s23  }
0xc9: {  	[tilespmem:s21], [sflag:$0x1] =	stream.linear.gather [hbm4b:s24+s3], $0x40, $0x38;
	[tilespmem:$0x18680] =	vst v63  }
0xca: {  	s21 =	spop (v2sf)  }
0xcb: {  	[tilespmem:s26], [sflag:$0x1] =	stream.strided.gather [hbm4b:s25+s29], $0x0, s30, s29, $0x38;
	(v2sf) =	vpush v0, $0x9;
	[tilespmem:$0x18680] =	vst v63  }
0xcc: {  	s22 =	sadd.s32 s4, s22;
	s24 =	sadd.s32 $0x102C0, s20;
	s21 =	sand.u32 $0x1FFFFFF0, s21  }
0xcd: {  	[tilespmem:s26], [sflag:$0x1] =	stream.linear.gather [hbm4b:s25+s3], $0x40, $0x38;
	[tilespmem:$0x18680] =	vst v63  }
0xce: {  	s25 =	spop (v2sf)  }
0xcf: {  	[tilespmem:s24], [sflag:$0x1] =	stream.strided.gather [hbm4b:s22+s29], $0x0, s30, s29, $0x38;
	(v2sf) =	vpush v0, $0xA;
	[tilespmem:$0x18680] =	vst v63  }
0xd0: {  	s23 =	sadd.s32 s4, s23;
	s26 =	sadd.s32 $0x10300, s20;
	s25 =	sand.u32 $0x1FFFFFF0, s25  }
0xd1: {  	[tilespmem:s24], [sflag:$0x1] =	stream.linear.gather [hbm4b:s22+s3], $0x40, $0x38;
	[tilespmem:$0x18680] =	vst v63  }
0xd2: {  	s22 =	spop (v2sf)  }
0xd3: {  	[tilespmem:s26], [sflag:$0x1] =	stream.strided.gather [hbm4b:s23+s29], $0x0, s30, s29, $0x38;
	(v2sf) =	vpush v0, $0xB;
	[tilespmem:$0x18680] =	vst v63  }
0xd4: {  	s21 =	sadd.s32 s4, s21;
	s24 =	sadd.s32 $0x10340, s20;
	s22 =	sand.u32 $0x1FFFFFF0, s22  }
0xd5: {  	[tilespmem:s26], [sflag:$0x1] =	stream.linear.gather [hbm4b:s23+s3], $0x40, $0x38;
	[tilespmem:$0x18680] =	vst v63  }
0xd6: {  	s23 =	spop (v2sf)  }
0xd7: {  	[tilespmem:s24], [sflag:$0x1] =	stream.strided.gather [hbm4b:s21+s29], $0x0, s30, s29, $0x38;
	(v2sf) =	vpush v0, $0xC;
	[tilespmem:$0x18680] =	vst v63  }
0xd8: {  	s25 =	sadd.s32 s4, s25;
	s26 =	sadd.s32 $0x10380, s20;
	s23 =	sand.u32 $0x1FFFFFF0, s23  }
0xd9: {  	[tilespmem:s24], [sflag:$0x1] =	stream.linear.gather [hbm4b:s21+s3], $0x40, $0x38;
	[tilespmem:$0x18680] =	vst v63  }
0xda: {  	s21 =	spop (v2sf)  }
0xdb: {  	[tilespmem:s26], [sflag:$0x1] =	stream.strided.gather [hbm4b:s25+s29], $0x0, s30, s29, $0x38;
	(v2sf) =	vpush v0, $0xD;
	[tilespmem:$0x18680] =	vst v63  }
0xdc: {  	s22 =	sadd.s32 s4, s22;
	s24 =	sadd.s32 $0x103C0, s20;
	s21 =	sand.u32 $0x1FFFFFF0, s21  }
0xdd: {  	[tilespmem:s26], [sflag:$0x1] =	stream.linear.gather [hbm4b:s25+s3], $0x40, $0x38;
	[tilespmem:$0x18680] =	vst v63  }
0xde: {  	s25 =	spop (v2sf)  }
0xdf: {  	[tilespmem:s24], [sflag:$0x1] =	stream.strided.gather [hbm4b:s22+s29], $0x0, s30, s29, $0x38;
	(v2sf) =	vpush v0, $0xE;
	[tilespmem:$0x18680] =	vst v63  }
0xe0: {  	s23 =	sadd.s32 s4, s23;
	s26 =	sadd.s32 $0x10400, s20;
	s25 =	sand.u32 $0x1FFFFFF0, s25  }
0xe1: {  	[tilespmem:s24], [sflag:$0x1] =	stream.linear.gather [hbm4b:s22+s3], $0x40, $0x38;
	[tilespmem:$0x18680] =	vst v63  }
0xe2: {  	s22 =	spop (v2sf)  }
0xe3: {  	[tilespmem:s26], [sflag:$0x1] =	stream.strided.gather [hbm4b:s23+s29], $0x0, s30, s29, $0x38;
	(v2sf) =	vpush v0, $0xF;
	[tilespmem:$0x18680] =	vst v63  }
0xe4: {  	s21 =	sadd.s32 s4, s21;
	s24 =	sadd.s32 $0x10440, s20;
	s22 =	sand.u32 $0x1FFFFFF0, s22  }
0xe5: {  	[tilespmem:s26], [sflag:$0x1] =	stream.linear.gather [hbm4b:s23+s3], $0x40, $0x38;
	[tilespmem:$0x18680] =	vst v63  }
0xe6: {  	s23 =	spop (v2sf)  }
0xe7: {  	[tilespmem:s24], [sflag:$0x1] =	stream.strided.gather [hbm4b:s21+s29], $0x0, s30, s29, $0x38;
	[tilespmem:$0x18680] =	vst v63  }
0xe8: {  	s25 =	sadd.s32 s4, s25;
	s26 =	sadd.s32 $0x10480, s20;
	s23 =	sand.u32 $0x1FFFFFF0, s23  }
0xe9: {  	[tilespmem:s24], [sflag:$0x1] =	stream.linear.gather [hbm4b:s21+s3], $0x40, $0x38;
	[tilespmem:$0x18680] =	vst v63  }
0xea: {  	s21 =	spop (v2sf)  }
0xeb: {  	[tilespmem:s26], [sflag:$0x1] =	stream.strided.gather [hbm4b:s25+s29], $0x0, s30, s29, $0x38;
	[tilespmem:$0x18680] =	vst v63  }
0xec: {  	s22 =	sadd.s32 s4, s22;
	s24 =	sadd.s32 $0x104C0, s20;
	s21 =	sand.u32 $0x1FFFFFF0, s21  }
0xed: {  	[tilespmem:s26], [sflag:$0x1] =	stream.linear.gather [hbm4b:s25+s3], $0x40, $0x38;
	[tilespmem:$0x18680] =	vst v63  }
0xee: {  	s25 =	spop (v2sf)  }
0xef: {  	[tilespmem:s24], [sflag:$0x1] =	stream.strided.gather [hbm4b:s22+s29], $0x0, s30, s29, $0x38;
	[tilespmem:$0x18680] =	vst v63  }
0xf0: {  	s23 =	sadd.s32 s4, s23;
	s26 =	sadd.s32 $0x10500, s20;
	s25 =	sand.u32 $0x1FFFFFF0, s25  }
0xf1: {  	[tilespmem:s24], [sflag:$0x1] =	stream.linear.gather [hbm4b:s22+s3], $0x40, $0x38;
	[tilespmem:$0x18680] =	vst v63  }
0xf2: {  	s22 =	spop (v2sf)  }
0xf3: {  	[tilespmem:s26], [sflag:$0x1] =	stream.strided.gather [hbm4b:s23+s29], $0x0, s30, s29, $0x38;
	[tilespmem:$0x18680] =	vst v63  }
0xf4: {  	s21 =	sadd.s32 s4, s21;
	s24 =	sadd.s32 $0x10540, s20;
	s22 =	sand.u32 $0x1FFFFFF0, s22  }
0xf5: {  	[tilespmem:s26], [sflag:$0x1] =	stream.linear.gather [hbm4b:s23+s3], $0x40, $0x38;
	[tilespmem:$0x18680] =	vst v63  }
0xf6: {  	_ = 	snop  }
0xf7: {  	[tilespmem:s24], [sflag:$0x1] =	stream.strided.gather [hbm4b:s21+s29], $0x0, s30, s29, $0x38;
	[tilespmem:$0x18680] =	vst v63  }
0xf8: {  	s25 =	sadd.s32 s4, s25;
	s23 =	sadd.s32 $0x10580, s20  }
0xf9: {  	[tilespmem:s24], [sflag:$0x1] =	stream.linear.gather [hbm4b:s21+s3], $0x40, $0x38;
	[tilespmem:$0x18680] =	vst v63  }
0xfa: {  	_ = 	snop  }
0xfb: {  	[tilespmem:s23], [sflag:$0x1] =	stream.strided.gather [hbm4b:s25+s29], $0x0, s30, s29, $0x38;
	[tilespmem:$0x18680] =	vst v63  }
0xfc: {  	s20 =	sadd.s32 $0x105C0, s20;
	s21 =	sadd.s32 s4, s22  }
0xfd: {  	[tilespmem:s23], [sflag:$0x1] =	stream.linear.gather [hbm4b:s25+s3], $0x40, $0x38;
	[tilespmem:$0x18680] =	vst v63  }
0xfe: {  	_ = 	snop  }
0xff: {  	[tilespmem:s20], [sflag:$0x1] =	stream.strided.gather [hbm4b:s21+s29], $0x0, s30, s29, $0x38;
	[tilespmem:$0x18680] =	vst v63  }
0x100: {  	_ = 	snop  }
0x101: {  	[tilespmem:s20], [sflag:$0x1] =	stream.linear.gather [hbm4b:s21+s3], $0x40, $0x38;
	[tilespmem:$0x18680] =	vst v63  }
0x102: {  	_ =	swait.ge [sflag:s31], $0x40  }
0x103: {  	[sflag:s31] =	ssyncset.done $0x0  }
0x104: {  	[sflag:s31] =	ssyncadd.s32 $0xFFFFFFC0  }
0x105: {  	_ =	swait.ge [sflag:s31], $0x40  }
0x106: {  	[sflag:s31] =	ssyncset.done $0x0  }
0x107: {  	[sflag:s31] =	ssyncadd.s32 $0xFFFFFFC0  }
0x108: {  	_ =	swait.ge [sflag:s31], $0x40  }
0x109: {  	[sflag:s31] =	ssyncset.done $0x0  }
0x10a: {  	[sflag:s31] =	ssyncadd.s32 $0xFFFFFFC0  }
0x10b: {  	_ =	swait.ge [sflag:s31], $0x40  }
0x10c: {  	[sflag:s31] =	ssyncset.done $0x0  }
0x10d: {  	[sflag:s31] =	ssyncadd.s32 $0xFFFFFFC0  }
0x10e: {  	_ =	swait.ge [sflag:s31], $0x40  }
0x10f: {  	[sflag:s31] =	ssyncset.done $0x0  }
0x110: {  	[sflag:s31] =	ssyncadd.s32 $0xFFFFFFC0  }
0x111: {  	_ =	swait.ge [sflag:s31], $0x40  }
0x112: {  	[sflag:s31] =	ssyncset.done $0x0  }
0x113: {  	[sflag:s31] =	ssyncadd.s32 $0xFFFFFFC0  }
0x114: {  	_ =	swait.ge [sflag:s31], $0x40  }
0x115: {  	[sflag:s31] =	ssyncset.done $0x0  }
0x116: {  	[sflag:s31] =	ssyncadd.s32 $0xFFFFFFC0  }
0x117: {  	_ =	swait.ge [sflag:s31], $0x40  }
0x118: {  	[sflag:s31] =	ssyncset.done $0x0  }
0x119: {  	[sflag:s31] =	ssyncadd.s32 $0xFFFFFFC0  }
0x11a: {  	_ =	swait.ge [sflag:s31], $0x40  }
0x11b: {  	[sflag:s31] =	ssyncset.done $0x0  }
0x11c: {  	[sflag:s31] =	ssyncadd.s32 $0xFFFFFFC0  }
0x11d: {  	_ =	swait.ge [sflag:s31], $0x40  }
0x11e: {  	[sflag:s31] =	ssyncset.done $0x0  }
0x11f: {  	[sflag:s31] =	ssyncadd.s32 $0xFFFFFFC0  }
0x120: {  	_ =	swait.ge [sflag:s31], $0x40  }
0x121: {  	[sflag:s31] =	ssyncset.done $0x0  }
0x122: {  	[sflag:s31] =	ssyncadd.s32 $0xFFFFFFC0  }
0x123: {  	_ =	swait.ge [sflag:s31], $0x40  }
0x124: {  	[sflag:s31] =	ssyncset.done $0x0  }
0x125: {  	[sflag:s31] =	ssyncadd.s32 $0xFFFFFFC0  }
0x126: {  	_ =	swait.ge [sflag:s31], $0x40  }
0x127: {  	[sflag:s31] =	ssyncset.done $0x0  }
0x128: {  	[sflag:s31] =	ssyncadd.s32 $0xFFFFFFC0  }
.Ltmp0:
0x129: {  	_ =	swait.ge [sflag:s31], $0x40;
	(pc) =	sbr.rel @p0 .LBB2_2-.Ltmp0, $4  }
0x12a: {  	[sflag:s31] =	ssyncset.done $0x0  }
0x12b: {  	[sflag:s31] =	ssyncadd.s32 $0xFFFFFFC0  }
0x12c: {  	_ =	swait.ge [sflag:s31], $0x40  }
0x12d: {  	[sflag:s31] =	ssyncset.done $0x0  }
0x12e: {  	[sflag:s31] =	ssyncadd.s32 $0xFFFFFFC0  }
0x12f: {  	_ =	swait.ge [sflag:s31], $0x40  }
0x130: {  	[sflag:s31] =	ssyncset.done $0x0  }
0x131: {  	[sflag:s31] =	ssyncadd.s32 $0xFFFFFFC0  }
0x132: {  	_ =	swait.ge [sflag:s31], $0x2000  }
0x133: {  	[sflag:s31] =	ssyncset.done $0x0  }
0x134: {  	[sflag:s31] =	ssyncadd.s32 $0xFFFFE000  }
0x135: {  	_ =	swait.ge [sflag:s31], $0x2000  }
0x136: {  	[sflag:s31] =	ssyncset.done $0x0  }
0x137: {  	[sflag:s31] =	ssyncadd.s32 $0xFFFFE000  }
0x138: {  	_ =	swait.ge [sflag:s31], $0x2000  }
0x139: {  	[sflag:s31] =	ssyncset.done $0x0  }
0x13a: {  	[sflag:s31] =	ssyncadd.s32 $0xFFFFE000  }
0x13b: {  	_ =	swait.ge [sflag:s31], $0x2000  }
0x13c: {  	[sflag:s31] =	ssyncset.done $0x0  }
0x13d: {  	[sflag:s31] =	ssyncadd.s32 $0xFFFFE000  }
0x13e: {  	_ =	swait.ge [sflag:s31], $0x2000  }
0x13f: {  	[sflag:s31] =	ssyncset.done $0x0  }
0x140: {  	[sflag:s31] =	ssyncadd.s32 $0xFFFFE000  }
0x141: {  	_ =	swait.ge [sflag:s31], $0x2000  }
0x142: {  	[sflag:s31] =	ssyncset.done $0x0  }
0x143: {  	[sflag:s31] =	ssyncadd.s32 $0xFFFFE000  }
0x144: {  	_ =	swait.ge [sflag:s31], $0x2000  }
0x145: {  	[sflag:s31] =	ssyncset.done $0x0  }
0x146: {  	[sflag:s31] =	ssyncadd.s32 $0xFFFFE000  }
0x147: {  	_ =	swait.ge [sflag:s31], $0x2000  }
0x148: {  	[sflag:s31] =	ssyncset.done $0x0  }
0x149: {  	[sflag:s31] =	ssyncadd.s32 $0xFFFFE000  }
0x14a: {  	v1 =	vld [tilespmem:$0x18200]  }
0x14b: {  	v0 =	vld [tilespmem:$0x18280]  }
0x14c: {  	v63 =	vld [tilespmem:$0x18300]  }
0x14d: {  	s18 =	simm.s32 $0x0;
	v59 =	vld [tilespmem:$0x18380]  }
0x14e: {  	s19 =	sand.u32 $0xF800, s18;
	v61 =	vld [tilespmem:$0x18400]  }
0x14f: {  	s25 =	simm.s32 $0x10400;
	v5 =	vld [tilespmem:s19+$0x930]  }
0x150: {  	v6 =	vld [tilespmem:s25+$0x1B0]  }
0x151: {  	v7 =	vld [tilespmem:s19+$0x980]  }
0x152: {  	v8 =	vld [tilespmem:s25+$0x1C0]  }
0x153: {  	v9 =	vld [tilespmem:s19+$0x990]  }
0x154: {  	v10 =	vld [tilespmem:s25+$0x1D0]  }
0x155: {  	v11 =	vld [tilespmem:s19+$0x920]  }
0x156: {  	v12 =	vld [tilespmem:s25+$0x1A0]  }
0x157: {  	v13 =	vld [tilespmem:s19+$0x830]  }
0x158: {  	v14 =	vld [tilespmem:s25+$0x130]  }
0x159: {  	v15 =	vld [tilespmem:s19+$0x8A0]  }
0x15a: {  	v16 =	vld [tilespmem:s25+$0x160]  }
0x15b: {  	v17 =	vld [tilespmem:s19+$0x900]  }
0x15c: {  	v18 =	vld [tilespmem:s25+$0x180]  }
0x15d: {  	v19 =	vld [tilespmem:s19+$0x910]  }
0x15e: {  	v20 =	vld [tilespmem:s25+$0x190]  }
0x15f: {  	v21 =	vld [tilespmem:s19+$0x7B0]  }
0x160: {  	v22 =	vld [tilespmem:s25+$0xF0]  }
0x161: {  	v23 =	vld [tilespmem:s19+$0x820]  }
0x162: {  	v24 =	vld [tilespmem:s25+$0x120]  }
0x163: {  	v25 =	vld [tilespmem:s19+$0x880]  }
0x164: {  	v26 =	vld [tilespmem:s25+$0x140]  }
0x165: {  	v27 =	vld [tilespmem:s19+$0x890]  }
0x166: {  	v28 =	vld [tilespmem:s25+$0x150]  }
0x167: {  	v29 =	vld [tilespmem:s19+$0x7A0]  }
0x168: {  	v30 =	vld [tilespmem:s25+$0xE0]  }
0x169: {  	v31 =	vld [tilespmem:s19+$0x800]  }
0x16a: {  	v32 =	vld [tilespmem:s25+$0x100]  }
0x16b: {  	v33 =	vld [tilespmem:s19+$0x810]  }
0x16c: {  	v34 =	vld [tilespmem:s25+$0x110]  }
0x16d: {  	v35 =	vld [tilespmem:s19+$0x6B0]  }
0x16e: {  	v36 =	vld [tilespmem:s25+$0x70]  }
0x16f: {  	v37 =	vld [tilespmem:s19+$0x720]  }
0x170: {  	v2 =	vld [tilespmem:s19+$0x5A0]  }
0x171: {  	v38 =	vld [tilespmem:s25+$0xA0]  }
0x172: {  	v39 =	vld [tilespmem:s19+$0x780]  }
0x173: {  	v40 =	vld [tilespmem:s25+$0xC0]  }
0x174: {  	v41 =	vld [tilespmem:s19+$0x790]  }
0x175: {  	[tilespmem:$0x1FE10] =	vst v2;
	v2 =	vld [tilespmem:s25+$0xFFFFFFE0]  }
0x176: {  	v42 =	vld [tilespmem:s25+$0xD0]  }
0x177: {  	v43 =	vld [tilespmem:s19+$0x630]  }
0x178: {  	v44 =	vld [tilespmem:s25+$0x30]  }
0x179: {  	v45 =	vld [tilespmem:s19+$0x6A0]  }
0x17a: {  	[tilespmem:$0x1FE20] =	vst v2;
	v2 =	vld [tilespmem:s19+$0x610]  }
0x17b: {  	v46 =	vld [tilespmem:s25+$0x60]  }
0x17c: {  	v47 =	vld [tilespmem:s19+$0x700]  }
0x17d: {  	v48 =	vld [tilespmem:s25+$0x80]  }
0x17e: {  	v49 =	vld [tilespmem:s19+$0x710]  }
0x17f: {  	[tilespmem:$0x1FDF0] =	vst v2;
	v2 =	vld [tilespmem:s19+$0x4B0]  }
0x180: {  	v50 =	vld [tilespmem:s25+$0x90]  }
0x181: {  	v51 =	vld [tilespmem:s19+$0x620]  }
0x182: {  	v52 =	vld [tilespmem:s25+$0x20]  }
0x183: {  	v53 =	vld [tilespmem:s19+$0x680]  }
0x184: {  	[tilespmem:$0x1FE00] =	vst v2;
	v2 =	vld [tilespmem:s19+$0x520]  }
0x185: {  	v54 =	vld [tilespmem:s25+$0x40]  }
0x186: {  	v55 =	vld [tilespmem:s19+$0x690]  }
0x187: {  	v56 =	vld [tilespmem:s25+$0x50]  }
0x188: {  	v57 =	vld [tilespmem:s19+$0x530]  }
0x189: {  	[tilespmem:$0x1FE30] =	vst v2;
	v2 =	vld [tilespmem:s25+$0xFFFFFFA0]  }
0x18a: {  	v58 =	vld [tilespmem:s25+$0xFFFFFFB0]  }
0x18b: {  	v3 =	vld [tilespmem:s19+$0x600]  }
0x18c: {  	v62 =	vld [tilespmem:s25+$0x0]  }
0x18d: {  	v4 =	vld [tilespmem:s25+$0x10]  }
0x18e: {  	[tilespmem:$0x1FE40] =	vst v2;
	v2 =	vld [tilespmem:s19+$0x580]  }
0x18f: {  	v60 =	vld [tilespmem:s25+$0xFFFFFF70]  }
0x190: {  	v5 =	vmul.f32 v6, v5;
	v6 =	vld [tilespmem:s19+$0x500]  }
0x191: {  	v11 =	vmul.f32 v12, v11;
	v12 =	vld [tilespmem:s25+$0xFFFFFF80]  }
0x192: {  	v13 =	vmul.f32 v14, v13;
	v14 =	vmul.f32 v8, v7;
	v8 =	vld [tilespmem:s19+$0x510]  }
0x193: {  	[tilespmem:$0x1FE70] =	vst v2;
	v2 =	vld [tilespmem:s25+$0xFFFFFFC0]  }
0x194: {  	v18 =	vmul.f32 v18, v17;
	v17 =	vld [tilespmem:s25+$0xFFFFFF90]  }
0x195: {  	v21 =	vmul.f32 v22, v21;
	v22 =	vld [tilespmem:s19+$0x3B0]  }
0x196: {  	v23 =	vmul.f32 v24, v23;
	v24 =	vld [tilespmem:s25+$0xFFFFFEF0]  }
0x197: {  	v20 =	vmul.f32 v20, v19;
	v19 =	vmul.f32 v26, v25;
	v26 =	vld [tilespmem:s19+$0x420]  }
0x198: {  	[tilespmem:$0x1FE80] =	vst v2;
	v2 =	vld [tilespmem:s19+$0x590]  }
0x199: {  	v7 =	vmul.f32 v10, v9;
	v25 =	vmul.f32 v30, v29;
	v29 =	vld [tilespmem:s25+$0xFFFFFF20]  }
0x19a: {  	v9 =	vmul.f32 v28, v27;
	v27 =	vmul.f32 v32, v31;
	v31 =	vld [tilespmem:s19+$0x480]  }
0x19b: {  	v28 =	vmul.f32 v34, v33;
	v34 =	vld [tilespmem:s25+$0xFFFFFF40]  }
0x19c: {  	v10 =	vmul.f32 v38, v37;
	v37 =	vld [tilespmem:s19+$0x490]  }
0x19d: {  	[tilespmem:$0x1FE90] =	vst v2;
	v2 =	vld [tilespmem:s25+$0xFFFFFFD0]  }
0x19e: {  	v30 =	vmul.f32 v36, v35;
	v32 =	vmul.f32 v40, v39;
	v38 =	vld [tilespmem:s25+$0xFFFFFF50]  }
0x19f: {  	v33 =	vmul.f32 v42, v41;
	v35 =	vmul.f32 v44, v43;
	v40 =	vld [tilespmem:s19+$0x330]  }
0x1a0: {  	v46 =	vmul.f32 v46, v45;
	v54 =	vmul.f32 v54, v53;
	v42 =	vld [tilespmem:s25+$0xFFFFFEB0]  }
0x1a1: {  	v43 =	vld [tilespmem:s19+$0x3A0];
	v53 =	vmul.f32 v52, v51;
	[tilespmem:$0x1FEB0] =	vst v7;
	v7 =	vmul.f32 v16, v15  }
0x1a2: {  	s20 =	simm.s32 $0x220;
	v15 =	vmul.f32 v48, v47;
	v16 =	vmul.f32 v50, v49;
	[tilespmem:$0x1FEA0] =	vst v2;
	v2 =	vld [tilespmem:s19+$0x4A0]  }
0x1a3: {  	v44 =	vld [tilespmem:s20+$0x10];
	v18 =	vmul.f32 v18, v1;
	v20 =	vmul.f32 v20, v0  }
0x1a4: {  	v49 =	vmul.f32 v33, v0;
	v33 =	vmul.f32 v35, v59;
	v35 =	vld [tilespmem:s25+$0xFFFFFF10]  }
0x1a5: {  	v39 =	vmul.f32 v54, v1;
	v54 =	vmul.f32 v62, v3;
	v3 =	vld [tilespmem:$0x1FE10]  }
0x1a6: {  	v48 =	vmul.f32 v56, v55;
	v45 =	vmul.f32 v53, v63;
	v53 =	vld [tilespmem:s20+$0x0]  }
0x1a7: {  	v27 =	vmul.f32 v27, v1;
	v28 =	vmul.f32 v28, v0;
	[tilespmem:$0x1FE60] =	vst v2;
	v2 =	vld [tilespmem:s25+$0xFFFFFF60]  }
0x1a8: {  	v5 =	vmul.f32 v5, v59;
	v50 =	vmul.f32 v58, v57;
	v58 =	vld [tilespmem:s19+$0x300]  }
0x1a9: {  	v11 =	vmul.f32 v11, v63;
	v13 =	vmul.f32 v13, v59;
	v62 =	vld [tilespmem:s25+$0xFFFFFE90];
	v18 =	vadd.f32 v20, v18  }
0x1aa: {  	v23 =	vmul.f32 v23, v63;
	v20 =	vld [tilespmem:s25+$0xFFFFFEE0];
	v27 =	vadd.f32 v28, v27;
	v41 =	vmul.f32 v48, v0  }
0x1ab: {  	v28 =	vld [tilespmem:s19+$0x400];
	v8 =	vmul.f32 v17, v8;
	v11 =	vadd.f32 v11, v18;
	v18 =	vmul.f32 v21, v59  }
0x1ac: {  	v23 =	vadd.f32 v23, v27;
	v27 =	vmul.f32 v30, v59;
	v30 =	vmul.f32 v32, v1;
	[tilespmem:$0x1FE50] =	vst v2;
	v2 =	vld [tilespmem:$0x1FDF0]  }
0x1ad: {  	v17 =	vld [tilespmem:s25+$0xFFFFFE20];
	v21 =	vmul.f32 v25, v63;
	v39 =	vadd.f32 v41, v39;
	v5 =	vadd.f32 v5, v11  }
0x1ae: {  	v41 =	vld [tilespmem:s25+$0xFFFFFEC0];
	v13 =	vadd.f32 v13, v23;
	v23 =	vmul.f32 v46, v63;
	v11 =	vadd.f32 v49, v30  }
0x1af: {  	v49 =	vld [tilespmem:s19+$0x380]  }
0x1b0: {  	v11 =	vadd.f32 v21, v11;
	v23 =	vadd.f32 v23, v39;
	v39 =	vld [tilespmem:s25+$0xFFFFFED0]  }
0x1b1: {  	v55 =	vmul.f32 v4, v2;
	v2 =	vld [tilespmem:$0x1FE00]  }
0x1b2: {  	v6 =	vmul.f32 v12, v6;
	v22 =	vmul.f32 v24, v22;
	v11 =	vadd.f32 v18, v11;
	v18 =	vld [tilespmem:s19+$0x390]  }
0x1b3: {  	v24 =	vmul.f32 v34, v31;
	v31 =	vmul.f32 v38, v37;
	v25 =	vld [tilespmem:s25+$0xFFFFFF00]  }
0x1b4: {  	v26 =	vmul.f32 v29, v26;
	v32 =	vld [tilespmem:s19+$0x410];
	v6 =	vmul.f32 v6, v1  }
0x1b5: {  	v8 =	vmul.f32 v8, v0;
	v24 =	vmul.f32 v24, v1;
	v46 =	vld [tilespmem:s25+$0xFFFFFE30]  }
0x1b6: {  	v29 =	vmul.f32 v31, v0;
	v56 =	vmul.f32 v60, v2;
	v2 =	vld [tilespmem:$0x1FE20]  }
0x1b7: {  	v30 =	vld [tilespmem:s19+$0x320];
	v41 =	vmul.f32 v41, v49;
	v18 =	vmul.f32 v39, v18  }
0x1b8: {  	v6 =	vadd.f32 v8, v6;
	v8 =	vld [tilespmem:s19+$0x310];
	v20 =	vmul.f32 v20, v43  }
0x1b9: {  	v24 =	vadd.f32 v29, v24;
	v29 =	vld [tilespmem:s25+$0xFFFFFE10];
	v37 =	vmul.f32 v41, v1;
	v18 =	vmul.f32 v18, v0  }
0x1ba: {  	v47 =	vadd.f32 v13, v61;
	v21 =	vld [tilespmem:s25+$0xFFFFFEA0]  }
0x1bb: {  	v20 =	vmul.f32 v20, v63;
	v18 =	vadd.f32 v18, v37;
	v13 =	vmul.f32 v2, v3;
	v3 =	vld [tilespmem:$0x1FE30]  }
0x1bc: {  	v36 =	vmul.f32 v50, v59;
	v2 =	vld [tilespmem:$0x1FE40]  }
0x1bd: {  	v22 =	vmul.f32 v22, v59;
	v8 =	vmul.f32 v62, v8;
	v62 =	vld [tilespmem:s25+$0xFFFFFE50];
	v18 =	vadd.f32 v20, v18  }
0x1be: {  	v48 =	vmul.f32 v54, v1;
	v20 =	vld [tilespmem:s25+$0xFFFFFE60];
	v50 =	vmul.f32 v55, v0  }
0x1bf: {  	v18 =	vadd.f32 v22, v18;
	v22 =	vld [tilespmem:s25+$0xFFFFFE70]  }
0x1c0: {  	v48 =	vadd.f32 v50, v48;
	v60 =	vld [tilespmem:s25+$0xFFFFFE80]  }
0x1c1: {  	v57 =	vmul.f32 v2, v3;
	v2 =	vld [tilespmem:$0x1FE50]  }
0x1c2: {  	v45 =	vadd.f32 v45, v48;
	v3 =	vld [tilespmem:$0x1FE60]  }
0x1c3: {  	v17 =	vmul.f32 v17, v53;
	v50 =	vld [tilespmem:s19+$0x2A0]  }
0x1c4: {  	v25 =	vmul.f32 v25, v28;
	v51 =	vmul.f32 v56, v59;
	v56 =	vld [tilespmem:s19+$0x280];
	v33 =	vadd.f32 v33, v45  }
0x1c5: {  	v28 =	vmul.f32 v35, v32;
	v12 =	vadd.f32 v27, v23;
	v49 =	vmul.f32 v42, v40;
	v45 =	vld [tilespmem:s20+$0xFFFFFFF0]  }
0x1c6: {  	v31 =	vadd.f32 v33, v61;
	v33 =	vld [tilespmem:s20+$0xFFFFFFE0];
	v58 =	vmul.f32 v60, v58;
	v27 =	vmul.f32 v57, v63  }
0x1c7: {  	v21 =	vmul.f32 v21, v30;
	v57 =	vld [tilespmem:s19+$0x290];
	v23 =	vmul.f32 v2, v3  }
0x1c8: {  	v8 =	vmul.f32 v8, v0;
	v30 =	vmul.f32 v58, v1;
	v6 =	vadd.f32 v27, v6;
	v27 =	vld [tilespmem:s25+$0xFFFFFE00]  }
0x1c9: {  	v5 =	vadd.f32 v5, v61;
	v17 =	vmul.f32 v17, v63;
	v2 =	vld [tilespmem:$0x1FE70];
	v23 =	vmul.f32 v23, v63  }
0x1ca: {  	v38 =	vmul.f32 v49, v59;
	v21 =	vmul.f32 v21, v63;
	v8 =	vadd.f32 v8, v30;
	v3 =	vld [tilespmem:$0x1FE80]  }
0x1cb: {  	v20 =	vmul.f32 v20, v50;
	v60 =	vmul.f32 v46, v44;
	v23 =	vadd.f32 v23, v24;
	v24 =	vld [tilespmem:s25+$0xFFFFFE40]  }
0x1cc: {  	v29 =	vmul.f32 v29, v45;
	v8 =	vadd.f32 v21, v8;
	v6 =	vadd.f32 v36, v6;
	v36 =	vld [tilespmem:s19+$0x2B0]  }
0x1cd: {  	v11 =	vadd.f32 v11, v61;
	v41 =	vmul.f32 v13, v63;
	v27 =	vmul.f32 v27, v33  }
0x1ce: {  	v29 =	vmul.f32 v29, v0;
	v21 =	vld [tilespmem:s19+$0x430];
	v8 =	vadd.f32 v38, v8;
	v38 =	vmul.f32 v20, v63  }
0x1cf: {  	v12 =	vadd.f32 v12, v61;
	v54 =	vmul.f32 v3, v2;
	v2 =	vld [tilespmem:$0x1FE90];
	v27 =	vmul.f32 v27, v1  }
0x1d0: {  	v18 =	vadd.f32 v18, v61;
	v30 =	vmul.f32 v62, v57;
	v3 =	vld [tilespmem:$0x1FEA0];
	v24 =	vmul.f32 v24, v56  }
0x1d1: {  	v8 =	vadd.f32 v8, v61;
	v22 =	vmul.f32 v22, v36;
	v27 =	vadd.f32 v29, v27;
	v29 =	vld [tilespmem:s25+$0xFFFFFF30]  }
0x1d2: {  	(xrf2) =	vadd.scan.msk.f32 $0xffff, v5;
	v23 =	vadd.f32 v51, v23;
	v5 =	vmul.f32 v24, v1;
	v24 =	vmul.f32 v30, v0  }
0x1d3: {  	(xrf2) =	vadd.scan.msk.f32 $0xffff, v47;
	v20 =	vld [tilespmem:s25+$0xFFFFFFF0];
	v6 =	vadd.f32 v6, v61;
	v17 =	vadd.f32 v17, v27;
	v27 =	vmul.f32 v60, v59  }
0x1d4: {  	(xrf2) =	vadd.scan.msk.f32 $0xffff, v11;
	v23 =	vadd.f32 v23, v61;
	v39 =	vmul.f32 v22, v59;
	v30 =	vld [tilespmem:s19+$0x5B0];
	v5 =	vadd.f32 v24, v5  }
0x1d5: {  	(xrf2) =	vadd.scan.msk.f32 $0xffff, v12;
	v12 =	vadd.f32 v27, v17;
	v17 =	vmul.f32 v25, v1;
	v24 =	vmul.f32 v28, v0  }
0x1d6: {  	(xrf2) =	vadd.scan.msk.f32 $0xffff, v31;
	v13 =	vld [tilespmem:s25+$0x170];
	v55 =	vmul.f32 v3, v2;
	v21 =	vmul.f32 v29, v21;
	v5 =	vadd.f32 v38, v5  }
0x1d7: {  	(xrf2) =	vadd.scan.msk.f32 $0xffff, v6;
	v22 =	vld [tilespmem:s19+$0x730];
	v6 =	vadd.f32 v12, v61;
	v12 =	vadd.f32 v24, v17;
	v17 =	vmul.f32 v26, v63  }
0x1d8: {  	v40 =	vmul.f32 v54, v1;
	(xrf2) =	vadd.scan.msk.f32 $0xffff, v23;
	v23 =	vmul.f32 v55, v0;
	v24 =	vld [tilespmem:s25+$0xB0];
	v5 =	vadd.f32 v39, v5  }
0x1d9: {  	(xrf2) =	vadd.scan.msk.f32 $0xffff, v18;
	v18 =	vmul.f32 v20, v30;
	v20 =	vld [tilespmem:s19+$0x8B0];
	v12 =	vadd.f32 v17, v12;
	v17 =	vmul.f32 v21, v59  }
0x1da: {  	v2 =	vld [tilespmem:$0x1FEB0];
	(xrf2) =	vadd.scan.msk.f32 $0xffff, v8;
	v8 =	vadd.f32 v23, v40;
	v5 =	vadd.f32 v5, v61  }
0x1db: {  	(xrf2) =	vadd.scan.msk.f32 $0xffff, v6;
	v21 =	vld [tilespmem:s25+$0x1E0];
	v6 =	vadd.f32 v17, v12;
	v12 =	vmul.f32 v15, v1;
	v15 =	vmul.f32 v16, v0  }
0x1dc: {  	v10 =	vmul.f32 v10, v63;
	v8 =	vadd.f32 v41, v8;
	v42 =	vmul.f32 v18, v59;
	v16 =	vld [tilespmem:s19+$0x9A0]  }
0x1dd: {  	v18 =	vmul.f32 v24, v22;
	v17, _, _ =	vpop (xrf2);
	(xrf2) =	vadd.scan.msk.f32 $0xffff, v5;
	v6 =	vadd.f32 v6, v61;
	v12 =	vadd.f32 v15, v12  }
0x1de: {  	v9 =	vmul.f32 v9, v0;
	v8 =	vadd.f32 v42, v8;
	v13 =	vmul.f32 v13, v20;
	v5, _, _ =	vpop (xrf2)  }
0x1df: {  	v43 =	vmul.f32 v19, v1;
	v10 =	vadd.f32 v10, v12;
	v12 =	vmul.f32 v18, v59;
	v22, _, _ =	vpop (xrf2)  }
0x1e0: {  	v8 =	vadd.f32 v8, v61;
	(xrf2) =	vadd.scan.msk.f32 $0xffff, v6;
	v45 =	vmul.f32 v13, v59;
	v13 =	vmul.f32 v2, v0;
	v23, _, _ =	vpop (xrf2)  }
0x1e1: {  	v19 =	vld [tilespmem:s25+$0x1F0];
	v10 =	vadd.f32 v12, v10;
	v12 =	vmul.f32 v14, v1;
	v14 =	vmul.f32 v21, v16;
	v6, _, _ =	vpop (xrf2)  }
0x1e2: {  	v7 =	vmul.f32 v7, v63;
	v9 =	vadd.f32 v9, v43;
	v15 =	vld [tilespmem:s19+$0x9B0];
	v44, _, _ =	vpop (xrf2)  }
0x1e3: {  	(xrf2) =	vadd.scan.msk.f32 $0xffff, v8;
	v46 =	vadd.f32 v13, v12;
	v12 =	vmul.f32 v14, v63;
	v16, _, _ =	vpop (xrf2)  }
0x1e4: {  	v7 =	vadd.f32 v7, v9;
	v10 =	vadd.f32 v10, v61;
	v8, _, _ =	vpop (xrf2)  }
0x1e5: {  	v18, _, _ =	vpop (xrf2)  }
0x1e6: {  	v7 =	vadd.f32 v45, v7;
	(xrf2) =	vadd.scan.msk.f32 $0xffff, v10;
	v13, _, _ =	vpop (xrf2)  }
0x1e7: {  	v15 =	vmul.f32 v19, v15;
	v9 =	vadd.f32 v12, v46;
	v12, _, _ =	vpop (xrf2)  }
0x1e8: {  	v7 =	vadd.f32 v7, v61;
	v13 =	vbroadcast v13, $0xF;
	v12 =	vbroadcast v12, $0xF  }
0x1e9: {  	v47 =	vmul.f32 v15, v59;
	v14 =	vbroadcast v18, $0xF  }
0x1ea: {  	v8 =	vbroadcast v8, $0xF;
	(xrf2) =	vadd.scan.msk.f32 $0xffff, v7;
	v48, _, _ =	vpop (xrf2);
	v7 =	vsel vm0, v13, v12  }
0x1eb: {  	v9 =	vadd.f32 v47, v9;
	v10 =	vbroadcast v48, $0xF;
	v7 =	vsel vm1, v7, v14  }
0x1ec: {  	v7 =	vsel vm2, v7, v8;
	v8 =	vbroadcast v16, $0xF  }
0x1ed: {  	v49 =	vbroadcast v44, $0xF;
	v9 =	vadd.f32 v9, v61;
	v50, _, _ =	vpop (xrf2);
	v7 =	vsel vm3, v7, v10  }
0x1ee: {  	v7 =	vsel vm4, v7, v8;
	v8 =	vbroadcast v50, $0xF  }
0x1ef: {  	v6 =	vbroadcast v6, $0xF;
	(xrf2) =	vadd.scan.msk.f32 $0xffff, v9;
	v7 =	vsel vm5, v7, v49  }
0x1f0: {  	v51, _, _ =	vpop (xrf2);
	v7 =	vsel vm6, v7, v8;
	v8 =	vbroadcast v23, $0xF  }
0x1f1: {  	v6 =	vsel vm7, v7, v6;
	v7 =	vbroadcast v51, $0xF  }
0x1f2: {  	v6 =	vsel vm8, v6, v8;
	v8 =	vbroadcast v22, $0xF  }
0x1f3: {  	v5 =	vbroadcast v5, $0xF;
	v6 =	vsel vm9, v6, v7  }
0x1f4: {  	v6 =	vsel vm10, v6, v8  }
0x1f5: {  	v7, _, _ =	vpop (xrf2);
	v5 =	vsel vm11, v6, v5;
	v6 =	vbroadcast v17, $0xF  }
0x1f6: {  	v7 =	vbroadcast v7, $0xF;
	_ =	sdelay $0x1  }
0x1f7: {  	v5 =	vsel vm12, v5, v7  }
0x1f8: {  	v5 =	vsel vm13, v5, v6;
	v6, _, _ =	vpop (xrf2)  }
0x1f9: {  	s26 =	simm.s32 $0x800;
	s18 =	simm.s32 $0x18480;
	v5 =	vsel vm14, v5, v6  }
0x1fa: {  	s20 =	sand.u32 $0xF800, s26;
	[tilespmem:s18+$0x0] =	vst v5  }
0x1fb: {  	s19 =	simm.s32 $0x10800;
	v12 =	vld [tilespmem:s20+$0x930]  }
0x1fc: {  	v6 =	vld [tilespmem:s19+$0x1B0]  }
0x1fd: {  	v60 =	vld [tilespmem:s20+$0x980]  }
0x1fe: {  	v4 =	vld [tilespmem:s19+$0x1C0]  }
0x1ff: {  	v2 =	vld [tilespmem:s20+$0x990]  }
0x200: {  	v57 =	vld [tilespmem:s19+$0x1D0]  }
0x201: {  	v11 =	vld [tilespmem:s20+$0x920]  }
0x202: {  	v5 =	vld [tilespmem:s19+$0x1A0]  }
0x203: {  	v13 =	vld [tilespmem:s20+$0x830]  }
0x204: {  	v14 =	vld [tilespmem:s19+$0x130]  }
0x205: {  	v7 =	vld [tilespmem:s20+$0x8A0]  }
0x206: {  	v16 =	vld [tilespmem:s19+$0x160]  }
0x207: {  	v17 =	vld [tilespmem:s20+$0x900]  }
0x208: {  	v18 =	vld [tilespmem:s19+$0x180]  }
0x209: {  	v8 =	vld [tilespmem:s20+$0x910]  }
0x20a: {  	v20 =	vld [tilespmem:s19+$0x190]  }
0x20b: {  	v21 =	vld [tilespmem:s20+$0x7B0]  }
0x20c: {  	v22 =	vld [tilespmem:s19+$0xF0]  }
0x20d: {  	v23 =	vld [tilespmem:s20+$0x820]  }
0x20e: {  	v24 =	vld [tilespmem:s19+$0x120]  }
0x20f: {  	v25 =	vld [tilespmem:s20+$0x880]  }
0x210: {  	v26 =	vld [tilespmem:s19+$0x140]  }
0x211: {  	v27 =	vld [tilespmem:s20+$0x890]  }
0x212: {  	v28 =	vld [tilespmem:s19+$0x150]  }
0x213: {  	v29 =	vld [tilespmem:s20+$0x7A0]  }
0x214: {  	v30 =	vld [tilespmem:s19+$0xE0]  }
0x215: {  	v31 =	vld [tilespmem:s20+$0x800]  }
0x216: {  	v32 =	vld [tilespmem:s19+$0x100]  }
0x217: {  	v33 =	vld [tilespmem:s20+$0x810]  }
0x218: {  	v34 =	vld [tilespmem:s19+$0x110]  }
0x219: {  	v35 =	vld [tilespmem:s20+$0x6B0]  }
0x21a: {  	v36 =	vld [tilespmem:s19+$0x70]  }
0x21b: {  	v37 =	vld [tilespmem:s20+$0x720]  }
0x21c: {  	v38 =	vld [tilespmem:s19+$0xA0]  }
0x21d: {  	v39 =	vld [tilespmem:s20+$0x780]  }
0x21e: {  	v40 =	vld [tilespmem:s19+$0xC0]  }
0x21f: {  	v41 =	vld [tilespmem:s20+$0x790]  }
0x220: {  	v42 =	vld [tilespmem:s19+$0xD0]  }
0x221: {  	v43 =	vld [tilespmem:s20+$0x630]  }
0x222: {  	v44 =	vld [tilespmem:s19+$0x30]  }
0x223: {  	v45 =	vld [tilespmem:s20+$0x6A0]  }
0x224: {  	v46 =	vld [tilespmem:s19+$0x60]  }
0x225: {  	v47 =	vld [tilespmem:s20+$0x700]  }
0x226: {  	v48 =	vld [tilespmem:s19+$0x80]  }
0x227: {  	v49 =	vld [tilespmem:s20+$0x710]  }
0x228: {  	v10 =	vld [tilespmem:s19+$0x90]  }
0x229: {  	v53 =	vld [tilespmem:s20+$0x680]  }
0x22a: {  	v54 =	vld [tilespmem:s19+$0x40]  }
0x22b: {  	v55 =	vld [tilespmem:s20+$0x690]  }
0x22c: {  	v56 =	vld [tilespmem:s19+$0x50]  }
0x22d: {  	v3 =	vld [tilespmem:s20+$0x530]  }
0x22e: {  	v58 =	vld [tilespmem:s19+$0xFFFFFFB0]  }
0x22f: {  	v52 =	vld [tilespmem:s20+$0x5A0]  }
0x230: {  	v62 =	vld [tilespmem:s19+$0xFFFFFFE0]  }
0x231: {  	v9 =	vld [tilespmem:s20+$0x600]  }
0x232: {  	v50 =	vld [tilespmem:s20+$0x610]  }
0x233: {  	v15 =	vld [tilespmem:s19+$0x10]  }
0x234: {  	v19 =	vld [tilespmem:s20+$0x520]  }
0x235: {  	v51 =	vld [tilespmem:s19+$0xFFFFFF70]  }
0x236: {  	[tilespmem:$0x1FED0] =	vst v2;
	v2 =	vld [tilespmem:s20+$0x620]  }
0x237: {  	[tilespmem:$0x1FF20] =	vst v62;
	v62 =	vld [tilespmem:s19+$0x0]  }
0x238: {  	[tilespmem:$0x1FF10] =	vst v52;
	v52 =	vld [tilespmem:s20+$0x4B0]  }
0x239: {  	[tilespmem:$0x1FF30] =	vst v19;
	v19 =	vld [tilespmem:s19+$0xFFFFFFA0]  }
0x23a: {  	v12 =	vmul.f32 v6, v12;
	v6 =	vld [tilespmem:s20+$0x500]  }
0x23b: {  	v17 =	vmul.f32 v18, v17;
	v21 =	vmul.f32 v22, v21;
	v22 =	vld [tilespmem:s19+$0xFFFFFF90]  }
0x23c: {  	v18 =	vmul.f32 v20, v8;
	v20 =	vmul.f32 v24, v23;
	v23 =	vld [tilespmem:s20+$0x3B0]  }
0x23d: {  	v4 =	vmul.f32 v4, v60;
	v60 =	vmul.f32 v26, v25;
	v25 =	vld [tilespmem:s19+$0xFFFFFEF0]  }
0x23e: {  	v24 =	vmul.f32 v30, v29;
	v30 =	vld [tilespmem:s19+$0xFFFFFF20]  }
0x23f: {  	v26 =	vmul.f32 v32, v31;
	v32 =	vld [tilespmem:s20+$0x480]  }
0x240: {  	v29 =	vmul.f32 v36, v35;
	v35 =	vld [tilespmem:s19+$0xFFFFFF40]  }
0x241: {  	v31 =	vmul.f32 v40, v39;
	v39 =	vld [tilespmem:s19+$0xFFFFFF50]  }
0x242: {  	[tilespmem:$0x1FF40] =	vst v19;
	v19 =	vld [tilespmem:s20+$0x580]  }
0x243: {  	v36 =	vmul.f32 v46, v45;
	v45 =	vld [tilespmem:s20+$0x3A0]  }
0x244: {  	v46 =	vld [tilespmem:s19+$0xFFFFFEE0]  }
0x245: {  	v15 =	vmul.f32 v15, v50;
	v50 =	vld [tilespmem:s20+$0x390]  }
0x246: {  	v13 =	vmul.f32 v14, v13;
	v14 =	vmul.f32 v5, v11;
	v5 =	vld [tilespmem:$0x1FF20]  }
0x247: {  	[tilespmem:$0x1FF70] =	vst v19;
	v19 =	vld [tilespmem:s19+$0xFFFFFFC0]  }
0x248: {  	[tilespmem:$0x1FEC0] =	vst v4;
	v4 =	vld [tilespmem:$0x1FED0]  }
0x249: {  	v11 =	vmul.f32 v12, v59;
	v12 =	vmul.f32 v10, v49;
	v49 =	vld [tilespmem:s19+$0xFFFFFF00]  }
0x24a: {  	v10 =	vld [tilespmem:s20+$0x380]  }
0x24b: {  	[tilespmem:$0x1FF00] =	vst v2;
	v2 =	vld [tilespmem:s19+$0x20]  }
0x24c: {  	[tilespmem:$0x1FF80] =	vst v19;
	v19 =	vld [tilespmem:s20+$0x590]  }
0x24d: {  	v8 =	vld [tilespmem:$0x1FF40]  }
0x24e: {  	v4 =	vmul.f32 v57, v4;
	v57 =	vmul.f32 v28, v27;
	v27 =	vld [tilespmem:s20+$0x420]  }
0x24f: {  	v28 =	vmul.f32 v34, v33;
	v33 =	vmul.f32 v42, v41;
	v41 =	vld [tilespmem:s20+$0x330]  }
0x250: {  	v34 =	vmul.f32 v44, v43;
	v43 =	vld [tilespmem:s19+$0xFFFFFEB0]  }
0x251: {  	[tilespmem:$0x1FF90] =	vst v19;
	v19 =	vld [tilespmem:s19+$0xFFFFFFD0]  }
0x252: {  	v17 =	vmul.f32 v17, v1;
	v44 =	vmul.f32 v58, v3;
	v3 =	vld [tilespmem:$0x1FF00]  }
0x253: {  	v18 =	vmul.f32 v18, v0;
	[tilespmem:$0x1FEE0] =	vst v4;
	v4 =	vmul.f32 v16, v7;
	v16 =	vld [tilespmem:s20+$0x510]  }
0x254: {  	s21 =	simm.s32 $0xA20;
	v7 =	vmul.f32 v48, v47;
	v48 =	vld [tilespmem:s20+$0x400]  }
0x255: {  	v14 =	vmul.f32 v14, v63;
	v17 =	vadd.f32 v18, v17;
	v47 =	vmul.f32 v62, v9;
	v62 =	vld [tilespmem:s21+$0x10]  }
0x256: {  	v18 =	vmul.f32 v26, v1;
	[tilespmem:$0x1FFA0] =	vst v19;
	v19 =	vld [tilespmem:s20+$0x4A0]  }
0x257: {  	v14 =	vadd.f32 v14, v17;
	v17 =	vmul.f32 v20, v63;
	[tilespmem:$0x1FEF0] =	vst v4;
	v4 =	vmul.f32 v38, v37;
	v37 =	vld [tilespmem:s20+$0x490]  }
0x258: {  	v20 =	vmul.f32 v31, v1;
	v28 =	vmul.f32 v28, v0;
	v38 =	vld [tilespmem:s19+$0xFFFFFF10]  }
0x259: {  	v33 =	vmul.f32 v33, v0;
	v26 =	vmul.f32 v2, v3;
	v3 =	vld [tilespmem:s20+$0x410]  }
0x25a: {  	v40 =	vmul.f32 v54, v53;
	v42 =	vmul.f32 v56, v55;
	v18 =	vadd.f32 v28, v18;
	v2 =	vld [tilespmem:$0x1FF10]  }
0x25b: {  	v24 =	vmul.f32 v24, v63;
	v20 =	vadd.f32 v33, v20;
	[tilespmem:$0x1FF50] =	vst v19;
	v19 =	vld [tilespmem:s19+$0xFFFFFF60]  }
0x25c: {  	v40 =	vmul.f32 v40, v1;
	v42 =	vmul.f32 v42, v0;
	v56 =	vadd.f32 v17, v18;
	v18 =	vld [tilespmem:s19+$0xFFFFFE30]  }
0x25d: {  	v20 =	vadd.f32 v24, v20;
	v24 =	vmul.f32 v21, v59;
	v21 =	vld [tilespmem:s19+$0xFFFFFEA0]  }
0x25e: {  	v22 =	vmul.f32 v22, v16;
	v16 =	vadd.f32 v42, v40;
	v42 =	vld [tilespmem:s19+$0xFFFFFE80]  }
0x25f: {  	v2 =	vmul.f32 v5, v2;
	v5 =	vld [tilespmem:$0x1FF30]  }
0x260: {  	[tilespmem:$0x1FF60] =	vst v19;
	v19 =	vld [tilespmem:s19+$0xFFFFFF80]  }
0x261: {  	v31 =	vmul.f32 v51, v52;
	v51 =	vadd.f32 v24, v20;
	v20 =	vld [tilespmem:s19+$0xFFFFFEC0]  }
0x262: {  	v54 =	vmul.f32 v22, v0;
	v22 =	vld [tilespmem:s20+$0x2A0]  }
0x263: {  	v28 =	vadd.f32 v11, v14;
	v11 =	vmul.f32 v15, v0;
	v37 =	vmul.f32 v39, v37;
	v39 =	vld [tilespmem:s20+$0x300]  }
0x264: {  	v24 =	vmul.f32 v47, v1;
	v58 =	vmul.f32 v8, v5;
	v5 =	vld [tilespmem:$0x1FF50]  }
0x265: {  	v36 =	vmul.f32 v36, v63;
	v9 =	vmul.f32 v19, v6;
	v6 =	vld [tilespmem:$0x1FF60]  }
0x266: {  	v47 =	vadd.f32 v11, v24;
	v24 =	vmul.f32 v29, v59;
	v29 =	vmul.f32 v25, v23;
	v25 =	vld [tilespmem:s19+$0xFFFFFED0]  }
0x267: {  	v13 =	vmul.f32 v13, v59;
	v26 =	vmul.f32 v26, v63;
	v36 =	vadd.f32 v36, v16;
	v23 =	vld [tilespmem:s21+$0x0]  }
0x268: {  	v32 =	vmul.f32 v35, v32;
	v34 =	vmul.f32 v34, v59;
	v28 =	vadd.f32 v28, v61;
	v11 =	vld [tilespmem:s19+$0xFFFFFE90]  }
0x269: {  	v53 =	vmul.f32 v43, v41;
	v35 =	vadd.f32 v24, v36;
	v24 =	vld [tilespmem:s19+$0xFFFFFE20];
	v26 =	vadd.f32 v26, v47  }
0x26a: {  	v13 =	vadd.f32 v13, v56;
	v56 =	vmul.f32 v20, v10;
	v40 =	vmul.f32 v6, v5;
	v5 =	vld [tilespmem:$0x1FF70]  }
0x26b: {  	v20 =	vmul.f32 v30, v27;
	v34 =	vadd.f32 v34, v26;
	v26 =	vmul.f32 v32, v1;
	v6 =	vld [tilespmem:$0x1FF80]  }
0x26c: {  	(xrf2) =	vadd.scan.msk.f32 $0xffff, v28;
	v13 =	vadd.f32 v13, v61;
	v36 =	vld [tilespmem:s20+$0x290];
	v25 =	vmul.f32 v25, v50;
	v52 =	vmul.f32 v56, v1  }
0x26d: {  	v10 =	vld [tilespmem:s20+$0x310];
	v56 =	vmul.f32 v31, v59;
	v33 =	vmul.f32 v9, v1  }
0x26e: {  	(xrf2) =	vadd.scan.msk.f32 $0xffff, v13;
	v30 =	vld [tilespmem:s21+$0xFFFFFFE0];
	v13 =	vadd.f32 v35, v61;
	v55 =	vmul.f32 v58, v63;
	v58 =	vmul.f32 v37, v0  }
0x26f: {  	v35 =	vld [tilespmem:s19+$0xFFFFFE10];
	v31 =	vmul.f32 v29, v59;
	v25 =	vmul.f32 v25, v0;
	v28 =	vadd.f32 v54, v33  }
0x270: {  	[tilespmem:$0x1FFB0] =	vst v1;
	v26 =	vadd.f32 v58, v26;
	v27 =	vmul.f32 v40, v63;
	v15 =	vmul.f32 v6, v5;
	v5 =	vld [tilespmem:$0x1FF90]  }
0x271: {  	[tilespmem:$0x1FFC0] =	vst v0;
	v37 =	vadd.f32 v25, v52;
	v9 =	vmul.f32 v44, v59;
	v28 =	vadd.f32 v55, v28;
	v6 =	vld [tilespmem:$0x1FFA0]  }
0x272: {  	[tilespmem:$0x1FFD0] =	vst v61;
	v32 =	vld [tilespmem:s20+$0x280];
	v25 =	vmul.f32 v49, v48;
	v54 =	vadd.f32 v27, v26;
	v27 =	vadd.f32 v51, v61  }
0x273: {  	[tilespmem:$0x1FFE0] =	vst v59;
	v58 =	vadd.f32 v34, v61;
	v34 =	vld [tilespmem:s19+$0xFFFFFE40];
	v55 =	vmul.f32 v46, v45;
	v50 =	vadd.f32 v9, v28  }
0x274: {  	[tilespmem:$0x1FFF0] =	vst v63;
	v19 =	vld [tilespmem:s20+$0x320];
	v40 =	vmul.f32 v11, v10;
	v26 =	vmul.f32 v38, v3;
	(xrf2) =	vadd.scan.msk.f32 $0xffff, v27  }
0x275: {  	v33 =	vld [tilespmem:s21+$0xFFFFFFF0];
	v38 =	vmul.f32 v42, v39;
	v39 =	vmul.f32 v55, v63;
	v29 =	vadd.f32 v50, v61;
	(xrf2) =	vadd.scan.msk.f32 $0xffff, v13  }
0x276: {  	s22 =	simm.s32 $0x1000;
	v28 =	vld [tilespmem:s19+$0xFFFFFE00];
	v27 =	vmul.f32 v53, v59;
	v41 =	vadd.f32 v56, v54;
	v13, _, _ =	vpop (xrf2);
	(xrf2) =	vadd.scan.msk.f32 $0xffff, v58;
	v16 =	vmul.f32 v6, v5  }
.LBB2_4:
0x277: {  	v42 =	vld [tilespmem:$0x1FFC0]  }
0x278: {  	v43 =	vld [tilespmem:s19+$0xFFFFFE50]  }
0x279: {  	v44 =	vld [tilespmem:$0x1FFB0]  }
0x27a: {  	v48 =	vld [tilespmem:s20+$0x2B0]  }
0x27b: {  	v3 =	vmul.f32 v21, v19;
	v19 =	vadd.f32 v39, v37;
	v37 =	vld [tilespmem:$0x1FFF0]  }
0x27c: {  	v1 =	vmul.f32 v18, v62;
	v46 =	vmul.f32 v40, v42;
	v40 =	vld [tilespmem:$0x1FFD0]  }
0x27d: {  	v17 =	vld [tilespmem:$0x1FFE0];
	v28 =	vmul.f32 v28, v30;
	v30 =	vmul.f32 v35, v33  }
0x27e: {  	v21 =	vld [tilespmem:s19+$0xFFFFFE60];
	v23 =	vmul.f32 v24, v23;
	v32 =	vmul.f32 v34, v32  }
0x27f: {  	v24 =	vld [tilespmem:s19+$0xFFFFFE70];
	v45 =	vmul.f32 v38, v44;
	v50 =	vmul.f32 v43, v36  }
0x280: {  	v19 =	vadd.f32 v31, v19;
	v28 =	vmul.f32 v28, v44;
	v30 =	vmul.f32 v30, v42  }
0x281: {  	v0, _, _ =	vpop (xrf2);
	(xrf2) =	vadd.scan.msk.f32 $0xffff, v29;
	v29 =	vadd.f32 v46, v45;
	v31 =	vmul.f32 v3, v37;
	v47 =	vadd.f32 v41, v40  }
0x282: {  	v51 =	vmul.f32 v50, v42;
	v28 =	vadd.f32 v30, v28;
	v23 =	vmul.f32 v23, v37  }
0x283: {  	v18, _, _ =	vpop (xrf2);
	v30 =	vmul.f32 v32, v44;
	v21 =	vmul.f32 v21, v22;
	v29 =	vadd.f32 v31, v29;
	(xrf2) =	vadd.scan.msk.f32 $0xffff, v47  }
0x284: {  	v24 =	vmul.f32 v24, v48;
	v23 =	vadd.f32 v23, v28;
	v28 =	vmul.f32 v1, v17  }
0x285: {  	v30 =	vadd.f32 v51, v30;
	v21 =	vmul.f32 v21, v37;
	v27 =	vadd.f32 v27, v29  }
0x286: {  	v49 =	vadd.f32 v19, v40;
	v23 =	vadd.f32 v28, v23  }
0x287: {  	v24 =	vmul.f32 v24, v17;
	v21 =	vadd.f32 v21, v30;
	v1 =	vadd.f32 v27, v40  }
0x288: {  	v19, _, _ =	vpop (xrf2);
	(xrf2) =	vadd.scan.msk.f32 $0xffff, v49  }
0x289: {  	v53, _, _ =	vpop (xrf2);
	v21 =	vadd.f32 v24, v21;
	(xrf2) =	vadd.scan.msk.f32 $0xffff, v1;
	v1 =	vadd.f32 v23, v40  }
0x28a: {  	v52 =	vld [tilespmem:s19+$0xFFFFFFF0]  }
0x28b: {  	v22 =	vld [tilespmem:s19+$0xFFFFFF30];
	v27, _, _ =	vpop (xrf2);
	(xrf2) =	vadd.scan.msk.f32 $0xffff, v1;
	v1 =	vadd.f32 v21, v40  }
0x28c: {  	v25 =	vmul.f32 v25, v44;
	v26 =	vmul.f32 v26, v42;
	v31 =	vld [tilespmem:s20+$0x430]  }
0x28d: {  	v23, _, _ =	vpop (xrf2);
	(xrf2) =	vadd.scan.msk.f32 $0xffff, v1;
	v1 =	vld [tilespmem:$0x1FEF0]  }
0x28e: {  	v15 =	vmul.f32 v15, v44;
	v16 =	vmul.f32 v16, v42;
	v25 =	vadd.f32 v26, v25;
	v26 =	vld [tilespmem:s19+$0xB0]  }
0x28f: {  	v29 =	vld [tilespmem:s20+$0x5B0]  }
0x290: {  	v11 =	vmul.f32 v7, v44;
	v12 =	vmul.f32 v12, v42;
	v15 =	vadd.f32 v16, v15;
	v16 =	vld [tilespmem:s19+$0x170]  }
0x291: {  	v20 =	vmul.f32 v20, v37;
	v28 =	vld [tilespmem:s20+$0x730];
	v22 =	vmul.f32 v22, v31  }
0x292: {  	v7 =	vmul.f32 v1, v37;
	v1 =	vld [tilespmem:$0x1FEC0]  }
0x293: {  	v11 =	vadd.f32 v12, v11;
	v12 =	vld [tilespmem:s20+$0x9B0];
	v20 =	vadd.f32 v20, v25;
	v22 =	vmul.f32 v22, v17  }
0x294: {  	v14 =	vmul.f32 v2, v37;
	v25 =	vld [tilespmem:s20+$0x8B0];
	v24 =	vmul.f32 v52, v29  }
0x295: {  	v20 =	vadd.f32 v22, v20;
	v22 =	vld [tilespmem:s20+$0x9A0]  }
0x296: {  	v14 =	vadd.f32 v14, v15;
	v15 =	vmul.f32 v24, v17;
	v24 =	vmul.f32 v26, v28;
	v26 =	vld [tilespmem:s19+$0x1E0]  }
0x297: {  	v10 =	vmul.f32 v4, v37;
	v20 =	vadd.f32 v20, v40;
	v6 =	vmul.f32 v1, v44;
	v1 =	vld [tilespmem:$0x1FEE0]  }
0x298: {  	v8 =	vmul.f32 v60, v44;
	v2 =	vmul.f32 v57, v42;
	v14 =	vadd.f32 v15, v14;
	v15 =	vld [tilespmem:s19+$0x1F0]  }
0x299: {  	v10 =	vadd.f32 v10, v11;
	v54 =	vmul.f32 v24, v17;
	v21, _, _ =	vpop (xrf2);
	(xrf2) =	vadd.scan.msk.f32 $0xffff, v20  }
0x29a: {  	v8 =	vadd.f32 v2, v8;
	v16 =	vmul.f32 v16, v25;
	v3 =	vadd.f32 v14, v40  }
0x29b: {  	v10 =	vadd.f32 v54, v10;
	v55 =	vmul.f32 v26, v22  }
0x29c: {  	v9, _, _ =	vpop (xrf2);
	(xrf2) =	vadd.scan.msk.f32 $0xffff, v3;
	v7 =	vadd.f32 v7, v8;
	v8 =	vmul.f32 v16, v17;
	v5 =	vmul.f32 v1, v42  }
0x29d: {  	v10 =	vadd.f32 v10, v40;
	v12 =	vmul.f32 v15, v12  }
0x29e: {  	v7 =	vadd.f32 v8, v7;
	v5 =	vadd.f32 v5, v6;
	v6 =	vmul.f32 v55, v37  }
0x29f: {  	v14, _, _ =	vpop (xrf2);
	(xrf2) =	vadd.scan.msk.f32 $0xffff, v10  }
0x2a0: {  	v7 =	vadd.f32 v7, v40;
	v8, _, _ =	vpop (xrf2);
	v5 =	vadd.f32 v6, v5;
	v6 =	vmul.f32 v12, v17  }
0x2a1: {  	v56 =	vbroadcast v14, $0xF;
	v1 =	vbroadcast v8, $0xF  }
0x2a2: {  	v9 =	vbroadcast v9, $0xF;
	(xrf2) =	vadd.scan.msk.f32 $0xffff, v7;
	v5 =	vadd.f32 v6, v5  }
0x2a3: {  	v7 =	vbroadcast v21, $0xF;
	v8, _, _ =	vpop (xrf2);
	v6 =	vsel vm0, v56, v1  }
0x2a4: {  	v8 =	vbroadcast v8, $0xF;
	v6 =	vsel vm1, v6, v9;
	v5 =	vadd.f32 v5, v40  }
0x2a5: {  	v6 =	vsel vm2, v6, v7;
	v7 =	vbroadcast v23, $0xF  }
0x2a6: {  	v57, _, _ =	vpop (xrf2);
	v1 =	vbroadcast v27, $0xF;
	v6 =	vsel vm3, v6, v8;
	(xrf2) =	vadd.scan.msk.f32 $0xffff, v5  }
0x2a7: {  	v5 =	vsel vm4, v6, v7;
	v6 =	vbroadcast v57, $0xF  }
0x2a8: {  	v7 =	vbroadcast v53, $0xF;
	v5 =	vsel vm5, v5, v1  }
0x2a9: {  	v8, _, _ =	vpop (xrf2);
	v5 =	vsel vm6, v5, v6;
	v6 =	vbroadcast v19, $0xF  }
0x2aa: {  	v5 =	vsel vm7, v5, v7;
	v7 =	vbroadcast v8, $0xF  }
0x2ab: {  	v5 =	vsel vm8, v5, v6;
	v6 =	vbroadcast v18, $0xF  }
0x2ac: {  	v8, _, _ =	vpop (xrf2);
	v5 =	vsel vm9, v5, v7;
	v7 =	vbroadcast v0, $0xF  }
0x2ad: {  	v0 =	vbroadcast v8, $0xF;
	v5 =	vsel vm10, v5, v6  }
0x2ae: {  	v5 =	vsel vm11, v5, v7;
	v7 =	vbroadcast v13, $0xF  }
0x2af: {  	v5 =	vsel vm12, v5, v0  }
0x2b0: {  	v5 =	vsel vm13, v5, v7;
	v6, _, _ =	vpop (xrf2)  }
0x2b1: {  	s18 =	sadd.s32 $0x10, s18;
	v5 =	vsel vm14, v5, v6  }
0x2b2: {  	s20 =	sand.u32 $0xF800, s22;
	[tilespmem:s18+$0x0] =	vst v5  }
0x2b3: {  	s19 =	sadd.s32 $0x400, s19;
	v14 =	vld [tilespmem:s20+$0x930]  }
0x2b4: {  	v12 =	vld [tilespmem:s19+$0x1B0]  }
0x2b5: {  	v0 =	vld [tilespmem:s20+$0x980]  }
0x2b6: {  	v28 =	vld [tilespmem:s20+$0x920]  }
0x2b7: {  	v36 =	vld [tilespmem:s19+$0x1A0]  }
0x2b8: {  	v50 =	vld [tilespmem:s20+$0x830]  }
0x2b9: {  	v61 =	vld [tilespmem:s19+$0x130]  }
0x2ba: {  	v34 =	vld [tilespmem:s19+$0x180]  }
0x2bb: {  	v27 =	vld [tilespmem:s20+$0x910]  }
0x2bc: {  	v35 =	vld [tilespmem:s19+$0x190]  }
0x2bd: {  	v47 =	vld [tilespmem:s20+$0x7B0]  }
0x2be: {  	v58 =	vld [tilespmem:s19+$0xF0]  }
0x2bf: {  	v49 =	vld [tilespmem:s20+$0x820]  }
0x2c0: {  	v60 =	vld [tilespmem:s19+$0x120]  }
0x2c1: {  	v18 =	vld [tilespmem:s20+$0x880]  }
0x2c2: {  	v32 =	vld [tilespmem:s19+$0x140]  }
0x2c3: {  	v26 =	vld [tilespmem:s20+$0x890]  }
0x2c4: {  	v33 =	vld [tilespmem:s19+$0x150]  }
0x2c5: {  	v46 =	vld [tilespmem:s20+$0x7A0]  }
0x2c6: {  	v57 =	vld [tilespmem:s19+$0xE0]  }
0x2c7: {  	v48 =	vld [tilespmem:s20+$0x800]  }
0x2c8: {  	v59 =	vld [tilespmem:s19+$0x100]  }
0x2c9: {  	v62 =	vld [tilespmem:s20+$0x810]  }
0x2ca: {  	v63 =	vld [tilespmem:s19+$0x110]  }
0x2cb: {  	v10 =	vld [tilespmem:s20+$0x6B0]  }
0x2cc: {  	v4 =	vld [tilespmem:s19+$0x70]  }
0x2cd: {  	v39 =	vld [tilespmem:s20+$0x720]  }
0x2ce: {  	v45 =	vld [tilespmem:s19+$0xA0]  }
0x2cf: {  	v41 =	vld [tilespmem:s20+$0x780]  }
0x2d0: {  	v52 =	vld [tilespmem:s19+$0xC0]  }
0x2d1: {  	v56 =	vld [tilespmem:s20+$0x790]  }
0x2d2: {  	v7 =	vld [tilespmem:s19+$0xD0]  }
0x2d3: {  	v55 =	vld [tilespmem:s20+$0x630]  }
0x2d4: {  	v9 =	vld [tilespmem:s19+$0x30]  }
0x2d5: {  	v6 =	vld [tilespmem:s20+$0x6A0]  }
0x2d6: {  	v2 =	vld [tilespmem:s19+$0x60]  }
0x2d7: {  	[tilespmem:$0x1FCE0] =	vst v0;
	v0 =	vld [tilespmem:s19+$0x1C0]  }
0x2d8: {  	v21 =	vld [tilespmem:s20+$0x700]  }
0x2d9: {  	v31 =	vld [tilespmem:s19+$0x80]  }
0x2da: {  	v38 =	vld [tilespmem:s20+$0x710]  }
0x2db: {  	v19 =	vld [tilespmem:s19+$0x90]  }
0x2dc: {  	[tilespmem:$0x1FCF0] =	vst v0;
	v0 =	vld [tilespmem:s20+$0x990]  }
0x2dd: {  	v51 =	vld [tilespmem:s20+$0x680]  }
0x2de: {  	v13 =	vld [tilespmem:s19+$0x40]  }
0x2df: {  	v11 =	vld [tilespmem:s20+$0x690]  }
0x2e0: {  	v5 =	vld [tilespmem:s19+$0x50]  }
0x2e1: {  	[tilespmem:$0x1FD00] =	vst v0;
	v0 =	vld [tilespmem:s19+$0x1D0]  }
0x2e2: {  	v8 =	vld [tilespmem:s20+$0x530]  }
0x2e3: {  	v3 =	vld [tilespmem:s19+$0xFFFFFFB0]  }
0x2e4: {  	v30 =	vld [tilespmem:s20+$0x600]  }
0x2e5: {  	v23 =	vld [tilespmem:s19+$0x0]  }
0x2e6: {  	[tilespmem:$0x1FD10] =	vst v0;
	v0 =	vld [tilespmem:s20+$0x8A0]  }
0x2e7: {  	v43 =	vld [tilespmem:s20+$0x610]  }
0x2e8: {  	v54 =	vld [tilespmem:s19+$0x10]  }
0x2e9: {  	v22 =	vld [tilespmem:s20+$0x4B0]  }
0x2ea: {  	v53 =	vld [tilespmem:s19+$0xFFFFFF70]  }
0x2eb: {  	[tilespmem:$0x1FD20] =	vst v0;
	v0 =	vld [tilespmem:s19+$0x160]  }
0x2ec: {  	v24 =	vld [tilespmem:s19+$0xFFFFFFA0]  }
0x2ed: {  	v29 =	vld [tilespmem:s20+$0x4A0]  }
0x2ee: {  	v25 =	vld [tilespmem:s19+$0xFFFFFF60]  }
0x2ef: {  	v1 =	vld [tilespmem:s19+$0xFFFFFF80]  }
0x2f0: {  	[tilespmem:$0x1FD30] =	vst v0;
	v0 =	vld [tilespmem:s20+$0x900]  }
0x2f1: {  	v12 =	vmul.f32 v12, v14;
	v14 =	vld [tilespmem:s20+$0x500]  }
0x2f2: {  	v61 =	vmul.f32 v61, v50;
	v50 =	vld [tilespmem:s19+$0xFFFFFF90]  }
0x2f3: {  	v36 =	vmul.f32 v36, v28;
	v28 =	vld [tilespmem:$0x1FCE0]  }
0x2f4: {  	v20 =	vld [tilespmem:$0x1FCF0]  }
0x2f5: {  	[tilespmem:$0x1FD40] =	vst v0;
	v0 =	vld [tilespmem:s20+$0x620]  }
0x2f6: {  	v60 =	vmul.f32 v60, v49;
	v49 =	vld [tilespmem:s19+$0xFFFFFF40]  }
0x2f7: {  	v41 =	vmul.f32 v52, v41;
	v52 =	vld [tilespmem:s19+$0xFFFFFF00]  }
0x2f8: {  	v9 =	vmul.f32 v9, v55;
	v55 =	vld [tilespmem:s20+$0x410]  }
0x2f9: {  	v28 =	vmul.f32 v20, v28;
	v20 =	vld [tilespmem:$0x1FD00]  }
0x2fa: {  	[tilespmem:$0x1FD50] =	vst v0;
	v0 =	vld [tilespmem:s19+$0x20]  }
0x2fb: {  	[tilespmem:$0x1FEC0] =	vst v28;
	v28 =	vld [tilespmem:$0x1FD10]  }
0x2fc: {  	v5 =	vmul.f32 v5, v11;
	v11 =	vld [tilespmem:s20+$0x380]  }
0x2fd: {  	v16 =	vld [tilespmem:$0x1FD20]  }
0x2fe: {  	v62 =	vmul.f32 v63, v62;
	v15 =	vld [tilespmem:$0x1FD30]  }
0x2ff: {  	s21 =	sadd.s32 $0x800, s21;
	v2 =	vmul.f32 v2, v6;
	v13 =	vmul.f32 v13, v51;
	[tilespmem:$0x1FD60] =	vst v0;
	v0 =	vld [tilespmem:s20+$0x5A0]  }
0x300: {  	v63 =	vmul.f32 v62, v42;
	v62 =	vld [tilespmem:s21+$0x10];
	v20 =	vmul.f32 v28, v20  }
0x301: {  	v13 =	vmul.f32 v13, v44;
	v5 =	vmul.f32 v5, v42;
	v28 =	vld [tilespmem:s20+$0x3B0]  }
0x302: {  	[tilespmem:$0x1FEE0] =	vst v20;
	v20 =	vmul.f32 v61, v17;
	v61 =	vmul.f32 v36, v37;
	v36 =	vld [tilespmem:s19+$0xFFFFFEF0]  }
0x303: {  	v5 =	vadd.f32 v5, v13;
	v13 =	vld [tilespmem:s19+$0xFFFFFEC0];
	v16 =	vmul.f32 v15, v16  }
0x304: {  	v7 =	vmul.f32 v7, v56;
	v56 =	vmul.f32 v2, v37;
	[tilespmem:$0x1FD70] =	vst v0;
	v0 =	vld [tilespmem:s19+$0xFFFFFFE0]  }
0x305: {  	[tilespmem:$0x1FEF0] =	vst v16;
	v16 =	vld [tilespmem:s20+$0x420]  }
0x306: {  	v5 =	vadd.f32 v56, v5;
	v56 =	vld [tilespmem:s19+$0xFFFFFE80]  }
0x307: {  	v28 =	vmul.f32 v36, v28;
	v36 =	vld [tilespmem:s20+$0x290]  }
0x308: {  	v15 =	vld [tilespmem:$0x1FD40]  }
0x309: {  	[tilespmem:$0x1FD80] =	vst v0;
	v0 =	vld [tilespmem:s20+$0x520]  }
0x30a: {  	v3 =	vmul.f32 v3, v8;
	v8 =	vld [tilespmem:$0x1FD50];
	[tilespmem:$0x1FDE0] =	vst v16;
	v16 =	vmul.f32 v58, v47  }
0x30b: {  	v58 =	vmul.f32 v35, v27;
	v27 =	vld [tilespmem:s19+$0xFFFFFF20];
	v35 =	vmul.f32 v60, v37  }
0x30c: {  	v47 =	vld [tilespmem:s20+$0x480];
	v60 =	vmul.f32 v32, v18;
	v18 =	vmul.f32 v57, v46  }
0x30d: {  	v32 =	vld [tilespmem:s20+$0x490];
	v57 =	vmul.f32 v33, v26;
	v33 =	vmul.f32 v59, v48  }
0x30e: {  	v4 =	vmul.f32 v4, v10;
	[tilespmem:$0x1FD90] =	vst v0;
	v0 =	vld [tilespmem:s20+$0x580]  }
0x30f: {  	v26 =	vld [tilespmem:s19+$0xFFFFFF50];
	v10 =	vmul.f32 v18, v37;
	v18 =	vmul.f32 v33, v44  }
0x310: {  	v15 =	vmul.f32 v34, v15;
	v48 =	vld [tilespmem:s20+$0x330]  }
0x311: {  	v46 =	vmul.f32 v4, v17;
	v4 =	vmul.f32 v45, v39;
	v39 =	vld [tilespmem:s19+$0xFFFFFEE0];
	v6 =	vadd.f32 v63, v18  }
0x312: {  	v45 =	vld [tilespmem:s20+$0x400]  }
0x313: {  	v15 =	vmul.f32 v15, v44;
	v2 =	vadd.f32 v35, v6;
	[tilespmem:$0x1FDA0] =	vst v0;
	v0 =	vld [tilespmem:s19+$0xFFFFFFC0]  }
0x314: {  	v34 =	vmul.f32 v58, v42;
	v58 =	vld [tilespmem:s19+$0xFFFFFEB0];
	v33 =	vmul.f32 v41, v44  }
0x315: {  	v41 =	vmul.f32 v7, v42;
	v7 =	vmul.f32 v31, v21;
	v21 =	vld [tilespmem:s19+$0xFFFFFEA0];
	v2 =	vadd.f32 v20, v2  }
0x316: {  	v31 =	vmul.f32 v54, v43;
	v54 =	vld [tilespmem:s20+$0x300]  }
0x317: {  	v15 =	vadd.f32 v34, v15;
	v20 =	vadd.f32 v2, v40;
	v2 =	vld [tilespmem:$0x1FD70]  }
0x318: {  	[tilespmem:$0x1FDB0] =	vst v0;
	v0 =	vld [tilespmem:s20+$0x590]  }
0x319: {  	v59 =	vadd.f32 v41, v33;
	v15 =	vadd.f32 v61, v15;
	v61 =	vmul.f32 v53, v22;
	v22 =	vld [tilespmem:$0x1FD80]  }
0x31a: {  	v30 =	vmul.f32 v23, v30;
	v12 =	vmul.f32 v12, v17;
	v23 =	vld [tilespmem:$0x1FD90]  }
0x31b: {  	v16 =	vmul.f32 v16, v17;
	v51 =	vld [tilespmem:$0x1FD60];
	v10 =	vadd.f32 v10, v59  }
0x31c: {  	v34 =	vld [tilespmem:s20+$0x3A0];
	v15 =	vadd.f32 v12, v15  }
0x31d: {  	v10 =	vadd.f32 v16, v10;
	[tilespmem:$0x1FDC0] =	vst v0;
	v0 =	vld [tilespmem:s19+$0xFFFFFFD0]  }
0x31e: {  	v18 =	vld [tilespmem:s19+$0xFFFFFE30];
	v16 =	vmul.f32 v30, v44;
	v15 =	vadd.f32 v15, v40;
	v2 =	vmul.f32 v22, v2  }
0x31f: {  	v63 =	vld [tilespmem:s20+$0x390];
	v22 =	vmul.f32 v31, v42;
	v30 =	vmul.f32 v24, v23  }
0x320: {  	v1 =	vmul.f32 v1, v14;
	(xrf2) =	vadd.scan.msk.f32 $0xffff, v15;
	v15 =	vld [tilespmem:$0x1FDA0]  }
0x321: {  	v14 =	vmul.f32 v25, v29;
	v29 =	vmul.f32 v30, v37;
	v30 =	vadd.f32 v22, v16;
	v16 =	vld [tilespmem:$0x1FDB0]  }
0x322: {  	[tilespmem:$0x1FDD0] =	vst v0;
	v0 =	vld [tilespmem:s20+$0x510]  }
0x323: {  	v9 =	vmul.f32 v9, v17;
	v33 =	vld [tilespmem:s21+$0xFFFFFFF0]  }
0x324: {  	v3 =	vmul.f32 v3, v17;
	v26 =	vmul.f32 v26, v32;
	v32 =	vld [tilespmem:s20+$0x280]  }
0x325: {  	v1 =	vmul.f32 v1, v44;
	v14 =	vmul.f32 v14, v37;
	v6 =	vld [tilespmem:s19+$0xFFFFFF10]  }
0x326: {  	v59 =	vld [tilespmem:s19+$0xFFFFFE90];
	v26 =	vmul.f32 v26, v42;
	v8 =	vmul.f32 v51, v8  }
0x327: {  	v15 =	vmul.f32 v16, v15;
	v16 =	vld [tilespmem:$0x1FDC0];
	v0 =	vmul.f32 v50, v0  }
0x328: {  	v5 =	vadd.f32 v46, v5;
	v12 =	vmul.f32 v19, v38;
	v53 =	vmul.f32 v61, v17;
	v25 =	vld [tilespmem:$0x1FDD0]  }
0x329: {  	v51 =	vld [tilespmem:s19+$0xFFFFFED0];
	v8 =	vmul.f32 v8, v37;
	v0 =	vmul.f32 v0, v42  }
0x32a: {  	v5 =	vadd.f32 v5, v40;
	v35 =	vld [tilespmem:s19+$0xFFFFFE10];
	v61 =	vmul.f32 v13, v11;
	v34 =	vmul.f32 v39, v34  }
0x32b: {  	v19 =	vld [tilespmem:s20+$0x320];
	v8 =	vadd.f32 v8, v30;
	v30 =	vmul.f32 v49, v47;
	v0 =	vadd.f32 v0, v1  }
0x32c: {  	v38 =	vmul.f32 v56, v54;
	v10 =	vadd.f32 v10, v40;
	v39 =	vmul.f32 v34, v37;
	(xrf2) =	vadd.scan.msk.f32 $0xffff, v20;
	v20 =	vld [tilespmem:$0x1FDE0]  }
0x32d: {  	v34 =	vld [tilespmem:s19+$0xFFFFFE40];
	v16 =	vmul.f32 v25, v16;
	v25 =	vmul.f32 v30, v44;
	v0 =	vadd.f32 v29, v0  }
0x32e: {  	p0 =	sne.s32 s22, $0xF800;
	v63 =	vmul.f32 v51, v63;
	(xrf2) =	vadd.scan.msk.f32 $0xffff, v10;
	v10 =	vmul.f32 v61, v44;
	v8 =	vadd.f32 v9, v8;
	v1 =	vld [tilespmem:s20+$0x310]  }
.Ltmp1:
0x32f: {  	v31 =	vmul.f32 v28, v17;
	v28 =	vld [tilespmem:s19+$0xFFFFFE00];
	v25 =	vadd.f32 v26, v25;
	v0 =	vadd.f32 v3, v0;
	(pc) =	sbr.rel @p0 .LBB2_4-.Ltmp1, $4  }
0x330: {  	v11 =	vmul.f32 v63, v42;
	v23 =	vld [tilespmem:s21+$0x0];
	v8 =	vadd.f32 v8, v40;
	v3 =	vmul.f32 v58, v48  }
0x331: {  	v20 =	vmul.f32 v27, v20;
	v24 =	vld [tilespmem:s19+$0xFFFFFE20];
	v29 =	vadd.f32 v0, v40;
	v0 =	vadd.f32 v14, v25  }
0x332: {  	(xrf2) =	vadd.scan.msk.f32 $0xffff, v5;
	v22 =	vld [tilespmem:s20+$0x2A0];
	v37 =	vadd.f32 v11, v10;
	v26 =	vmul.f32 v6, v55;
	v27 =	vmul.f32 v3, v17  }
0x333: {  	s22 =	sadd.s32 $0x800, s22;
	v13, _, _ =	vpop (xrf2);
	(xrf2) =	vadd.scan.msk.f32 $0xffff, v8;
	v30 =	vld [tilespmem:s21+$0xFFFFFFE0];
	v25 =	vmul.f32 v52, v45;
	v40 =	vmul.f32 v59, v1;
	v41 =	vadd.f32 v53, v0  }
0x334: {  	v1 =	vld [tilespmem:s19+$0xFFFFFE50]  }
0x335: {  	v5 =	vadd.f32 v39, v37;
	v39 =	vld [tilespmem:$0x1FFB0]  }
0x336: {  	v37 =	vld [tilespmem:$0x1FFC0]  }
0x337: {  	v0 =	vmul.f32 v18, v62;
	v6 =	vld [tilespmem:s19+$0xFFFFFE60]  }
0x338: {  	v3 =	vmul.f32 v21, v19;
	v14 =	vmul.f32 v35, v33  }
0x339: {  	v21 =	vld [tilespmem:$0x1FFD0];
	v35 =	vmul.f32 v34, v32;
	v11 =	vmul.f32 v28, v30  }
0x33a: {  	v17 =	vld [tilespmem:s20+$0x2B0];
	v28 =	vmul.f32 v24, v23;
	v8 =	vmul.f32 v38, v39  }
0x33b: {  	v23 =	vld [tilespmem:$0x1FFF0];
	v9 =	vmul.f32 v40, v37;
	v33 =	vmul.f32 v14, v37  }
0x33c: {  	v30 =	vld [tilespmem:s19+$0xFFFFFE70];
	v1 =	vmul.f32 v1, v36;
	v6 =	vmul.f32 v6, v22  }
0x33d: {  	v43 =	vld [tilespmem:s20+$0x5B0];
	v5 =	vadd.f32 v31, v5;
	v14 =	vmul.f32 v35, v39;
	v45 =	vmul.f32 v25, v39  }
0x33e: {  	v10 =	vadd.f32 v41, v21;
	v22 =	vld [tilespmem:$0x1FFE0];
	v46 =	vmul.f32 v26, v37;
	v51 =	vmul.f32 v15, v39  }
0x33f: {  	v5 =	vadd.f32 v5, v21;
	v38 =	vld [tilespmem:s20+$0x430];
	v52 =	vmul.f32 v16, v37;
	v31 =	vmul.f32 v11, v39  }
0x340: {  	v41 =	vld [tilespmem:s19+$0xFFFFFF30];
	v8 =	vadd.f32 v9, v8;
	v1 =	vmul.f32 v1, v37;
	v3 =	vmul.f32 v3, v23  }
0x341: {  	v44 =	vld [tilespmem:s19+$0xFFFFFFF0];
	v9 =	vadd.f32 v33, v31;
	v40 =	vmul.f32 v28, v23;
	v42 =	vmul.f32 v30, v17  }
0x342: {  	v48 =	vld [tilespmem:s20+$0x730];
	v1 =	vadd.f32 v1, v14;
	v6 =	vmul.f32 v6, v23;
	v3 =	vadd.f32 v3, v8  }
0x343: {  	v50 =	vld [tilespmem:s19+$0xB0];
	v49 =	vmul.f32 v20, v23;
	v0 =	vmul.f32 v0, v22;
	v9 =	vadd.f32 v40, v9  }
0x344: {  	v55 =	vld [tilespmem:s20+$0x8B0];
	v1 =	vadd.f32 v6, v1;
	v47 =	vmul.f32 v42, v22;
	v3 =	vadd.f32 v27, v3  }
0x345: {  	(xrf2) =	vadd.scan.msk.f32 $0xffff, v29;
	v58 =	vld [tilespmem:s19+$0x170];
	v8 =	vmul.f32 v41, v38;
	v0 =	vadd.f32 v0, v9;
	v9 =	vadd.f32 v46, v45  }
0x346: {  	v63 =	vld [tilespmem:s20+$0x9A0];
	v54 =	vmul.f32 v44, v43;
	(xrf2) =	vadd.scan.msk.f32 $0xffff, v10;
	v1 =	vadd.f32 v47, v1;
	v3 =	vadd.f32 v3, v21  }
0x347: {  	v25 =	vld [tilespmem:s19+$0x1E0];
	(xrf2) =	vadd.scan.msk.f32 $0xffff, v5;
	v8 =	vmul.f32 v8, v22;
	v0 =	vadd.f32 v0, v21;
	v53 =	vadd.f32 v49, v9  }
0x348: {  	v35 =	vld [tilespmem:$0x1FEF0];
	v56 =	vadd.f32 v52, v51;
	v2 =	vmul.f32 v2, v23;
	v1 =	vadd.f32 v1, v21;
	(xrf2) =	vadd.scan.msk.f32 $0xffff, v3  }
0x349: {  	v61 =	vmul.f32 v7, v39;
	v62 =	vmul.f32 v12, v37;
	v31 =	vld [tilespmem:s19+$0x1F0];
	v59 =	vadd.f32 v8, v53;
	(xrf2) =	vadd.scan.msk.f32 $0xffff, v0  }
0x34a: {  	v24 =	vmul.f32 v50, v48;
	v20 =	vmul.f32 v54, v22;
	v2 =	vadd.f32 v2, v56;
	v38 =	vld [tilespmem:$0x1FEC0];
	(xrf2) =	vadd.scan.msk.f32 $0xffff, v1  }
0x34b: {  	v26, _, _ =	vpop (xrf2);
	v5 =	vadd.f32 v62, v61;
	v4 =	vmul.f32 v4, v23;
	v41 =	vld [tilespmem:$0x1FEE0];
	v0 =	vadd.f32 v59, v21  }
0x34c: {  	v29 =	vmul.f32 v60, v39;
	v28, _, _ =	vpop (xrf2);
	v30 =	vmul.f32 v57, v37;
	v27 =	vld [tilespmem:s20+$0x9B0];
	v2 =	vadd.f32 v20, v2  }
0x34d: {  	v32, _, _ =	vpop (xrf2);
	v33 =	vmul.f32 v24, v22;
	v4 =	vadd.f32 v4, v5;
	v6 =	vmul.f32 v58, v55;
	(xrf2) =	vadd.scan.msk.f32 $0xffff, v0  }
0x34e: {  	v34, _, _ =	vpop (xrf2);
	v2 =	vadd.f32 v2, v21;
	v9 =	vmul.f32 v35, v23;
	v3 =	vadd.f32 v30, v29  }
0x34f: {  	v36, _, _ =	vpop (xrf2);
	v4 =	vadd.f32 v33, v4;
	v6 =	vmul.f32 v6, v22;
	v5 =	vmul.f32 v38, v39  }
0x350: {  	v8 =	vmul.f32 v25, v63;
	v40, _, _ =	vpop (xrf2);
	v3 =	vadd.f32 v9, v3;
	v9 =	vmul.f32 v41, v37;
	(xrf2) =	vadd.scan.msk.f32 $0xffff, v2  }
0x351: {  	v4 =	vadd.f32 v4, v21;
	v42, _, _ =	vpop (xrf2);
	v7 =	vmul.f32 v31, v27  }
0x352: {  	v44 =	vmul.f32 v8, v23;
	v3 =	vadd.f32 v6, v3;
	v5 =	vadd.f32 v9, v5;
	v43, _, _ =	vpop (xrf2)  }
0x353: {  	(xrf2) =	vadd.scan.msk.f32 $0xffff, v4;
	v45, _, _ =	vpop (xrf2)  }
0x354: {  	v47 =	vmul.f32 v7, v22;
	v3 =	vadd.f32 v3, v21;
	v46 =	vadd.f32 v44, v5;
	v48, _, _ =	vpop (xrf2)  }
0x355: {  	v49 =	vbroadcast v45, $0xF;
	v6 =	vbroadcast v48, $0xF  }
0x356: {  	v4 =	vadd.f32 v47, v46;
	(xrf2) =	vadd.scan.msk.f32 $0xffff, v3;
	v50 =	vbroadcast v43, $0xF  }
0x357: {  	v2 =	vbroadcast v42, $0xF;
	v52, _, _ =	vpop (xrf2);
	v51 =	vsel vm0, v49, v6  }
0x358: {  	v4 =	vadd.f32 v4, v21;
	v5 =	vbroadcast v52, $0xF;
	v3 =	vsel vm1, v51, v50  }
0x359: {  	v53 =	vbroadcast v40, $0xF;
	v2 =	vsel vm2, v3, v2  }
0x35a: {  	v54 =	vbroadcast v36, $0xF;
	(xrf2) =	vadd.scan.msk.f32 $0xffff, v4;
	v55, _, _ =	vpop (xrf2);
	v2 =	vsel vm3, v2, v5  }
0x35b: {  	v56 =	vbroadcast v55, $0xF;
	v2 =	vsel vm4, v2, v53  }
0x35c: {  	v0 =	vbroadcast v34, $0xF;
	v2 =	vsel vm5, v2, v54  }
0x35d: {  	v57 =	vbroadcast v32, $0xF;
	v58, _, _ =	vpop (xrf2);
	v2 =	vsel vm6, v2, v56  }
0x35e: {  	v59 =	vbroadcast v58, $0xF;
	v0 =	vsel vm7, v2, v0  }
0x35f: {  	v60 =	vbroadcast v28, $0xF;
	v0 =	vsel vm8, v0, v57  }
0x360: {  	v1 =	vbroadcast v26, $0xF;
	v61, _, _ =	vpop (xrf2);
	v0 =	vsel vm9, v0, v59  }
0x361: {  	v2 =	vbroadcast v61, $0xF;
	v0 =	vsel vm10, v0, v60  }
0x362: {  	v62 =	vbroadcast v13, $0xF;
	v0 =	vsel vm11, v0, v1  }
0x363: {  	v0 =	vsel vm12, v0, v2  }
0x364: {  	s1 =	sadd.s32 $0x1, s1;
	v63, _, _ =	vpop (xrf2);
	v0 =	vsel vm13, v0, v62  }
0x365: {  	s18 =	sadd.s32 $0x10, s18;
	p0 =	sne.s32 s1, s16;
	v0 =	vsel vm14, v0, v63  }
.Ltmp2:
0x366: {  	[tilespmem:s18+$0x0] =	vst v0;
	(pc) =	sbr.rel @p0 .LBB2_1-.Ltmp2, $4  }
0x367: {  	[hbm4b:s15+s3] =	stream.linear.scatter [tilespmem:s0], [sflag:$0x2], $0x200, $0x38;
	[tilespmem:$0x18680] =	vst v63  }
0x368: {  	_ =	swait.ge [sflag:s17], $0x200  }
0x369: {  	[sflag:s17] =	ssyncset.done $0x0  }
0x36a: {  	[sflag:s17] =	ssyncadd.s32 $0xFFFFFE00  }
0x36b: {  	_ =	sfence.sel $0x180000  }
0x36c: {  	[bflag:$0x0] =	sbarrier.arrive $0xFFFF  }
0x36d: {  	_ =	strace $0x9000004D  }
0x36e: {  	s0 =	stileid.u32;
	[bflag:$0x2] =	sbarrier.arrive $0xFFFF  }
0x36f: {  	p0 =	sne.s32 s0, $0x0;
	s0 =	rddreg [dreg:$0x3]  }
0x370: {  	s0 =	sadd.s32 @!p0 $0x100000, s0  }
0x371: {  	[sflag:s0] =	ssyncadd.tile.s32 @!p0 $0x1;
	_ =	shalt  }
.Lfunc_end2:
_tile_overlayer_lowered:
.L_overlay_start_2:
0x372: {  	(tag) =	ssettag $0x2  }
0x373: {  	s0 =	rddreg [dreg:$0x0];
	s2 =	stileid.u32  }
0x374: {  	s1 =	rddreg [dreg:$0x1];
	p0 =	sne.s32 s2, $0x0  }
0x375: {  	s3 =	rddreg [dreg:$0x2];
	[bflag:$0x3] =	sbarrier.arrive $0xFFFF;
	s2 =	simm.s32 @!p0 $0x1C02  }
0x376: {  	[timem:s3], [sflag:s2] =	dma.local @!p0 [hbm:s0], s1  }
0x377: {  	s0 =	simm.s32 @!p0 $0x2  }
0x378: {  	_ =	swait.ge @!p0 [sflag:s0], s1  }
0x379: {  	s1 =	ssub.s32 @!p0 $0x0, s1;
	[sflag:s0] =	ssyncset.done @!p0 $0x0  }
0x37a: {  	[sflag:s0] =	ssyncadd.s32 @!p0 s1  }
0x37b: {  	[bflag:$0x3] =	sbarrier.arrive $0xFFFF  }
0x37c: {  	_ =	shalt  }

</sc_bundles>
